<compile_context>
chip_gen: v7x
topology: tpu7x:2x2x1
jax: 0.10.2.dev20260603
libtpu: 0.0.44.dev20260713+nightly
codegen_flags: <defaults>
</compile_context>

<pallas_src>
import jax
import jax.numpy as jnp
import numpy as np
from jax import lax
from jax.experimental import pallas as pl
from jax.experimental.pallas import tpu as pltpu
from jax.experimental.pallas import tpu_sc as plsc

N = 10000
NP = 10240
D = 128
E = 320000

NC = 2
NS = 16
NW = NC * NS
CHUNK = 128
CPT = 80
EP = NW * CPT * CHUNK
ROWS_PER_TILE = NP // NS
BM = 1024


K0 = 80
K1 = 80
KMAX = max(K0, K1)
KMAXH = KMAX // 2
NCHUNKS = NS * (K0 + K1)
RCHUNKS = E // CHUNK


def _sc_agg_body(y_hbm, src_hbm, dst_hbm, zeros_hbm, zdeg_hbm,
                 out_acc, out_deg,
                 srcv, dstv, rows0, rows1, ones_v, acc_sh, deg_sh,
                 g0, g1, s0, s1, dsem):
    c = lax.axis_index("c")
    s = lax.axis_index("s")
    tid = c * NS + s
    r0 = s * ROWS_PER_TILE
    rows = (rows0, rows1)
    gsem = (g0, g1)
    ssem = (s0, s1)

    pltpu.sync_copy(zeros_hbm, acc_sh.at[pl.ds(r0, ROWS_PER_TILE)])
    pltpu.sync_copy(zdeg_hbm, deg_sh.at[pl.ds(r0, ROWS_PER_TILE)])
    for i in range(CHUNK // 16):
        ones_v[pl.ds(i * 16, 16)] = jnp.ones((16,), jnp.float32)
    plsc.subcore_barrier()

    def run_half(nchunks):
        pltpu.async_copy(y_hbm.at[srcv.at[0]], rows0, g0)
        pltpu.async_copy(y_hbm.at[srcv.at[1]], rows1, g1)

        def pair(p, carry):
            for b in range(2):
                j = 2 * p + b
                pltpu.make_async_copy(y_hbm.at[srcv.at[j]], rows[b],
                                      gsem[b]).wait()
                pltpu.async_copy(rows[b], acc_sh.at[dstv.at[j]], ssem[b],
                                 add=True)
                pltpu.async_copy(ones_v, deg_sh.at[dstv.at[j]], dsem,
                                 add=True)
                pltpu.make_async_copy(rows[b], acc_sh.at[dstv.at[j]],
                                      ssem[b]).wait()

                @pl.when(j + 2 < nchunks)
                def _():
                    pltpu.async_copy(y_hbm.at[srcv.at[j + 2]], rows[b],
                                     gsem[b])
            return carry

        lax.fori_loop(0, nchunks // 2, pair, 0)

        def drain(j, carry):
            pltpu.make_async_copy(ones_v, deg_sh.at[dstv.at[0]], dsem).wait()
            return carry

        lax.fori_loop(0, nchunks, drain, 0)

    for h in range(2):
        pltpu.sync_copy(src_hbm.at[tid, h], srcv)
        pltpu.sync_copy(dst_hbm.at[tid, h], dstv)

        @pl.when(c == 0)
        def _():
            run_half(K0 // 2)

        @pl.when(c == 1)
        def _():
            run_half(K1 // 2)

    plsc.subcore_barrier()
    pltpu.sync_copy(acc_sh.at[pl.ds(r0, ROWS_PER_TILE)], out_acc.at[c, s])
    pltpu.sync_copy(deg_sh.at[pl.ds(r0, ROWS_PER_TILE)],
                    out_deg.at[pl.ds(tid * ROWS_PER_TILE, ROWS_PER_TILE)])


_sc_agg = pl.kernel(
    _sc_agg_body,
    out_type=(jax.ShapeDtypeStruct((NC, NS, ROWS_PER_TILE, D), jnp.float32),
              jax.ShapeDtypeStruct((NC * NP,), jnp.float32)),
    mesh=plsc.VectorSubcoreMesh(core_axis_name="c", subcore_axis_name="s"),
    scratch_types=[
        pltpu.VMEM((KMAXH, CHUNK), jnp.int32),
        pltpu.VMEM((KMAXH, CHUNK), jnp.int32),
        pltpu.VMEM((CHUNK, D), jnp.float32),
        pltpu.VMEM((CHUNK, D), jnp.float32),
        pltpu.VMEM((CHUNK,), jnp.float32),
        pltpu.VMEM_SHARED((NP, D), jnp.float32),
        pltpu.VMEM_SHARED((NP,), jnp.float32),
        pltpu.SemaphoreType.DMA,
        pltpu.SemaphoreType.DMA,
        pltpu.SemaphoreType.DMA,
        pltpu.SemaphoreType.DMA,
        pltpu.SemaphoreType.DMA,
    ],
)


def _tc_pre_body(x_ref, ws_ref, wn_ref, b_ref, xs_out, y_out):
    x = x_ref[...]
    xs_out[...] = jnp.dot(x, ws_ref[...],
                          preferred_element_type=jnp.float32) + b_ref[...]
    y_out[...] = jnp.dot(x, wn_ref[...], preferred_element_type=jnp.float32)


def _tc_mid_body(xs_ref, parts_ref, degp_ref, ws_ref, wn_ref, b_ref,
                 hs_out, y_out):
    agg = parts_ref[0] + parts_ref[1]
    deg = jnp.maximum(degp_ref[0] + degp_ref[1], 1.0)
    h = jnp.maximum(xs_ref[...] + agg / deg, 0.0)
    hs_out[...] = jnp.dot(h, ws_ref[...],
                          preferred_element_type=jnp.float32) + b_ref[...]
    y_out[...] = jnp.dot(h, wn_ref[...], preferred_element_type=jnp.float32)


def _tc_post_body(hs_ref, parts_ref, degp_ref, out_ref):
    agg = parts_ref[0] + parts_ref[1]
    deg = jnp.maximum(degp_ref[0] + degp_ref[1], 1.0)
    z = hs_ref[...] + agg / deg
    m = jnp.max(z, axis=-1, keepdims=True)
    lse = jnp.log(jnp.sum(jnp.exp(z - m), axis=-1, keepdims=True))
    out_ref[...] = z - m - lse


_row_spec = pl.BlockSpec((BM, D), lambda i: (i, 0))
_mat_spec = pl.BlockSpec((D, D), lambda i: (0, 0))
_bias_spec = pl.BlockSpec((1, D), lambda i: (0, 0))
_parts_spec = pl.BlockSpec((NC, BM, D), lambda i: (0, i, 0))
_degp_spec = pl.BlockSpec((NC, BM, 1), lambda i: (0, i, 0))

_tc_pre = pl.pallas_call(
    _tc_pre_body,
    grid=(NP // BM,),
    in_specs=[_row_spec, _mat_spec, _mat_spec, _bias_spec],
    out_specs=(_row_spec, _row_spec),
    out_shape=(jax.ShapeDtypeStruct((NP, D), jnp.float32),
               jax.ShapeDtypeStruct((NP, D), jnp.float32)),
)

_tc_mid = pl.pallas_call(
    _tc_mid_body,
    grid=(NP // BM,),
    in_specs=[_row_spec, _parts_spec, _degp_spec,
              _mat_spec, _mat_spec, _bias_spec],
    out_specs=(_row_spec, _row_spec),
    out_shape=(jax.ShapeDtypeStruct((NP, D), jnp.float32),
               jax.ShapeDtypeStruct((NP, D), jnp.float32)),
)

_tc_post = pl.pallas_call(
    _tc_post_body,
    grid=(NP // BM,),
    in_specs=[_row_spec, _parts_spec, _degp_spec],
    out_specs=_row_spec,
    out_shape=jax.ShapeDtypeStruct((NP, D), jnp.float32),
)


def _make_row_map():
    m = np.zeros((NW, 2, KMAXH), np.int32)
    pos = 0
    for t in range(NW):
        kh = (K0 if t < NS else K1) // 2
        for h in range(2):
            m[t, h, :kh] = np.arange(pos, pos + kh, dtype=np.int32)
            pos += kh
    assert pos == NCHUNKS
    return m


_ROW_MAP = _make_row_map()


def kernel(x, W_self0, W_neigh0, b0, W_self1, W_neigh1, b1,
           edge_index1, edge_index2):
    npad = (NCHUNKS - RCHUNKS) * CHUNK
    pad_src = jnp.zeros((npad,), jnp.int32)
    pad_dst = N + (jnp.arange(npad, dtype=jnp.int32) % (NP - N))
    src1 = jnp.concatenate([edge_index1[0], pad_src]).reshape(NCHUNKS, CHUNK)
    dst1 = jnp.concatenate([edge_index1[1], pad_dst]).reshape(NCHUNKS, CHUNK)
    src2 = jnp.concatenate([edge_index2[0], pad_src]).reshape(NCHUNKS, CHUNK)
    dst2 = jnp.concatenate([edge_index2[1], pad_dst]).reshape(NCHUNKS, CHUNK)
    src1, dst1 = src1[_ROW_MAP], dst1[_ROW_MAP]
    src2, dst2 = src2[_ROW_MAP], dst2[_ROW_MAP]
    zeros = jnp.zeros((ROWS_PER_TILE, D), jnp.float32)
    zdeg = jnp.zeros((ROWS_PER_TILE,), jnp.float32)
    x_p = jnp.pad(x, ((0, NP - N), (0, 0)))

    xs0, y0 = _tc_pre(x_p, W_self0, W_neigh0, b0.reshape(1, D))
    parts1, degp1 = _sc_agg(y0, src1, dst1, zeros, zdeg)
    parts1 = parts1.reshape(NC, NP, D)
    degp1 = degp1.reshape(NC, NP, 1)
    hs1, y1 = _tc_mid(xs0, parts1, degp1, W_self1, W_neigh1, b1.reshape(1, D))
    parts2, degp2 = _sc_agg(y1, src2, dst2, zeros, zdeg)
    parts2 = parts2.reshape(NC, NP, D)
    degp2 = degp2.reshape(NC, NP, 1)
    return _tc_post(hs1, parts2, degp2)[:N]

# --- scband reference (transcript-rebuilt; emitter-appended) ---
"""Pipeline reference for scband-sage-dgl-63110249447723 (READ-ONLY COPY).

The authoritative reference and input builder live on the scoring server;
editing this copy changes nothing except your own understanding.
"""

import jax, jax.numpy as jnp
import numpy as np

N = 10000
E = 320000
D = 128
H = 128
O = 128


def setup_inputs(seed: int = 0) -> dict:
    key = jax.random.key(seed)
    ks = jax.random.split(key, 10)
    x = jax.random.normal(ks[0], (N, D), dtype=jnp.float32)
    edge_index1 = jax.random.randint(ks[1], (2, E), 0, N, dtype=jnp.int32)
    edge_index2 = jax.random.randint(ks[2], (2, E), 0, N, dtype=jnp.int32)
    s0 = 1.0 / np.sqrt(D)
    s1 = 1.0 / np.sqrt(H)
    W_self0 = jax.random.normal(ks[3], (D, H), dtype=jnp.float32) * s0
    W_neigh0 = jax.random.normal(ks[4], (D, H), dtype=jnp.float32) * s0
    b0 = jnp.zeros((H,), dtype=jnp.float32)
    W_self1 = jax.random.normal(ks[5], (H, O), dtype=jnp.float32) * s1
    W_neigh1 = jax.random.normal(ks[6], (H, O), dtype=jnp.float32) * s1
    b1 = jnp.zeros((O,), dtype=jnp.float32)
    return {"x": x, "W_self0": W_self0, "W_neigh0": W_neigh0, "b0": b0,
            "W_self1": W_self1, "W_neigh1": W_neigh1, "b1": b1,
            "edge_index1": edge_index1, "edge_index2": edge_index2}


def _sage_conv(x, src, dst, W_self, W_neigh, b):
    # DGL SAGEConv 'mean': fc_self(h_dst) + fc_neigh(mean over in-edges of h_src); zero-degree -> 0
    msg = jnp.take(x, src, axis=0)
    agg = jax.ops.segment_sum(msg, dst, num_segments=N)
    deg = jax.ops.segment_sum(jnp.ones((src.shape[0],), jnp.float32), dst, num_segments=N)
    h_neigh = agg / jnp.maximum(deg, 1.0)[:, None]
    return x @ W_self + h_neigh @ W_neigh + b


def reference(x, W_self0, W_neigh0, b0, W_self1, W_neigh1, b1, edge_index1, edge_index2):
    # layer 0 (size = (N, N) -> x[:size[1]] is identity)
    h = _sage_conv(x, edge_index1[0], edge_index1[1], W_self0, W_neigh0, b0)
    h = jax.nn.relu(h)
    # dropout p=0.5 in training; eval mode -> identity
    h = _sage_conv(h, edge_index2[0], edge_index2[1], W_self1, W_neigh1, b1)
    return jax.nn.log_softmax(h, axis=-1)

if __name__ == "__main__":
    import jax
    _d = setup_inputs()
    print(jax.jit(kernel)(*tuple(_d.values())))

</pallas_src>

<mosaic_0001>
#map = affine_map<(d0, d1) -> (0, 0)>
#map1 = affine_map<(d0, d1) -> (0, 0, 0, 0)>
#map2 = affine_map<(d0, d1) -> (0)>
module attributes {stable_mosaic.version = 14 : i64} {
  func.func @_sc_agg_body(%arg0: i32, %arg1: i32, %arg2: memref<10240x128xf32, #tpu.memory_space<hbm>>, %arg3: memref<32x2x40x128xi32, #tpu.memory_space<hbm>>, %arg4: memref<32x2x40x128xi32, #tpu.memory_space<hbm>>, %arg5: memref<640x128xf32, #tpu.memory_space<hbm>>, %arg6: memref<640xf32, #tpu.memory_space<hbm>>, %arg7: memref<2x16x640x128xf32, #tpu.memory_space<hbm>>, %arg8: memref<20480xf32, #tpu.memory_space<hbm>>, %arg9: memref<40x128xi32, #tpu.memory_space<vmem>>, %arg10: memref<40x128xi32, #tpu.memory_space<vmem>>, %arg11: memref<128x128xf32, #tpu.memory_space<vmem>>, %arg12: memref<128x128xf32, #tpu.memory_space<vmem>>, %arg13: memref<128xf32, #tpu.memory_space<vmem>>, %arg14: memref<10240x128xf32, #tpu.memory_space<vmem_shared>>, %arg15: memref<10240xf32, #tpu.memory_space<vmem_shared>>, %arg16: memref<!tpu.dma_semaphore, #tpu.memory_space<semaphore_mem>>, %arg17: memref<!tpu.dma_semaphore, #tpu.memory_space<semaphore_mem>>, %arg18: memref<!tpu.dma_semaphore, #tpu.memory_space<semaphore_mem>>, %arg19: memref<!tpu.dma_semaphore, #tpu.memory_space<semaphore_mem>>, %arg20: memref<!tpu.dma_semaphore, #tpu.memory_space<semaphore_mem>>) attributes {dimension_semantics = [#tpu.dimension_semantics<core_parallel>, #tpu.dimension_semantics<subcore_parallel>], iteration_bounds = array<i64: 2, 16>, scalar_prefetch = 0 : i64, scratch_operands = 12 : i64, tpu.core_type = #tpu.core_type<sc_vector_subcore>, window_params = [{transform_indices = #map}, {transform_indices = #map1}, {transform_indices = #map1}, {transform_indices = #map}, {transform_indices = #map2}, {transform_indices = #map1}, {transform_indices = #map2}]} {
    %mul3A = arith.constant 16 : i32
    %mul3A_0 = arith.muli %arg0, %mul3A : i32
    %add3A = arith.addi %mul3A_0, %arg1 : i32
    %mul3A_1 = arith.constant 640 : i32
    %mul3A_2 = arith.muli %arg1, %mul3A_1 : i32
    "tpu.region"() ({
      %run_scoped3A_72 = tpu.sem_alloc : memref<!tpu.dma_semaphore, #tpu.memory_space<semaphore_mem>>
      %dma_start3A = arith.constant 0 : i32
      %dma_start3A_73 = tpu.memref_slice %arg14[%mul3A_2, %dma_start3A] : memref<10240x128xf32, #tpu.memory_space<vmem_shared>> -> memref<640x128xf32, #tpu.memory_space<vmem_shared>>
      tpu.enqueue_dma source(%arg5 : memref<640x128xf32, #tpu.memory_space<hbm>>) target(%dma_start3A_73 : memref<640x128xf32, #tpu.memory_space<vmem_shared>>) target_semaphore(%run_scoped3A_72 : memref<!tpu.dma_semaphore, #tpu.memory_space<semaphore_mem>>)
      %dma_wait3A = arith.constant 0 : i32
      %dma_wait3A_74 = tpu.memref_slice %arg14[%mul3A_2, %dma_wait3A] : memref<10240x128xf32, #tpu.memory_space<vmem_shared>> -> memref<640x128xf32, #tpu.memory_space<vmem_shared>>
      tpu.wait_dma2 semaphore(%run_scoped3A_72 : memref<!tpu.dma_semaphore, #tpu.memory_space<semaphore_mem>>) src(%arg5 : memref<640x128xf32, #tpu.memory_space<hbm>>) dst(%dma_wait3A_74 : memref<640x128xf32, #tpu.memory_space<vmem_shared>>)
      tpu.yield
    }) : () -> ()
    "tpu.region"() ({
      %run_scoped3A_72 = tpu.sem_alloc : memref<!tpu.dma_semaphore, #tpu.memory_space<semaphore_mem>>
      %dma_start3A = tpu.memref_slice %arg15[%mul3A_2] : memref<10240xf32, #tpu.memory_space<vmem_shared>> -> memref<640xf32, #tpu.memory_space<vmem_shared>>
      tpu.enqueue_dma source(%arg6 : memref<640xf32, #tpu.memory_space<hbm>>) target(%dma_start3A : memref<640xf32, #tpu.memory_space<vmem_shared>>) target_semaphore(%run_scoped3A_72 : memref<!tpu.dma_semaphore, #tpu.memory_space<semaphore_mem>>)
      %dma_wait3A = tpu.memref_slice %arg15[%mul3A_2] : memref<10240xf32, #tpu.memory_space<vmem_shared>> -> memref<640xf32, #tpu.memory_space<vmem_shared>>
      tpu.wait_dma2 semaphore(%run_scoped3A_72 : memref<!tpu.dma_semaphore, #tpu.memory_space<semaphore_mem>>) src(%arg6 : memref<640xf32, #tpu.memory_space<hbm>>) dst(%dma_wait3A : memref<640xf32, #tpu.memory_space<vmem_shared>>)
      tpu.yield
    }) : () -> ()
    %broadcast_in_dim3A = arith.constant 1.000000e+00 : f32
    %broadcast_in_dim3A_3 = vector.broadcast %broadcast_in_dim3A : f32 to vector<16xf32>
    %swap3A = arith.constant 0 : index
    %swap3A_4 = tpu.vector_load %arg13[%swap3A] {strides = array<i32>} : memref<128xf32, #tpu.memory_space<vmem>>, vector<16xf32>,
    %swap3A_5 = vector.shape_cast %swap3A_4 : vector<16xf32> to vector<16xf32>
    %swap3A_6 = vector.shape_cast %broadcast_in_dim3A_3 : vector<16xf32> to vector<16xf32>
    tpu.vector_store %arg13[%swap3A], %swap3A_6 {strides = array<i32>} : memref<128xf32, #tpu.memory_space<vmem>>, vector<16xf32>,
    %broadcast_in_dim3A_7 = arith.constant 1.000000e+00 : f32
    %broadcast_in_dim3A_8 = vector.broadcast %broadcast_in_dim3A_7 : f32 to vector<16xf32>
    %swap3A_9 = arith.constant 16 : index
    %swap3A_10 = tpu.vector_load %arg13[%swap3A_9] {strides = array<i32>} : memref<128xf32, #tpu.memory_space<vmem>>, vector<16xf32>,
    %swap3A_11 = vector.shape_cast %swap3A_10 : vector<16xf32> to vector<16xf32>
    %swap3A_12 = vector.shape_cast %broadcast_in_dim3A_8 : vector<16xf32> to vector<16xf32>
    tpu.vector_store %arg13[%swap3A_9], %swap3A_12 {strides = array<i32>} : memref<128xf32, #tpu.memory_space<vmem>>, vector<16xf32>,
    %broadcast_in_dim3A_13 = arith.constant 1.000000e+00 : f32
    %broadcast_in_dim3A_14 = vector.broadcast %broadcast_in_dim3A_13 : f32 to vector<16xf32>
    %swap3A_15 = arith.constant 32 : index
    %swap3A_16 = tpu.vector_load %arg13[%swap3A_15] {strides = array<i32>} : memref<128xf32, #tpu.memory_space<vmem>>, vector<16xf32>,
    %swap3A_17 = vector.shape_cast %swap3A_16 : vector<16xf32> to vector<16xf32>
    %swap3A_18 = vector.shape_cast %broadcast_in_dim3A_14 : vector<16xf32> to vector<16xf32>
    tpu.vector_store %arg13[%swap3A_15], %swap3A_18 {strides = array<i32>} : memref<128xf32, #tpu.memory_space<vmem>>, vector<16xf32>,
    %broadcast_in_dim3A_19 = arith.constant 1.000000e+00 : f32
    %broadcast_in_dim3A_20 = vector.broadcast %broadcast_in_dim3A_19 : f32 to vector<16xf32>
    %swap3A_21 = arith.constant 48 : index
    %swap3A_22 = tpu.vector_load %arg13[%swap3A_21] {strides = array<i32>} : memref<128xf32, #tpu.memory_space<vmem>>, vector<16xf32>,
    %swap3A_23 = vector.shape_cast %swap3A_22 : vector<16xf32> to vector<16xf32>
    %swap3A_24 = vector.shape_cast %broadcast_in_dim3A_20 : vector<16xf32> to vector<16xf32>
    tpu.vector_store %arg13[%swap3A_21], %swap3A_24 {strides = array<i32>} : memref<128xf32, #tpu.memory_space<vmem>>, vector<16xf32>,
    %broadcast_in_dim3A_25 = arith.constant 1.000000e+00 : f32
    %broadcast_in_dim3A_26 = vector.broadcast %broadcast_in_dim3A_25 : f32 to vector<16xf32>
    %swap3A_27 = arith.constant 64 : index
    %swap3A_28 = tpu.vector_load %arg13[%swap3A_27] {strides = array<i32>} : memref<128xf32, #tpu.memory_space<vmem>>, vector<16xf32>,
    %swap3A_29 = vector.shape_cast %swap3A_28 : vector<16xf32> to vector<16xf32>
    %swap3A_30 = vector.shape_cast %broadcast_in_dim3A_26 : vector<16xf32> to vector<16xf32>
    tpu.vector_store %arg13[%swap3A_27], %swap3A_30 {strides = array<i32>} : memref<128xf32, #tpu.memory_space<vmem>>, vector<16xf32>,
    %broadcast_in_dim3A_31 = arith.constant 1.000000e+00 : f32
    %broadcast_in_dim3A_32 = vector.broadcast %broadcast_in_dim3A_31 : f32 to vector<16xf32>
    %swap3A_33 = arith.constant 80 : index
    %swap3A_34 = tpu.vector_load %arg13[%swap3A_33] {strides = array<i32>} : memref<128xf32, #tpu.memory_space<vmem>>, vector<16xf32>,
    %swap3A_35 = vector.shape_cast %swap3A_34 : vector<16xf32> to vector<16xf32>
    %swap3A_36 = vector.shape_cast %broadcast_in_dim3A_32 : vector<16xf32> to vector<16xf32>
    tpu.vector_store %arg13[%swap3A_33], %swap3A_36 {strides = array<i32>} : memref<128xf32, #tpu.memory_space<vmem>>, vector<16xf32>,
    %broadcast_in_dim3A_37 = arith.constant 1.000000e+00 : f32
    %broadcast_in_dim3A_38 = vector.broadcast %broadcast_in_dim3A_37 : f32 to vector<16xf32>
    %swap3A_39 = arith.constant 96 : index
    %swap3A_40 = tpu.vector_load %arg13[%swap3A_39] {strides = array<i32>} : memref<128xf32, #tpu.memory_space<vmem>>, vector<16xf32>,
    %swap3A_41 = vector.shape_cast %swap3A_40 : vector<16xf32> to vector<16xf32>
    %swap3A_42 = vector.shape_cast %broadcast_in_dim3A_38 : vector<16xf32> to vector<16xf32>
    tpu.vector_store %arg13[%swap3A_39], %swap3A_42 {strides = array<i32>} : memref<128xf32, #tpu.memory_space<vmem>>, vector<16xf32>,
    %broadcast_in_dim3A_43 = arith.constant 1.000000e+00 : f32
    %broadcast_in_dim3A_44 = vector.broadcast %broadcast_in_dim3A_43 : f32 to vector<16xf32>
    %swap3A_45 = arith.constant 112 : index
    %swap3A_46 = tpu.vector_load %arg13[%swap3A_45] {strides = array<i32>} : memref<128xf32, #tpu.memory_space<vmem>>, vector<16xf32>,
    %swap3A_47 = vector.shape_cast %swap3A_46 : vector<16xf32> to vector<16xf32>
    %swap3A_48 = vector.shape_cast %broadcast_in_dim3A_44 : vector<16xf32> to vector<16xf32>
    tpu.vector_store %arg13[%swap3A_45], %swap3A_48 {strides = array<i32>} : memref<128xf32, #tpu.memory_space<vmem>>, vector<16xf32>,
    %barrier3A = arith.constant 0 : index
    tpu.barrier barrier_id(%barrier3A)
    %run_scoped3A = arith.constant 0 : i32
    "tpu.region"() ({
      %run_scoped3A_72 = tpu.sem_alloc : memref<!tpu.dma_semaphore, #tpu.memory_space<semaphore_mem>>
      %dma_start3A = arith.constant 0 : i32
      %dma_start3A_73 = arith.constant 0 : i32
      %dma_start3A_74 = tpu.memref_slice %arg3[%add3A, %run_scoped3A, %dma_start3A, %dma_start3A_73] : memref<32x2x40x128xi32, #tpu.memory_space<hbm>> -> memref<1x1x40x128xi32, #tpu.memory_space<hbm>>
      %dma_start3A_75 = tpu.memref_squeeze %dma_start3A_74 : memref<1x1x40x128xi32, #tpu.memory_space<hbm>> -> memref<40x128xi32, #tpu.memory_space<hbm>>
      %dma_start3A_76 = arith.constant 0 : i32
      %dma_start3A_77 = arith.constant 0 : i32
      %dma_start3A_78 = tpu.memref_slice %arg3[%add3A, %run_scoped3A, %dma_start3A_76, %dma_start3A_77] : memref<32x2x40x128xi32, #tpu.memory_space<hbm>> -> memref<1x1x40x128xi32, #tpu.memory_space<hbm>>
      %dma_start3A_79 = tpu.memref_squeeze %dma_start3A_78 : memref<1x1x40x128xi32, #tpu.memory_space<hbm>> -> memref<40x128xi32, #tpu.memory_space<hbm>>
      tpu.enqueue_dma source(%dma_start3A_79 : memref<40x128xi32, #tpu.memory_space<hbm>>) target(%arg9 : memref<40x128xi32, #tpu.memory_space<vmem>>) target_semaphore(%run_scoped3A_72 : memref<!tpu.dma_semaphore, #tpu.memory_space<semaphore_mem>>)
      %dma_wait3A = arith.constant 0 : i32
      %dma_wait3A_80 = arith.constant 0 : i32
      %dma_wait3A_81 = tpu.memref_slice %arg3[%add3A, %run_scoped3A, %dma_wait3A, %dma_wait3A_80] : memref<32x2x40x128xi32, #tpu.memory_space<hbm>> -> memref<1x1x40x128xi32, #tpu.memory_space<hbm>>
      %dma_wait3A_82 = tpu.memref_squeeze %dma_wait3A_81 : memref<1x1x40x128xi32, #tpu.memory_space<hbm>> -> memref<40x128xi32, #tpu.memory_space<hbm>>
      %dma_wait3A_83 = arith.constant 0 : i32
      %dma_wait3A_84 = arith.constant 0 : i32
      %dma_wait3A_85 = tpu.memref_slice %arg3[%add3A, %run_scoped3A, %dma_wait3A_83, %dma_wait3A_84] : memref<32x2x40x128xi32, #tpu.memory_space<hbm>> -> memref<1x1x40x128xi32, #tpu.memory_space<hbm>>
      %dma_wait3A_86 = tpu.memref_squeeze %dma_wait3A_85 : memref<1x1x40x128xi32, #tpu.memory_space<hbm>> -> memref<40x128xi32, #tpu.memory_space<hbm>>
      tpu.wait_dma2 semaphore(%run_scoped3A_72 : memref<!tpu.dma_semaphore, #tpu.memory_space<semaphore_mem>>) src(%dma_wait3A_86 : memref<40x128xi32, #tpu.memory_space<hbm>>) dst(%arg9 : memref<40x128xi32, #tpu.memory_space<vmem>>)
      tpu.yield
    }) : () -> ()
    %run_scoped3A_49 = arith.constant 0 : i32
    "tpu.region"() ({
      %run_scoped3A_72 = tpu.sem_alloc : memref<!tpu.dma_semaphore, #tpu.memory_space<semaphore_mem>>
      %dma_start3A = arith.constant 0 : i32
      %dma_start3A_73 = arith.constant 0 : i32
      %dma_start3A_74 = tpu.memref_slice %arg4[%add3A, %run_scoped3A_49, %dma_start3A, %dma_start3A_73] : memref<32x2x40x128xi32, #tpu.memory_space<hbm>> -> memref<1x1x40x128xi32, #tpu.memory_space<hbm>>
      %dma_start3A_75 = tpu.memref_squeeze %dma_start3A_74 : memref<1x1x40x128xi32, #tpu.memory_space<hbm>> -> memref<40x128xi32, #tpu.memory_space<hbm>>
      %dma_start3A_76 = arith.constant 0 : i32
      %dma_start3A_77 = arith.constant 0 : i32
      %dma_start3A_78 = tpu.memref_slice %arg4[%add3A, %run_scoped3A_49, %dma_start3A_76, %dma_start3A_77] : memref<32x2x40x128xi32, #tpu.memory_space<hbm>> -> memref<1x1x40x128xi32, #tpu.memory_space<hbm>>
      %dma_start3A_79 = tpu.memref_squeeze %dma_start3A_78 : memref<1x1x40x128xi32, #tpu.memory_space<hbm>> -> memref<40x128xi32, #tpu.memory_space<hbm>>
      tpu.enqueue_dma source(%dma_start3A_79 : memref<40x128xi32, #tpu.memory_space<hbm>>) target(%arg10 : memref<40x128xi32, #tpu.memory_space<vmem>>) target_semaphore(%run_scoped3A_72 : memref<!tpu.dma_semaphore, #tpu.memory_space<semaphore_mem>>)
      %dma_wait3A = arith.constant 0 : i32
      %dma_wait3A_80 = arith.constant 0 : i32
      %dma_wait3A_81 = tpu.memref_slice %arg4[%add3A, %run_scoped3A_49, %dma_wait3A, %dma_wait3A_80] : memref<32x2x40x128xi32, #tpu.memory_space<hbm>> -> memref<1x1x40x128xi32, #tpu.memory_space<hbm>>
      %dma_wait3A_82 = tpu.memref_squeeze %dma_wait3A_81 : memref<1x1x40x128xi32, #tpu.memory_space<hbm>> -> memref<40x128xi32, #tpu.memory_space<hbm>>
      %dma_wait3A_83 = arith.constant 0 : i32
      %dma_wait3A_84 = arith.constant 0 : i32
      %dma_wait3A_85 = tpu.memref_slice %arg4[%add3A, %run_scoped3A_49, %dma_wait3A_83, %dma_wait3A_84] : memref<32x2x40x128xi32, #tpu.memory_space<hbm>> -> memref<1x1x40x128xi32, #tpu.memory_space<hbm>>
      %dma_wait3A_86 = tpu.memref_squeeze %dma_wait3A_85 : memref<1x1x40x128xi32, #tpu.memory_space<hbm>> -> memref<40x128xi32, #tpu.memory_space<hbm>>
      tpu.wait_dma2 semaphore(%run_scoped3A_72 : memref<!tpu.dma_semaphore, #tpu.memory_space<semaphore_mem>>) src(%dma_wait3A_86 : memref<40x128xi32, #tpu.memory_space<hbm>>) dst(%arg10 : memref<40x128xi32, #tpu.memory_space<vmem>>)
      tpu.yield
    }) : () -> ()
    %eq3A = arith.constant 0 : i32
    %eq3A_50 = arith.cmpi eq, %arg0, %eq3A : i32
    %convert_element_type3A = arith.extui %eq3A_50 : i1 to i32
    %cond3A = arith.constant 0 : i32
    %cond3A_51 = arith.cmpi ne, %convert_element_type3A, %cond3A : i32
    scf.if %cond3A_51 {
      %dma_start3A = arith.constant 0 : i32
      %dma_start3A_72 = arith.constant 0 : i32
      %dma_start3A_73 = tpu.memref_slice %arg9[%dma_start3A, %dma_start3A_72] : memref<40x128xi32, #tpu.memory_space<vmem>> -> memref<1x128xi32, #tpu.memory_space<vmem>>
      %dma_start3A_74 = tpu.memref_squeeze %dma_start3A_73 : memref<1x128xi32, #tpu.memory_space<vmem>> -> memref<128xi32, #tpu.memory_space<vmem>>
      %dma_start3A_75 = arith.constant 0 : i32
      %dma_start3A_76 = arith.constant 0 : i32
      %dma_start3A_77 = tpu.memref_slice %arg2[%dma_start3A_75, %dma_start3A_76] : memref<10240x128xf32, #tpu.memory_space<hbm>> -> memref<10240x128xf32, #tpu.memory_space<hbm>>
      tpu.enqueue_indirect_dma source(%dma_start3A_77 : memref<10240x128xf32, #tpu.memory_space<hbm>>) target(%arg11 : memref<128x128xf32, #tpu.memory_space<vmem>>) offsets(%dma_start3A_74 : memref<128xi32, #tpu.memory_space<vmem>>) semaphore(%arg16 : memref<!tpu.dma_semaphore, #tpu.memory_space<semaphore_mem>>)
      %dma_start3A_78 = arith.constant 1 : i32
      %dma_start3A_79 = arith.constant 0 : i32
      %dma_start3A_80 = tpu.memref_slice %arg9[%dma_start3A_78, %dma_start3A_79] : memref<40x128xi32, #tpu.memory_space<vmem>> -> memref<1x128xi32, #tpu.memory_space<vmem>>
      %dma_start3A_81 = tpu.memref_squeeze %dma_start3A_80 : memref<1x128xi32, #tpu.memory_space<vmem>> -> memref<128xi32, #tpu.memory_space<vmem>>
      %dma_start3A_82 = arith.constant 0 : i32
      %dma_start3A_83 = arith.constant 0 : i32
      %dma_start3A_84 = tpu.memref_slice %arg2[%dma_start3A_82, %dma_start3A_83] : memref<10240x128xf32, #tpu.memory_space<hbm>> -> memref<10240x128xf32, #tpu.memory_space<hbm>>
      tpu.enqueue_indirect_dma source(%dma_start3A_84 : memref<10240x128xf32, #tpu.memory_space<hbm>>) target(%arg12 : memref<128x128xf32, #tpu.memory_space<vmem>>) offsets(%dma_start3A_81 : memref<128xi32, #tpu.memory_space<vmem>>) semaphore(%arg17 : memref<!tpu.dma_semaphore, #tpu.memory_space<semaphore_mem>>)
      %scan3A = arith.constant 0 : i32
      %scan3A_85 = arith.constant 0 : i32
      %scan3A_86 = arith.constant 20 : i32
      %scan3A_87 = arith.addi %scan3A_85, %scan3A_86 : i32
      %scan3A_88 = arith.constant 1 : i32
      scf.for %scan3A_96 = %scan3A_85 to %scan3A_87 step %scan3A_88  : i32 {
        %mul3A_97 = arith.constant 2 : i32
        %mul3A_98 = arith.muli %mul3A_97, %scan3A_96 : i32
        %add3A_99 = arith.constant 0 : i32
        %add3A_100 = arith.addi %mul3A_98, %add3A_99 : i32
        %dma_wait3A = arith.constant 0 : i32
        %dma_wait3A_101 = tpu.memref_slice %arg9[%add3A_100, %dma_wait3A] : memref<40x128xi32, #tpu.memory_space<vmem>> -> memref<1x128xi32, #tpu.memory_space<vmem>>
        %dma_wait3A_102 = tpu.memref_squeeze %dma_wait3A_101 : memref<1x128xi32, #tpu.memory_space<vmem>> -> memref<128xi32, #tpu.memory_space<vmem>>
        %dma_wait3A_103 = arith.constant 0 : i32
        %dma_wait3A_104 = arith.constant 0 : i32
        %dma_wait3A_105 = tpu.memref_slice %arg2[%dma_wait3A_103, %dma_wait3A_104] : memref<10240x128xf32, #tpu.memory_space<hbm>> -> memref<10240x128xf32, #tpu.memory_space<hbm>>
        tpu.wait_indirect_dma semaphore(%arg16 : memref<!tpu.dma_semaphore, #tpu.memory_space<semaphore_mem>>) src(%dma_wait3A_105 : memref<10240x128xf32, #tpu.memory_space<hbm>>) dst(%arg11 : memref<128x128xf32, #tpu.memory_space<vmem>>)
        %dma_start3A_106 = arith.constant 0 : i32
        %dma_start3A_107 = tpu.memref_slice %arg10[%add3A_100, %dma_start3A_106] : memref<40x128xi32, #tpu.memory_space<vmem>> -> memref<1x128xi32, #tpu.memory_space<vmem>>
        %dma_start3A_108 = tpu.memref_squeeze %dma_start3A_107 : memref<1x128xi32, #tpu.memory_space<vmem>> -> memref<128xi32, #tpu.memory_space<vmem>>
        %dma_start3A_109 = arith.constant 0 : i32
        %dma_start3A_110 = arith.constant 0 : i32
        %dma_start3A_111 = tpu.memref_slice %arg14[%dma_start3A_109, %dma_start3A_110] : memref<10240x128xf32, #tpu.memory_space<vmem_shared>> -> memref<10240x128xf32, #tpu.memory_space<vmem_shared>>
        tpu.enqueue_indirect_dma source(%arg11 : memref<128x128xf32, #tpu.memory_space<vmem>>) target(%dma_start3A_111 : memref<10240x128xf32, #tpu.memory_space<vmem_shared>>) offsets(%dma_start3A_108 : memref<128xi32, #tpu.memory_space<vmem>>) semaphore(%arg18 : memref<!tpu.dma_semaphore, #tpu.memory_space<semaphore_mem>>) {add = true}
        %dma_start3A_112 = arith.constant 0 : i32
        %dma_start3A_113 = tpu.memref_slice %arg10[%add3A_100, %dma_start3A_112] : memref<40x128xi32, #tpu.memory_space<vmem>> -> memref<1x128xi32, #tpu.memory_space<vmem>>
        %dma_start3A_114 = tpu.memref_squeeze %dma_start3A_113 : memref<1x128xi32, #tpu.memory_space<vmem>> -> memref<128xi32, #tpu.memory_space<vmem>>
        %dma_start3A_115 = arith.constant 0 : i32
        %dma_start3A_116 = tpu.memref_slice %arg15[%dma_start3A_115] : memref<10240xf32, #tpu.memory_space<vmem_shared>> -> memref<10240xf32, #tpu.memory_space<vmem_shared>>
        tpu.enqueue_indirect_dma source(%arg13 : memref<128xf32, #tpu.memory_space<vmem>>) target(%dma_start3A_116 : memref<10240xf32, #tpu.memory_space<vmem_shared>>) offsets(%dma_start3A_114 : memref<128xi32, #tpu.memory_space<vmem>>) semaphore(%arg20 : memref<!tpu.dma_semaphore, #tpu.memory_space<semaphore_mem>>) {add = true}
        %dma_wait3A_117 = arith.constant 0 : i32
        %dma_wait3A_118 = tpu.memref_slice %arg10[%add3A_100, %dma_wait3A_117] : memref<40x128xi32, #tpu.memory_space<vmem>> -> memref<1x128xi32, #tpu.memory_space<vmem>>
        %dma_wait3A_119 = tpu.memref_squeeze %dma_wait3A_118 : memref<1x128xi32, #tpu.memory_space<vmem>> -> memref<128xi32, #tpu.memory_space<vmem>>
        %dma_wait3A_120 = arith.constant 0 : i32
        %dma_wait3A_121 = arith.constant 0 : i32
        %dma_wait3A_122 = tpu.memref_slice %arg14[%dma_wait3A_120, %dma_wait3A_121] : memref<10240x128xf32, #tpu.memory_space<vmem_shared>> -> memref<10240x128xf32, #tpu.memory_space<vmem_shared>>
        tpu.wait_indirect_dma semaphore(%arg18 : memref<!tpu.dma_semaphore, #tpu.memory_space<semaphore_mem>>) src(%arg11 : memref<128x128xf32, #tpu.memory_space<vmem>>) dst(%dma_wait3A_122 : memref<10240x128xf32, #tpu.memory_space<vmem_shared>>)
        %add3A_123 = arith.constant 2 : i32
        %add3A_124 = arith.addi %add3A_100, %add3A_123 : i32
        %lt3A = arith.constant 40 : i32
        %lt3A_125 = arith.cmpi slt, %add3A_124, %lt3A : i32
        %convert_element_type3A_126 = arith.extui %lt3A_125 : i1 to i32
        %cond3A_127 = arith.constant 0 : i32
        %cond3A_128 = arith.cmpi ne, %convert_element_type3A_126, %cond3A_127 : i32
        scf.if %cond3A_128 {
          %add3A_163 = arith.constant 2 : i32
          %add3A_164 = arith.addi %add3A_100, %add3A_163 : i32
          %dma_start3A_165 = arith.constant 0 : i32
          %dma_start3A_166 = tpu.memref_slice %arg9[%add3A_164, %dma_start3A_165] : memref<40x128xi32, #tpu.memory_space<vmem>> -> memref<1x128xi32, #tpu.memory_space<vmem>>
          %dma_start3A_167 = tpu.memref_squeeze %dma_start3A_166 : memref<1x128xi32, #tpu.memory_space<vmem>> -> memref<128xi32, #tpu.memory_space<vmem>>
          %dma_start3A_168 = arith.constant 0 : i32
          %dma_start3A_169 = arith.constant 0 : i32
          %dma_start3A_170 = tpu.memref_slice %arg2[%dma_start3A_168, %dma_start3A_169] : memref<10240x128xf32, #tpu.memory_space<hbm>> -> memref<10240x128xf32, #tpu.memory_space<hbm>>
          tpu.enqueue_indirect_dma source(%dma_start3A_170 : memref<10240x128xf32, #tpu.memory_space<hbm>>) target(%arg11 : memref<128x128xf32, #tpu.memory_space<vmem>>) offsets(%dma_start3A_167 : memref<128xi32, #tpu.memory_space<vmem>>) semaphore(%arg16 : memref<!tpu.dma_semaphore, #tpu.memory_space<semaphore_mem>>)
        } else {
        }
        %mul3A_129 = arith.constant 2 : i32
        %mul3A_130 = arith.muli %mul3A_129, %scan3A_96 : i32
        %add3A_131 = arith.constant 1 : i32
        %add3A_132 = arith.addi %mul3A_130, %add3A_131 : i32
        %dma_wait3A_133 = arith.constant 0 : i32
        %dma_wait3A_134 = tpu.memref_slice %arg9[%add3A_132, %dma_wait3A_133] : memref<40x128xi32, #tpu.memory_space<vmem>> -> memref<1x128xi32, #tpu.memory_space<vmem>>
        %dma_wait3A_135 = tpu.memref_squeeze %dma_wait3A_134 : memref<1x128xi32, #tpu.memory_space<vmem>> -> memref<128xi32, #tpu.memory_space<vmem>>
        %dma_wait3A_136 = arith.constant 0 : i32
        %dma_wait3A_137 = arith.constant 0 : i32
        %dma_wait3A_138 = tpu.memref_slice %arg2[%dma_wait3A_136, %dma_wait3A_137] : memref<10240x128xf32, #tpu.memory_space<hbm>> -> memref<10240x128xf32, #tpu.memory_space<hbm>>
        tpu.wait_indirect_dma semaphore(%arg17 : memref<!tpu.dma_semaphore, #tpu.memory_space<semaphore_mem>>) src(%dma_wait3A_138 : memref<10240x128xf32, #tpu.memory_space<hbm>>) dst(%arg12 : memref<128x128xf32, #tpu.memory_space<vmem>>)
        %dma_start3A_139 = arith.constant 0 : i32
        %dma_start3A_140 = tpu.memref_slice %arg10[%add3A_132, %dma_start3A_139] : memref<40x128xi32, #tpu.memory_space<vmem>> -> memref<1x128xi32, #tpu.memory_space<vmem>>
        %dma_start3A_141 = tpu.memref_squeeze %dma_start3A_140 : memref<1x128xi32, #tpu.memory_space<vmem>> -> memref<128xi32, #tpu.memory_space<vmem>>
        %dma_start3A_142 = arith.constant 0 : i32
        %dma_start3A_143 = arith.constant 0 : i32
        %dma_start3A_144 = tpu.memref_slice %arg14[%dma_start3A_142, %dma_start3A_143] : memref<10240x128xf32, #tpu.memory_space<vmem_shared>> -> memref<10240x128xf32, #tpu.memory_space<vmem_shared>>
        tpu.enqueue_indirect_dma source(%arg12 : memref<128x128xf32, #tpu.memory_space<vmem>>) target(%dma_start3A_144 : memref<10240x128xf32, #tpu.memory_space<vmem_shared>>) offsets(%dma_start3A_141 : memref<128xi32, #tpu.memory_space<vmem>>) semaphore(%arg19 : memref<!tpu.dma_semaphore, #tpu.memory_space<semaphore_mem>>) {add = true}
        %dma_start3A_145 = arith.constant 0 : i32
        %dma_start3A_146 = tpu.memref_slice %arg10[%add3A_132, %dma_start3A_145] : memref<40x128xi32, #tpu.memory_space<vmem>> -> memref<1x128xi32, #tpu.memory_space<vmem>>
        %dma_start3A_147 = tpu.memref_squeeze %dma_start3A_146 : memref<1x128xi32, #tpu.memory_space<vmem>> -> memref<128xi32, #tpu.memory_space<vmem>>
        %dma_start3A_148 = arith.constant 0 : i32
        %dma_start3A_149 = tpu.memref_slice %arg15[%dma_start3A_148] : memref<10240xf32, #tpu.memory_space<vmem_shared>> -> memref<10240xf32, #tpu.memory_space<vmem_shared>>
        tpu.enqueue_indirect_dma source(%arg13 : memref<128xf32, #tpu.memory_space<vmem>>) target(%dma_start3A_149 : memref<10240xf32, #tpu.memory_space<vmem_shared>>) offsets(%dma_start3A_147 : memref<128xi32, #tpu.memory_space<vmem>>) semaphore(%arg20 : memref<!tpu.dma_semaphore, #tpu.memory_space<semaphore_mem>>) {add = true}
        %dma_wait3A_150 = arith.constant 0 : i32
        %dma_wait3A_151 = tpu.memref_slice %arg10[%add3A_132, %dma_wait3A_150] : memref<40x128xi32, #tpu.memory_space<vmem>> -> memref<1x128xi32, #tpu.memory_space<vmem>>
        %dma_wait3A_152 = tpu.memref_squeeze %dma_wait3A_151 : memref<1x128xi32, #tpu.memory_space<vmem>> -> memref<128xi32, #tpu.memory_space<vmem>>
        %dma_wait3A_153 = arith.constant 0 : i32
        %dma_wait3A_154 = arith.constant 0 : i32
        %dma_wait3A_155 = tpu.memref_slice %arg14[%dma_wait3A_153, %dma_wait3A_154] : memref<10240x128xf32, #tpu.memory_space<vmem_shared>> -> memref<10240x128xf32, #tpu.memory_space<vmem_shared>>
        tpu.wait_indirect_dma semaphore(%arg19 : memref<!tpu.dma_semaphore, #tpu.memory_space<semaphore_mem>>) src(%arg12 : memref<128x128xf32, #tpu.memory_space<vmem>>) dst(%dma_wait3A_155 : memref<10240x128xf32, #tpu.memory_space<vmem_shared>>)
        %add3A_156 = arith.constant 2 : i32
        %add3A_157 = arith.addi %add3A_132, %add3A_156 : i32
        %lt3A_158 = arith.constant 40 : i32
        %lt3A_159 = arith.cmpi slt, %add3A_157, %lt3A_158 : i32
        %convert_element_type3A_160 = arith.extui %lt3A_159 : i1 to i32
        %cond3A_161 = arith.constant 0 : i32
        %cond3A_162 = arith.cmpi ne, %convert_element_type3A_160, %cond3A_161 : i32
        scf.if %cond3A_162 {
          %add3A_163 = arith.constant 2 : i32
          %add3A_164 = arith.addi %add3A_132, %add3A_163 : i32
          %dma_start3A_165 = arith.constant 0 : i32
          %dma_start3A_166 = tpu.memref_slice %arg9[%add3A_164, %dma_start3A_165] : memref<40x128xi32, #tpu.memory_space<vmem>> -> memref<1x128xi32, #tpu.memory_space<vmem>>
          %dma_start3A_167 = tpu.memref_squeeze %dma_start3A_166 : memref<1x128xi32, #tpu.memory_space<vmem>> -> memref<128xi32, #tpu.memory_space<vmem>>
          %dma_start3A_168 = arith.constant 0 : i32
          %dma_start3A_169 = arith.constant 0 : i32
          %dma_start3A_170 = tpu.memref_slice %arg2[%dma_start3A_168, %dma_start3A_169] : memref<10240x128xf32, #tpu.memory_space<hbm>> -> memref<10240x128xf32, #tpu.memory_space<hbm>>
          tpu.enqueue_indirect_dma source(%dma_start3A_170 : memref<10240x128xf32, #tpu.memory_space<hbm>>) target(%arg12 : memref<128x128xf32, #tpu.memory_space<vmem>>) offsets(%dma_start3A_167 : memref<128xi32, #tpu.memory_space<vmem>>) semaphore(%arg17 : memref<!tpu.dma_semaphore, #tpu.memory_space<semaphore_mem>>)
        } else {
        }
      }
      %scan3A_89 = arith.constant 20 : i32
      %scan3A_90 = arith.constant 0 : i32
      %scan3A_91 = arith.constant 0 : i32
      %scan3A_92 = arith.constant 40 : i32
      %scan3A_93 = arith.addi %scan3A_91, %scan3A_92 : i32
      %scan3A_94 = arith.constant 1 : i32
      scf.for %scan3A_96 = %scan3A_91 to %scan3A_93 step %scan3A_94  : i32 {
        %dma_wait3A = arith.constant 0 : i32
        %dma_wait3A_97 = arith.constant 0 : i32
        %dma_wait3A_98 = tpu.memref_slice %arg10[%dma_wait3A, %dma_wait3A_97] : memref<40x128xi32, #tpu.memory_space<vmem>> -> memref<1x128xi32, #tpu.memory_space<vmem>>
        %dma_wait3A_99 = tpu.memref_squeeze %dma_wait3A_98 : memref<1x128xi32, #tpu.memory_space<vmem>> -> memref<128xi32, #tpu.memory_space<vmem>>
        %dma_wait3A_100 = arith.constant 0 : i32
        %dma_wait3A_101 = tpu.memref_slice %arg15[%dma_wait3A_100] : memref<10240xf32, #tpu.memory_space<vmem_shared>> -> memref<10240xf32, #tpu.memory_space<vmem_shared>>
        tpu.wait_indirect_dma semaphore(%arg20 : memref<!tpu.dma_semaphore, #tpu.memory_space<semaphore_mem>>) src(%arg13 : memref<128xf32, #tpu.memory_space<vmem>>) dst(%dma_wait3A_101 : memref<10240xf32, #tpu.memory_space<vmem_shared>>)
      }
      %scan3A_95 = arith.constant 40 : i32
    } else {
    }
    %eq3A_52 = arith.constant 1 : i32
    %eq3A_53 = arith.cmpi eq, %arg0, %eq3A_52 : i32
    %convert_element_type3A_54 = arith.extui %eq3A_53 : i1 to i32
    %cond3A_55 = arith.constant 0 : i32
    %cond3A_56 = arith.cmpi ne, %convert_element_type3A_54, %cond3A_55 : i32
    scf.if %cond3A_56 {
      %dma_start3A = arith.constant 0 : i32
      %dma_start3A_72 = arith.constant 0 : i32
      %dma_start3A_73 = tpu.memref_slice %arg9[%dma_start3A, %dma_start3A_72] : memref<40x128xi32, #tpu.memory_space<vmem>> -> memref<1x128xi32, #tpu.memory_space<vmem>>
      %dma_start3A_74 = tpu.memref_squeeze %dma_start3A_73 : memref<1x128xi32, #tpu.memory_space<vmem>> -> memref<128xi32, #tpu.memory_space<vmem>>
      %dma_start3A_75 = arith.constant 0 : i32
      %dma_start3A_76 = arith.constant 0 : i32
      %dma_start3A_77 = tpu.memref_slice %arg2[%dma_start3A_75, %dma_start3A_76] : memref<10240x128xf32, #tpu.memory_space<hbm>> -> memref<10240x128xf32, #tpu.memory_space<hbm>>
      tpu.enqueue_indirect_dma source(%dma_start3A_77 : memref<10240x128xf32, #tpu.memory_space<hbm>>) target(%arg11 : memref<128x128xf32, #tpu.memory_space<vmem>>) offsets(%dma_start3A_74 : memref<128xi32, #tpu.memory_space<vmem>>) semaphore(%arg16 : memref<!tpu.dma_semaphore, #tpu.memory_space<semaphore_mem>>)
      %dma_start3A_78 = arith.constant 1 : i32
      %dma_start3A_79 = arith.constant 0 : i32
      %dma_start3A_80 = tpu.memref_slice %arg9[%dma_start3A_78, %dma_start3A_79] : memref<40x128xi32, #tpu.memory_space<vmem>> -> memref<1x128xi32, #tpu.memory_space<vmem>>
      %dma_start3A_81 = tpu.memref_squeeze %dma_start3A_80 : memref<1x128xi32, #tpu.memory_space<vmem>> -> memref<128xi32, #tpu.memory_space<vmem>>
      %dma_start3A_82 = arith.constant 0 : i32
      %dma_start3A_83 = arith.constant 0 : i32
      %dma_start3A_84 = tpu.memref_slice %arg2[%dma_start3A_82, %dma_start3A_83] : memref<10240x128xf32, #tpu.memory_space<hbm>> -> memref<10240x128xf32, #tpu.memory_space<hbm>>
      tpu.enqueue_indirect_dma source(%dma_start3A_84 : memref<10240x128xf32, #tpu.memory_space<hbm>>) target(%arg12 : memref<128x128xf32, #tpu.memory_space<vmem>>) offsets(%dma_start3A_81 : memref<128xi32, #tpu.memory_space<vmem>>) semaphore(%arg17 : memref<!tpu.dma_semaphore, #tpu.memory_space<semaphore_mem>>)
      %scan3A = arith.constant 0 : i32
      %scan3A_85 = arith.constant 0 : i32
      %scan3A_86 = arith.constant 20 : i32
      %scan3A_87 = arith.addi %scan3A_85, %scan3A_86 : i32
      %scan3A_88 = arith.constant 1 : i32
      scf.for %scan3A_96 = %scan3A_85 to %scan3A_87 step %scan3A_88  : i32 {
        %mul3A_97 = arith.constant 2 : i32
        %mul3A_98 = arith.muli %mul3A_97, %scan3A_96 : i32
        %add3A_99 = arith.constant 0 : i32
        %add3A_100 = arith.addi %mul3A_98, %add3A_99 : i32
        %dma_wait3A = arith.constant 0 : i32
        %dma_wait3A_101 = tpu.memref_slice %arg9[%add3A_100, %dma_wait3A] : memref<40x128xi32, #tpu.memory_space<vmem>> -> memref<1x128xi32, #tpu.memory_space<vmem>>
        %dma_wait3A_102 = tpu.memref_squeeze %dma_wait3A_101 : memref<1x128xi32, #tpu.memory_space<vmem>> -> memref<128xi32, #tpu.memory_space<vmem>>
        %dma_wait3A_103 = arith.constant 0 : i32
        %dma_wait3A_104 = arith.constant 0 : i32
        %dma_wait3A_105 = tpu.memref_slice %arg2[%dma_wait3A_103, %dma_wait3A_104] : memref<10240x128xf32, #tpu.memory_space<hbm>> -> memref<10240x128xf32, #tpu.memory_space<hbm>>
        tpu.wait_indirect_dma semaphore(%arg16 : memref<!tpu.dma_semaphore, #tpu.memory_space<semaphore_mem>>) src(%dma_wait3A_105 : memref<10240x128xf32, #tpu.memory_space<hbm>>) dst(%arg11 : memref<128x128xf32, #tpu.memory_space<vmem>>)
        %dma_start3A_106 = arith.constant 0 : i32
        %dma_start3A_107 = tpu.memref_slice %arg10[%add3A_100, %dma_start3A_106] : memref<40x128xi32, #tpu.memory_space<vmem>> -> memref<1x128xi32, #tpu.memory_space<vmem>>
        %dma_start3A_108 = tpu.memref_squeeze %dma_start3A_107 : memref<1x128xi32, #tpu.memory_space<vmem>> -> memref<128xi32, #tpu.memory_space<vmem>>
        %dma_start3A_109 = arith.constant 0 : i32
        %dma_start3A_110 = arith.constant 0 : i32
        %dma_start3A_111 = tpu.memref_slice %arg14[%dma_start3A_109, %dma_start3A_110] : memref<10240x128xf32, #tpu.memory_space<vmem_shared>> -> memref<10240x128xf32, #tpu.memory_space<vmem_shared>>
        tpu.enqueue_indirect_dma source(%arg11 : memref<128x128xf32, #tpu.memory_space<vmem>>) target(%dma_start3A_111 : memref<10240x128xf32, #tpu.memory_space<vmem_shared>>) offsets(%dma_start3A_108 : memref<128xi32, #tpu.memory_space<vmem>>) semaphore(%arg18 : memref<!tpu.dma_semaphore, #tpu.memory_space<semaphore_mem>>) {add = true}
        %dma_start3A_112 = arith.constant 0 : i32
        %dma_start3A_113 = tpu.memref_slice %arg10[%add3A_100, %dma_start3A_112] : memref<40x128xi32, #tpu.memory_space<vmem>> -> memref<1x128xi32, #tpu.memory_space<vmem>>
        %dma_start3A_114 = tpu.memref_squeeze %dma_start3A_113 : memref<1x128xi32, #tpu.memory_space<vmem>> -> memref<128xi32, #tpu.memory_space<vmem>>
        %dma_start3A_115 = arith.constant 0 : i32
        %dma_start3A_116 = tpu.memref_slice %arg15[%dma_start3A_115] : memref<10240xf32, #tpu.memory_space<vmem_shared>> -> memref<10240xf32, #tpu.memory_space<vmem_shared>>
        tpu.enqueue_indirect_dma source(%arg13 : memref<128xf32, #tpu.memory_space<vmem>>) target(%dma_start3A_116 : memref<10240xf32, #tpu.memory_space<vmem_shared>>) offsets(%dma_start3A_114 : memref<128xi32, #tpu.memory_space<vmem>>) semaphore(%arg20 : memref<!tpu.dma_semaphore, #tpu.memory_space<semaphore_mem>>) {add = true}
        %dma_wait3A_117 = arith.constant 0 : i32
        %dma_wait3A_118 = tpu.memref_slice %arg10[%add3A_100, %dma_wait3A_117] : memref<40x128xi32, #tpu.memory_space<vmem>> -> memref<1x128xi32, #tpu.memory_space<vmem>>
        %dma_wait3A_119 = tpu.memref_squeeze %dma_wait3A_118 : memref<1x128xi32, #tpu.memory_space<vmem>> -> memref<128xi32, #tpu.memory_space<vmem>>
        %dma_wait3A_120 = arith.constant 0 : i32
        %dma_wait3A_121 = arith.constant 0 : i32
        %dma_wait3A_122 = tpu.memref_slice %arg14[%dma_wait3A_120, %dma_wait3A_121] : memref<10240x128xf32, #tpu.memory_space<vmem_shared>> -> memref<10240x128xf32, #tpu.memory_space<vmem_shared>>
        tpu.wait_indirect_dma semaphore(%arg18 : memref<!tpu.dma_semaphore, #tpu.memory_space<semaphore_mem>>) src(%arg11 : memref<128x128xf32, #tpu.memory_space<vmem>>) dst(%dma_wait3A_122 : memref<10240x128xf32, #tpu.memory_space<vmem_shared>>)
        %add3A_123 = arith.constant 2 : i32
        %add3A_124 = arith.addi %add3A_100, %add3A_123 : i32
        %lt3A = arith.constant 40 : i32
        %lt3A_125 = arith.cmpi slt, %add3A_124, %lt3A : i32
        %convert_element_type3A_126 = arith.extui %lt3A_125 : i1 to i32
        %cond3A_127 = arith.constant 0 : i32
        %cond3A_128 = arith.cmpi ne, %convert_element_type3A_126, %cond3A_127 : i32
        scf.if %cond3A_128 {
          %add3A_163 = arith.constant 2 : i32
          %add3A_164 = arith.addi %add3A_100, %add3A_163 : i32
          %dma_start3A_165 = arith.constant 0 : i32
          %dma_start3A_166 = tpu.memref_slice %arg9[%add3A_164, %dma_start3A_165] : memref<40x128xi32, #tpu.memory_space<vmem>> -> memref<1x128xi32, #tpu.memory_space<vmem>>
          %dma_start3A_167 = tpu.memref_squeeze %dma_start3A_166 : memref<1x128xi32, #tpu.memory_space<vmem>> -> memref<128xi32, #tpu.memory_space<vmem>>
          %dma_start3A_168 = arith.constant 0 : i32
          %dma_start3A_169 = arith.constant 0 : i32
          %dma_start3A_170 = tpu.memref_slice %arg2[%dma_start3A_168, %dma_start3A_169] : memref<10240x128xf32, #tpu.memory_space<hbm>> -> memref<10240x128xf32, #tpu.memory_space<hbm>>
          tpu.enqueue_indirect_dma source(%dma_start3A_170 : memref<10240x128xf32, #tpu.memory_space<hbm>>) target(%arg11 : memref<128x128xf32, #tpu.memory_space<vmem>>) offsets(%dma_start3A_167 : memref<128xi32, #tpu.memory_space<vmem>>) semaphore(%arg16 : memref<!tpu.dma_semaphore, #tpu.memory_space<semaphore_mem>>)
        } else {
        }
        %mul3A_129 = arith.constant 2 : i32
        %mul3A_130 = arith.muli %mul3A_129, %scan3A_96 : i32
        %add3A_131 = arith.constant 1 : i32
        %add3A_132 = arith.addi %mul3A_130, %add3A_131 : i32
        %dma_wait3A_133 = arith.constant 0 : i32
        %dma_wait3A_134 = tpu.memref_slice %arg9[%add3A_132, %dma_wait3A_133] : memref<40x128xi32, #tpu.memory_space<vmem>> -> memref<1x128xi32, #tpu.memory_space<vmem>>
        %dma_wait3A_135 = tpu.memref_squeeze %dma_wait3A_134 : memref<1x128xi32, #tpu.memory_space<vmem>> -> memref<128xi32, #tpu.memory_space<vmem>>
        %dma_wait3A_136 = arith.constant 0 : i32
        %dma_wait3A_137 = arith.constant 0 : i32
        %dma_wait3A_138 = tpu.memref_slice %arg2[%dma_wait3A_136, %dma_wait3A_137] : memref<10240x128xf32, #tpu.memory_space<hbm>> -> memref<10240x128xf32, #tpu.memory_space<hbm>>
        tpu.wait_indirect_dma semaphore(%arg17 : memref<!tpu.dma_semaphore, #tpu.memory_space<semaphore_mem>>) src(%dma_wait3A_138 : memref<10240x128xf32, #tpu.memory_space<hbm>>) dst(%arg12 : memref<128x128xf32, #tpu.memory_space<vmem>>)
        %dma_start3A_139 = arith.constant 0 : i32
        %dma_start3A_140 = tpu.memref_slice %arg10[%add3A_132, %dma_start3A_139] : memref<40x128xi32, #tpu.memory_space<vmem>> -> memref<1x128xi32, #tpu.memory_space<vmem>>
        %dma_start3A_141 = tpu.memref_squeeze %dma_start3A_140 : memref<1x128xi32, #tpu.memory_space<vmem>> -> memref<128xi32, #tpu.memory_space<vmem>>
        %dma_start3A_142 = arith.constant 0 : i32
        %dma_start3A_143 = arith.constant 0 : i32
        %dma_start3A_144 = tpu.memref_slice %arg14[%dma_start3A_142, %dma_start3A_143] : memref<10240x128xf32, #tpu.memory_space<vmem_shared>> -> memref<10240x128xf32, #tpu.memory_space<vmem_shared>>
        tpu.enqueue_indirect_dma source(%arg12 : memref<128x128xf32, #tpu.memory_space<vmem>>) target(%dma_start3A_144 : memref<10240x128xf32, #tpu.memory_space<vmem_shared>>) offsets(%dma_start3A_141 : memref<128xi32, #tpu.memory_space<vmem>>) semaphore(%arg19 : memref<!tpu.dma_semaphore, #tpu.memory_space<semaphore_mem>>) {add = true}
        %dma_start3A_145 = arith.constant 0 : i32
        %dma_start3A_146 = tpu.memref_slice %arg10[%add3A_132, %dma_start3A_145] : memref<40x128xi32, #tpu.memory_space<vmem>> -> memref<1x128xi32, #tpu.memory_space<vmem>>
        %dma_start3A_147 = tpu.memref_squeeze %dma_start3A_146 : memref<1x128xi32, #tpu.memory_space<vmem>> -> memref<128xi32, #tpu.memory_space<vmem>>
        %dma_start3A_148 = arith.constant 0 : i32
        %dma_start3A_149 = tpu.memref_slice %arg15[%dma_start3A_148] : memref<10240xf32, #tpu.memory_space<vmem_shared>> -> memref<10240xf32, #tpu.memory_space<vmem_shared>>
        tpu.enqueue_indirect_dma source(%arg13 : memref<128xf32, #tpu.memory_space<vmem>>) target(%dma_start3A_149 : memref<10240xf32, #tpu.memory_space<vmem_shared>>) offsets(%dma_start3A_147 : memref<128xi32, #tpu.memory_space<vmem>>) semaphore(%arg20 : memref<!tpu.dma_semaphore, #tpu.memory_space<semaphore_mem>>) {add = true}
        %dma_wait3A_150 = arith.constant 0 : i32
        %dma_wait3A_151 = tpu.memref_slice %arg10[%add3A_132, %dma_wait3A_150] : memref<40x128xi32, #tpu.memory_space<vmem>> -> memref<1x128xi32, #tpu.memory_space<vmem>>
        %dma_wait3A_152 = tpu.memref_squeeze %dma_wait3A_151 : memref<1x128xi32, #tpu.memory_space<vmem>> -> memref<128xi32, #tpu.memory_space<vmem>>
        %dma_wait3A_153 = arith.constant 0 : i32
        %dma_wait3A_154 = arith.constant 0 : i32
        %dma_wait3A_155 = tpu.memref_slice %arg14[%dma_wait3A_153, %dma_wait3A_154] : memref<10240x128xf32, #tpu.memory_space<vmem_shared>> -> memref<10240x128xf32, #tpu.memory_space<vmem_shared>>
        tpu.wait_indirect_dma semaphore(%arg19 : memref<!tpu.dma_semaphore, #tpu.memory_space<semaphore_mem>>) src(%arg12 : memref<128x128xf32, #tpu.memory_space<vmem>>) dst(%dma_wait3A_155 : memref<10240x128xf32, #tpu.memory_space<vmem_shared>>)
        %add3A_156 = arith.constant 2 : i32
        %add3A_157 = arith.addi %add3A_132, %add3A_156 : i32
        %lt3A_158 = arith.constant 40 : i32
        %lt3A_159 = arith.cmpi slt, %add3A_157, %lt3A_158 : i32
        %convert_element_type3A_160 = arith.extui %lt3A_159 : i1 to i32
        %cond3A_161 = arith.constant 0 : i32
        %cond3A_162 = arith.cmpi ne, %convert_element_type3A_160, %cond3A_161 : i32
        scf.if %cond3A_162 {
          %add3A_163 = arith.constant 2 : i32
          %add3A_164 = arith.addi %add3A_132, %add3A_163 : i32
          %dma_start3A_165 = arith.constant 0 : i32
          %dma_start3A_166 = tpu.memref_slice %arg9[%add3A_164, %dma_start3A_165] : memref<40x128xi32, #tpu.memory_space<vmem>> -> memref<1x128xi32, #tpu.memory_space<vmem>>
          %dma_start3A_167 = tpu.memref_squeeze %dma_start3A_166 : memref<1x128xi32, #tpu.memory_space<vmem>> -> memref<128xi32, #tpu.memory_space<vmem>>
          %dma_start3A_168 = arith.constant 0 : i32
          %dma_start3A_169 = arith.constant 0 : i32
          %dma_start3A_170 = tpu.memref_slice %arg2[%dma_start3A_168, %dma_start3A_169] : memref<10240x128xf32, #tpu.memory_space<hbm>> -> memref<10240x128xf32, #tpu.memory_space<hbm>>
          tpu.enqueue_indirect_dma source(%dma_start3A_170 : memref<10240x128xf32, #tpu.memory_space<hbm>>) target(%arg12 : memref<128x128xf32, #tpu.memory_space<vmem>>) offsets(%dma_start3A_167 : memref<128xi32, #tpu.memory_space<vmem>>) semaphore(%arg17 : memref<!tpu.dma_semaphore, #tpu.memory_space<semaphore_mem>>)
        } else {
        }
      }
      %scan3A_89 = arith.constant 20 : i32
      %scan3A_90 = arith.constant 0 : i32
      %scan3A_91 = arith.constant 0 : i32
      %scan3A_92 = arith.constant 40 : i32
      %scan3A_93 = arith.addi %scan3A_91, %scan3A_92 : i32
      %scan3A_94 = arith.constant 1 : i32
      scf.for %scan3A_96 = %scan3A_91 to %scan3A_93 step %scan3A_94  : i32 {
        %dma_wait3A = arith.constant 0 : i32
        %dma_wait3A_97 = arith.constant 0 : i32
        %dma_wait3A_98 = tpu.memref_slice %arg10[%dma_wait3A, %dma_wait3A_97] : memref<40x128xi32, #tpu.memory_space<vmem>> -> memref<1x128xi32, #tpu.memory_space<vmem>>
        %dma_wait3A_99 = tpu.memref_squeeze %dma_wait3A_98 : memref<1x128xi32, #tpu.memory_space<vmem>> -> memref<128xi32, #tpu.memory_space<vmem>>
        %dma_wait3A_100 = arith.constant 0 : i32
        %dma_wait3A_101 = tpu.memref_slice %arg15[%dma_wait3A_100] : memref<10240xf32, #tpu.memory_space<vmem_shared>> -> memref<10240xf32, #tpu.memory_space<vmem_shared>>
        tpu.wait_indirect_dma semaphore(%arg20 : memref<!tpu.dma_semaphore, #tpu.memory_space<semaphore_mem>>) src(%arg13 : memref<128xf32, #tpu.memory_space<vmem>>) dst(%dma_wait3A_101 : memref<10240xf32, #tpu.memory_space<vmem_shared>>)
      }
      %scan3A_95 = arith.constant 40 : i32
    } else {
    }
    %run_scoped3A_57 = arith.constant 1 : i32
    "tpu.region"() ({
      %run_scoped3A_72 = tpu.sem_alloc : memref<!tpu.dma_semaphore, #tpu.memory_space<semaphore_mem>>
      %dma_start3A = arith.constant 0 : i32
      %dma_start3A_73 = arith.constant 0 : i32
      %dma_start3A_74 = tpu.memref_slice %arg3[%add3A, %run_scoped3A_57, %dma_start3A, %dma_start3A_73] : memref<32x2x40x128xi32, #tpu.memory_space<hbm>> -> memref<1x1x40x128xi32, #tpu.memory_space<hbm>>
      %dma_start3A_75 = tpu.memref_squeeze %dma_start3A_74 : memref<1x1x40x128xi32, #tpu.memory_space<hbm>> -> memref<40x128xi32, #tpu.memory_space<hbm>>
      %dma_start3A_76 = arith.constant 0 : i32
      %dma_start3A_77 = arith.constant 0 : i32
      %dma_start3A_78 = tpu.memref_slice %arg3[%add3A, %run_scoped3A_57, %dma_start3A_76, %dma_start3A_77] : memref<32x2x40x128xi32, #tpu.memory_space<hbm>> -> memref<1x1x40x128xi32, #tpu.memory_space<hbm>>
      %dma_start3A_79 = tpu.memref_squeeze %dma_start3A_78 : memref<1x1x40x128xi32, #tpu.memory_space<hbm>> -> memref<40x128xi32, #tpu.memory_space<hbm>>
      tpu.enqueue_dma source(%dma_start3A_79 : memref<40x128xi32, #tpu.memory_space<hbm>>) target(%arg9 : memref<40x128xi32, #tpu.memory_space<vmem>>) target_semaphore(%run_scoped3A_72 : memref<!tpu.dma_semaphore, #tpu.memory_space<semaphore_mem>>)
      %dma_wait3A = arith.constant 0 : i32
      %dma_wait3A_80 = arith.constant 0 : i32
      %dma_wait3A_81 = tpu.memref_slice %arg3[%add3A, %run_scoped3A_57, %dma_wait3A, %dma_wait3A_80] : memref<32x2x40x128xi32, #tpu.memory_space<hbm>> -> memref<1x1x40x128xi32, #tpu.memory_space<hbm>>
      %dma_wait3A_82 = tpu.memref_squeeze %dma_wait3A_81 : memref<1x1x40x128xi32, #tpu.memory_space<hbm>> -> memref<40x128xi32, #tpu.memory_space<hbm>>
      %dma_wait3A_83 = arith.constant 0 : i32
      %dma_wait3A_84 = arith.constant 0 : i32
      %dma_wait3A_85 = tpu.memref_slice %arg3[%add3A, %run_scoped3A_57, %dma_wait3A_83, %dma_wait3A_84] : memref<32x2x40x128xi32, #tpu.memory_space<hbm>> -> memref<1x1x40x128xi32, #tpu.memory_space<hbm>>
      %dma_wait3A_86 = tpu.memref_squeeze %dma_wait3A_85 : memref<1x1x40x128xi32, #tpu.memory_space<hbm>> -> memref<40x128xi32, #tpu.memory_space<hbm>>
      tpu.wait_dma2 semaphore(%run_scoped3A_72 : memref<!tpu.dma_semaphore, #tpu.memory_space<semaphore_mem>>) src(%dma_wait3A_86 : memref<40x128xi32, #tpu.memory_space<hbm>>) dst(%arg9 : memref<40x128xi32, #tpu.memory_space<vmem>>)
      tpu.yield
    }) : () -> ()
    %run_scoped3A_58 = arith.constant 1 : i32
    "tpu.region"() ({
      %run_scoped3A_72 = tpu.sem_alloc : memref<!tpu.dma_semaphore, #tpu.memory_space<semaphore_mem>>
      %dma_start3A = arith.constant 0 : i32
      %dma_start3A_73 = arith.constant 0 : i32
      %dma_start3A_74 = tpu.memref_slice %arg4[%add3A, %run_scoped3A_58, %dma_start3A, %dma_start3A_73] : memref<32x2x40x128xi32, #tpu.memory_space<hbm>> -> memref<1x1x40x128xi32, #tpu.memory_space<hbm>>
      %dma_start3A_75 = tpu.memref_squeeze %dma_start3A_74 : memref<1x1x40x128xi32, #tpu.memory_space<hbm>> -> memref<40x128xi32, #tpu.memory_space<hbm>>
      %dma_start3A_76 = arith.constant 0 : i32
      %dma_start3A_77 = arith.constant 0 : i32
      %dma_start3A_78 = tpu.memref_slice %arg4[%add3A, %run_scoped3A_58, %dma_start3A_76, %dma_start3A_77] : memref<32x2x40x128xi32, #tpu.memory_space<hbm>> -> memref<1x1x40x128xi32, #tpu.memory_space<hbm>>
      %dma_start3A_79 = tpu.memref_squeeze %dma_start3A_78 : memref<1x1x40x128xi32, #tpu.memory_space<hbm>> -> memref<40x128xi32, #tpu.memory_space<hbm>>
      tpu.enqueue_dma source(%dma_start3A_79 : memref<40x128xi32, #tpu.memory_space<hbm>>) target(%arg10 : memref<40x128xi32, #tpu.memory_space<vmem>>) target_semaphore(%run_scoped3A_72 : memref<!tpu.dma_semaphore, #tpu.memory_space<semaphore_mem>>)
      %dma_wait3A = arith.constant 0 : i32
      %dma_wait3A_80 = arith.constant 0 : i32
      %dma_wait3A_81 = tpu.memref_slice %arg4[%add3A, %run_scoped3A_58, %dma_wait3A, %dma_wait3A_80] : memref<32x2x40x128xi32, #tpu.memory_space<hbm>> -> memref<1x1x40x128xi32, #tpu.memory_space<hbm>>
      %dma_wait3A_82 = tpu.memref_squeeze %dma_wait3A_81 : memref<1x1x40x128xi32, #tpu.memory_space<hbm>> -> memref<40x128xi32, #tpu.memory_space<hbm>>
      %dma_wait3A_83 = arith.constant 0 : i32
      %dma_wait3A_84 = arith.constant 0 : i32
      %dma_wait3A_85 = tpu.memref_slice %arg4[%add3A, %run_scoped3A_58, %dma_wait3A_83, %dma_wait3A_84] : memref<32x2x40x128xi32, #tpu.memory_space<hbm>> -> memref<1x1x40x128xi32, #tpu.memory_space<hbm>>
      %dma_wait3A_86 = tpu.memref_squeeze %dma_wait3A_85 : memref<1x1x40x128xi32, #tpu.memory_space<hbm>> -> memref<40x128xi32, #tpu.memory_space<hbm>>
      tpu.wait_dma2 semaphore(%run_scoped3A_72 : memref<!tpu.dma_semaphore, #tpu.memory_space<semaphore_mem>>) src(%dma_wait3A_86 : memref<40x128xi32, #tpu.memory_space<hbm>>) dst(%arg10 : memref<40x128xi32, #tpu.memory_space<vmem>>)
      tpu.yield
    }) : () -> ()
    %eq3A_59 = arith.constant 0 : i32
    %eq3A_60 = arith.cmpi eq, %arg0, %eq3A_59 : i32
    %convert_element_type3A_61 = arith.extui %eq3A_60 : i1 to i32
    %cond3A_62 = arith.constant 0 : i32
    %cond3A_63 = arith.cmpi ne, %convert_element_type3A_61, %cond3A_62 : i32
    scf.if %cond3A_63 {
      %dma_start3A = arith.constant 0 : i32
      %dma_start3A_72 = arith.constant 0 : i32
      %dma_start3A_73 = tpu.memref_slice %arg9[%dma_start3A, %dma_start3A_72] : memref<40x128xi32, #tpu.memory_space<vmem>> -> memref<1x128xi32, #tpu.memory_space<vmem>>
      %dma_start3A_74 = tpu.memref_squeeze %dma_start3A_73 : memref<1x128xi32, #tpu.memory_space<vmem>> -> memref<128xi32, #tpu.memory_space<vmem>>
      %dma_start3A_75 = arith.constant 0 : i32
      %dma_start3A_76 = arith.constant 0 : i32
      %dma_start3A_77 = tpu.memref_slice %arg2[%dma_start3A_75, %dma_start3A_76] : memref<10240x128xf32, #tpu.memory_space<hbm>> -> memref<10240x128xf32, #tpu.memory_space<hbm>>
      tpu.enqueue_indirect_dma source(%dma_start3A_77 : memref<10240x128xf32, #tpu.memory_space<hbm>>) target(%arg11 : memref<128x128xf32, #tpu.memory_space<vmem>>) offsets(%dma_start3A_74 : memref<128xi32, #tpu.memory_space<vmem>>) semaphore(%arg16 : memref<!tpu.dma_semaphore, #tpu.memory_space<semaphore_mem>>)
      %dma_start3A_78 = arith.constant 1 : i32
      %dma_start3A_79 = arith.constant 0 : i32
      %dma_start3A_80 = tpu.memref_slice %arg9[%dma_start3A_78, %dma_start3A_79] : memref<40x128xi32, #tpu.memory_space<vmem>> -> memref<1x128xi32, #tpu.memory_space<vmem>>
      %dma_start3A_81 = tpu.memref_squeeze %dma_start3A_80 : memref<1x128xi32, #tpu.memory_space<vmem>> -> memref<128xi32, #tpu.memory_space<vmem>>
      %dma_start3A_82 = arith.constant 0 : i32
      %dma_start3A_83 = arith.constant 0 : i32
      %dma_start3A_84 = tpu.memref_slice %arg2[%dma_start3A_82, %dma_start3A_83] : memref<10240x128xf32, #tpu.memory_space<hbm>> -> memref<10240x128xf32, #tpu.memory_space<hbm>>
      tpu.enqueue_indirect_dma source(%dma_start3A_84 : memref<10240x128xf32, #tpu.memory_space<hbm>>) target(%arg12 : memref<128x128xf32, #tpu.memory_space<vmem>>) offsets(%dma_start3A_81 : memref<128xi32, #tpu.memory_space<vmem>>) semaphore(%arg17 : memref<!tpu.dma_semaphore, #tpu.memory_space<semaphore_mem>>)
      %scan3A = arith.constant 0 : i32
      %scan3A_85 = arith.constant 0 : i32
      %scan3A_86 = arith.constant 20 : i32
      %scan3A_87 = arith.addi %scan3A_85, %scan3A_86 : i32
      %scan3A_88 = arith.constant 1 : i32
      scf.for %scan3A_96 = %scan3A_85 to %scan3A_87 step %scan3A_88  : i32 {
        %mul3A_97 = arith.constant 2 : i32
        %mul3A_98 = arith.muli %mul3A_97, %scan3A_96 : i32
        %add3A_99 = arith.constant 0 : i32
        %add3A_100 = arith.addi %mul3A_98, %add3A_99 : i32
        %dma_wait3A = arith.constant 0 : i32
        %dma_wait3A_101 = tpu.memref_slice %arg9[%add3A_100, %dma_wait3A] : memref<40x128xi32, #tpu.memory_space<vmem>> -> memref<1x128xi32, #tpu.memory_space<vmem>>
        %dma_wait3A_102 = tpu.memref_squeeze %dma_wait3A_101 : memref<1x128xi32, #tpu.memory_space<vmem>> -> memref<128xi32, #tpu.memory_space<vmem>>
        %dma_wait3A_103 = arith.constant 0 : i32
        %dma_wait3A_104 = arith.constant 0 : i32
        %dma_wait3A_105 = tpu.memref_slice %arg2[%dma_wait3A_103, %dma_wait3A_104] : memref<10240x128xf32, #tpu.memory_space<hbm>> -> memref<10240x128xf32, #tpu.memory_space<hbm>>
        tpu.wait_indirect_dma semaphore(%arg16 : memref<!tpu.dma_semaphore, #tpu.memory_space<semaphore_mem>>) src(%dma_wait3A_105 : memref<10240x128xf32, #tpu.memory_space<hbm>>) dst(%arg11 : memref<128x128xf32, #tpu.memory_space<vmem>>)
        %dma_start3A_106 = arith.constant 0 : i32
        %dma_start3A_107 = tpu.memref_slice %arg10[%add3A_100, %dma_start3A_106] : memref<40x128xi32, #tpu.memory_space<vmem>> -> memref<1x128xi32, #tpu.memory_space<vmem>>
        %dma_start3A_108 = tpu.memref_squeeze %dma_start3A_107 : memref<1x128xi32, #tpu.memory_space<vmem>> -> memref<128xi32, #tpu.memory_space<vmem>>
        %dma_start3A_109 = arith.constant 0 : i32
        %dma_start3A_110 = arith.constant 0 : i32
        %dma_start3A_111 = tpu.memref_slice %arg14[%dma_start3A_109, %dma_start3A_110] : memref<10240x128xf32, #tpu.memory_space<vmem_shared>> -> memref<10240x128xf32, #tpu.memory_space<vmem_shared>>
        tpu.enqueue_indirect_dma source(%arg11 : memref<128x128xf32, #tpu.memory_space<vmem>>) target(%dma_start3A_111 : memref<10240x128xf32, #tpu.memory_space<vmem_shared>>) offsets(%dma_start3A_108 : memref<128xi32, #tpu.memory_space<vmem>>) semaphore(%arg18 : memref<!tpu.dma_semaphore, #tpu.memory_space<semaphore_mem>>) {add = true}
        %dma_start3A_112 = arith.constant 0 : i32
        %dma_start3A_113 = tpu.memref_slice %arg10[%add3A_100, %dma_start3A_112] : memref<40x128xi32, #tpu.memory_space<vmem>> -> memref<1x128xi32, #tpu.memory_space<vmem>>
        %dma_start3A_114 = tpu.memref_squeeze %dma_start3A_113 : memref<1x128xi32, #tpu.memory_space<vmem>> -> memref<128xi32, #tpu.memory_space<vmem>>
        %dma_start3A_115 = arith.constant 0 : i32
        %dma_start3A_116 = tpu.memref_slice %arg15[%dma_start3A_115] : memref<10240xf32, #tpu.memory_space<vmem_shared>> -> memref<10240xf32, #tpu.memory_space<vmem_shared>>
        tpu.enqueue_indirect_dma source(%arg13 : memref<128xf32, #tpu.memory_space<vmem>>) target(%dma_start3A_116 : memref<10240xf32, #tpu.memory_space<vmem_shared>>) offsets(%dma_start3A_114 : memref<128xi32, #tpu.memory_space<vmem>>) semaphore(%arg20 : memref<!tpu.dma_semaphore, #tpu.memory_space<semaphore_mem>>) {add = true}
        %dma_wait3A_117 = arith.constant 0 : i32
        %dma_wait3A_118 = tpu.memref_slice %arg10[%add3A_100, %dma_wait3A_117] : memref<40x128xi32, #tpu.memory_space<vmem>> -> memref<1x128xi32, #tpu.memory_space<vmem>>
        %dma_wait3A_119 = tpu.memref_squeeze %dma_wait3A_118 : memref<1x128xi32, #tpu.memory_space<vmem>> -> memref<128xi32, #tpu.memory_space<vmem>>
        %dma_wait3A_120 = arith.constant 0 : i32
        %dma_wait3A_121 = arith.constant 0 : i32
        %dma_wait3A_122 = tpu.memref_slice %arg14[%dma_wait3A_120, %dma_wait3A_121] : memref<10240x128xf32, #tpu.memory_space<vmem_shared>> -> memref<10240x128xf32, #tpu.memory_space<vmem_shared>>
        tpu.wait_indirect_dma semaphore(%arg18 : memref<!tpu.dma_semaphore, #tpu.memory_space<semaphore_mem>>) src(%arg11 : memref<128x128xf32, #tpu.memory_space<vmem>>) dst(%dma_wait3A_122 : memref<10240x128xf32, #tpu.memory_space<vmem_shared>>)
        %add3A_123 = arith.constant 2 : i32
        %add3A_124 = arith.addi %add3A_100, %add3A_123 : i32
        %lt3A = arith.constant 40 : i32
        %lt3A_125 = arith.cmpi slt, %add3A_124, %lt3A : i32
        %convert_element_type3A_126 = arith.extui %lt3A_125 : i1 to i32
        %cond3A_127 = arith.constant 0 : i32
        %cond3A_128 = arith.cmpi ne, %convert_element_type3A_126, %cond3A_127 : i32
        scf.if %cond3A_128 {
          %add3A_163 = arith.constant 2 : i32
          %add3A_164 = arith.addi %add3A_100, %add3A_163 : i32
          %dma_start3A_165 = arith.constant 0 : i32
          %dma_start3A_166 = tpu.memref_slice %arg9[%add3A_164, %dma_start3A_165] : memref<40x128xi32, #tpu.memory_space<vmem>> -> memref<1x128xi32, #tpu.memory_space<vmem>>
          %dma_start3A_167 = tpu.memref_squeeze %dma_start3A_166 : memref<1x128xi32, #tpu.memory_space<vmem>> -> memref<128xi32, #tpu.memory_space<vmem>>
          %dma_start3A_168 = arith.constant 0 : i32
          %dma_start3A_169 = arith.constant 0 : i32
          %dma_start3A_170 = tpu.memref_slice %arg2[%dma_start3A_168, %dma_start3A_169] : memref<10240x128xf32, #tpu.memory_space<hbm>> -> memref<10240x128xf32, #tpu.memory_space<hbm>>
          tpu.enqueue_indirect_dma source(%dma_start3A_170 : memref<10240x128xf32, #tpu.memory_space<hbm>>) target(%arg11 : memref<128x128xf32, #tpu.memory_space<vmem>>) offsets(%dma_start3A_167 : memref<128xi32, #tpu.memory_space<vmem>>) semaphore(%arg16 : memref<!tpu.dma_semaphore, #tpu.memory_space<semaphore_mem>>)
        } else {
        }
        %mul3A_129 = arith.constant 2 : i32
        %mul3A_130 = arith.muli %mul3A_129, %scan3A_96 : i32
        %add3A_131 = arith.constant 1 : i32
        %add3A_132 = arith.addi %mul3A_130, %add3A_131 : i32
        %dma_wait3A_133 = arith.constant 0 : i32
        %dma_wait3A_134 = tpu.memref_slice %arg9[%add3A_132, %dma_wait3A_133] : memref<40x128xi32, #tpu.memory_space<vmem>> -> memref<1x128xi32, #tpu.memory_space<vmem>>
        %dma_wait3A_135 = tpu.memref_squeeze %dma_wait3A_134 : memref<1x128xi32, #tpu.memory_space<vmem>> -> memref<128xi32, #tpu.memory_space<vmem>>
        %dma_wait3A_136 = arith.constant 0 : i32
        %dma_wait3A_137 = arith.constant 0 : i32
        %dma_wait3A_138 = tpu.memref_slice %arg2[%dma_wait3A_136, %dma_wait3A_137] : memref<10240x128xf32, #tpu.memory_space<hbm>> -> memref<10240x128xf32, #tpu.memory_space<hbm>>
        tpu.wait_indirect_dma semaphore(%arg17 : memref<!tpu.dma_semaphore, #tpu.memory_space<semaphore_mem>>) src(%dma_wait3A_138 : memref<10240x128xf32, #tpu.memory_space<hbm>>) dst(%arg12 : memref<128x128xf32, #tpu.memory_space<vmem>>)
        %dma_start3A_139 = arith.constant 0 : i32
        %dma_start3A_140 = tpu.memref_slice %arg10[%add3A_132, %dma_start3A_139] : memref<40x128xi32, #tpu.memory_space<vmem>> -> memref<1x128xi32, #tpu.memory_space<vmem>>
        %dma_start3A_141 = tpu.memref_squeeze %dma_start3A_140 : memref<1x128xi32, #tpu.memory_space<vmem>> -> memref<128xi32, #tpu.memory_space<vmem>>
        %dma_start3A_142 = arith.constant 0 : i32
        %dma_start3A_143 = arith.constant 0 : i32
        %dma_start3A_144 = tpu.memref_slice %arg14[%dma_start3A_142, %dma_start3A_143] : memref<10240x128xf32, #tpu.memory_space<vmem_shared>> -> memref<10240x128xf32, #tpu.memory_space<vmem_shared>>
        tpu.enqueue_indirect_dma source(%arg12 : memref<128x128xf32, #tpu.memory_space<vmem>>) target(%dma_start3A_144 : memref<10240x128xf32, #tpu.memory_space<vmem_shared>>) offsets(%dma_start3A_141 : memref<128xi32, #tpu.memory_space<vmem>>) semaphore(%arg19 : memref<!tpu.dma_semaphore, #tpu.memory_space<semaphore_mem>>) {add = true}
        %dma_start3A_145 = arith.constant 0 : i32
        %dma_start3A_146 = tpu.memref_slice %arg10[%add3A_132, %dma_start3A_145] : memref<40x128xi32, #tpu.memory_space<vmem>> -> memref<1x128xi32, #tpu.memory_space<vmem>>
        %dma_start3A_147 = tpu.memref_squeeze %dma_start3A_146 : memref<1x128xi32, #tpu.memory_space<vmem>> -> memref<128xi32, #tpu.memory_space<vmem>>
        %dma_start3A_148 = arith.constant 0 : i32
        %dma_start3A_149 = tpu.memref_slice %arg15[%dma_start3A_148] : memref<10240xf32, #tpu.memory_space<vmem_shared>> -> memref<10240xf32, #tpu.memory_space<vmem_shared>>
        tpu.enqueue_indirect_dma source(%arg13 : memref<128xf32, #tpu.memory_space<vmem>>) target(%dma_start3A_149 : memref<10240xf32, #tpu.memory_space<vmem_shared>>) offsets(%dma_start3A_147 : memref<128xi32, #tpu.memory_space<vmem>>) semaphore(%arg20 : memref<!tpu.dma_semaphore, #tpu.memory_space<semaphore_mem>>) {add = true}
        %dma_wait3A_150 = arith.constant 0 : i32
        %dma_wait3A_151 = tpu.memref_slice %arg10[%add3A_132, %dma_wait3A_150] : memref<40x128xi32, #tpu.memory_space<vmem>> -> memref<1x128xi32, #tpu.memory_space<vmem>>
        %dma_wait3A_152 = tpu.memref_squeeze %dma_wait3A_151 : memref<1x128xi32, #tpu.memory_space<vmem>> -> memref<128xi32, #tpu.memory_space<vmem>>
        %dma_wait3A_153 = arith.constant 0 : i32
        %dma_wait3A_154 = arith.constant 0 : i32
        %dma_wait3A_155 = tpu.memref_slice %arg14[%dma_wait3A_153, %dma_wait3A_154] : memref<10240x128xf32, #tpu.memory_space<vmem_shared>> -> memref<10240x128xf32, #tpu.memory_space<vmem_shared>>
        tpu.wait_indirect_dma semaphore(%arg19 : memref<!tpu.dma_semaphore, #tpu.memory_space<semaphore_mem>>) src(%arg12 : memref<128x128xf32, #tpu.memory_space<vmem>>) dst(%dma_wait3A_155 : memref<10240x128xf32, #tpu.memory_space<vmem_shared>>)
        %add3A_156 = arith.constant 2 : i32
        %add3A_157 = arith.addi %add3A_132, %add3A_156 : i32
        %lt3A_158 = arith.constant 40 : i32
        %lt3A_159 = arith.cmpi slt, %add3A_157, %lt3A_158 : i32
        %convert_element_type3A_160 = arith.extui %lt3A_159 : i1 to i32
        %cond3A_161 = arith.constant 0 : i32
        %cond3A_162 = arith.cmpi ne, %convert_element_type3A_160, %cond3A_161 : i32
        scf.if %cond3A_162 {
          %add3A_163 = arith.constant 2 : i32
          %add3A_164 = arith.addi %add3A_132, %add3A_163 : i32
          %dma_start3A_165 = arith.constant 0 : i32
          %dma_start3A_166 = tpu.memref_slice %arg9[%add3A_164, %dma_start3A_165] : memref<40x128xi32, #tpu.memory_space<vmem>> -> memref<1x128xi32, #tpu.memory_space<vmem>>
          %dma_start3A_167 = tpu.memref_squeeze %dma_start3A_166 : memref<1x128xi32, #tpu.memory_space<vmem>> -> memref<128xi32, #tpu.memory_space<vmem>>
          %dma_start3A_168 = arith.constant 0 : i32
          %dma_start3A_169 = arith.constant 0 : i32
          %dma_start3A_170 = tpu.memref_slice %arg2[%dma_start3A_168, %dma_start3A_169] : memref<10240x128xf32, #tpu.memory_space<hbm>> -> memref<10240x128xf32, #tpu.memory_space<hbm>>
          tpu.enqueue_indirect_dma source(%dma_start3A_170 : memref<10240x128xf32, #tpu.memory_space<hbm>>) target(%arg12 : memref<128x128xf32, #tpu.memory_space<vmem>>) offsets(%dma_start3A_167 : memref<128xi32, #tpu.memory_space<vmem>>) semaphore(%arg17 : memref<!tpu.dma_semaphore, #tpu.memory_space<semaphore_mem>>)
        } else {
        }
      }
      %scan3A_89 = arith.constant 20 : i32
      %scan3A_90 = arith.constant 0 : i32
      %scan3A_91 = arith.constant 0 : i32
      %scan3A_92 = arith.constant 40 : i32
      %scan3A_93 = arith.addi %scan3A_91, %scan3A_92 : i32
      %scan3A_94 = arith.constant 1 : i32
      scf.for %scan3A_96 = %scan3A_91 to %scan3A_93 step %scan3A_94  : i32 {
        %dma_wait3A = arith.constant 0 : i32
        %dma_wait3A_97 = arith.constant 0 : i32
        %dma_wait3A_98 = tpu.memref_slice %arg10[%dma_wait3A, %dma_wait3A_97] : memref<40x128xi32, #tpu.memory_space<vmem>> -> memref<1x128xi32, #tpu.memory_space<vmem>>
        %dma_wait3A_99 = tpu.memref_squeeze %dma_wait3A_98 : memref<1x128xi32, #tpu.memory_space<vmem>> -> memref<128xi32, #tpu.memory_space<vmem>>
        %dma_wait3A_100 = arith.constant 0 : i32
        %dma_wait3A_101 = tpu.memref_slice %arg15[%dma_wait3A_100] : memref<10240xf32, #tpu.memory_space<vmem_shared>> -> memref<10240xf32, #tpu.memory_space<vmem_shared>>
        tpu.wait_indirect_dma semaphore(%arg20 : memref<!tpu.dma_semaphore, #tpu.memory_space<semaphore_mem>>) src(%arg13 : memref<128xf32, #tpu.memory_space<vmem>>) dst(%dma_wait3A_101 : memref<10240xf32, #tpu.memory_space<vmem_shared>>)
      }
      %scan3A_95 = arith.constant 40 : i32
    } else {
    }
    %eq3A_64 = arith.constant 1 : i32
    %eq3A_65 = arith.cmpi eq, %arg0, %eq3A_64 : i32
    %convert_element_type3A_66 = arith.extui %eq3A_65 : i1 to i32
    %cond3A_67 = arith.constant 0 : i32
    %cond3A_68 = arith.cmpi ne, %convert_element_type3A_66, %cond3A_67 : i32
    scf.if %cond3A_68 {
      %dma_start3A = arith.constant 0 : i32
      %dma_start3A_72 = arith.constant 0 : i32
      %dma_start3A_73 = tpu.memref_slice %arg9[%dma_start3A, %dma_start3A_72] : memref<40x128xi32, #tpu.memory_space<vmem>> -> memref<1x128xi32, #tpu.memory_space<vmem>>
      %dma_start3A_74 = tpu.memref_squeeze %dma_start3A_73 : memref<1x128xi32, #tpu.memory_space<vmem>> -> memref<128xi32, #tpu.memory_space<vmem>>
      %dma_start3A_75 = arith.constant 0 : i32
      %dma_start3A_76 = arith.constant 0 : i32
      %dma_start3A_77 = tpu.memref_slice %arg2[%dma_start3A_75, %dma_start3A_76] : memref<10240x128xf32, #tpu.memory_space<hbm>> -> memref<10240x128xf32, #tpu.memory_space<hbm>>
      tpu.enqueue_indirect_dma source(%dma_start3A_77 : memref<10240x128xf32, #tpu.memory_space<hbm>>) target(%arg11 : memref<128x128xf32, #tpu.memory_space<vmem>>) offsets(%dma_start3A_74 : memref<128xi32, #tpu.memory_space<vmem>>) semaphore(%arg16 : memref<!tpu.dma_semaphore, #tpu.memory_space<semaphore_mem>>)
      %dma_start3A_78 = arith.constant 1 : i32
      %dma_start3A_79 = arith.constant 0 : i32
      %dma_start3A_80 = tpu.memref_slice %arg9[%dma_start3A_78, %dma_start3A_79] : memref<40x128xi32, #tpu.memory_space<vmem>> -> memref<1x128xi32, #tpu.memory_space<vmem>>
      %dma_start3A_81 = tpu.memref_squeeze %dma_start3A_80 : memref<1x128xi32, #tpu.memory_space<vmem>> -> memref<128xi32, #tpu.memory_space<vmem>>
      %dma_start3A_82 = arith.constant 0 : i32
      %dma_start3A_83 = arith.constant 0 : i32
      %dma_start3A_84 = tpu.memref_slice %arg2[%dma_start3A_82, %dma_start3A_83] : memref<10240x128xf32, #tpu.memory_space<hbm>> -> memref<10240x128xf32, #tpu.memory_space<hbm>>
      tpu.enqueue_indirect_dma source(%dma_start3A_84 : memref<10240x128xf32, #tpu.memory_space<hbm>>) target(%arg12 : memref<128x128xf32, #tpu.memory_space<vmem>>) offsets(%dma_start3A_81 : memref<128xi32, #tpu.memory_space<vmem>>) semaphore(%arg17 : memref<!tpu.dma_semaphore, #tpu.memory_space<semaphore_mem>>)
      %scan3A = arith.constant 0 : i32
      %scan3A_85 = arith.constant 0 : i32
      %scan3A_86 = arith.constant 20 : i32
      %scan3A_87 = arith.addi %scan3A_85, %scan3A_86 : i32
      %scan3A_88 = arith.constant 1 : i32
      scf.for %scan3A_96 = %scan3A_85 to %scan3A_87 step %scan3A_88  : i32 {
        %mul3A_97 = arith.constant 2 : i32
        %mul3A_98 = arith.muli %mul3A_97, %scan3A_96 : i32
        %add3A_99 = arith.constant 0 : i32
        %add3A_100 = arith.addi %mul3A_98, %add3A_99 : i32
        %dma_wait3A = arith.constant 0 : i32
        %dma_wait3A_101 = tpu.memref_slice %arg9[%add3A_100, %dma_wait3A] : memref<40x128xi32, #tpu.memory_space<vmem>> -> memref<1x128xi32, #tpu.memory_space<vmem>>
        %dma_wait3A_102 = tpu.memref_squeeze %dma_wait3A_101 : memref<1x128xi32, #tpu.memory_space<vmem>> -> memref<128xi32, #tpu.memory_space<vmem>>
        %dma_wait3A_103 = arith.constant 0 : i32
        %dma_wait3A_104 = arith.constant 0 : i32
        %dma_wait3A_105 = tpu.memref_slice %arg2[%dma_wait3A_103, %dma_wait3A_104] : memref<10240x128xf32, #tpu.memory_space<hbm>> -> memref<10240x128xf32, #tpu.memory_space<hbm>>
        tpu.wait_indirect_dma semaphore(%arg16 : memref<!tpu.dma_semaphore, #tpu.memory_space<semaphore_mem>>) src(%dma_wait3A_105 : memref<10240x128xf32, #tpu.memory_space<hbm>>) dst(%arg11 : memref<128x128xf32, #tpu.memory_space<vmem>>)
        %dma_start3A_106 = arith.constant 0 : i32
        %dma_start3A_107 = tpu.memref_slice %arg10[%add3A_100, %dma_start3A_106] : memref<40x128xi32, #tpu.memory_space<vmem>> -> memref<1x128xi32, #tpu.memory_space<vmem>>
        %dma_start3A_108 = tpu.memref_squeeze %dma_start3A_107 : memref<1x128xi32, #tpu.memory_space<vmem>> -> memref<128xi32, #tpu.memory_space<vmem>>
        %dma_start3A_109 = arith.constant 0 : i32
        %dma_start3A_110 = arith.constant 0 : i32
        %dma_start3A_111 = tpu.memref_slice %arg14[%dma_start3A_109, %dma_start3A_110] : memref<10240x128xf32, #tpu.memory_space<vmem_shared>> -> memref<10240x128xf32, #tpu.memory_space<vmem_shared>>
        tpu.enqueue_indirect_dma source(%arg11 : memref<128x128xf32, #tpu.memory_space<vmem>>) target(%dma_start3A_111 : memref<10240x128xf32, #tpu.memory_space<vmem_shared>>) offsets(%dma_start3A_108 : memref<128xi32, #tpu.memory_space<vmem>>) semaphore(%arg18 : memref<!tpu.dma_semaphore, #tpu.memory_space<semaphore_mem>>) {add = true}
        %dma_start3A_112 = arith.constant 0 : i32
        %dma_start3A_113 = tpu.memref_slice %arg10[%add3A_100, %dma_start3A_112] : memref<40x128xi32, #tpu.memory_space<vmem>> -> memref<1x128xi32, #tpu.memory_space<vmem>>
        %dma_start3A_114 = tpu.memref_squeeze %dma_start3A_113 : memref<1x128xi32, #tpu.memory_space<vmem>> -> memref<128xi32, #tpu.memory_space<vmem>>
        %dma_start3A_115 = arith.constant 0 : i32
        %dma_start3A_116 = tpu.memref_slice %arg15[%dma_start3A_115] : memref<10240xf32, #tpu.memory_space<vmem_shared>> -> memref<10240xf32, #tpu.memory_space<vmem_shared>>
        tpu.enqueue_indirect_dma source(%arg13 : memref<128xf32, #tpu.memory_space<vmem>>) target(%dma_start3A_116 : memref<10240xf32, #tpu.memory_space<vmem_shared>>) offsets(%dma_start3A_114 : memref<128xi32, #tpu.memory_space<vmem>>) semaphore(%arg20 : memref<!tpu.dma_semaphore, #tpu.memory_space<semaphore_mem>>) {add = true}
        %dma_wait3A_117 = arith.constant 0 : i32
        %dma_wait3A_118 = tpu.memref_slice %arg10[%add3A_100, %dma_wait3A_117] : memref<40x128xi32, #tpu.memory_space<vmem>> -> memref<1x128xi32, #tpu.memory_space<vmem>>
        %dma_wait3A_119 = tpu.memref_squeeze %dma_wait3A_118 : memref<1x128xi32, #tpu.memory_space<vmem>> -> memref<128xi32, #tpu.memory_space<vmem>>
        %dma_wait3A_120 = arith.constant 0 : i32
        %dma_wait3A_121 = arith.constant 0 : i32
        %dma_wait3A_122 = tpu.memref_slice %arg14[%dma_wait3A_120, %dma_wait3A_121] : memref<10240x128xf32, #tpu.memory_space<vmem_shared>> -> memref<10240x128xf32, #tpu.memory_space<vmem_shared>>
        tpu.wait_indirect_dma semaphore(%arg18 : memref<!tpu.dma_semaphore, #tpu.memory_space<semaphore_mem>>) src(%arg11 : memref<128x128xf32, #tpu.memory_space<vmem>>) dst(%dma_wait3A_122 : memref<10240x128xf32, #tpu.memory_space<vmem_shared>>)
        %add3A_123 = arith.constant 2 : i32
        %add3A_124 = arith.addi %add3A_100, %add3A_123 : i32
        %lt3A = arith.constant 40 : i32
        %lt3A_125 = arith.cmpi slt, %add3A_124, %lt3A : i32
        %convert_element_type3A_126 = arith.extui %lt3A_125 : i1 to i32
        %cond3A_127 = arith.constant 0 : i32
        %cond3A_128 = arith.cmpi ne, %convert_element_type3A_126, %cond3A_127 : i32
        scf.if %cond3A_128 {
          %add3A_163 = arith.constant 2 : i32
          %add3A_164 = arith.addi %add3A_100, %add3A_163 : i32
          %dma_start3A_165 = arith.constant 0 : i32
          %dma_start3A_166 = tpu.memref_slice %arg9[%add3A_164, %dma_start3A_165] : memref<40x128xi32, #tpu.memory_space<vmem>> -> memref<1x128xi32, #tpu.memory_space<vmem>>
          %dma_start3A_167 = tpu.memref_squeeze %dma_start3A_166 : memref<1x128xi32, #tpu.memory_space<vmem>> -> memref<128xi32, #tpu.memory_space<vmem>>
          %dma_start3A_168 = arith.constant 0 : i32
          %dma_start3A_169 = arith.constant 0 : i32
          %dma_start3A_170 = tpu.memref_slice %arg2[%dma_start3A_168, %dma_start3A_169] : memref<10240x128xf32, #tpu.memory_space<hbm>> -> memref<10240x128xf32, #tpu.memory_space<hbm>>
          tpu.enqueue_indirect_dma source(%dma_start3A_170 : memref<10240x128xf32, #tpu.memory_space<hbm>>) target(%arg11 : memref<128x128xf32, #tpu.memory_space<vmem>>) offsets(%dma_start3A_167 : memref<128xi32, #tpu.memory_space<vmem>>) semaphore(%arg16 : memref<!tpu.dma_semaphore, #tpu.memory_space<semaphore_mem>>)
        } else {
        }
        %mul3A_129 = arith.constant 2 : i32
        %mul3A_130 = arith.muli %mul3A_129, %scan3A_96 : i32
        %add3A_131 = arith.constant 1 : i32
        %add3A_132 = arith.addi %mul3A_130, %add3A_131 : i32
        %dma_wait3A_133 = arith.constant 0 : i32
        %dma_wait3A_134 = tpu.memref_slice %arg9[%add3A_132, %dma_wait3A_133] : memref<40x128xi32, #tpu.memory_space<vmem>> -> memref<1x128xi32, #tpu.memory_space<vmem>>
        %dma_wait3A_135 = tpu.memref_squeeze %dma_wait3A_134 : memref<1x128xi32, #tpu.memory_space<vmem>> -> memref<128xi32, #tpu.memory_space<vmem>>
        %dma_wait3A_136 = arith.constant 0 : i32
        %dma_wait3A_137 = arith.constant 0 : i32
        %dma_wait3A_138 = tpu.memref_slice %arg2[%dma_wait3A_136, %dma_wait3A_137] : memref<10240x128xf32, #tpu.memory_space<hbm>> -> memref<10240x128xf32, #tpu.memory_space<hbm>>
        tpu.wait_indirect_dma semaphore(%arg17 : memref<!tpu.dma_semaphore, #tpu.memory_space<semaphore_mem>>) src(%dma_wait3A_138 : memref<10240x128xf32, #tpu.memory_space<hbm>>) dst(%arg12 : memref<128x128xf32, #tpu.memory_space<vmem>>)
        %dma_start3A_139 = arith.constant 0 : i32
        %dma_start3A_140 = tpu.memref_slice %arg10[%add3A_132, %dma_start3A_139] : memref<40x128xi32, #tpu.memory_space<vmem>> -> memref<1x128xi32, #tpu.memory_space<vmem>>
        %dma_start3A_141 = tpu.memref_squeeze %dma_start3A_140 : memref<1x128xi32, #tpu.memory_space<vmem>> -> memref<128xi32, #tpu.memory_space<vmem>>
        %dma_start3A_142 = arith.constant 0 : i32
        %dma_start3A_143 = arith.constant 0 : i32
        %dma_start3A_144 = tpu.memref_slice %arg14[%dma_start3A_142, %dma_start3A_143] : memref<10240x128xf32, #tpu.memory_space<vmem_shared>> -> memref<10240x128xf32, #tpu.memory_space<vmem_shared>>
        tpu.enqueue_indirect_dma source(%arg12 : memref<128x128xf32, #tpu.memory_space<vmem>>) target(%dma_start3A_144 : memref<10240x128xf32, #tpu.memory_space<vmem_shared>>) offsets(%dma_start3A_141 : memref<128xi32, #tpu.memory_space<vmem>>) semaphore(%arg19 : memref<!tpu.dma_semaphore, #tpu.memory_space<semaphore_mem>>) {add = true}
        %dma_start3A_145 = arith.constant 0 : i32
        %dma_start3A_146 = tpu.memref_slice %arg10[%add3A_132, %dma_start3A_145] : memref<40x128xi32, #tpu.memory_space<vmem>> -> memref<1x128xi32, #tpu.memory_space<vmem>>
        %dma_start3A_147 = tpu.memref_squeeze %dma_start3A_146 : memref<1x128xi32, #tpu.memory_space<vmem>> -> memref<128xi32, #tpu.memory_space<vmem>>
        %dma_start3A_148 = arith.constant 0 : i32
        %dma_start3A_149 = tpu.memref_slice %arg15[%dma_start3A_148] : memref<10240xf32, #tpu.memory_space<vmem_shared>> -> memref<10240xf32, #tpu.memory_space<vmem_shared>>
        tpu.enqueue_indirect_dma source(%arg13 : memref<128xf32, #tpu.memory_space<vmem>>) target(%dma_start3A_149 : memref<10240xf32, #tpu.memory_space<vmem_shared>>) offsets(%dma_start3A_147 : memref<128xi32, #tpu.memory_space<vmem>>) semaphore(%arg20 : memref<!tpu.dma_semaphore, #tpu.memory_space<semaphore_mem>>) {add = true}
        %dma_wait3A_150 = arith.constant 0 : i32
        %dma_wait3A_151 = tpu.memref_slice %arg10[%add3A_132, %dma_wait3A_150] : memref<40x128xi32, #tpu.memory_space<vmem>> -> memref<1x128xi32, #tpu.memory_space<vmem>>
        %dma_wait3A_152 = tpu.memref_squeeze %dma_wait3A_151 : memref<1x128xi32, #tpu.memory_space<vmem>> -> memref<128xi32, #tpu.memory_space<vmem>>
        %dma_wait3A_153 = arith.constant 0 : i32
        %dma_wait3A_154 = arith.constant 0 : i32
        %dma_wait3A_155 = tpu.memref_slice %arg14[%dma_wait3A_153, %dma_wait3A_154] : memref<10240x128xf32, #tpu.memory_space<vmem_shared>> -> memref<10240x128xf32, #tpu.memory_space<vmem_shared>>
        tpu.wait_indirect_dma semaphore(%arg19 : memref<!tpu.dma_semaphore, #tpu.memory_space<semaphore_mem>>) src(%arg12 : memref<128x128xf32, #tpu.memory_space<vmem>>) dst(%dma_wait3A_155 : memref<10240x128xf32, #tpu.memory_space<vmem_shared>>)
        %add3A_156 = arith.constant 2 : i32
        %add3A_157 = arith.addi %add3A_132, %add3A_156 : i32
        %lt3A_158 = arith.constant 40 : i32
        %lt3A_159 = arith.cmpi slt, %add3A_157, %lt3A_158 : i32
        %convert_element_type3A_160 = arith.extui %lt3A_159 : i1 to i32
        %cond3A_161 = arith.constant 0 : i32
        %cond3A_162 = arith.cmpi ne, %convert_element_type3A_160, %cond3A_161 : i32
        scf.if %cond3A_162 {
          %add3A_163 = arith.constant 2 : i32
          %add3A_164 = arith.addi %add3A_132, %add3A_163 : i32
          %dma_start3A_165 = arith.constant 0 : i32
          %dma_start3A_166 = tpu.memref_slice %arg9[%add3A_164, %dma_start3A_165] : memref<40x128xi32, #tpu.memory_space<vmem>> -> memref<1x128xi32, #tpu.memory_space<vmem>>
          %dma_start3A_167 = tpu.memref_squeeze %dma_start3A_166 : memref<1x128xi32, #tpu.memory_space<vmem>> -> memref<128xi32, #tpu.memory_space<vmem>>
          %dma_start3A_168 = arith.constant 0 : i32
          %dma_start3A_169 = arith.constant 0 : i32
          %dma_start3A_170 = tpu.memref_slice %arg2[%dma_start3A_168, %dma_start3A_169] : memref<10240x128xf32, #tpu.memory_space<hbm>> -> memref<10240x128xf32, #tpu.memory_space<hbm>>
          tpu.enqueue_indirect_dma source(%dma_start3A_170 : memref<10240x128xf32, #tpu.memory_space<hbm>>) target(%arg12 : memref<128x128xf32, #tpu.memory_space<vmem>>) offsets(%dma_start3A_167 : memref<128xi32, #tpu.memory_space<vmem>>) semaphore(%arg17 : memref<!tpu.dma_semaphore, #tpu.memory_space<semaphore_mem>>)
        } else {
        }
      }
      %scan3A_89 = arith.constant 20 : i32
      %scan3A_90 = arith.constant 0 : i32
      %scan3A_91 = arith.constant 0 : i32
      %scan3A_92 = arith.constant 40 : i32
      %scan3A_93 = arith.addi %scan3A_91, %scan3A_92 : i32
      %scan3A_94 = arith.constant 1 : i32
      scf.for %scan3A_96 = %scan3A_91 to %scan3A_93 step %scan3A_94  : i32 {
        %dma_wait3A = arith.constant 0 : i32
        %dma_wait3A_97 = arith.constant 0 : i32
        %dma_wait3A_98 = tpu.memref_slice %arg10[%dma_wait3A, %dma_wait3A_97] : memref<40x128xi32, #tpu.memory_space<vmem>> -> memref<1x128xi32, #tpu.memory_space<vmem>>
        %dma_wait3A_99 = tpu.memref_squeeze %dma_wait3A_98 : memref<1x128xi32, #tpu.memory_space<vmem>> -> memref<128xi32, #tpu.memory_space<vmem>>
        %dma_wait3A_100 = arith.constant 0 : i32
        %dma_wait3A_101 = tpu.memref_slice %arg15[%dma_wait3A_100] : memref<10240xf32, #tpu.memory_space<vmem_shared>> -> memref<10240xf32, #tpu.memory_space<vmem_shared>>
        tpu.wait_indirect_dma semaphore(%arg20 : memref<!tpu.dma_semaphore, #tpu.memory_space<semaphore_mem>>) src(%arg13 : memref<128xf32, #tpu.memory_space<vmem>>) dst(%dma_wait3A_101 : memref<10240xf32, #tpu.memory_space<vmem_shared>>)
      }
      %scan3A_95 = arith.constant 40 : i32
    } else {
    }
    %barrier3A_69 = arith.constant 0 : index
    tpu.barrier barrier_id(%barrier3A_69)
    "tpu.region"() ({
      %run_scoped3A_72 = tpu.sem_alloc : memref<!tpu.dma_semaphore, #tpu.memory_space<semaphore_mem>>
      %dma_start3A = arith.constant 0 : i32
      %dma_start3A_73 = arith.constant 0 : i32
      %dma_start3A_74 = tpu.memref_slice %arg7[%arg0, %arg1, %dma_start3A, %dma_start3A_73] : memref<2x16x640x128xf32, #tpu.memory_space<hbm>> -> memref<1x1x640x128xf32, #tpu.memory_space<hbm>>
      %dma_start3A_75 = tpu.memref_squeeze %dma_start3A_74 : memref<1x1x640x128xf32, #tpu.memory_space<hbm>> -> memref<640x128xf32, #tpu.memory_space<hbm>>
      %dma_start3A_76 = arith.constant 0 : i32
      %dma_start3A_77 = tpu.memref_slice %arg14[%mul3A_2, %dma_start3A_76] : memref<10240x128xf32, #tpu.memory_space<vmem_shared>> -> memref<640x128xf32, #tpu.memory_space<vmem_shared>>
      tpu.enqueue_dma source(%dma_start3A_77 : memref<640x128xf32, #tpu.memory_space<vmem_shared>>) target(%dma_start3A_75 : memref<640x128xf32, #tpu.memory_space<hbm>>) target_semaphore(%run_scoped3A_72 : memref<!tpu.dma_semaphore, #tpu.memory_space<semaphore_mem>>)
      %dma_wait3A = arith.constant 0 : i32
      %dma_wait3A_78 = arith.constant 0 : i32
      %dma_wait3A_79 = tpu.memref_slice %arg7[%arg0, %arg1, %dma_wait3A, %dma_wait3A_78] : memref<2x16x640x128xf32, #tpu.memory_space<hbm>> -> memref<1x1x640x128xf32, #tpu.memory_space<hbm>>
      %dma_wait3A_80 = tpu.memref_squeeze %dma_wait3A_79 : memref<1x1x640x128xf32, #tpu.memory_space<hbm>> -> memref<640x128xf32, #tpu.memory_space<hbm>>
      %dma_wait3A_81 = arith.constant 0 : i32
      %dma_wait3A_82 = tpu.memref_slice %arg14[%mul3A_2, %dma_wait3A_81] : memref<10240x128xf32, #tpu.memory_space<vmem_shared>> -> memref<640x128xf32, #tpu.memory_space<vmem_shared>>
      tpu.wait_dma2 semaphore(%run_scoped3A_72 : memref<!tpu.dma_semaphore, #tpu.memory_space<semaphore_mem>>) src(%dma_wait3A_82 : memref<640x128xf32, #tpu.memory_space<vmem_shared>>) dst(%dma_wait3A_80 : memref<640x128xf32, #tpu.memory_space<hbm>>)
      tpu.yield
    }) : () -> ()
    %mul3A_70 = arith.constant 640 : i32
    %mul3A_71 = arith.muli %add3A, %mul3A_70 : i32
    "tpu.region"() ({
      %run_scoped3A_72 = tpu.sem_alloc : memref<!tpu.dma_semaphore, #tpu.memory_space<semaphore_mem>>
      %dma_start3A = tpu.memref_slice %arg8[%mul3A_71] : memref<20480xf32, #tpu.memory_space<hbm>> -> memref<640xf32, #tpu.memory_space<hbm>>
      %dma_start3A_73 = tpu.memref_slice %arg15[%mul3A_2] : memref<10240xf32, #tpu.memory_space<vmem_shared>> -> memref<640xf32, #tpu.memory_space<vmem_shared>>
      tpu.enqueue_dma source(%dma_start3A_73 : memref<640xf32, #tpu.memory_space<vmem_shared>>) target(%dma_start3A : memref<640xf32, #tpu.memory_space<hbm>>) target_semaphore(%run_scoped3A_72 : memref<!tpu.dma_semaphore, #tpu.memory_space<semaphore_mem>>)
      %dma_wait3A = tpu.memref_slice %arg8[%mul3A_71] : memref<20480xf32, #tpu.memory_space<hbm>> -> memref<640xf32, #tpu.memory_space<hbm>>
      %dma_wait3A_74 = tpu.memref_slice %arg15[%mul3A_2] : memref<10240xf32, #tpu.memory_space<vmem_shared>> -> memref<640xf32, #tpu.memory_space<vmem_shared>>
      tpu.wait_dma2 semaphore(%run_scoped3A_72 : memref<!tpu.dma_semaphore, #tpu.memory_space<semaphore_mem>>) src(%dma_wait3A_74 : memref<640xf32, #tpu.memory_space<vmem_shared>>) dst(%dma_wait3A : memref<640xf32, #tpu.memory_space<hbm>>)
      tpu.yield
    }) : () -> ()
    return
  }
}

#map = affine_map<(d0, d1) -> (0, 0)>
#map1 = affine_map<(d0, d1) -> (0, 0, 0, 0)>
#map2 = affine_map<(d0, d1) -> (0)>
module attributes {stable_mosaic.version = 14 : i64} {
  func.func @_sc_agg_body(%arg0: i32, %arg1: i32, %arg2: memref<10240x128xf32, #tpu.memory_space<hbm>>, %arg3: memref<32x2x40x128xi32, #tpu.memory_space<hbm>>, %arg4: memref<32x2x40x128xi32, #tpu.memory_space<hbm>>, %arg5: memref<640x128xf32, #tpu.memory_space<hbm>>, %arg6: memref<640xf32, #tpu.memory_space<hbm>>, %arg7: memref<2x16x640x128xf32, #tpu.memory_space<hbm>>, %arg8: memref<20480xf32, #tpu.memory_space<hbm>>, %arg9: memref<40x128xi32, #tpu.memory_space<vmem>>, %arg10: memref<40x128xi32, #tpu.memory_space<vmem>>, %arg11: memref<128x128xf32, #tpu.memory_space<vmem>>, %arg12: memref<128x128xf32, #tpu.memory_space<vmem>>, %arg13: memref<128xf32, #tpu.memory_space<vmem>>, %arg14: memref<10240x128xf32, #tpu.memory_space<vmem_shared>>, %arg15: memref<10240xf32, #tpu.memory_space<vmem_shared>>, %arg16: memref<!tpu.dma_semaphore, #tpu.memory_space<semaphore_mem>>, %arg17: memref<!tpu.dma_semaphore, #tpu.memory_space<semaphore_mem>>, %arg18: memref<!tpu.dma_semaphore, #tpu.memory_space<semaphore_mem>>, %arg19: memref<!tpu.dma_semaphore, #tpu.memory_space<semaphore_mem>>, %arg20: memref<!tpu.dma_semaphore, #tpu.memory_space<semaphore_mem>>) attributes {dimension_semantics = [#tpu.dimension_semantics<core_parallel>, #tpu.dimension_semantics<subcore_parallel>], iteration_bounds = array<i64: 2, 16>, scalar_prefetch = 0 : i64, scratch_operands = 12 : i64, tpu.core_type = #tpu.core_type<sc_vector_subcore>, window_params = [{transform_indices = #map}, {transform_indices = #map1}, {transform_indices = #map1}, {transform_indices = #map}, {transform_indices = #map2}, {transform_indices = #map1}, {transform_indices = #map2}]} {
    %mul3A = arith.constant 16 : i32
    %mul3A_0 = arith.muli %arg0, %mul3A : i32
    %add3A = arith.addi %mul3A_0, %arg1 : i32
    %mul3A_1 = arith.constant 640 : i32
    %mul3A_2 = arith.muli %arg1, %mul3A_1 : i32
    "tpu.region"() ({
      %run_scoped3A_72 = tpu.sem_alloc : memref<!tpu.dma_semaphore, #tpu.memory_space<semaphore_mem>>
      %dma_start3A = arith.constant 0 : i32
      %dma_start3A_73 = tpu.memref_slice %arg14[%mul3A_2, %dma_start3A] : memref<10240x128xf32, #tpu.memory_space<vmem_shared>> -> memref<640x128xf32, #tpu.memory_space<vmem_shared>>
      tpu.enqueue_dma source(%arg5 : memref<640x128xf32, #tpu.memory_space<hbm>>) target(%dma_start3A_73 : memref<640x128xf32, #tpu.memory_space<vmem_shared>>) target_semaphore(%run_scoped3A_72 : memref<!tpu.dma_semaphore, #tpu.memory_space<semaphore_mem>>)
      %dma_wait3A = arith.constant 0 : i32
      %dma_wait3A_74 = tpu.memref_slice %arg14[%mul3A_2, %dma_wait3A] : memref<10240x128xf32, #tpu.memory_space<vmem_shared>> -> memref<640x128xf32, #tpu.memory_space<vmem_shared>>
      tpu.wait_dma2 semaphore(%run_scoped3A_72 : memref<!tpu.dma_semaphore, #tpu.memory_space<semaphore_mem>>) src(%arg5 : memref<640x128xf32, #tpu.memory_space<hbm>>) dst(%dma_wait3A_74 : memref<640x128xf32, #tpu.memory_space<vmem_shared>>)
      tpu.yield
    }) : () -> ()
    "tpu.region"() ({
      %run_scoped3A_72 = tpu.sem_alloc : memref<!tpu.dma_semaphore, #tpu.memory_space<semaphore_mem>>
      %dma_start3A = tpu.memref_slice %arg15[%mul3A_2] : memref<10240xf32, #tpu.memory_space<vmem_shared>> -> memref<640xf32, #tpu.memory_space<vmem_shared>>
      tpu.enqueue_dma source(%arg6 : memref<640xf32, #tpu.memory_space<hbm>>) target(%dma_start3A : memref<640xf32, #tpu.memory_space<vmem_shared>>) target_semaphore(%run_scoped3A_72 : memref<!tpu.dma_semaphore, #tpu.memory_space<semaphore_mem>>)
      %dma_wait3A = tpu.memref_slice %arg15[%mul3A_2] : memref<10240xf32, #tpu.memory_space<vmem_shared>> -> memref<640xf32, #tpu.memory_space<vmem_shared>>
      tpu.wait_dma2 semaphore(%run_scoped3A_72 : memref<!tpu.dma_semaphore, #tpu.memory_space<semaphore_mem>>) src(%arg6 : memref<640xf32, #tpu.memory_space<hbm>>) dst(%dma_wait3A : memref<640xf32, #tpu.memory_space<vmem_shared>>)
      tpu.yield
    }) : () -> ()
    %broadcast_in_dim3A = arith.constant 1.000000e+00 : f32
    %broadcast_in_dim3A_3 = vector.broadcast %broadcast_in_dim3A : f32 to vector<16xf32>
    %swap3A = arith.constant 0 : index
    %swap3A_4 = tpu.vector_load %arg13[%swap3A] {strides = array<i32>} : memref<128xf32, #tpu.memory_space<vmem>>, vector<16xf32>,
    %swap3A_5 = vector.shape_cast %swap3A_4 : vector<16xf32> to vector<16xf32>
    %swap3A_6 = vector.shape_cast %broadcast_in_dim3A_3 : vector<16xf32> to vector<16xf32>
    tpu.vector_store %arg13[%swap3A], %swap3A_6 {strides = array<i32>} : memref<128xf32, #tpu.memory_space<vmem>>, vector<16xf32>,
    %broadcast_in_dim3A_7 = arith.constant 1.000000e+00 : f32
    %broadcast_in_dim3A_8 = vector.broadcast %broadcast_in_dim3A_7 : f32 to vector<16xf32>
    %swap3A_9 = arith.constant 16 : index
    %swap3A_10 = tpu.vector_load %arg13[%swap3A_9] {strides = array<i32>} : memref<128xf32, #tpu.memory_space<vmem>>, vector<16xf32>,
    %swap3A_11 = vector.shape_cast %swap3A_10 : vector<16xf32> to vector<16xf32>
    %swap3A_12 = vector.shape_cast %broadcast_in_dim3A_8 : vector<16xf32> to vector<16xf32>
    tpu.vector_store %arg13[%swap3A_9], %swap3A_12 {strides = array<i32>} : memref<128xf32, #tpu.memory_space<vmem>>, vector<16xf32>,
    %broadcast_in_dim3A_13 = arith.constant 1.000000e+00 : f32
    %broadcast_in_dim3A_14 = vector.broadcast %broadcast_in_dim3A_13 : f32 to vector<16xf32>
    %swap3A_15 = arith.constant 32 : index
    %swap3A_16 = tpu.vector_load %arg13[%swap3A_15] {strides = array<i32>} : memref<128xf32, #tpu.memory_space<vmem>>, vector<16xf32>,
    %swap3A_17 = vector.shape_cast %swap3A_16 : vector<16xf32> to vector<16xf32>
    %swap3A_18 = vector.shape_cast %broadcast_in_dim3A_14 : vector<16xf32> to vector<16xf32>
    tpu.vector_store %arg13[%swap3A_15], %swap3A_18 {strides = array<i32>} : memref<128xf32, #tpu.memory_space<vmem>>, vector<16xf32>,
    %broadcast_in_dim3A_19 = arith.constant 1.000000e+00 : f32
    %broadcast_in_dim3A_20 = vector.broadcast %broadcast_in_dim3A_19 : f32 to vector<16xf32>
    %swap3A_21 = arith.constant 48 : index
    %swap3A_22 = tpu.vector_load %arg13[%swap3A_21] {strides = array<i32>} : memref<128xf32, #tpu.memory_space<vmem>>, vector<16xf32>,
    %swap3A_23 = vector.shape_cast %swap3A_22 : vector<16xf32> to vector<16xf32>
    %swap3A_24 = vector.shape_cast %broadcast_in_dim3A_20 : vector<16xf32> to vector<16xf32>
    tpu.vector_store %arg13[%swap3A_21], %swap3A_24 {strides = array<i32>} : memref<128xf32, #tpu.memory_space<vmem>>, vector<16xf32>,
    %broadcast_in_dim3A_25 = arith.constant 1.000000e+00 : f32
    %broadcast_in_dim3A_26 = vector.broadcast %broadcast_in_dim3A_25 : f32 to vector<16xf32>
    %swap3A_27 = arith.constant 64 : index
    %swap3A_28 = tpu.vector_load %arg13[%swap3A_27] {strides = array<i32>} : memref<128xf32, #tpu.memory_space<vmem>>, vector<16xf32>,
    %swap3A_29 = vector.shape_cast %swap3A_28 : vector<16xf32> to vector<16xf32>
    %swap3A_30 = vector.shape_cast %broadcast_in_dim3A_26 : vector<16xf32> to vector<16xf32>
    tpu.vector_store %arg13[%swap3A_27], %swap3A_30 {strides = array<i32>} : memref<128xf32, #tpu.memory_space<vmem>>, vector<16xf32>,
    %broadcast_in_dim3A_31 = arith.constant 1.000000e+00 : f32
    %broadcast_in_dim3A_32 = vector.broadcast %broadcast_in_dim3A_31 : f32 to vector<16xf32>
    %swap3A_33 = arith.constant 80 : index
    %swap3A_34 = tpu.vector_load %arg13[%swap3A_33] {strides = array<i32>} : memref<128xf32, #tpu.memory_space<vmem>>, vector<16xf32>,
    %swap3A_35 = vector.shape_cast %swap3A_34 : vector<16xf32> to vector<16xf32>
    %swap3A_36 = vector.shape_cast %broadcast_in_dim3A_32 : vector<16xf32> to vector<16xf32>
    tpu.vector_store %arg13[%swap3A_33], %swap3A_36 {strides = array<i32>} : memref<128xf32, #tpu.memory_space<vmem>>, vector<16xf32>,
    %broadcast_in_dim3A_37 = arith.constant 1.000000e+00 : f32
    %broadcast_in_dim3A_38 = vector.broadcast %broadcast_in_dim3A_37 : f32 to vector<16xf32>
    %swap3A_39 = arith.constant 96 : index
    %swap3A_40 = tpu.vector_load %arg13[%swap3A_39] {strides = array<i32>} : memref<128xf32, #tpu.memory_space<vmem>>, vector<16xf32>,
    %swap3A_41 = vector.shape_cast %swap3A_40 : vector<16xf32> to vector<16xf32>
    %swap3A_42 = vector.shape_cast %broadcast_in_dim3A_38 : vector<16xf32> to vector<16xf32>
    tpu.vector_store %arg13[%swap3A_39], %swap3A_42 {strides = array<i32>} : memref<128xf32, #tpu.memory_space<vmem>>, vector<16xf32>,
    %broadcast_in_dim3A_43 = arith.constant 1.000000e+00 : f32
    %broadcast_in_dim3A_44 = vector.broadcast %broadcast_in_dim3A_43 : f32 to vector<16xf32>
    %swap3A_45 = arith.constant 112 : index
    %swap3A_46 = tpu.vector_load %arg13[%swap3A_45] {strides = array<i32>} : memref<128xf32, #tpu.memory_space<vmem>>, vector<16xf32>,
    %swap3A_47 = vector.shape_cast %swap3A_46 : vector<16xf32> to vector<16xf32>
    %swap3A_48 = vector.shape_cast %broadcast_in_dim3A_44 : vector<16xf32> to vector<16xf32>
    tpu.vector_store %arg13[%swap3A_45], %swap3A_48 {strides = array<i32>} : memref<128xf32, #tpu.memory_space<vmem>>, vector<16xf32>,
    %barrier3A = arith.constant 0 : index
    tpu.barrier barrier_id(%barrier3A)
    %run_scoped3A = arith.constant 0 : i32
    "tpu.region"() ({
      %run_scoped3A_72 = tpu.sem_alloc : memref<!tpu.dma_semaphore, #tpu.memory_space<semaphore_mem>>
      %dma_start3A = arith.constant 0 : i32
      %dma_start3A_73 = arith.constant 0 : i32
      %dma_start3A_74 = tpu.memref_slice %arg3[%add3A, %run_scoped3A, %dma_start3A, %dma_start3A_73] : memref<32x2x40x128xi32, #tpu.memory_space<hbm>> -> memref<1x1x40x128xi32, #tpu.memory_space<hbm>>
      %dma_start3A_75 = tpu.memref_squeeze %dma_start3A_74 : memref<1x1x40x128xi32, #tpu.memory_space<hbm>> -> memref<40x128xi32, #tpu.memory_space<hbm>>
      %dma_start3A_76 = arith.constant 0 : i32
      %dma_start3A_77 = arith.constant 0 : i32
      %dma_start3A_78 = tpu.memref_slice %arg3[%add3A, %run_scoped3A, %dma_start3A_76, %dma_start3A_77] : memref<32x2x40x128xi32, #tpu.memory_space<hbm>> -> memref<1x1x40x128xi32, #tpu.memory_space<hbm>>
      %dma_start3A_79 = tpu.memref_squeeze %dma_start3A_78 : memref<1x1x40x128xi32, #tpu.memory_space<hbm>> -> memref<40x128xi32, #tpu.memory_space<hbm>>
      tpu.enqueue_dma source(%dma_start3A_79 : memref<40x128xi32, #tpu.memory_space<hbm>>) target(%arg9 : memref<40x128xi32, #tpu.memory_space<vmem>>) target_semaphore(%run_scoped3A_72 : memref<!tpu.dma_semaphore, #tpu.memory_space<semaphore_mem>>)
      %dma_wait3A = arith.constant 0 : i32
      %dma_wait3A_80 = arith.constant 0 : i32
      %dma_wait3A_81 = tpu.memref_slice %arg3[%add3A, %run_scoped3A, %dma_wait3A, %dma_wait3A_80] : memref<32x2x40x128xi32, #tpu.memory_space<hbm>> -> memref<1x1x40x128xi32, #tpu.memory_space<hbm>>
      %dma_wait3A_82 = tpu.memref_squeeze %dma_wait3A_81 : memref<1x1x40x128xi32, #tpu.memory_space<hbm>> -> memref<40x128xi32, #tpu.memory_space<hbm>>
      %dma_wait3A_83 = arith.constant 0 : i32
      %dma_wait3A_84 = arith.constant 0 : i32
      %dma_wait3A_85 = tpu.memref_slice %arg3[%add3A, %run_scoped3A, %dma_wait3A_83, %dma_wait3A_84] : memref<32x2x40x128xi32, #tpu.memory_space<hbm>> -> memref<1x1x40x128xi32, #tpu.memory_space<hbm>>
      %dma_wait3A_86 = tpu.memref_squeeze %dma_wait3A_85 : memref<1x1x40x128xi32, #tpu.memory_space<hbm>> -> memref<40x128xi32, #tpu.memory_space<hbm>>
      tpu.wait_dma2 semaphore(%run_scoped3A_72 : memref<!tpu.dma_semaphore, #tpu.memory_space<semaphore_mem>>) src(%dma_wait3A_86 : memref<40x128xi32, #tpu.memory_space<hbm>>) dst(%arg9 : memref<40x128xi32, #tpu.memory_space<vmem>>)
      tpu.yield
    }) : () -> ()
    %run_scoped3A_49 = arith.constant 0 : i32
    "tpu.region"() ({
      %run_scoped3A_72 = tpu.sem_alloc : memref<!tpu.dma_semaphore, #tpu.memory_space<semaphore_mem>>
      %dma_start3A = arith.constant 0 : i32
      %dma_start3A_73 = arith.constant 0 : i32
      %dma_start3A_74 = tpu.memref_slice %arg4[%add3A, %run_scoped3A_49, %dma_start3A, %dma_start3A_73] : memref<32x2x40x128xi32, #tpu.memory_space<hbm>> -> memref<1x1x40x128xi32, #tpu.memory_space<hbm>>
      %dma_start3A_75 = tpu.memref_squeeze %dma_start3A_74 : memref<1x1x40x128xi32, #tpu.memory_space<hbm>> -> memref<40x128xi32, #tpu.memory_space<hbm>>
      %dma_start3A_76 = arith.constant 0 : i32
      %dma_start3A_77 = arith.constant 0 : i32
      %dma_start3A_78 = tpu.memref_slice %arg4[%add3A, %run_scoped3A_49, %dma_start3A_76, %dma_start3A_77] : memref<32x2x40x128xi32, #tpu.memory_space<hbm>> -> memref<1x1x40x128xi32, #tpu.memory_space<hbm>>
      %dma_start3A_79 = tpu.memref_squeeze %dma_start3A_78 : memref<1x1x40x128xi32, #tpu.memory_space<hbm>> -> memref<40x128xi32, #tpu.memory_space<hbm>>
      tpu.enqueue_dma source(%dma_start3A_79 : memref<40x128xi32, #tpu.memory_space<hbm>>) target(%arg10 : memref<40x128xi32, #tpu.memory_space<vmem>>) target_semaphore(%run_scoped3A_72 : memref<!tpu.dma_semaphore, #tpu.memory_space<semaphore_mem>>)
      %dma_wait3A = arith.constant 0 : i32
      %dma_wait3A_80 = arith.constant 0 : i32
      %dma_wait3A_81 = tpu.memref_slice %arg4[%add3A, %run_scoped3A_49, %dma_wait3A, %dma_wait3A_80] : memref<32x2x40x128xi32, #tpu.memory_space<hbm>> -> memref<1x1x40x128xi32, #tpu.memory_space<hbm>>
      %dma_wait3A_82 = tpu.memref_squeeze %dma_wait3A_81 : memref<1x1x40x128xi32, #tpu.memory_space<hbm>> -> memref<40x128xi32, #tpu.memory_space<hbm>>
      %dma_wait3A_83 = arith.constant 0 : i32
      %dma_wait3A_84 = arith.constant 0 : i32
      %dma_wait3A_85 = tpu.memref_slice %arg4[%add3A, %run_scoped3A_49, %dma_wait3A_83, %dma_wait3A_84] : memref<32x2x40x128xi32, #tpu.memory_space<hbm>> -> memref<1x1x40x128xi32, #tpu.memory_space<hbm>>
      %dma_wait3A_86 = tpu.memref_squeeze %dma_wait3A_85 : memref<1x1x40x128xi32, #tpu.memory_space<hbm>> -> memref<40x128xi32, #tpu.memory_space<hbm>>
      tpu.wait_dma2 semaphore(%run_scoped3A_72 : memref<!tpu.dma_semaphore, #tpu.memory_space<semaphore_mem>>) src(%dma_wait3A_86 : memref<40x128xi32, #tpu.memory_space<hbm>>) dst(%arg10 : memref<40x128xi32, #tpu.memory_space<vmem>>)
      tpu.yield
    }) : () -> ()
    %eq3A = arith.constant 0 : i32
    %eq3A_50 = arith.cmpi eq, %arg0, %eq3A : i32
    %convert_element_type3A = arith.extui %eq3A_50 : i1 to i32
    %cond3A = arith.constant 0 : i32
    %cond3A_51 = arith.cmpi ne, %convert_element_type3A, %cond3A : i32
    scf.if %cond3A_51 {
      %dma_start3A = arith.constant 0 : i32
      %dma_start3A_72 = arith.constant 0 : i32
      %dma_start3A_73 = tpu.memref_slice %arg9[%dma_start3A, %dma_start3A_72] : memref<40x128xi32, #tpu.memory_space<vmem>> -> memref<1x128xi32, #tpu.memory_space<vmem>>
      %dma_start3A_74 = tpu.memref_squeeze %dma_start3A_73 : memref<1x128xi32, #tpu.memory_space<vmem>> -> memref<128xi32, #tpu.memory_space<vmem>>
      %dma_start3A_75 = arith.constant 0 : i32
      %dma_start3A_76 = arith.constant 0 : i32
      %dma_start3A_77 = tpu.memref_slice %arg2[%dma_start3A_75, %dma_start3A_76] : memref<10240x128xf32, #tpu.memory_space<hbm>> -> memref<10240x128xf32, #tpu.memory_space<hbm>>
      tpu.enqueue_indirect_dma source(%dma_start3A_77 : memref<10240x128xf32, #tpu.memory_space<hbm>>) target(%arg11 : memref<128x128xf32, #tpu.memory_space<vmem>>) offsets(%dma_start3A_74 : memref<128xi32, #tpu.memory_space<vmem>>) semaphore(%arg16 : memref<!tpu.dma_semaphore, #tpu.memory_space<semaphore_mem>>)
      %dma_start3A_78 = arith.constant 1 : i32
      %dma_start3A_79 = arith.constant 0 : i32
      %dma_start3A_80 = tpu.memref_slice %arg9[%dma_start3A_78, %dma_start3A_79] : memref<40x128xi32, #tpu.memory_space<vmem>> -> memref<1x128xi32, #tpu.memory_space<vmem>>
      %dma_start3A_81 = tpu.memref_squeeze %dma_start3A_80 : memref<1x128xi32, #tpu.memory_space<vmem>> -> memref<128xi32, #tpu.memory_space<vmem>>
      %dma_start3A_82 = arith.constant 0 : i32
      %dma_start3A_83 = arith.constant 0 : i32
      %dma_start3A_84 = tpu.memref_slice %arg2[%dma_start3A_82, %dma_start3A_83] : memref<10240x128xf32, #tpu.memory_space<hbm>> -> memref<10240x128xf32, #tpu.memory_space<hbm>>
      tpu.enqueue_indirect_dma source(%dma_start3A_84 : memref<10240x128xf32, #tpu.memory_space<hbm>>) target(%arg12 : memref<128x128xf32, #tpu.memory_space<vmem>>) offsets(%dma_start3A_81 : memref<128xi32, #tpu.memory_space<vmem>>) semaphore(%arg17 : memref<!tpu.dma_semaphore, #tpu.memory_space<semaphore_mem>>)
      %scan3A = arith.constant 0 : i32
      %scan3A_85 = arith.constant 0 : i32
      %scan3A_86 = arith.constant 20 : i32
      %scan3A_87 = arith.addi %scan3A_85, %scan3A_86 : i32
      %scan3A_88 = arith.constant 1 : i32
      scf.for %scan3A_96 = %scan3A_85 to %scan3A_87 step %scan3A_88  : i32 {
        %mul3A_97 = arith.constant 2 : i32
        %mul3A_98 = arith.muli %mul3A_97, %scan3A_96 : i32
        %add3A_99 = arith.constant 0 : i32
        %add3A_100 = arith.addi %mul3A_98, %add3A_99 : i32
        %dma_wait3A = arith.constant 0 : i32
        %dma_wait3A_101 = tpu.memref_slice %arg9[%add3A_100, %dma_wait3A] : memref<40x128xi32, #tpu.memory_space<vmem>> -> memref<1x128xi32, #tpu.memory_space<vmem>>
        %dma_wait3A_102 = tpu.memref_squeeze %dma_wait3A_101 : memref<1x128xi32, #tpu.memory_space<vmem>> -> memref<128xi32, #tpu.memory_space<vmem>>
        %dma_wait3A_103 = arith.constant 0 : i32
        %dma_wait3A_104 = arith.constant 0 : i32
        %dma_wait3A_105 = tpu.memref_slice %arg2[%dma_wait3A_103, %dma_wait3A_104] : memref<10240x128xf32, #tpu.memory_space<hbm>> -> memref<10240x128xf32, #tpu.memory_space<hbm>>
        tpu.wait_indirect_dma semaphore(%arg16 : memref<!tpu.dma_semaphore, #tpu.memory_space<semaphore_mem>>) src(%dma_wait3A_105 : memref<10240x128xf32, #tpu.memory_space<hbm>>) dst(%arg11 : memref<128x128xf32, #tpu.memory_space<vmem>>)
        %dma_start3A_106 = arith.constant 0 : i32
        %dma_start3A_107 = tpu.memref_slice %arg10[%add3A_100, %dma_start3A_106] : memref<40x128xi32, #tpu.memory_space<vmem>> -> memref<1x128xi32, #tpu.memory_space<vmem>>
        %dma_start3A_108 = tpu.memref_squeeze %dma_start3A_107 : memref<1x128xi32, #tpu.memory_space<vmem>> -> memref<128xi32, #tpu.memory_space<vmem>>
        %dma_start3A_109 = arith.constant 0 : i32
        %dma_start3A_110 = arith.constant 0 : i32
        %dma_start3A_111 = tpu.memref_slice %arg14[%dma_start3A_109, %dma_start3A_110] : memref<10240x128xf32, #tpu.memory_space<vmem_shared>> -> memref<10240x128xf32, #tpu.memory_space<vmem_shared>>
        tpu.enqueue_indirect_dma source(%arg11 : memref<128x128xf32, #tpu.memory_space<vmem>>) target(%dma_start3A_111 : memref<10240x128xf32, #tpu.memory_space<vmem_shared>>) offsets(%dma_start3A_108 : memref<128xi32, #tpu.memory_space<vmem>>) semaphore(%arg18 : memref<!tpu.dma_semaphore, #tpu.memory_space<semaphore_mem>>) {add = true}
        %dma_start3A_112 = arith.constant 0 : i32
        %dma_start3A_113 = tpu.memref_slice %arg10[%add3A_100, %dma_start3A_112] : memref<40x128xi32, #tpu.memory_space<vmem>> -> memref<1x128xi32, #tpu.memory_space<vmem>>
        %dma_start3A_114 = tpu.memref_squeeze %dma_start3A_113 : memref<1x128xi32, #tpu.memory_space<vmem>> -> memref<128xi32, #tpu.memory_space<vmem>>
        %dma_start3A_115 = arith.constant 0 : i32
        %dma_start3A_116 = tpu.memref_slice %arg15[%dma_start3A_115] : memref<10240xf32, #tpu.memory_space<vmem_shared>> -> memref<10240xf32, #tpu.memory_space<vmem_shared>>
        tpu.enqueue_indirect_dma source(%arg13 : memref<128xf32, #tpu.memory_space<vmem>>) target(%dma_start3A_116 : memref<10240xf32, #tpu.memory_space<vmem_shared>>) offsets(%dma_start3A_114 : memref<128xi32, #tpu.memory_space<vmem>>) semaphore(%arg20 : memref<!tpu.dma_semaphore, #tpu.memory_space<semaphore_mem>>) {add = true}
        %dma_wait3A_117 = arith.constant 0 : i32
        %dma_wait3A_118 = tpu.memref_slice %arg10[%add3A_100, %dma_wait3A_117] : memref<40x128xi32, #tpu.memory_space<vmem>> -> memref<1x128xi32, #tpu.memory_space<vmem>>
        %dma_wait3A_119 = tpu.memref_squeeze %dma_wait3A_118 : memref<1x128xi32, #tpu.memory_space<vmem>> -> memref<128xi32, #tpu.memory_space<vmem>>
        %dma_wait3A_120 = arith.constant 0 : i32
        %dma_wait3A_121 = arith.constant 0 : i32
        %dma_wait3A_122 = tpu.memref_slice %arg14[%dma_wait3A_120, %dma_wait3A_121] : memref<10240x128xf32, #tpu.memory_space<vmem_shared>> -> memref<10240x128xf32, #tpu.memory_space<vmem_shared>>
        tpu.wait_indirect_dma semaphore(%arg18 : memref<!tpu.dma_semaphore, #tpu.memory_space<semaphore_mem>>) src(%arg11 : memref<128x128xf32, #tpu.memory_space<vmem>>) dst(%dma_wait3A_122 : memref<10240x128xf32, #tpu.memory_space<vmem_shared>>)
        %add3A_123 = arith.constant 2 : i32
        %add3A_124 = arith.addi %add3A_100, %add3A_123 : i32
        %lt3A = arith.constant 40 : i32
        %lt3A_125 = arith.cmpi slt, %add3A_124, %lt3A : i32
        %convert_element_type3A_126 = arith.extui %lt3A_125 : i1 to i32
        %cond3A_127 = arith.constant 0 : i32
        %cond3A_128 = arith.cmpi ne, %convert_element_type3A_126, %cond3A_127 : i32
        scf.if %cond3A_128 {
          %add3A_163 = arith.constant 2 : i32
          %add3A_164 = arith.addi %add3A_100, %add3A_163 : i32
          %dma_start3A_165 = arith.constant 0 : i32
          %dma_start3A_166 = tpu.memref_slice %arg9[%add3A_164, %dma_start3A_165] : memref<40x128xi32, #tpu.memory_space<vmem>> -> memref<1x128xi32, #tpu.memory_space<vmem>>
          %dma_start3A_167 = tpu.memref_squeeze %dma_start3A_166 : memref<1x128xi32, #tpu.memory_space<vmem>> -> memref<128xi32, #tpu.memory_space<vmem>>
          %dma_start3A_168 = arith.constant 0 : i32
          %dma_start3A_169 = arith.constant 0 : i32
          %dma_start3A_170 = tpu.memref_slice %arg2[%dma_start3A_168, %dma_start3A_169] : memref<10240x128xf32, #tpu.memory_space<hbm>> -> memref<10240x128xf32, #tpu.memory_space<hbm>>
          tpu.enqueue_indirect_dma source(%dma_start3A_170 : memref<10240x128xf32, #tpu.memory_space<hbm>>) target(%arg11 : memref<128x128xf32, #tpu.memory_space<vmem>>) offsets(%dma_start3A_167 : memref<128xi32, #tpu.memory_space<vmem>>) semaphore(%arg16 : memref<!tpu.dma_semaphore, #tpu.memory_space<semaphore_mem>>)
        } else {
        }
        %mul3A_129 = arith.constant 2 : i32
        %mul3A_130 = arith.muli %mul3A_129, %scan3A_96 : i32
        %add3A_131 = arith.constant 1 : i32
        %add3A_132 = arith.addi %mul3A_130, %add3A_131 : i32
        %dma_wait3A_133 = arith.constant 0 : i32
        %dma_wait3A_134 = tpu.memref_slice %arg9[%add3A_132, %dma_wait3A_133] : memref<40x128xi32, #tpu.memory_space<vmem>> -> memref<1x128xi32, #tpu.memory_space<vmem>>
        %dma_wait3A_135 = tpu.memref_squeeze %dma_wait3A_134 : memref<1x128xi32, #tpu.memory_space<vmem>> -> memref<128xi32, #tpu.memory_space<vmem>>
        %dma_wait3A_136 = arith.constant 0 : i32
        %dma_wait3A_137 = arith.constant 0 : i32
        %dma_wait3A_138 = tpu.memref_slice %arg2[%dma_wait3A_136, %dma_wait3A_137] : memref<10240x128xf32, #tpu.memory_space<hbm>> -> memref<10240x128xf32, #tpu.memory_space<hbm>>
        tpu.wait_indirect_dma semaphore(%arg17 : memref<!tpu.dma_semaphore, #tpu.memory_space<semaphore_mem>>) src(%dma_wait3A_138 : memref<10240x128xf32, #tpu.memory_space<hbm>>) dst(%arg12 : memref<128x128xf32, #tpu.memory_space<vmem>>)
        %dma_start3A_139 = arith.constant 0 : i32
        %dma_start3A_140 = tpu.memref_slice %arg10[%add3A_132, %dma_start3A_139] : memref<40x128xi32, #tpu.memory_space<vmem>> -> memref<1x128xi32, #tpu.memory_space<vmem>>
        %dma_start3A_141 = tpu.memref_squeeze %dma_start3A_140 : memref<1x128xi32, #tpu.memory_space<vmem>> -> memref<128xi32, #tpu.memory_space<vmem>>
        %dma_start3A_142 = arith.constant 0 : i32
        %dma_start3A_143 = arith.constant 0 : i32
        %dma_start3A_144 = tpu.memref_slice %arg14[%dma_start3A_142, %dma_start3A_143] : memref<10240x128xf32, #tpu.memory_space<vmem_shared>> -> memref<10240x128xf32, #tpu.memory_space<vmem_shared>>
        tpu.enqueue_indirect_dma source(%arg12 : memref<128x128xf32, #tpu.memory_space<vmem>>) target(%dma_start3A_144 : memref<10240x128xf32, #tpu.memory_space<vmem_shared>>) offsets(%dma_start3A_141 : memref<128xi32, #tpu.memory_space<vmem>>) semaphore(%arg19 : memref<!tpu.dma_semaphore, #tpu.memory_space<semaphore_mem>>) {add = true}
        %dma_start3A_145 = arith.constant 0 : i32
        %dma_start3A_146 = tpu.memref_slice %arg10[%add3A_132, %dma_start3A_145] : memref<40x128xi32, #tpu.memory_space<vmem>> -> memref<1x128xi32, #tpu.memory_space<vmem>>
        %dma_start3A_147 = tpu.memref_squeeze %dma_start3A_146 : memref<1x128xi32, #tpu.memory_space<vmem>> -> memref<128xi32, #tpu.memory_space<vmem>>
        %dma_start3A_148 = arith.constant 0 : i32
        %dma_start3A_149 = tpu.memref_slice %arg15[%dma_start3A_148] : memref<10240xf32, #tpu.memory_space<vmem_shared>> -> memref<10240xf32, #tpu.memory_space<vmem_shared>>
        tpu.enqueue_indirect_dma source(%arg13 : memref<128xf32, #tpu.memory_space<vmem>>) target(%dma_start3A_149 : memref<10240xf32, #tpu.memory_space<vmem_shared>>) offsets(%dma_start3A_147 : memref<128xi32, #tpu.memory_space<vmem>>) semaphore(%arg20 : memref<!tpu.dma_semaphore, #tpu.memory_space<semaphore_mem>>) {add = true}
        %dma_wait3A_150 = arith.constant 0 : i32
        %dma_wait3A_151 = tpu.memref_slice %arg10[%add3A_132, %dma_wait3A_150] : memref<40x128xi32, #tpu.memory_space<vmem>> -> memref<1x128xi32, #tpu.memory_space<vmem>>
        %dma_wait3A_152 = tpu.memref_squeeze %dma_wait3A_151 : memref<1x128xi32, #tpu.memory_space<vmem>> -> memref<128xi32, #tpu.memory_space<vmem>>
        %dma_wait3A_153 = arith.constant 0 : i32
        %dma_wait3A_154 = arith.constant 0 : i32
        %dma_wait3A_155 = tpu.memref_slice %arg14[%dma_wait3A_153, %dma_wait3A_154] : memref<10240x128xf32, #tpu.memory_space<vmem_shared>> -> memref<10240x128xf32, #tpu.memory_space<vmem_shared>>
        tpu.wait_indirect_dma semaphore(%arg19 : memref<!tpu.dma_semaphore, #tpu.memory_space<semaphore_mem>>) src(%arg12 : memref<128x128xf32, #tpu.memory_space<vmem>>) dst(%dma_wait3A_155 : memref<10240x128xf32, #tpu.memory_space<vmem_shared>>)
        %add3A_156 = arith.constant 2 : i32
        %add3A_157 = arith.addi %add3A_132, %add3A_156 : i32
        %lt3A_158 = arith.constant 40 : i32
        %lt3A_159 = arith.cmpi slt, %add3A_157, %lt3A_158 : i32
        %convert_element_type3A_160 = arith.extui %lt3A_159 : i1 to i32
        %cond3A_161 = arith.constant 0 : i32
        %cond3A_162 = arith.cmpi ne, %convert_element_type3A_160, %cond3A_161 : i32
        scf.if %cond3A_162 {
          %add3A_163 = arith.constant 2 : i32
          %add3A_164 = arith.addi %add3A_132, %add3A_163 : i32
          %dma_start3A_165 = arith.constant 0 : i32
          %dma_start3A_166 = tpu.memref_slice %arg9[%add3A_164, %dma_start3A_165] : memref<40x128xi32, #tpu.memory_space<vmem>> -> memref<1x128xi32, #tpu.memory_space<vmem>>
          %dma_start3A_167 = tpu.memref_squeeze %dma_start3A_166 : memref<1x128xi32, #tpu.memory_space<vmem>> -> memref<128xi32, #tpu.memory_space<vmem>>
          %dma_start3A_168 = arith.constant 0 : i32
          %dma_start3A_169 = arith.constant 0 : i32
          %dma_start3A_170 = tpu.memref_slice %arg2[%dma_start3A_168, %dma_start3A_169] : memref<10240x128xf32, #tpu.memory_space<hbm>> -> memref<10240x128xf32, #tpu.memory_space<hbm>>
          tpu.enqueue_indirect_dma source(%dma_start3A_170 : memref<10240x128xf32, #tpu.memory_space<hbm>>) target(%arg12 : memref<128x128xf32, #tpu.memory_space<vmem>>) offsets(%dma_start3A_167 : memref<128xi32, #tpu.memory_space<vmem>>) semaphore(%arg17 : memref<!tpu.dma_semaphore, #tpu.memory_space<semaphore_mem>>)
        } else {
        }
      }
      %scan3A_89 = arith.constant 20 : i32
      %scan3A_90 = arith.constant 0 : i32
      %scan3A_91 = arith.constant 0 : i32
      %scan3A_92 = arith.constant 40 : i32
      %scan3A_93 = arith.addi %scan3A_91, %scan3A_92 : i32
      %scan3A_94 = arith.constant 1 : i32
      scf.for %scan3A_96 = %scan3A_91 to %scan3A_93 step %scan3A_94  : i32 {
        %dma_wait3A = arith.constant 0 : i32
        %dma_wait3A_97 = arith.constant 0 : i32
        %dma_wait3A_98 = tpu.memref_slice %arg10[%dma_wait3A, %dma_wait3A_97] : memref<40x128xi32, #tpu.memory_space<vmem>> -> memref<1x128xi32, #tpu.memory_space<vmem>>
        %dma_wait3A_99 = tpu.memref_squeeze %dma_wait3A_98 : memref<1x128xi32, #tpu.memory_space<vmem>> -> memref<128xi32, #tpu.memory_space<vmem>>
        %dma_wait3A_100 = arith.constant 0 : i32
        %dma_wait3A_101 = tpu.memref_slice %arg15[%dma_wait3A_100] : memref<10240xf32, #tpu.memory_space<vmem_shared>> -> memref<10240xf32, #tpu.memory_space<vmem_shared>>
        tpu.wait_indirect_dma semaphore(%arg20 : memref<!tpu.dma_semaphore, #tpu.memory_space<semaphore_mem>>) src(%arg13 : memref<128xf32, #tpu.memory_space<vmem>>) dst(%dma_wait3A_101 : memref<10240xf32, #tpu.memory_space<vmem_shared>>)
      }
      %scan3A_95 = arith.constant 40 : i32
    } else {
    }
    %eq3A_52 = arith.constant 1 : i32
    %eq3A_53 = arith.cmpi eq, %arg0, %eq3A_52 : i32
    %convert_element_type3A_54 = arith.extui %eq3A_53 : i1 to i32
    %cond3A_55 = arith.constant 0 : i32
    %cond3A_56 = arith.cmpi ne, %convert_element_type3A_54, %cond3A_55 : i32
    scf.if %cond3A_56 {
      %dma_start3A = arith.constant 0 : i32
      %dma_start3A_72 = arith.constant 0 : i32
      %dma_start3A_73 = tpu.memref_slice %arg9[%dma_start3A, %dma_start3A_72] : memref<40x128xi32, #tpu.memory_space<vmem>> -> memref<1x128xi32, #tpu.memory_space<vmem>>
      %dma_start3A_74 = tpu.memref_squeeze %dma_start3A_73 : memref<1x128xi32, #tpu.memory_space<vmem>> -> memref<128xi32, #tpu.memory_space<vmem>>
      %dma_start3A_75 = arith.constant 0 : i32
      %dma_start3A_76 = arith.constant 0 : i32
      %dma_start3A_77 = tpu.memref_slice %arg2[%dma_start3A_75, %dma_start3A_76] : memref<10240x128xf32, #tpu.memory_space<hbm>> -> memref<10240x128xf32, #tpu.memory_space<hbm>>
      tpu.enqueue_indirect_dma source(%dma_start3A_77 : memref<10240x128xf32, #tpu.memory_space<hbm>>) target(%arg11 : memref<128x128xf32, #tpu.memory_space<vmem>>) offsets(%dma_start3A_74 : memref<128xi32, #tpu.memory_space<vmem>>) semaphore(%arg16 : memref<!tpu.dma_semaphore, #tpu.memory_space<semaphore_mem>>)
      %dma_start3A_78 = arith.constant 1 : i32
      %dma_start3A_79 = arith.constant 0 : i32
      %dma_start3A_80 = tpu.memref_slice %arg9[%dma_start3A_78, %dma_start3A_79] : memref<40x128xi32, #tpu.memory_space<vmem>> -> memref<1x128xi32, #tpu.memory_space<vmem>>
      %dma_start3A_81 = tpu.memref_squeeze %dma_start3A_80 : memref<1x128xi32, #tpu.memory_space<vmem>> -> memref<128xi32, #tpu.memory_space<vmem>>
      %dma_start3A_82 = arith.constant 0 : i32
      %dma_start3A_83 = arith.constant 0 : i32
      %dma_start3A_84 = tpu.memref_slice %arg2[%dma_start3A_82, %dma_start3A_83] : memref<10240x128xf32, #tpu.memory_space<hbm>> -> memref<10240x128xf32, #tpu.memory_space<hbm>>
      tpu.enqueue_indirect_dma source(%dma_start3A_84 : memref<10240x128xf32, #tpu.memory_space<hbm>>) target(%arg12 : memref<128x128xf32, #tpu.memory_space<vmem>>) offsets(%dma_start3A_81 : memref<128xi32, #tpu.memory_space<vmem>>) semaphore(%arg17 : memref<!tpu.dma_semaphore, #tpu.memory_space<semaphore_mem>>)
      %scan3A = arith.constant 0 : i32
      %scan3A_85 = arith.constant 0 : i32
      %scan3A_86 = arith.constant 20 : i32
      %scan3A_87 = arith.addi %scan3A_85, %scan3A_86 : i32
      %scan3A_88 = arith.constant 1 : i32
      scf.for %scan3A_96 = %scan3A_85 to %scan3A_87 step %scan3A_88  : i32 {
        %mul3A_97 = arith.constant 2 : i32
        %mul3A_98 = arith.muli %mul3A_97, %scan3A_96 : i32
        %add3A_99 = arith.constant 0 : i32
        %add3A_100 = arith.addi %mul3A_98, %add3A_99 : i32
        %dma_wait3A = arith.constant 0 : i32
        %dma_wait3A_101 = tpu.memref_slice %arg9[%add3A_100, %dma_wait3A] : memref<40x128xi32, #tpu.memory_space<vmem>> -> memref<1x128xi32, #tpu.memory_space<vmem>>
        %dma_wait3A_102 = tpu.memref_squeeze %dma_wait3A_101 : memref<1x128xi32, #tpu.memory_space<vmem>> -> memref<128xi32, #tpu.memory_space<vmem>>
        %dma_wait3A_103 = arith.constant 0 : i32
        %dma_wait3A_104 = arith.constant 0 : i32
        %dma_wait3A_105 = tpu.memref_slice %arg2[%dma_wait3A_103, %dma_wait3A_104] : memref<10240x128xf32, #tpu.memory_space<hbm>> -> memref<10240x128xf32, #tpu.memory_space<hbm>>
        tpu.wait_indirect_dma semaphore(%arg16 : memref<!tpu.dma_semaphore, #tpu.memory_space<semaphore_mem>>) src(%dma_wait3A_105 : memref<10240x128xf32, #tpu.memory_space<hbm>>) dst(%arg11 : memref<128x128xf32, #tpu.memory_space<vmem>>)
        %dma_start3A_106 = arith.constant 0 : i32
        %dma_start3A_107 = tpu.memref_slice %arg10[%add3A_100, %dma_start3A_106] : memref<40x128xi32, #tpu.memory_space<vmem>> -> memref<1x128xi32, #tpu.memory_space<vmem>>
        %dma_start3A_108 = tpu.memref_squeeze %dma_start3A_107 : memref<1x128xi32, #tpu.memory_space<vmem>> -> memref<128xi32, #tpu.memory_space<vmem>>
        %dma_start3A_109 = arith.constant 0 : i32
        %dma_start3A_110 = arith.constant 0 : i32
        %dma_start3A_111 = tpu.memref_slice %arg14[%dma_start3A_109, %dma_start3A_110] : memref<10240x128xf32, #tpu.memory_space<vmem_shared>> -> memref<10240x128xf32, #tpu.memory_space<vmem_shared>>
        tpu.enqueue_indirect_dma source(%arg11 : memref<128x128xf32, #tpu.memory_space<vmem>>) target(%dma_start3A_111 : memref<10240x128xf32, #tpu.memory_space<vmem_shared>>) offsets(%dma_start3A_108 : memref<128xi32, #tpu.memory_space<vmem>>) semaphore(%arg18 : memref<!tpu.dma_semaphore, #tpu.memory_space<semaphore_mem>>) {add = true}
        %dma_start3A_112 = arith.constant 0 : i32
        %dma_start3A_113 = tpu.memref_slice %arg10[%add3A_100, %dma_start3A_112] : memref<40x128xi32, #tpu.memory_space<vmem>> -> memref<1x128xi32, #tpu.memory_space<vmem>>
        %dma_start3A_114 = tpu.memref_squeeze %dma_start3A_113 : memref<1x128xi32, #tpu.memory_space<vmem>> -> memref<128xi32, #tpu.memory_space<vmem>>
        %dma_start3A_115 = arith.constant 0 : i32
        %dma_start3A_116 = tpu.memref_slice %arg15[%dma_start3A_115] : memref<10240xf32, #tpu.memory_space<vmem_shared>> -> memref<10240xf32, #tpu.memory_space<vmem_shared>>
        tpu.enqueue_indirect_dma source(%arg13 : memref<128xf32, #tpu.memory_space<vmem>>) target(%dma_start3A_116 : memref<10240xf32, #tpu.memory_space<vmem_shared>>) offsets(%dma_start3A_114 : memref<128xi32, #tpu.memory_space<vmem>>) semaphore(%arg20 : memref<!tpu.dma_semaphore, #tpu.memory_space<semaphore_mem>>) {add = true}
        %dma_wait3A_117 = arith.constant 0 : i32
        %dma_wait3A_118 = tpu.memref_slice %arg10[%add3A_100, %dma_wait3A_117] : memref<40x128xi32, #tpu.memory_space<vmem>> -> memref<1x128xi32, #tpu.memory_space<vmem>>
        %dma_wait3A_119 = tpu.memref_squeeze %dma_wait3A_118 : memref<1x128xi32, #tpu.memory_space<vmem>> -> memref<128xi32, #tpu.memory_space<vmem>>
        %dma_wait3A_120 = arith.constant 0 : i32
        %dma_wait3A_121 = arith.constant 0 : i32
        %dma_wait3A_122 = tpu.memref_slice %arg14[%dma_wait3A_120, %dma_wait3A_121] : memref<10240x128xf32, #tpu.memory_space<vmem_shared>> -> memref<10240x128xf32, #tpu.memory_space<vmem_shared>>
        tpu.wait_indirect_dma semaphore(%arg18 : memref<!tpu.dma_semaphore, #tpu.memory_space<semaphore_mem>>) src(%arg11 : memref<128x128xf32, #tpu.memory_space<vmem>>) dst(%dma_wait3A_122 : memref<10240x128xf32, #tpu.memory_space<vmem_shared>>)
        %add3A_123 = arith.constant 2 : i32
        %add3A_124 = arith.addi %add3A_100, %add3A_123 : i32
        %lt3A = arith.constant 40 : i32
        %lt3A_125 = arith.cmpi slt, %add3A_124, %lt3A : i32
        %convert_element_type3A_126 = arith.extui %lt3A_125 : i1 to i32
        %cond3A_127 = arith.constant 0 : i32
        %cond3A_128 = arith.cmpi ne, %convert_element_type3A_126, %cond3A_127 : i32
        scf.if %cond3A_128 {
          %add3A_163 = arith.constant 2 : i32
          %add3A_164 = arith.addi %add3A_100, %add3A_163 : i32
          %dma_start3A_165 = arith.constant 0 : i32
          %dma_start3A_166 = tpu.memref_slice %arg9[%add3A_164, %dma_start3A_165] : memref<40x128xi32, #tpu.memory_space<vmem>> -> memref<1x128xi32, #tpu.memory_space<vmem>>
          %dma_start3A_167 = tpu.memref_squeeze %dma_start3A_166 : memref<1x128xi32, #tpu.memory_space<vmem>> -> memref<128xi32, #tpu.memory_space<vmem>>
          %dma_start3A_168 = arith.constant 0 : i32
          %dma_start3A_169 = arith.constant 0 : i32
          %dma_start3A_170 = tpu.memref_slice %arg2[%dma_start3A_168, %dma_start3A_169] : memref<10240x128xf32, #tpu.memory_space<hbm>> -> memref<10240x128xf32, #tpu.memory_space<hbm>>
          tpu.enqueue_indirect_dma source(%dma_start3A_170 : memref<10240x128xf32, #tpu.memory_space<hbm>>) target(%arg11 : memref<128x128xf32, #tpu.memory_space<vmem>>) offsets(%dma_start3A_167 : memref<128xi32, #tpu.memory_space<vmem>>) semaphore(%arg16 : memref<!tpu.dma_semaphore, #tpu.memory_space<semaphore_mem>>)
        } else {
        }
        %mul3A_129 = arith.constant 2 : i32
        %mul3A_130 = arith.muli %mul3A_129, %scan3A_96 : i32
        %add3A_131 = arith.constant 1 : i32
        %add3A_132 = arith.addi %mul3A_130, %add3A_131 : i32
        %dma_wait3A_133 = arith.constant 0 : i32
        %dma_wait3A_134 = tpu.memref_slice %arg9[%add3A_132, %dma_wait3A_133] : memref<40x128xi32, #tpu.memory_space<vmem>> -> memref<1x128xi32, #tpu.memory_space<vmem>>
        %dma_wait3A_135 = tpu.memref_squeeze %dma_wait3A_134 : memref<1x128xi32, #tpu.memory_space<vmem>> -> memref<128xi32, #tpu.memory_space<vmem>>
        %dma_wait3A_136 = arith.constant 0 : i32
        %dma_wait3A_137 = arith.constant 0 : i32
        %dma_wait3A_138 = tpu.memref_slice %arg2[%dma_wait3A_136, %dma_wait3A_137] : memref<10240x128xf32, #tpu.memory_space<hbm>> -> memref<10240x128xf32, #tpu.memory_space<hbm>>
        tpu.wait_indirect_dma semaphore(%arg17 : memref<!tpu.dma_semaphore, #tpu.memory_space<semaphore_mem>>) src(%dma_wait3A_138 : memref<10240x128xf32, #tpu.memory_space<hbm>>) dst(%arg12 : memref<128x128xf32, #tpu.memory_space<vmem>>)
        %dma_start3A_139 = arith.constant 0 : i32
        %dma_start3A_140 = tpu.memref_slice %arg10[%add3A_132, %dma_start3A_139] : memref<40x128xi32, #tpu.memory_space<vmem>> -> memref<1x128xi32, #tpu.memory_space<vmem>>
        %dma_start3A_141 = tpu.memref_squeeze %dma_start3A_140 : memref<1x128xi32, #tpu.memory_space<vmem>> -> memref<128xi32, #tpu.memory_space<vmem>>
        %dma_start3A_142 = arith.constant 0 : i32
        %dma_start3A_143 = arith.constant 0 : i32
        %dma_start3A_144 = tpu.memref_slice %arg14[%dma_start3A_142, %dma_start3A_143] : memref<10240x128xf32, #tpu.memory_space<vmem_shared>> -> memref<10240x128xf32, #tpu.memory_space<vmem_shared>>
        tpu.enqueue_indirect_dma source(%arg12 : memref<128x128xf32, #tpu.memory_space<vmem>>) target(%dma_start3A_144 : memref<10240x128xf32, #tpu.memory_space<vmem_shared>>) offsets(%dma_start3A_141 : memref<128xi32, #tpu.memory_space<vmem>>) semaphore(%arg19 : memref<!tpu.dma_semaphore, #tpu.memory_space<semaphore_mem>>) {add = true}
        %dma_start3A_145 = arith.constant 0 : i32
        %dma_start3A_146 = tpu.memref_slice %arg10[%add3A_132, %dma_start3A_145] : memref<40x128xi32, #tpu.memory_space<vmem>> -> memref<1x128xi32, #tpu.memory_space<vmem>>
        %dma_start3A_147 = tpu.memref_squeeze %dma_start3A_146 : memref<1x128xi32, #tpu.memory_space<vmem>> -> memref<128xi32, #tpu.memory_space<vmem>>
        %dma_start3A_148 = arith.constant 0 : i32
        %dma_start3A_149 = tpu.memref_slice %arg15[%dma_start3A_148] : memref<10240xf32, #tpu.memory_space<vmem_shared>> -> memref<10240xf32, #tpu.memory_space<vmem_shared>>
        tpu.enqueue_indirect_dma source(%arg13 : memref<128xf32, #tpu.memory_space<vmem>>) target(%dma_start3A_149 : memref<10240xf32, #tpu.memory_space<vmem_shared>>) offsets(%dma_start3A_147 : memref<128xi32, #tpu.memory_space<vmem>>) semaphore(%arg20 : memref<!tpu.dma_semaphore, #tpu.memory_space<semaphore_mem>>) {add = true}
        %dma_wait3A_150 = arith.constant 0 : i32
        %dma_wait3A_151 = tpu.memref_slice %arg10[%add3A_132, %dma_wait3A_150] : memref<40x128xi32, #tpu.memory_space<vmem>> -> memref<1x128xi32, #tpu.memory_space<vmem>>
        %dma_wait3A_152 = tpu.memref_squeeze %dma_wait3A_151 : memref<1x128xi32, #tpu.memory_space<vmem>> -> memref<128xi32, #tpu.memory_space<vmem>>
        %dma_wait3A_153 = arith.constant 0 : i32
        %dma_wait3A_154 = arith.constant 0 : i32
        %dma_wait3A_155 = tpu.memref_slice %arg14[%dma_wait3A_153, %dma_wait3A_154] : memref<10240x128xf32, #tpu.memory_space<vmem_shared>> -> memref<10240x128xf32, #tpu.memory_space<vmem_shared>>
        tpu.wait_indirect_dma semaphore(%arg19 : memref<!tpu.dma_semaphore, #tpu.memory_space<semaphore_mem>>) src(%arg12 : memref<128x128xf32, #tpu.memory_space<vmem>>) dst(%dma_wait3A_155 : memref<10240x128xf32, #tpu.memory_space<vmem_shared>>)
        %add3A_156 = arith.constant 2 : i32
        %add3A_157 = arith.addi %add3A_132, %add3A_156 : i32
        %lt3A_158 = arith.constant 40 : i32
        %lt3A_159 = arith.cmpi slt, %add3A_157, %lt3A_158 : i32
        %convert_element_type3A_160 = arith.extui %lt3A_159 : i1 to i32
        %cond3A_161 = arith.constant 0 : i32
        %cond3A_162 = arith.cmpi ne, %convert_element_type3A_160, %cond3A_161 : i32
        scf.if %cond3A_162 {
          %add3A_163 = arith.constant 2 : i32
          %add3A_164 = arith.addi %add3A_132, %add3A_163 : i32
          %dma_start3A_165 = arith.constant 0 : i32
          %dma_start3A_166 = tpu.memref_slice %arg9[%add3A_164, %dma_start3A_165] : memref<40x128xi32, #tpu.memory_space<vmem>> -> memref<1x128xi32, #tpu.memory_space<vmem>>
          %dma_start3A_167 = tpu.memref_squeeze %dma_start3A_166 : memref<1x128xi32, #tpu.memory_space<vmem>> -> memref<128xi32, #tpu.memory_space<vmem>>
          %dma_start3A_168 = arith.constant 0 : i32
          %dma_start3A_169 = arith.constant 0 : i32
          %dma_start3A_170 = tpu.memref_slice %arg2[%dma_start3A_168, %dma_start3A_169] : memref<10240x128xf32, #tpu.memory_space<hbm>> -> memref<10240x128xf32, #tpu.memory_space<hbm>>
          tpu.enqueue_indirect_dma source(%dma_start3A_170 : memref<10240x128xf32, #tpu.memory_space<hbm>>) target(%arg12 : memref<128x128xf32, #tpu.memory_space<vmem>>) offsets(%dma_start3A_167 : memref<128xi32, #tpu.memory_space<vmem>>) semaphore(%arg17 : memref<!tpu.dma_semaphore, #tpu.memory_space<semaphore_mem>>)
        } else {
        }
      }
      %scan3A_89 = arith.constant 20 : i32
      %scan3A_90 = arith.constant 0 : i32
      %scan3A_91 = arith.constant 0 : i32
      %scan3A_92 = arith.constant 40 : i32
      %scan3A_93 = arith.addi %scan3A_91, %scan3A_92 : i32
      %scan3A_94 = arith.constant 1 : i32
      scf.for %scan3A_96 = %scan3A_91 to %scan3A_93 step %scan3A_94  : i32 {
        %dma_wait3A = arith.constant 0 : i32
        %dma_wait3A_97 = arith.constant 0 : i32
        %dma_wait3A_98 = tpu.memref_slice %arg10[%dma_wait3A, %dma_wait3A_97] : memref<40x128xi32, #tpu.memory_space<vmem>> -> memref<1x128xi32, #tpu.memory_space<vmem>>
        %dma_wait3A_99 = tpu.memref_squeeze %dma_wait3A_98 : memref<1x128xi32, #tpu.memory_space<vmem>> -> memref<128xi32, #tpu.memory_space<vmem>>
        %dma_wait3A_100 = arith.constant 0 : i32
        %dma_wait3A_101 = tpu.memref_slice %arg15[%dma_wait3A_100] : memref<10240xf32, #tpu.memory_space<vmem_shared>> -> memref<10240xf32, #tpu.memory_space<vmem_shared>>
        tpu.wait_indirect_dma semaphore(%arg20 : memref<!tpu.dma_semaphore, #tpu.memory_space<semaphore_mem>>) src(%arg13 : memref<128xf32, #tpu.memory_space<vmem>>) dst(%dma_wait3A_101 : memref<10240xf32, #tpu.memory_space<vmem_shared>>)
      }
      %scan3A_95 = arith.constant 40 : i32
    } else {
    }
    %run_scoped3A_57 = arith.constant 1 : i32
    "tpu.region"() ({
      %run_scoped3A_72 = tpu.sem_alloc : memref<!tpu.dma_semaphore, #tpu.memory_space<semaphore_mem>>
      %dma_start3A = arith.constant 0 : i32
      %dma_start3A_73 = arith.constant 0 : i32
      %dma_start3A_74 = tpu.memref_slice %arg3[%add3A, %run_scoped3A_57, %dma_start3A, %dma_start3A_73] : memref<32x2x40x128xi32, #tpu.memory_space<hbm>> -> memref<1x1x40x128xi32, #tpu.memory_space<hbm>>
      %dma_start3A_75 = tpu.memref_squeeze %dma_start3A_74 : memref<1x1x40x128xi32, #tpu.memory_space<hbm>> -> memref<40x128xi32, #tpu.memory_space<hbm>>
      %dma_start3A_76 = arith.constant 0 : i32
      %dma_start3A_77 = arith.constant 0 : i32
      %dma_start3A_78 = tpu.memref_slice %arg3[%add3A, %run_scoped3A_57, %dma_start3A_76, %dma_start3A_77] : memref<32x2x40x128xi32, #tpu.memory_space<hbm>> -> memref<1x1x40x128xi32, #tpu.memory_space<hbm>>
      %dma_start3A_79 = tpu.memref_squeeze %dma_start3A_78 : memref<1x1x40x128xi32, #tpu.memory_space<hbm>> -> memref<40x128xi32, #tpu.memory_space<hbm>>
      tpu.enqueue_dma source(%dma_start3A_79 : memref<40x128xi32, #tpu.memory_space<hbm>>) target(%arg9 : memref<40x128xi32, #tpu.memory_space<vmem>>) target_semaphore(%run_scoped3A_72 : memref<!tpu.dma_semaphore, #tpu.memory_space<semaphore_mem>>)
      %dma_wait3A = arith.constant 0 : i32
      %dma_wait3A_80 = arith.constant 0 : i32
      %dma_wait3A_81 = tpu.memref_slice %arg3[%add3A, %run_scoped3A_57, %dma_wait3A, %dma_wait3A_80] : memref<32x2x40x128xi32, #tpu.memory_space<hbm>> -> memref<1x1x40x128xi32, #tpu.memory_space<hbm>>
      %dma_wait3A_82 = tpu.memref_squeeze %dma_wait3A_81 : memref<1x1x40x128xi32, #tpu.memory_space<hbm>> -> memref<40x128xi32, #tpu.memory_space<hbm>>
      %dma_wait3A_83 = arith.constant 0 : i32
      %dma_wait3A_84 = arith.constant 0 : i32
      %dma_wait3A_85 = tpu.memref_slice %arg3[%add3A, %run_scoped3A_57, %dma_wait3A_83, %dma_wait3A_84] : memref<32x2x40x128xi32, #tpu.memory_space<hbm>> -> memref<1x1x40x128xi32, #tpu.memory_space<hbm>>
      %dma_wait3A_86 = tpu.memref_squeeze %dma_wait3A_85 : memref<1x1x40x128xi32, #tpu.memory_space<hbm>> -> memref<40x128xi32, #tpu.memory_space<hbm>>
      tpu.wait_dma2 semaphore(%run_scoped3A_72 : memref<!tpu.dma_semaphore, #tpu.memory_space<semaphore_mem>>) src(%dma_wait3A_86 : memref<40x128xi32, #tpu.memory_space<hbm>>) dst(%arg9 : memref<40x128xi32, #tpu.memory_space<vmem>>)
      tpu.yield
    }) : () -> ()
    %run_scoped3A_58 = arith.constant 1 : i32
    "tpu.region"() ({
      %run_scoped3A_72 = tpu.sem_alloc : memref<!tpu.dma_semaphore, #tpu.memory_space<semaphore_mem>>
      %dma_start3A = arith.constant 0 : i32
      %dma_start3A_73 = arith.constant 0 : i32
      %dma_start3A_74 = tpu.memref_slice %arg4[%add3A, %run_scoped3A_58, %dma_start3A, %dma_start3A_73] : memref<32x2x40x128xi32, #tpu.memory_space<hbm>> -> memref<1x1x40x128xi32, #tpu.memory_space<hbm>>
      %dma_start3A_75 = tpu.memref_squeeze %dma_start3A_74 : memref<1x1x40x128xi32, #tpu.memory_space<hbm>> -> memref<40x128xi32, #tpu.memory_space<hbm>>
      %dma_start3A_76 = arith.constant 0 : i32
      %dma_start3A_77 = arith.constant 0 : i32
      %dma_start3A_78 = tpu.memref_slice %arg4[%add3A, %run_scoped3A_58, %dma_start3A_76, %dma_start3A_77] : memref<32x2x40x128xi32, #tpu.memory_space<hbm>> -> memref<1x1x40x128xi32, #tpu.memory_space<hbm>>
      %dma_start3A_79 = tpu.memref_squeeze %dma_start3A_78 : memref<1x1x40x128xi32, #tpu.memory_space<hbm>> -> memref<40x128xi32, #tpu.memory_space<hbm>>
      tpu.enqueue_dma source(%dma_start3A_79 : memref<40x128xi32, #tpu.memory_space<hbm>>) target(%arg10 : memref<40x128xi32, #tpu.memory_space<vmem>>) target_semaphore(%run_scoped3A_72 : memref<!tpu.dma_semaphore, #tpu.memory_space<semaphore_mem>>)
      %dma_wait3A = arith.constant 0 : i32
      %dma_wait3A_80 = arith.constant 0 : i32
      %dma_wait3A_81 = tpu.memref_slice %arg4[%add3A, %run_scoped3A_58, %dma_wait3A, %dma_wait3A_80] : memref<32x2x40x128xi32, #tpu.memory_space<hbm>> -> memref<1x1x40x128xi32, #tpu.memory_space<hbm>>
      %dma_wait3A_82 = tpu.memref_squeeze %dma_wait3A_81 : memref<1x1x40x128xi32, #tpu.memory_space<hbm>> -> memref<40x128xi32, #tpu.memory_space<hbm>>
      %dma_wait3A_83 = arith.constant 0 : i32
      %dma_wait3A_84 = arith.constant 0 : i32
      %dma_wait3A_85 = tpu.memref_slice %arg4[%add3A, %run_scoped3A_58, %dma_wait3A_83, %dma_wait3A_84] : memref<32x2x40x128xi32, #tpu.memory_space<hbm>> -> memref<1x1x40x128xi32, #tpu.memory_space<hbm>>
      %dma_wait3A_86 = tpu.memref_squeeze %dma_wait3A_85 : memref<1x1x40x128xi32, #tpu.memory_space<hbm>> -> memref<40x128xi32, #tpu.memory_space<hbm>>
      tpu.wait_dma2 semaphore(%run_scoped3A_72 : memref<!tpu.dma_semaphore, #tpu.memory_space<semaphore_mem>>) src(%dma_wait3A_86 : memref<40x128xi32, #tpu.memory_space<hbm>>) dst(%arg10 : memref<40x128xi32, #tpu.memory_space<vmem>>)
      tpu.yield
    }) : () -> ()
    %eq3A_59 = arith.constant 0 : i32
    %eq3A_60 = arith.cmpi eq, %arg0, %eq3A_59 : i32
    %convert_element_type3A_61 = arith.extui %eq3A_60 : i1 to i32
    %cond3A_62 = arith.constant 0 : i32
    %cond3A_63 = arith.cmpi ne, %convert_element_type3A_61, %cond3A_62 : i32
    scf.if %cond3A_63 {
      %dma_start3A = arith.constant 0 : i32
      %dma_start3A_72 = arith.constant 0 : i32
      %dma_start3A_73 = tpu.memref_slice %arg9[%dma_start3A, %dma_start3A_72] : memref<40x128xi32, #tpu.memory_space<vmem>> -> memref<1x128xi32, #tpu.memory_space<vmem>>
      %dma_start3A_74 = tpu.memref_squeeze %dma_start3A_73 : memref<1x128xi32, #tpu.memory_space<vmem>> -> memref<128xi32, #tpu.memory_space<vmem>>
      %dma_start3A_75 = arith.constant 0 : i32
      %dma_start3A_76 = arith.constant 0 : i32
      %dma_start3A_77 = tpu.memref_slice %arg2[%dma_start3A_75, %dma_start3A_76] : memref<10240x128xf32, #tpu.memory_space<hbm>> -> memref<10240x128xf32, #tpu.memory_space<hbm>>
      tpu.enqueue_indirect_dma source(%dma_start3A_77 : memref<10240x128xf32, #tpu.memory_space<hbm>>) target(%arg11 : memref<128x128xf32, #tpu.memory_space<vmem>>) offsets(%dma_start3A_74 : memref<128xi32, #tpu.memory_space<vmem>>) semaphore(%arg16 : memref<!tpu.dma_semaphore, #tpu.memory_space<semaphore_mem>>)
      %dma_start3A_78 = arith.constant 1 : i32
      %dma_start3A_79 = arith.constant 0 : i32
      %dma_start3A_80 = tpu.memref_slice %arg9[%dma_start3A_78, %dma_start3A_79] : memref<40x128xi32, #tpu.memory_space<vmem>> -> memref<1x128xi32, #tpu.memory_space<vmem>>
      %dma_start3A_81 = tpu.memref_squeeze %dma_start3A_80 : memref<1x128xi32, #tpu.memory_space<vmem>> -> memref<128xi32, #tpu.memory_space<vmem>>
      %dma_start3A_82 = arith.constant 0 : i32
      %dma_start3A_83 = arith.constant 0 : i32
      %dma_start3A_84 = tpu.memref_slice %arg2[%dma_start3A_82, %dma_start3A_83] : memref<10240x128xf32, #tpu.memory_space<hbm>> -> memref<10240x128xf32, #tpu.memory_space<hbm>>
      tpu.enqueue_indirect_dma source(%dma_start3A_84 : memref<10240x128xf32, #tpu.memory_space<hbm>>) target(%arg12 : memref<128x128xf32, #tpu.memory_space<vmem>>) offsets(%dma_start3A_81 : memref<128xi32, #tpu.memory_space<vmem>>) semaphore(%arg17 : memref<!tpu.dma_semaphore, #tpu.memory_space<semaphore_mem>>)
      %scan3A = arith.constant 0 : i32
      %scan3A_85 = arith.constant 0 : i32
      %scan3A_86 = arith.constant 20 : i32
      %scan3A_87 = arith.addi %scan3A_85, %scan3A_86 : i32
      %scan3A_88 = arith.constant 1 : i32
      scf.for %scan3A_96 = %scan3A_85 to %scan3A_87 step %scan3A_88  : i32 {
        %mul3A_97 = arith.constant 2 : i32
        %mul3A_98 = arith.muli %mul3A_97, %scan3A_96 : i32
        %add3A_99 = arith.constant 0 : i32
        %add3A_100 = arith.addi %mul3A_98, %add3A_99 : i32
        %dma_wait3A = arith.constant 0 : i32
        %dma_wait3A_101 = tpu.memref_slice %arg9[%add3A_100, %dma_wait3A] : memref<40x128xi32, #tpu.memory_space<vmem>> -> memref<1x128xi32, #tpu.memory_space<vmem>>
        %dma_wait3A_102 = tpu.memref_squeeze %dma_wait3A_101 : memref<1x128xi32, #tpu.memory_space<vmem>> -> memref<128xi32, #tpu.memory_space<vmem>>
        %dma_wait3A_103 = arith.constant 0 : i32
        %dma_wait3A_104 = arith.constant 0 : i32
        %dma_wait3A_105 = tpu.memref_slice %arg2[%dma_wait3A_103, %dma_wait3A_104] : memref<10240x128xf32, #tpu.memory_space<hbm>> -> memref<10240x128xf32, #tpu.memory_space<hbm>>
        tpu.wait_indirect_dma semaphore(%arg16 : memref<!tpu.dma_semaphore, #tpu.memory_space<semaphore_mem>>) src(%dma_wait3A_105 : memref<10240x128xf32, #tpu.memory_space<hbm>>) dst(%arg11 : memref<128x128xf32, #tpu.memory_space<vmem>>)
        %dma_start3A_106 = arith.constant 0 : i32
        %dma_start3A_107 = tpu.memref_slice %arg10[%add3A_100, %dma_start3A_106] : memref<40x128xi32, #tpu.memory_space<vmem>> -> memref<1x128xi32, #tpu.memory_space<vmem>>
        %dma_start3A_108 = tpu.memref_squeeze %dma_start3A_107 : memref<1x128xi32, #tpu.memory_space<vmem>> -> memref<128xi32, #tpu.memory_space<vmem>>
        %dma_start3A_109 = arith.constant 0 : i32
        %dma_start3A_110 = arith.constant 0 : i32
        %dma_start3A_111 = tpu.memref_slice %arg14[%dma_start3A_109, %dma_start3A_110] : memref<10240x128xf32, #tpu.memory_space<vmem_shared>> -> memref<10240x128xf32, #tpu.memory_space<vmem_shared>>
        tpu.enqueue_indirect_dma source(%arg11 : memref<128x128xf32, #tpu.memory_space<vmem>>) target(%dma_start3A_111 : memref<10240x128xf32, #tpu.memory_space<vmem_shared>>) offsets(%dma_start3A_108 : memref<128xi32, #tpu.memory_space<vmem>>) semaphore(%arg18 : memref<!tpu.dma_semaphore, #tpu.memory_space<semaphore_mem>>) {add = true}
        %dma_start3A_112 = arith.constant 0 : i32
        %dma_start3A_113 = tpu.memref_slice %arg10[%add3A_100, %dma_start3A_112] : memref<40x128xi32, #tpu.memory_space<vmem>> -> memref<1x128xi32, #tpu.memory_space<vmem>>
        %dma_start3A_114 = tpu.memref_squeeze %dma_start3A_113 : memref<1x128xi32, #tpu.memory_space<vmem>> -> memref<128xi32, #tpu.memory_space<vmem>>
        %dma_start3A_115 = arith.constant 0 : i32
        %dma_start3A_116 = tpu.memref_slice %arg15[%dma_start3A_115] : memref<10240xf32, #tpu.memory_space<vmem_shared>> -> memref<10240xf32, #tpu.memory_space<vmem_shared>>
        tpu.enqueue_indirect_dma source(%arg13 : memref<128xf32, #tpu.memory_space<vmem>>) target(%dma_start3A_116 : memref<10240xf32, #tpu.memory_space<vmem_shared>>) offsets(%dma_start3A_114 : memref<128xi32, #tpu.memory_space<vmem>>) semaphore(%arg20 : memref<!tpu.dma_semaphore, #tpu.memory_space<semaphore_mem>>) {add = true}
        %dma_wait3A_117 = arith.constant 0 : i32
        %dma_wait3A_118 = tpu.memref_slice %arg10[%add3A_100, %dma_wait3A_117] : memref<40x128xi32, #tpu.memory_space<vmem>> -> memref<1x128xi32, #tpu.memory_space<vmem>>
        %dma_wait3A_119 = tpu.memref_squeeze %dma_wait3A_118 : memref<1x128xi32, #tpu.memory_space<vmem>> -> memref<128xi32, #tpu.memory_space<vmem>>
        %dma_wait3A_120 = arith.constant 0 : i32
        %dma_wait3A_121 = arith.constant 0 : i32
        %dma_wait3A_122 = tpu.memref_slice %arg14[%dma_wait3A_120, %dma_wait3A_121] : memref<10240x128xf32, #tpu.memory_space<vmem_shared>> -> memref<10240x128xf32, #tpu.memory_space<vmem_shared>>
        tpu.wait_indirect_dma semaphore(%arg18 : memref<!tpu.dma_semaphore, #tpu.memory_space<semaphore_mem>>) src(%arg11 : memref<128x128xf32, #tpu.memory_space<vmem>>) dst(%dma_wait3A_122 : memref<10240x128xf32, #tpu.memory_space<vmem_shared>>)
        %add3A_123 = arith.constant 2 : i32
        %add3A_124 = arith.addi %add3A_100, %add3A_123 : i32
        %lt3A = arith.constant 40 : i32
        %lt3A_125 = arith.cmpi slt, %add3A_124, %lt3A : i32
        %convert_element_type3A_126 = arith.extui %lt3A_125 : i1 to i32
        %cond3A_127 = arith.constant 0 : i32
        %cond3A_128 = arith.cmpi ne, %convert_element_type3A_126, %cond3A_127 : i32
        scf.if %cond3A_128 {
          %add3A_163 = arith.constant 2 : i32
          %add3A_164 = arith.addi %add3A_100, %add3A_163 : i32
          %dma_start3A_165 = arith.constant 0 : i32
          %dma_start3A_166 = tpu.memref_slice %arg9[%add3A_164, %dma_start3A_165] : memref<40x128xi32, #tpu.memory_space<vmem>> -> memref<1x128xi32, #tpu.memory_space<vmem>>
          %dma_start3A_167 = tpu.memref_squeeze %dma_start3A_166 : memref<1x128xi32, #tpu.memory_space<vmem>> -> memref<128xi32, #tpu.memory_space<vmem>>
          %dma_start3A_168 = arith.constant 0 : i32
          %dma_start3A_169 = arith.constant 0 : i32
          %dma_start3A_170 = tpu.memref_slice %arg2[%dma_start3A_168, %dma_start3A_169] : memref<10240x128xf32, #tpu.memory_space<hbm>> -> memref<10240x128xf32, #tpu.memory_space<hbm>>
          tpu.enqueue_indirect_dma source(%dma_start3A_170 : memref<10240x128xf32, #tpu.memory_space<hbm>>) target(%arg11 : memref<128x128xf32, #tpu.memory_space<vmem>>) offsets(%dma_start3A_167 : memref<128xi32, #tpu.memory_space<vmem>>) semaphore(%arg16 : memref<!tpu.dma_semaphore, #tpu.memory_space<semaphore_mem>>)
        } else {
        }
        %mul3A_129 = arith.constant 2 : i32
        %mul3A_130 = arith.muli %mul3A_129, %scan3A_96 : i32
        %add3A_131 = arith.constant 1 : i32
        %add3A_132 = arith.addi %mul3A_130, %add3A_131 : i32
        %dma_wait3A_133 = arith.constant 0 : i32
        %dma_wait3A_134 = tpu.memref_slice %arg9[%add3A_132, %dma_wait3A_133] : memref<40x128xi32, #tpu.memory_space<vmem>> -> memref<1x128xi32, #tpu.memory_space<vmem>>
        %dma_wait3A_135 = tpu.memref_squeeze %dma_wait3A_134 : memref<1x128xi32, #tpu.memory_space<vmem>> -> memref<128xi32, #tpu.memory_space<vmem>>
        %dma_wait3A_136 = arith.constant 0 : i32
        %dma_wait3A_137 = arith.constant 0 : i32
        %dma_wait3A_138 = tpu.memref_slice %arg2[%dma_wait3A_136, %dma_wait3A_137] : memref<10240x128xf32, #tpu.memory_space<hbm>> -> memref<10240x128xf32, #tpu.memory_space<hbm>>
        tpu.wait_indirect_dma semaphore(%arg17 : memref<!tpu.dma_semaphore, #tpu.memory_space<semaphore_mem>>) src(%dma_wait3A_138 : memref<10240x128xf32, #tpu.memory_space<hbm>>) dst(%arg12 : memref<128x128xf32, #tpu.memory_space<vmem>>)
        %dma_start3A_139 = arith.constant 0 : i32
        %dma_start3A_140 = tpu.memref_slice %arg10[%add3A_132, %dma_start3A_139] : memref<40x128xi32, #tpu.memory_space<vmem>> -> memref<1x128xi32, #tpu.memory_space<vmem>>
        %dma_start3A_141 = tpu.memref_squeeze %dma_start3A_140 : memref<1x128xi32, #tpu.memory_space<vmem>> -> memref<128xi32, #tpu.memory_space<vmem>>
        %dma_start3A_142 = arith.constant 0 : i32
        %dma_start3A_143 = arith.constant 0 : i32
        %dma_start3A_144 = tpu.memref_slice %arg14[%dma_start3A_142, %dma_start3A_143] : memref<10240x128xf32, #tpu.memory_space<vmem_shared>> -> memref<10240x128xf32, #tpu.memory_space<vmem_shared>>
        tpu.enqueue_indirect_dma source(%arg12 : memref<128x128xf32, #tpu.memory_space<vmem>>) target(%dma_start3A_144 : memref<10240x128xf32, #tpu.memory_space<vmem_shared>>) offsets(%dma_start3A_141 : memref<128xi32, #tpu.memory_space<vmem>>) semaphore(%arg19 : memref<!tpu.dma_semaphore, #tpu.memory_space<semaphore_mem>>) {add = true}
        %dma_start3A_145 = arith.constant 0 : i32
        %dma_start3A_146 = tpu.memref_slice %arg10[%add3A_132, %dma_start3A_145] : memref<40x128xi32, #tpu.memory_space<vmem>> -> memref<1x128xi32, #tpu.memory_space<vmem>>
        %dma_start3A_147 = tpu.memref_squeeze %dma_start3A_146 : memref<1x128xi32, #tpu.memory_space<vmem>> -> memref<128xi32, #tpu.memory_space<vmem>>
        %dma_start3A_148 = arith.constant 0 : i32
        %dma_start3A_149 = tpu.memref_slice %arg15[%dma_start3A_148] : memref<10240xf32, #tpu.memory_space<vmem_shared>> -> memref<10240xf32, #tpu.memory_space<vmem_shared>>
        tpu.enqueue_indirect_dma source(%arg13 : memref<128xf32, #tpu.memory_space<vmem>>) target(%dma_start3A_149 : memref<10240xf32, #tpu.memory_space<vmem_shared>>) offsets(%dma_start3A_147 : memref<128xi32, #tpu.memory_space<vmem>>) semaphore(%arg20 : memref<!tpu.dma_semaphore, #tpu.memory_space<semaphore_mem>>) {add = true}
        %dma_wait3A_150 = arith.constant 0 : i32
        %dma_wait3A_151 = tpu.memref_slice %arg10[%add3A_132, %dma_wait3A_150] : memref<40x128xi32, #tpu.memory_space<vmem>> -> memref<1x128xi32, #tpu.memory_space<vmem>>
        %dma_wait3A_152 = tpu.memref_squeeze %dma_wait3A_151 : memref<1x128xi32, #tpu.memory_space<vmem>> -> memref<128xi32, #tpu.memory_space<vmem>>
        %dma_wait3A_153 = arith.constant 0 : i32
        %dma_wait3A_154 = arith.constant 0 : i32
        %dma_wait3A_155 = tpu.memref_slice %arg14[%dma_wait3A_153, %dma_wait3A_154] : memref<10240x128xf32, #tpu.memory_space<vmem_shared>> -> memref<10240x128xf32, #tpu.memory_space<vmem_shared>>
        tpu.wait_indirect_dma semaphore(%arg19 : memref<!tpu.dma_semaphore, #tpu.memory_space<semaphore_mem>>) src(%arg12 : memref<128x128xf32, #tpu.memory_space<vmem>>) dst(%dma_wait3A_155 : memref<10240x128xf32, #tpu.memory_space<vmem_shared>>)
        %add3A_156 = arith.constant 2 : i32
        %add3A_157 = arith.addi %add3A_132, %add3A_156 : i32
        %lt3A_158 = arith.constant 40 : i32
        %lt3A_159 = arith.cmpi slt, %add3A_157, %lt3A_158 : i32
        %convert_element_type3A_160 = arith.extui %lt3A_159 : i1 to i32
        %cond3A_161 = arith.constant 0 : i32
        %cond3A_162 = arith.cmpi ne, %convert_element_type3A_160, %cond3A_161 : i32
        scf.if %cond3A_162 {
          %add3A_163 = arith.constant 2 : i32
          %add3A_164 = arith.addi %add3A_132, %add3A_163 : i32
          %dma_start3A_165 = arith.constant 0 : i32
          %dma_start3A_166 = tpu.memref_slice %arg9[%add3A_164, %dma_start3A_165] : memref<40x128xi32, #tpu.memory_space<vmem>> -> memref<1x128xi32, #tpu.memory_space<vmem>>
          %dma_start3A_167 = tpu.memref_squeeze %dma_start3A_166 : memref<1x128xi32, #tpu.memory_space<vmem>> -> memref<128xi32, #tpu.memory_space<vmem>>
          %dma_start3A_168 = arith.constant 0 : i32
          %dma_start3A_169 = arith.constant 0 : i32
          %dma_start3A_170 = tpu.memref_slice %arg2[%dma_start3A_168, %dma_start3A_169] : memref<10240x128xf32, #tpu.memory_space<hbm>> -> memref<10240x128xf32, #tpu.memory_space<hbm>>
          tpu.enqueue_indirect_dma source(%dma_start3A_170 : memref<10240x128xf32, #tpu.memory_space<hbm>>) target(%arg12 : memref<128x128xf32, #tpu.memory_space<vmem>>) offsets(%dma_start3A_167 : memref<128xi32, #tpu.memory_space<vmem>>) semaphore(%arg17 : memref<!tpu.dma_semaphore, #tpu.memory_space<semaphore_mem>>)
        } else {
        }
      }
      %scan3A_89 = arith.constant 20 : i32
      %scan3A_90 = arith.constant 0 : i32
      %scan3A_91 = arith.constant 0 : i32
      %scan3A_92 = arith.constant 40 : i32
      %scan3A_93 = arith.addi %scan3A_91, %scan3A_92 : i32
      %scan3A_94 = arith.constant 1 : i32
      scf.for %scan3A_96 = %scan3A_91 to %scan3A_93 step %scan3A_94  : i32 {
        %dma_wait3A = arith.constant 0 : i32
        %dma_wait3A_97 = arith.constant 0 : i32
        %dma_wait3A_98 = tpu.memref_slice %arg10[%dma_wait3A, %dma_wait3A_97] : memref<40x128xi32, #tpu.memory_space<vmem>> -> memref<1x128xi32, #tpu.memory_space<vmem>>
        %dma_wait3A_99 = tpu.memref_squeeze %dma_wait3A_98 : memref<1x128xi32, #tpu.memory_space<vmem>> -> memref<128xi32, #tpu.memory_space<vmem>>
        %dma_wait3A_100 = arith.constant 0 : i32
        %dma_wait3A_101 = tpu.memref_slice %arg15[%dma_wait3A_100] : memref<10240xf32, #tpu.memory_space<vmem_shared>> -> memref<10240xf32, #tpu.memory_space<vmem_shared>>
        tpu.wait_indirect_dma semaphore(%arg20 : memref<!tpu.dma_semaphore, #tpu.memory_space<semaphore_mem>>) src(%arg13 : memref<128xf32, #tpu.memory_space<vmem>>) dst(%dma_wait3A_101 : memref<10240xf32, #tpu.memory_space<vmem_shared>>)
      }
      %scan3A_95 = arith.constant 40 : i32
    } else {
    }
    %eq3A_64 = arith.constant 1 : i32
    %eq3A_65 = arith.cmpi eq, %arg0, %eq3A_64 : i32
    %convert_element_type3A_66 = arith.extui %eq3A_65 : i1 to i32
    %cond3A_67 = arith.constant 0 : i32
    %cond3A_68 = arith.cmpi ne, %convert_element_type3A_66, %cond3A_67 : i32
    scf.if %cond3A_68 {
      %dma_start3A = arith.constant 0 : i32
      %dma_start3A_72 = arith.constant 0 : i32
      %dma_start3A_73 = tpu.memref_slice %arg9[%dma_start3A, %dma_start3A_72] : memref<40x128xi32, #tpu.memory_space<vmem>> -> memref<1x128xi32, #tpu.memory_space<vmem>>
      %dma_start3A_74 = tpu.memref_squeeze %dma_start3A_73 : memref<1x128xi32, #tpu.memory_space<vmem>> -> memref<128xi32, #tpu.memory_space<vmem>>
      %dma_start3A_75 = arith.constant 0 : i32
      %dma_start3A_76 = arith.constant 0 : i32
      %dma_start3A_77 = tpu.memref_slice %arg2[%dma_start3A_75, %dma_start3A_76] : memref<10240x128xf32, #tpu.memory_space<hbm>> -> memref<10240x128xf32, #tpu.memory_space<hbm>>
      tpu.enqueue_indirect_dma source(%dma_start3A_77 : memref<10240x128xf32, #tpu.memory_space<hbm>>) target(%arg11 : memref<128x128xf32, #tpu.memory_space<vmem>>) offsets(%dma_start3A_74 : memref<128xi32, #tpu.memory_space<vmem>>) semaphore(%arg16 : memref<!tpu.dma_semaphore, #tpu.memory_space<semaphore_mem>>)
      %dma_start3A_78 = arith.constant 1 : i32
      %dma_start3A_79 = arith.constant 0 : i32
      %dma_start3A_80 = tpu.memref_slice %arg9[%dma_start3A_78, %dma_start3A_79] : memref<40x128xi32, #tpu.memory_space<vmem>> -> memref<1x128xi32, #tpu.memory_space<vmem>>
      %dma_start3A_81 = tpu.memref_squeeze %dma_start3A_80 : memref<1x128xi32, #tpu.memory_space<vmem>> -> memref<128xi32, #tpu.memory_space<vmem>>
      %dma_start3A_82 = arith.constant 0 : i32
      %dma_start3A_83 = arith.constant 0 : i32
      %dma_start3A_84 = tpu.memref_slice %arg2[%dma_start3A_82, %dma_start3A_83] : memref<10240x128xf32, #tpu.memory_space<hbm>> -> memref<10240x128xf32, #tpu.memory_space<hbm>>
      tpu.enqueue_indirect_dma source(%dma_start3A_84 : memref<10240x128xf32, #tpu.memory_space<hbm>>) target(%arg12 : memref<128x128xf32, #tpu.memory_space<vmem>>) offsets(%dma_start3A_81 : memref<128xi32, #tpu.memory_space<vmem>>) semaphore(%arg17 : memref<!tpu.dma_semaphore, #tpu.memory_space<semaphore_mem>>)
      %scan3A = arith.constant 0 : i32
      %scan3A_85 = arith.constant 0 : i32
      %scan3A_86 = arith.constant 20 : i32
      %scan3A_87 = arith.addi %scan3A_85, %scan3A_86 : i32
      %scan3A_88 = arith.constant 1 : i32
      scf.for %scan3A_96 = %scan3A_85 to %scan3A_87 step %scan3A_88  : i32 {
        %mul3A_97 = arith.constant 2 : i32
        %mul3A_98 = arith.muli %mul3A_97, %scan3A_96 : i32
        %add3A_99 = arith.constant 0 : i32
        %add3A_100 = arith.addi %mul3A_98, %add3A_99 : i32
        %dma_wait3A = arith.constant 0 : i32
        %dma_wait3A_101 = tpu.memref_slice %arg9[%add3A_100, %dma_wait3A] : memref<40x128xi32, #tpu.memory_space<vmem>> -> memref<1x128xi32, #tpu.memory_space<vmem>>
        %dma_wait3A_102 = tpu.memref_squeeze %dma_wait3A_101 : memref<1x128xi32, #tpu.memory_space<vmem>> -> memref<128xi32, #tpu.memory_space<vmem>>
        %dma_wait3A_103 = arith.constant 0 : i32
        %dma_wait3A_104 = arith.constant 0 : i32
        %dma_wait3A_105 = tpu.memref_slice %arg2[%dma_wait3A_103, %dma_wait3A_104] : memref<10240x128xf32, #tpu.memory_space<hbm>> -> memref<10240x128xf32, #tpu.memory_space<hbm>>
        tpu.wait_indirect_dma semaphore(%arg16 : memref<!tpu.dma_semaphore, #tpu.memory_space<semaphore_mem>>) src(%dma_wait3A_105 : memref<10240x128xf32, #tpu.memory_space<hbm>>) dst(%arg11 : memref<128x128xf32, #tpu.memory_space<vmem>>)
        %dma_start3A_106 = arith.constant 0 : i32
        %dma_start3A_107 = tpu.memref_slice %arg10[%add3A_100, %dma_start3A_106] : memref<40x128xi32, #tpu.memory_space<vmem>> -> memref<1x128xi32, #tpu.memory_space<vmem>>
        %dma_start3A_108 = tpu.memref_squeeze %dma_start3A_107 : memref<1x128xi32, #tpu.memory_space<vmem>> -> memref<128xi32, #tpu.memory_space<vmem>>
        %dma_start3A_109 = arith.constant 0 : i32
        %dma_start3A_110 = arith.constant 0 : i32
        %dma_start3A_111 = tpu.memref_slice %arg14[%dma_start3A_109, %dma_start3A_110] : memref<10240x128xf32, #tpu.memory_space<vmem_shared>> -> memref<10240x128xf32, #tpu.memory_space<vmem_shared>>
        tpu.enqueue_indirect_dma source(%arg11 : memref<128x128xf32, #tpu.memory_space<vmem>>) target(%dma_start3A_111 : memref<10240x128xf32, #tpu.memory_space<vmem_shared>>) offsets(%dma_start3A_108 : memref<128xi32, #tpu.memory_space<vmem>>) semaphore(%arg18 : memref<!tpu.dma_semaphore, #tpu.memory_space<semaphore_mem>>) {add = true}
        %dma_start3A_112 = arith.constant 0 : i32
        %dma_start3A_113 = tpu.memref_slice %arg10[%add3A_100, %dma_start3A_112] : memref<40x128xi32, #tpu.memory_space<vmem>> -> memref<1x128xi32, #tpu.memory_space<vmem>>
        %dma_start3A_114 = tpu.memref_squeeze %dma_start3A_113 : memref<1x128xi32, #tpu.memory_space<vmem>> -> memref<128xi32, #tpu.memory_space<vmem>>
        %dma_start3A_115 = arith.constant 0 : i32
        %dma_start3A_116 = tpu.memref_slice %arg15[%dma_start3A_115] : memref<10240xf32, #tpu.memory_space<vmem_shared>> -> memref<10240xf32, #tpu.memory_space<vmem_shared>>
        tpu.enqueue_indirect_dma source(%arg13 : memref<128xf32, #tpu.memory_space<vmem>>) target(%dma_start3A_116 : memref<10240xf32, #tpu.memory_space<vmem_shared>>) offsets(%dma_start3A_114 : memref<128xi32, #tpu.memory_space<vmem>>) semaphore(%arg20 : memref<!tpu.dma_semaphore, #tpu.memory_space<semaphore_mem>>) {add = true}
        %dma_wait3A_117 = arith.constant 0 : i32
        %dma_wait3A_118 = tpu.memref_slice %arg10[%add3A_100, %dma_wait3A_117] : memref<40x128xi32, #tpu.memory_space<vmem>> -> memref<1x128xi32, #tpu.memory_space<vmem>>
        %dma_wait3A_119 = tpu.memref_squeeze %dma_wait3A_118 : memref<1x128xi32, #tpu.memory_space<vmem>> -> memref<128xi32, #tpu.memory_space<vmem>>
        %dma_wait3A_120 = arith.constant 0 : i32
        %dma_wait3A_121 = arith.constant 0 : i32
        %dma_wait3A_122 = tpu.memref_slice %arg14[%dma_wait3A_120, %dma_wait3A_121] : memref<10240x128xf32, #tpu.memory_space<vmem_shared>> -> memref<10240x128xf32, #tpu.memory_space<vmem_shared>>
        tpu.wait_indirect_dma semaphore(%arg18 : memref<!tpu.dma_semaphore, #tpu.memory_space<semaphore_mem>>) src(%arg11 : memref<128x128xf32, #tpu.memory_space<vmem>>) dst(%dma_wait3A_122 : memref<10240x128xf32, #tpu.memory_space<vmem_shared>>)
        %add3A_123 = arith.constant 2 : i32
        %add3A_124 = arith.addi %add3A_100, %add3A_123 : i32
        %lt3A = arith.constant 40 : i32
        %lt3A_125 = arith.cmpi slt, %add3A_124, %lt3A : i32
        %convert_element_type3A_126 = arith.extui %lt3A_125 : i1 to i32
        %cond3A_127 = arith.constant 0 : i32
        %cond3A_128 = arith.cmpi ne, %convert_element_type3A_126, %cond3A_127 : i32
        scf.if %cond3A_128 {
          %add3A_163 = arith.constant 2 : i32
          %add3A_164 = arith.addi %add3A_100, %add3A_163 : i32
          %dma_start3A_165 = arith.constant 0 : i32
          %dma_start3A_166 = tpu.memref_slice %arg9[%add3A_164, %dma_start3A_165] : memref<40x128xi32, #tpu.memory_space<vmem>> -> memref<1x128xi32, #tpu.memory_space<vmem>>
          %dma_start3A_167 = tpu.memref_squeeze %dma_start3A_166 : memref<1x128xi32, #tpu.memory_space<vmem>> -> memref<128xi32, #tpu.memory_space<vmem>>
          %dma_start3A_168 = arith.constant 0 : i32
          %dma_start3A_169 = arith.constant 0 : i32
          %dma_start3A_170 = tpu.memref_slice %arg2[%dma_start3A_168, %dma_start3A_169] : memref<10240x128xf32, #tpu.memory_space<hbm>> -> memref<10240x128xf32, #tpu.memory_space<hbm>>
          tpu.enqueue_indirect_dma source(%dma_start3A_170 : memref<10240x128xf32, #tpu.memory_space<hbm>>) target(%arg11 : memref<128x128xf32, #tpu.memory_space<vmem>>) offsets(%dma_start3A_167 : memref<128xi32, #tpu.memory_space<vmem>>) semaphore(%arg16 : memref<!tpu.dma_semaphore, #tpu.memory_space<semaphore_mem>>)
        } else {
        }
        %mul3A_129 = arith.constant 2 : i32
        %mul3A_130 = arith.muli %mul3A_129, %scan3A_96 : i32
        %add3A_131 = arith.constant 1 : i32
        %add3A_132 = arith.addi %mul3A_130, %add3A_131 : i32
        %dma_wait3A_133 = arith.constant 0 : i32
        %dma_wait3A_134 = tpu.memref_slice %arg9[%add3A_132, %dma_wait3A_133] : memref<40x128xi32, #tpu.memory_space<vmem>> -> memref<1x128xi32, #tpu.memory_space<vmem>>
        %dma_wait3A_135 = tpu.memref_squeeze %dma_wait3A_134 : memref<1x128xi32, #tpu.memory_space<vmem>> -> memref<128xi32, #tpu.memory_space<vmem>>
        %dma_wait3A_136 = arith.constant 0 : i32
        %dma_wait3A_137 = arith.constant 0 : i32
        %dma_wait3A_138 = tpu.memref_slice %arg2[%dma_wait3A_136, %dma_wait3A_137] : memref<10240x128xf32, #tpu.memory_space<hbm>> -> memref<10240x128xf32, #tpu.memory_space<hbm>>
        tpu.wait_indirect_dma semaphore(%arg17 : memref<!tpu.dma_semaphore, #tpu.memory_space<semaphore_mem>>) src(%dma_wait3A_138 : memref<10240x128xf32, #tpu.memory_space<hbm>>) dst(%arg12 : memref<128x128xf32, #tpu.memory_space<vmem>>)
        %dma_start3A_139 = arith.constant 0 : i32
        %dma_start3A_140 = tpu.memref_slice %arg10[%add3A_132, %dma_start3A_139] : memref<40x128xi32, #tpu.memory_space<vmem>> -> memref<1x128xi32, #tpu.memory_space<vmem>>
        %dma_start3A_141 = tpu.memref_squeeze %dma_start3A_140 : memref<1x128xi32, #tpu.memory_space<vmem>> -> memref<128xi32, #tpu.memory_space<vmem>>
        %dma_start3A_142 = arith.constant 0 : i32
        %dma_start3A_143 = arith.constant 0 : i32
        %dma_start3A_144 = tpu.memref_slice %arg14[%dma_start3A_142, %dma_start3A_143] : memref<10240x128xf32, #tpu.memory_space<vmem_shared>> -> memref<10240x128xf32, #tpu.memory_space<vmem_shared>>
        tpu.enqueue_indirect_dma source(%arg12 : memref<128x128xf32, #tpu.memory_space<vmem>>) target(%dma_start3A_144 : memref<10240x128xf32, #tpu.memory_space<vmem_shared>>) offsets(%dma_start3A_141 : memref<128xi32, #tpu.memory_space<vmem>>) semaphore(%arg19 : memref<!tpu.dma_semaphore, #tpu.memory_space<semaphore_mem>>) {add = true}
        %dma_start3A_145 = arith.constant 0 : i32
        %dma_start3A_146 = tpu.memref_slice %arg10[%add3A_132, %dma_start3A_145] : memref<40x128xi32, #tpu.memory_space<vmem>> -> memref<1x128xi32, #tpu.memory_space<vmem>>
        %dma_start3A_147 = tpu.memref_squeeze %dma_start3A_146 : memref<1x128xi32, #tpu.memory_space<vmem>> -> memref<128xi32, #tpu.memory_space<vmem>>
        %dma_start3A_148 = arith.constant 0 : i32
        %dma_start3A_149 = tpu.memref_slice %arg15[%dma_start3A_148] : memref<10240xf32, #tpu.memory_space<vmem_shared>> -> memref<10240xf32, #tpu.memory_space<vmem_shared>>
        tpu.enqueue_indirect_dma source(%arg13 : memref<128xf32, #tpu.memory_space<vmem>>) target(%dma_start3A_149 : memref<10240xf32, #tpu.memory_space<vmem_shared>>) offsets(%dma_start3A_147 : memref<128xi32, #tpu.memory_space<vmem>>) semaphore(%arg20 : memref<!tpu.dma_semaphore, #tpu.memory_space<semaphore_mem>>) {add = true}
        %dma_wait3A_150 = arith.constant 0 : i32
        %dma_wait3A_151 = tpu.memref_slice %arg10[%add3A_132, %dma_wait3A_150] : memref<40x128xi32, #tpu.memory_space<vmem>> -> memref<1x128xi32, #tpu.memory_space<vmem>>
        %dma_wait3A_152 = tpu.memref_squeeze %dma_wait3A_151 : memref<1x128xi32, #tpu.memory_space<vmem>> -> memref<128xi32, #tpu.memory_space<vmem>>
        %dma_wait3A_153 = arith.constant 0 : i32
        %dma_wait3A_154 = arith.constant 0 : i32
        %dma_wait3A_155 = tpu.memref_slice %arg14[%dma_wait3A_153, %dma_wait3A_154] : memref<10240x128xf32, #tpu.memory_space<vmem_shared>> -> memref<10240x128xf32, #tpu.memory_space<vmem_shared>>
        tpu.wait_indirect_dma semaphore(%arg19 : memref<!tpu.dma_semaphore, #tpu.memory_space<semaphore_mem>>) src(%arg12 : memref<128x128xf32, #tpu.memory_space<vmem>>) dst(%dma_wait3A_155 : memref<10240x128xf32, #tpu.memory_space<vmem_shared>>)
        %add3A_156 = arith.constant 2 : i32
        %add3A_157 = arith.addi %add3A_132, %add3A_156 : i32
        %lt3A_158 = arith.constant 40 : i32
        %lt3A_159 = arith.cmpi slt, %add3A_157, %lt3A_158 : i32
        %convert_element_type3A_160 = arith.extui %lt3A_159 : i1 to i32
        %cond3A_161 = arith.constant 0 : i32
        %cond3A_162 = arith.cmpi ne, %convert_element_type3A_160, %cond3A_161 : i32
        scf.if %cond3A_162 {
          %add3A_163 = arith.constant 2 : i32
          %add3A_164 = arith.addi %add3A_132, %add3A_163 : i32
          %dma_start3A_165 = arith.constant 0 : i32
          %dma_start3A_166 = tpu.memref_slice %arg9[%add3A_164, %dma_start3A_165] : memref<40x128xi32, #tpu.memory_space<vmem>> -> memref<1x128xi32, #tpu.memory_space<vmem>>
          %dma_start3A_167 = tpu.memref_squeeze %dma_start3A_166 : memref<1x128xi32, #tpu.memory_space<vmem>> -> memref<128xi32, #tpu.memory_space<vmem>>
          %dma_start3A_168 = arith.constant 0 : i32
          %dma_start3A_169 = arith.constant 0 : i32
          %dma_start3A_170 = tpu.memref_slice %arg2[%dma_start3A_168, %dma_start3A_169] : memref<10240x128xf32, #tpu.memory_space<hbm>> -> memref<10240x128xf32, #tpu.memory_space<hbm>>
          tpu.enqueue_indirect_dma source(%dma_start3A_170 : memref<10240x128xf32, #tpu.memory_space<hbm>>) target(%arg12 : memref<128x128xf32, #tpu.memory_space<vmem>>) offsets(%dma_start3A_167 : memref<128xi32, #tpu.memory_space<vmem>>) semaphore(%arg17 : memref<!tpu.dma_semaphore, #tpu.memory_space<semaphore_mem>>)
        } else {
        }
      }
      %scan3A_89 = arith.constant 20 : i32
      %scan3A_90 = arith.constant 0 : i32
      %scan3A_91 = arith.constant 0 : i32
      %scan3A_92 = arith.constant 40 : i32
      %scan3A_93 = arith.addi %scan3A_91, %scan3A_92 : i32
      %scan3A_94 = arith.constant 1 : i32
      scf.for %scan3A_96 = %scan3A_91 to %scan3A_93 step %scan3A_94  : i32 {
        %dma_wait3A = arith.constant 0 : i32
        %dma_wait3A_97 = arith.constant 0 : i32
        %dma_wait3A_98 = tpu.memref_slice %arg10[%dma_wait3A, %dma_wait3A_97] : memref<40x128xi32, #tpu.memory_space<vmem>> -> memref<1x128xi32, #tpu.memory_space<vmem>>
        %dma_wait3A_99 = tpu.memref_squeeze %dma_wait3A_98 : memref<1x128xi32, #tpu.memory_space<vmem>> -> memref<128xi32, #tpu.memory_space<vmem>>
        %dma_wait3A_100 = arith.constant 0 : i32
        %dma_wait3A_101 = tpu.memref_slice %arg15[%dma_wait3A_100] : memref<10240xf32, #tpu.memory_space<vmem_shared>> -> memref<10240xf32, #tpu.memory_space<vmem_shared>>
        tpu.wait_indirect_dma semaphore(%arg20 : memref<!tpu.dma_semaphore, #tpu.memory_space<semaphore_mem>>) src(%arg13 : memref<128xf32, #tpu.memory_space<vmem>>) dst(%dma_wait3A_101 : memref<10240xf32, #tpu.memory_space<vmem_shared>>)
      }
      %scan3A_95 = arith.constant 40 : i32
    } else {
    }
    %barrier3A_69 = arith.constant 0 : index
    tpu.barrier barrier_id(%barrier3A_69)
    "tpu.region"() ({
      %run_scoped3A_72 = tpu.sem_alloc : memref<!tpu.dma_semaphore, #tpu.memory_space<semaphore_mem>>
      %dma_start3A = arith.constant 0 : i32
      %dma_start3A_73 = arith.constant 0 : i32
      %dma_start3A_74 = tpu.memref_slice %arg7[%arg0, %arg1, %dma_start3A, %dma_start3A_73] : memref<2x16x640x128xf32, #tpu.memory_space<hbm>> -> memref<1x1x640x128xf32, #tpu.memory_space<hbm>>
      %dma_start3A_75 = tpu.memref_squeeze %dma_start3A_74 : memref<1x1x640x128xf32, #tpu.memory_space<hbm>> -> memref<640x128xf32, #tpu.memory_space<hbm>>
      %dma_start3A_76 = arith.constant 0 : i32
      %dma_start3A_77 = tpu.memref_slice %arg14[%mul3A_2, %dma_start3A_76] : memref<10240x128xf32, #tpu.memory_space<vmem_shared>> -> memref<640x128xf32, #tpu.memory_space<vmem_shared>>
      tpu.enqueue_dma source(%dma_start3A_77 : memref<640x128xf32, #tpu.memory_space<vmem_shared>>) target(%dma_start3A_75 : memref<640x128xf32, #tpu.memory_space<hbm>>) target_semaphore(%run_scoped3A_72 : memref<!tpu.dma_semaphore, #tpu.memory_space<semaphore_mem>>)
      %dma_wait3A = arith.constant 0 : i32
      %dma_wait3A_78 = arith.constant 0 : i32
      %dma_wait3A_79 = tpu.memref_slice %arg7[%arg0, %arg1, %dma_wait3A, %dma_wait3A_78] : memref<2x16x640x128xf32, #tpu.memory_space<hbm>> -> memref<1x1x640x128xf32, #tpu.memory_space<hbm>>
      %dma_wait3A_80 = tpu.memref_squeeze %dma_wait3A_79 : memref<1x1x640x128xf32, #tpu.memory_space<hbm>> -> memref<640x128xf32, #tpu.memory_space<hbm>>
      %dma_wait3A_81 = arith.constant 0 : i32
      %dma_wait3A_82 = tpu.memref_slice %arg14[%mul3A_2, %dma_wait3A_81] : memref<10240x128xf32, #tpu.memory_space<vmem_shared>> -> memref<640x128xf32, #tpu.memory_space<vmem_shared>>
      tpu.wait_dma2 semaphore(%run_scoped3A_72 : memref<!tpu.dma_semaphore, #tpu.memory_space<semaphore_mem>>) src(%dma_wait3A_82 : memref<640x128xf32, #tpu.memory_space<vmem_shared>>) dst(%dma_wait3A_80 : memref<640x128xf32, #tpu.memory_space<hbm>>)
      tpu.yield
    }) : () -> ()
    %mul3A_70 = arith.constant 640 : i32
    %mul3A_71 = arith.muli %add3A, %mul3A_70 : i32
    "tpu.region"() ({
      %run_scoped3A_72 = tpu.sem_alloc : memref<!tpu.dma_semaphore, #tpu.memory_space<semaphore_mem>>
      %dma_start3A = tpu.memref_slice %arg8[%mul3A_71] : memref<20480xf32, #tpu.memory_space<hbm>> -> memref<640xf32, #tpu.memory_space<hbm>>
      %dma_start3A_73 = tpu.memref_slice %arg15[%mul3A_2] : memref<10240xf32, #tpu.memory_space<vmem_shared>> -> memref<640xf32, #tpu.memory_space<vmem_shared>>
      tpu.enqueue_dma source(%dma_start3A_73 : memref<640xf32, #tpu.memory_space<vmem_shared>>) target(%dma_start3A : memref<640xf32, #tpu.memory_space<hbm>>) target_semaphore(%run_scoped3A_72 : memref<!tpu.dma_semaphore, #tpu.memory_space<semaphore_mem>>)
      %dma_wait3A = tpu.memref_slice %arg8[%mul3A_71] : memref<20480xf32, #tpu.memory_space<hbm>> -> memref<640xf32, #tpu.memory_space<hbm>>
      %dma_wait3A_74 = tpu.memref_slice %arg15[%mul3A_2] : memref<10240xf32, #tpu.memory_space<vmem_shared>> -> memref<640xf32, #tpu.memory_space<vmem_shared>>
      tpu.wait_dma2 semaphore(%run_scoped3A_72 : memref<!tpu.dma_semaphore, #tpu.memory_space<semaphore_mem>>) src(%dma_wait3A_74 : memref<640xf32, #tpu.memory_space<vmem_shared>>) dst(%dma_wait3A : memref<640xf32, #tpu.memory_space<hbm>>)
      tpu.yield
    }) : () -> ()
    return
  }
}

module attributes {stable_mosaic.version = 14 : i64} {
  func.func @_tc_pre_body(%arg0: i32, %arg1: memref<1024x128xf32, #tpu.memory_space<vmem>>, %arg2: memref<128x128xf32, #tpu.memory_space<vmem>>, %arg3: memref<128x128xf32, #tpu.memory_space<vmem>>, %arg4: memref<1x128xf32, #tpu.memory_space<vmem>>, %arg5: memref<1024x128xf32, #tpu.memory_space<vmem>>, %arg6: memref<1024x128xf32, #tpu.memory_space<vmem>>) attributes {dimension_semantics = [#tpu.dimension_semantics<arbitrary>], iteration_bounds = array<i64: 10>, scalar_prefetch = 0 : i64, scratch_operands = 0 : i64, tpu.core_type = #tpu.core_type<tc>, window_params = [{transform_indices = @transform_0, window_bounds = array<i64: 1024, 128>}, {pipeline_mode = #tpu.pipeline_mode<synchronous>, transform_indices = @transform_1, window_bounds = array<i64: 128, 128>}, {pipeline_mode = #tpu.pipeline_mode<synchronous>, transform_indices = @transform_2, window_bounds = array<i64: 128, 128>}, {pipeline_mode = #tpu.pipeline_mode<synchronous>, transform_indices = @transform_3, window_bounds = array<i64: 1, 128>}, {transform_indices = @transform_4, window_bounds = array<i64: 1024, 128>}, {transform_indices = @transform_5, window_bounds = array<i64: 1024, 128>}]} {
    %get3A = arith.constant 0 : index
    %get3A_0 = arith.constant 0 : index
    %get3A_1 = vector.load %arg1[%get3A, %get3A_0] : memref<1024x128xf32, #tpu.memory_space<vmem>>, vector<1024x128xf32>
    %get3A_2 = arith.constant 0 : index
    %get3A_3 = arith.constant 0 : index
    %get3A_4 = vector.load %arg2[%get3A_2, %get3A_3] : memref<128x128xf32, #tpu.memory_space<vmem>>, vector<128x128xf32>
    %dot_general3A = arith.constant dense<0.000000e+00> : vector<1024x128xf32>
    %dot_general3A_5 = tpu.matmul %get3A_1, %get3A_4, %dot_general3A {dimension_numbers = #tpu.dot_dimension_numbers<[1], [0], [0], [1], [0, 0, 1, 1], [], []>, transpose_lhs_hint = false} : vector<1024x128xf32>, vector<128x128xf32>, vector<1024x128xf32> -> vector<1024x128xf32>
    %get3A_6 = arith.constant 0 : index
    %get3A_7 = arith.constant 0 : index
    %get3A_8 = vector.load %arg4[%get3A_6, %get3A_7] : memref<1x128xf32, #tpu.memory_space<vmem>>, vector<1x128xf32>
    %add3A = vector.broadcast %get3A_8 : vector<1x128xf32> to vector<1024x128xf32>
    %add3A_9 = arith.addf %dot_general3A_5, %add3A : vector<1024x128xf32>
    %swap3A = arith.constant 0 : index
    %swap3A_10 = arith.constant 0 : index
    %swap3A_11 = vector.load %arg5[%swap3A, %swap3A_10] : memref<1024x128xf32, #tpu.memory_space<vmem>>, vector<1024x128xf32>
    tpu.vector_store %arg5[%swap3A, %swap3A_10], %add3A_9 {strides = array<i32>} : memref<1024x128xf32, #tpu.memory_space<vmem>>, vector<1024x128xf32>,
    %get3A_12 = arith.constant 0 : index
    %get3A_13 = arith.constant 0 : index
    %get3A_14 = vector.load %arg3[%get3A_12, %get3A_13] : memref<128x128xf32, #tpu.memory_space<vmem>>, vector<128x128xf32>
    %dot_general3A_15 = arith.constant dense<0.000000e+00> : vector<1024x128xf32>
    %dot_general3A_16 = tpu.matmul %get3A_1, %get3A_14, %dot_general3A_15 {dimension_numbers = #tpu.dot_dimension_numbers<[1], [0], [0], [1], [0, 0, 1, 1], [], []>, transpose_lhs_hint = false} : vector<1024x128xf32>, vector<128x128xf32>, vector<1024x128xf32> -> vector<1024x128xf32>
    %swap3A_17 = arith.constant 0 : index
    %swap3A_18 = arith.constant 0 : index
    %swap3A_19 = vector.load %arg6[%swap3A_17, %swap3A_18] : memref<1024x128xf32, #tpu.memory_space<vmem>>, vector<1024x128xf32>
    tpu.vector_store %arg6[%swap3A_17, %swap3A_18], %dot_general3A_16 {strides = array<i32>} : memref<1024x128xf32, #tpu.memory_space<vmem>>, vector<1024x128xf32>,
    return
  }
  func.func @transform_0(%arg0: i32) -> (i32, i32) {
    %c0_i32 = arith.constant 0 : i32
    %c0_i32_0 = arith.constant 0 : i32
    return %arg0, %c0_i32 : i32, i32
  }
  func.func @transform_1(%arg0: i32) -> (i32, i32) {
    %c0_i32 = arith.constant 0 : i32
    %c0_i32_0 = arith.constant 0 : i32
    %c0_i32_1 = arith.constant 0 : i32
    return %c0_i32, %c0_i32_0 : i32, i32
  }
  func.func @transform_2(%arg0: i32) -> (i32, i32) {
    %c0_i32 = arith.constant 0 : i32
    %c0_i32_0 = arith.constant 0 : i32
    %c0_i32_1 = arith.constant 0 : i32
    return %c0_i32, %c0_i32_0 : i32, i32
  }
  func.func @transform_3(%arg0: i32) -> (i32, i32) {
    %c0_i32 = arith.constant 0 : i32
    %c0_i32_0 = arith.constant 0 : i32
    %c0_i32_1 = arith.constant 0 : i32
    return %c0_i32, %c0_i32_0 : i32, i32
  }
  func.func @transform_4(%arg0: i32) -> (i32, i32) {
    %c0_i32 = arith.constant 0 : i32
    %c0_i32_0 = arith.constant 0 : i32
    return %arg0, %c0_i32 : i32, i32
  }
  func.func @transform_5(%arg0: i32) -> (i32, i32) {
    %c0_i32 = arith.constant 0 : i32
    %c0_i32_0 = arith.constant 0 : i32
    return %arg0, %c0_i32 : i32, i32
  }
}

module attributes {stable_mosaic.version = 14 : i64} {
  func.func @_tc_mid_body(%arg0: i32, %arg1: memref<1024x128xf32, #tpu.memory_space<vmem>>, %arg2: memref<2x1024x128xf32, #tpu.memory_space<vmem>>, %arg3: memref<2x1024x1xf32, #tpu.memory_space<vmem>>, %arg4: memref<128x128xf32, #tpu.memory_space<vmem>>, %arg5: memref<128x128xf32, #tpu.memory_space<vmem>>, %arg6: memref<1x128xf32, #tpu.memory_space<vmem>>, %arg7: memref<1024x128xf32, #tpu.memory_space<vmem>>, %arg8: memref<1024x128xf32, #tpu.memory_space<vmem>>) attributes {dimension_semantics = [#tpu.dimension_semantics<arbitrary>], iteration_bounds = array<i64: 10>, scalar_prefetch = 0 : i64, scratch_operands = 0 : i64, tpu.core_type = #tpu.core_type<tc>, window_params = [{transform_indices = @transform_0, window_bounds = array<i64: 1024, 128>}, {transform_indices = @transform_1, window_bounds = array<i64: 2, 1024, 128>}, {transform_indices = @transform_2, window_bounds = array<i64: 2, 1024, 1>}, {pipeline_mode = #tpu.pipeline_mode<synchronous>, transform_indices = @transform_3, window_bounds = array<i64: 128, 128>}, {pipeline_mode = #tpu.pipeline_mode<synchronous>, transform_indices = @transform_4, window_bounds = array<i64: 128, 128>}, {pipeline_mode = #tpu.pipeline_mode<synchronous>, transform_indices = @transform_5, window_bounds = array<i64: 1, 128>}, {transform_indices = @transform_6, window_bounds = array<i64: 1024, 128>}, {transform_indices = @transform_7, window_bounds = array<i64: 1024, 128>}]} {
    %get3A = arith.constant 0 : index
    %get3A_0 = arith.constant 0 : index
    %get3A_1 = arith.constant 0 : index
    %get3A_2 = vector.load %arg2[%get3A, %get3A_0, %get3A_1] : memref<2x1024x128xf32, #tpu.memory_space<vmem>>, vector<1x1024x128xf32>
    %get3A_3 = vector.shape_cast %get3A_2 : vector<1x1024x128xf32> to vector<1024x128xf32>
    %get3A_4 = arith.constant 1 : index
    %get3A_5 = arith.constant 0 : index
    %get3A_6 = arith.constant 0 : index
    %get3A_7 = vector.load %arg2[%get3A_4, %get3A_5, %get3A_6] : memref<2x1024x128xf32, #tpu.memory_space<vmem>>, vector<1x1024x128xf32>
    %get3A_8 = vector.shape_cast %get3A_7 : vector<1x1024x128xf32> to vector<1024x128xf32>
    %add3A = arith.addf %get3A_3, %get3A_8 : vector<1024x128xf32>
    %get3A_9 = arith.constant 0 : index
    %get3A_10 = arith.constant 0 : index
    %get3A_11 = arith.constant 0 : index
    %get3A_12 = vector.load %arg3[%get3A_9, %get3A_10, %get3A_11] : memref<2x1024x1xf32, #tpu.memory_space<vmem>>, vector<1x1024x1xf32>
    %get3A_13 = vector.shape_cast %get3A_12 : vector<1x1024x1xf32> to vector<1024x1xf32>
    %get3A_14 = arith.constant 1 : index
    %get3A_15 = arith.constant 0 : index
    %get3A_16 = arith.constant 0 : index
    %get3A_17 = vector.load %arg3[%get3A_14, %get3A_15, %get3A_16] : memref<2x1024x1xf32, #tpu.memory_space<vmem>>, vector<1x1024x1xf32>
    %get3A_18 = vector.shape_cast %get3A_17 : vector<1x1024x1xf32> to vector<1024x1xf32>
    %add3A_19 = arith.addf %get3A_13, %get3A_18 : vector<1024x1xf32>
    %max3A = arith.constant 1.000000e+00 : f32
    %max3A_20 = vector.broadcast %max3A : f32 to vector<1024x1xf32>
    %max3A_21 = arith.maximumf %add3A_19, %max3A_20 : vector<1024x1xf32>
    %get3A_22 = arith.constant 0 : index
    %get3A_23 = arith.constant 0 : index
    %get3A_24 = vector.load %arg1[%get3A_22, %get3A_23] : memref<1024x128xf32, #tpu.memory_space<vmem>>, vector<1024x128xf32>
    %div3A = vector.broadcast %max3A_21 : vector<1024x1xf32> to vector<1024x128xf32>
    %div3A_25 = arith.divf %add3A, %div3A : vector<1024x128xf32>
    %add3A_26 = arith.addf %get3A_24, %div3A_25 : vector<1024x128xf32>
    %max3A_27 = arith.constant 0.000000e+00 : f32
    %max3A_28 = vector.broadcast %max3A_27 : f32 to vector<1024x128xf32>
    %max3A_29 = arith.maximumf %add3A_26, %max3A_28 : vector<1024x128xf32>
    %get3A_30 = arith.constant 0 : index
    %get3A_31 = arith.constant 0 : index
    %get3A_32 = vector.load %arg4[%get3A_30, %get3A_31] : memref<128x128xf32, #tpu.memory_space<vmem>>, vector<128x128xf32>
    %dot_general3A = arith.constant dense<0.000000e+00> : vector<1024x128xf32>
    %dot_general3A_33 = tpu.matmul %max3A_29, %get3A_32, %dot_general3A {dimension_numbers = #tpu.dot_dimension_numbers<[1], [0], [0], [1], [0, 0, 1, 1], [], []>, transpose_lhs_hint = false} : vector<1024x128xf32>, vector<128x128xf32>, vector<1024x128xf32> -> vector<1024x128xf32>
    %get3A_34 = arith.constant 0 : index
    %get3A_35 = arith.constant 0 : index
    %get3A_36 = vector.load %arg6[%get3A_34, %get3A_35] : memref<1x128xf32, #tpu.memory_space<vmem>>, vector<1x128xf32>
    %add3A_37 = vector.broadcast %get3A_36 : vector<1x128xf32> to vector<1024x128xf32>
    %add3A_38 = arith.addf %dot_general3A_33, %add3A_37 : vector<1024x128xf32>
    %swap3A = arith.constant 0 : index
    %swap3A_39 = arith.constant 0 : index
    %swap3A_40 = vector.load %arg7[%swap3A, %swap3A_39] : memref<1024x128xf32, #tpu.memory_space<vmem>>, vector<1024x128xf32>
    tpu.vector_store %arg7[%swap3A, %swap3A_39], %add3A_38 {strides = array<i32>} : memref<1024x128xf32, #tpu.memory_space<vmem>>, vector<1024x128xf32>,
    %get3A_41 = arith.constant 0 : index
    %get3A_42 = arith.constant 0 : index
    %get3A_43 = vector.load %arg5[%get3A_41, %get3A_42] : memref<128x128xf32, #tpu.memory_space<vmem>>, vector<128x128xf32>
    %dot_general3A_44 = arith.constant dense<0.000000e+00> : vector<1024x128xf32>
    %dot_general3A_45 = tpu.matmul %max3A_29, %get3A_43, %dot_general3A_44 {dimension_numbers = #tpu.dot_dimension_numbers<[1], [0], [0], [1], [0, 0, 1, 1], [], []>, transpose_lhs_hint = false} : vector<1024x128xf32>, vector<128x128xf32>, vector<1024x128xf32> -> vector<1024x128xf32>
    %swap3A_46 = arith.constant 0 : index
    %swap3A_47 = arith.constant 0 : index
    %swap3A_48 = vector.load %arg8[%swap3A_46, %swap3A_47] : memref<1024x128xf32, #tpu.memory_space<vmem>>, vector<1024x128xf32>
    tpu.vector_store %arg8[%swap3A_46, %swap3A_47], %dot_general3A_45 {strides = array<i32>} : memref<1024x128xf32, #tpu.memory_space<vmem>>, vector<1024x128xf32>,
    return
  }
  func.func @transform_0(%arg0: i32) -> (i32, i32) {
    %c0_i32 = arith.constant 0 : i32
    %c0_i32_0 = arith.constant 0 : i32
    return %arg0, %c0_i32 : i32, i32
  }
  func.func @transform_1(%arg0: i32) -> (i32, i32, i32) {
    %c0_i32 = arith.constant 0 : i32
    %c0_i32_0 = arith.constant 0 : i32
    %c0_i32_1 = arith.constant 0 : i32
    return %c0_i32, %arg0, %c0_i32_0 : i32, i32, i32
  }
  func.func @transform_2(%arg0: i32) -> (i32, i32, i32) {
    %c0_i32 = arith.constant 0 : i32
    %c0_i32_0 = arith.constant 0 : i32
    %c0_i32_1 = arith.constant 0 : i32
    return %c0_i32, %arg0, %c0_i32_0 : i32, i32, i32
  }
  func.func @transform_3(%arg0: i32) -> (i32, i32) {
    %c0_i32 = arith.constant 0 : i32
    %c0_i32_0 = arith.constant 0 : i32
    %c0_i32_1 = arith.constant 0 : i32
    return %c0_i32, %c0_i32_0 : i32, i32
  }
  func.func @transform_4(%arg0: i32) -> (i32, i32) {
    %c0_i32 = arith.constant 0 : i32
    %c0_i32_0 = arith.constant 0 : i32
    %c0_i32_1 = arith.constant 0 : i32
    return %c0_i32, %c0_i32_0 : i32, i32
  }
  func.func @transform_5(%arg0: i32) -> (i32, i32) {
    %c0_i32 = arith.constant 0 : i32
    %c0_i32_0 = arith.constant 0 : i32
    %c0_i32_1 = arith.constant 0 : i32
    return %c0_i32, %c0_i32_0 : i32, i32
  }
  func.func @transform_6(%arg0: i32) -> (i32, i32) {
    %c0_i32 = arith.constant 0 : i32
    %c0_i32_0 = arith.constant 0 : i32
    return %arg0, %c0_i32 : i32, i32
  }
  func.func @transform_7(%arg0: i32) -> (i32, i32) {
    %c0_i32 = arith.constant 0 : i32
    %c0_i32_0 = arith.constant 0 : i32
    return %arg0, %c0_i32 : i32, i32
  }
}

module attributes {stable_mosaic.version = 14 : i64} {
  func.func @_tc_post_body(%arg0: i32, %arg1: memref<1024x128xf32, #tpu.memory_space<vmem>>, %arg2: memref<2x1024x128xf32, #tpu.memory_space<vmem>>, %arg3: memref<2x1024x1xf32, #tpu.memory_space<vmem>>, %arg4: memref<1024x128xf32, #tpu.memory_space<vmem>>) attributes {dimension_semantics = [#tpu.dimension_semantics<arbitrary>], iteration_bounds = array<i64: 10>, scalar_prefetch = 0 : i64, scratch_operands = 0 : i64, tpu.core_type = #tpu.core_type<tc>, window_params = [{transform_indices = @transform_0, window_bounds = array<i64: 1024, 128>}, {transform_indices = @transform_1, window_bounds = array<i64: 2, 1024, 128>}, {transform_indices = @transform_2, window_bounds = array<i64: 2, 1024, 1>}, {transform_indices = @transform_3, window_bounds = array<i64: 1024, 128>}]} {
    %get3A = arith.constant 0 : index
    %get3A_0 = arith.constant 0 : index
    %get3A_1 = arith.constant 0 : index
    %get3A_2 = vector.load %arg2[%get3A, %get3A_0, %get3A_1] : memref<2x1024x128xf32, #tpu.memory_space<vmem>>, vector<1x1024x128xf32>
    %get3A_3 = vector.shape_cast %get3A_2 : vector<1x1024x128xf32> to vector<1024x128xf32>
    %get3A_4 = arith.constant 1 : index
    %get3A_5 = arith.constant 0 : index
    %get3A_6 = arith.constant 0 : index
    %get3A_7 = vector.load %arg2[%get3A_4, %get3A_5, %get3A_6] : memref<2x1024x128xf32, #tpu.memory_space<vmem>>, vector<1x1024x128xf32>
    %get3A_8 = vector.shape_cast %get3A_7 : vector<1x1024x128xf32> to vector<1024x128xf32>
    %add3A = arith.addf %get3A_3, %get3A_8 : vector<1024x128xf32>
    %get3A_9 = arith.constant 0 : index
    %get3A_10 = arith.constant 0 : index
    %get3A_11 = arith.constant 0 : index
    %get3A_12 = vector.load %arg3[%get3A_9, %get3A_10, %get3A_11] : memref<2x1024x1xf32, #tpu.memory_space<vmem>>, vector<1x1024x1xf32>
    %get3A_13 = vector.shape_cast %get3A_12 : vector<1x1024x1xf32> to vector<1024x1xf32>
    %get3A_14 = arith.constant 1 : index
    %get3A_15 = arith.constant 0 : index
    %get3A_16 = arith.constant 0 : index
    %get3A_17 = vector.load %arg3[%get3A_14, %get3A_15, %get3A_16] : memref<2x1024x1xf32, #tpu.memory_space<vmem>>, vector<1x1024x1xf32>
    %get3A_18 = vector.shape_cast %get3A_17 : vector<1x1024x1xf32> to vector<1024x1xf32>
    %add3A_19 = arith.addf %get3A_13, %get3A_18 : vector<1024x1xf32>
    %max3A = arith.constant 1.000000e+00 : f32
    %max3A_20 = vector.broadcast %max3A : f32 to vector<1024x1xf32>
    %max3A_21 = arith.maximumf %add3A_19, %max3A_20 : vector<1024x1xf32>
    %get3A_22 = arith.constant 0 : index
    %get3A_23 = arith.constant 0 : index
    %get3A_24 = vector.load %arg1[%get3A_22, %get3A_23] : memref<1024x128xf32, #tpu.memory_space<vmem>>, vector<1024x128xf32>
    %div3A = vector.broadcast %max3A_21 : vector<1024x1xf32> to vector<1024x128xf32>
    %div3A_25 = arith.divf %add3A, %div3A : vector<1024x128xf32>
    %add3A_26 = arith.addf %get3A_24, %div3A_25 : vector<1024x128xf32>
    %reduce_max3A = arith.constant dense<0xFF800000> : vector<1024xf32>
    %reduce_max3A_27 = vector.multi_reduction <maximumf>, %add3A_26, %reduce_max3A [1] : vector<1024x128xf32> to vector<1024xf32>
    %broadcast_in_dim3A = vector.shape_cast %reduce_max3A_27 : vector<1024xf32> to vector<1024x1xf32>
    %sub3A = vector.broadcast %broadcast_in_dim3A : vector<1024x1xf32> to vector<1024x128xf32>
    %sub3A_28 = arith.subf %add3A_26, %sub3A : vector<1024x128xf32>
    %exp3A = math.exp %sub3A_28 : vector<1024x128xf32>
    %reduce_sum3A = arith.constant dense<0.000000e+00> : vector<1024xf32>
    %reduce_sum3A_29 = vector.multi_reduction <add>, %exp3A, %reduce_sum3A [1] : vector<1024x128xf32> to vector<1024xf32>
    %broadcast_in_dim3A_30 = vector.shape_cast %reduce_sum3A_29 : vector<1024xf32> to vector<1024x1xf32>
    %log3A = math.log %broadcast_in_dim3A_30 : vector<1024x1xf32>
    %sub3A_31 = vector.broadcast %broadcast_in_dim3A : vector<1024x1xf32> to vector<1024x128xf32>
    %sub3A_32 = arith.subf %add3A_26, %sub3A_31 : vector<1024x128xf32>
    %sub3A_33 = vector.broadcast %log3A : vector<1024x1xf32> to vector<1024x128xf32>
    %sub3A_34 = arith.subf %sub3A_32, %sub3A_33 : vector<1024x128xf32>
    %swap3A = arith.constant 0 : index
    %swap3A_35 = arith.constant 0 : index
    %swap3A_36 = vector.load %arg4[%swap3A, %swap3A_35] : memref<1024x128xf32, #tpu.memory_space<vmem>>, vector<1024x128xf32>
    tpu.vector_store %arg4[%swap3A, %swap3A_35], %sub3A_34 {strides = array<i32>} : memref<1024x128xf32, #tpu.memory_space<vmem>>, vector<1024x128xf32>,
    return
  }
  func.func @transform_0(%arg0: i32) -> (i32, i32) {
    %c0_i32 = arith.constant 0 : i32
    %c0_i32_0 = arith.constant 0 : i32
    return %arg0, %c0_i32 : i32, i32
  }
  func.func @transform_1(%arg0: i32) -> (i32, i32, i32) {
    %c0_i32 = arith.constant 0 : i32
    %c0_i32_0 = arith.constant 0 : i32
    %c0_i32_1 = arith.constant 0 : i32
    return %c0_i32, %arg0, %c0_i32_0 : i32, i32, i32
  }
  func.func @transform_2(%arg0: i32) -> (i32, i32, i32) {
    %c0_i32 = arith.constant 0 : i32
    %c0_i32_0 = arith.constant 0 : i32
    %c0_i32_1 = arith.constant 0 : i32
    return %c0_i32, %arg0, %c0_i32_0 : i32, i32, i32
  }
  func.func @transform_3(%arg0: i32) -> (i32, i32) {
    %c0_i32 = arith.constant 0 : i32
    %c0_i32_0 = arith.constant 0 : i32
    return %arg0, %c0_i32 : i32, i32
  }
}

</mosaic_0001>

<sc_bundles>
// kernel: gather_offload_async_start.1
scs
__scs_entry_jumppad:
0x0: {  	(pc) =	sbr.rel $0x88, $3  }
0x1: {  	(tag) =	ssettag $0x0;
	lr =	simm.s32 $0x1  }
0x2: {  	[smem:$0x3F98] =	sst lr;
	_ =	strace $0xD0000000  }
0x3: {  	_ = 	snop  }
0x4: {  	_ = 	snop  }
0x5: {  	_ = 	snop  }
0x6: {  	_ = 	snop  }
0x7: {  	_ = 	snop  }
__scs_overlays_trampoline_lowered:
0x8: {  	[smem:$0x3FA7] =	sst s0  }
0x9: {  	[smem:$0x3FA8] =	sst s1  }
0xa: {  	[smem:$0x3FA9] =	sst s2  }
0xb: {  	[smem:$0x3FAA] =	sst s3  }
0xc: {  	[smem:$0x3FAB] =	sst s4  }
0xd: {  	[smem:$0x3FAC] =	sst s5  }
0xe: {  	[smem:$0x3FAD] =	sst s6  }
0xf: {  	[smem:$0x3FAE] =	sst s7  }
0x10: {  	[smem:$0x3FAF] =	sst s8  }
0x11: {  	[smem:$0x3FB0] =	sst s9;
	s0 =	simm.s32 @!p0 $0x0  }
0x12: {  	s1 =	sld [smem:$0x3F96];
	s0 =	simm.s32 @p0 $0x1  }
0x13: {  	[smem:$0x3FB1] =	sst s0;
	s0 =	simm.s32 @!p1 $0x0  }
0x14: {  	s2 =	sld [smem:$0x3F95];
	s0 =	simm.s32 @p1 $0x1  }
0x15: {  	[smem:$0x3FB2] =	sst s0;
	s0 =	simm.s32 @!p2 $0x0  }
0x16: {  	s3 =	sld [smem:$0x3FDB];
	s0 =	simm.s32 @p2 $0x1  }
0x17: {  	s4 =	simm.s32 $0x1BF5;
	[smem:$0x3FB4] =	sst s0  }
0x18: {  	s0 =	sld [smem:$0x3F97];
	_ =	swait.ge [sflag:s4], $0x0  }
0x19: {  	s7 =	sld [smem:$0x3F98]  }
0x1a: {  	s8 =	sadd.s32 $0xFFFFE003, lr  }
0x1b: {  	s9 =	sadd.s32 $0xFFFFFEF7, lr;
	s5 =	simm.s32 $0xFFFFFFFF;
	p2 =	slt.u32 s8, $0xFFFFF086  }
0x1c: {  	p1 =	slt.u32 s9, $0xF7A;
	s5 =	simm.s32 @!p2 $0x0  }
0x1d: {  	s5 =	simm.s32 @p1 $0x1;
	p0 =	seq.s32 s7, s2  }
0x1e: {  	s7 =	smul.u32 @!p0 $0xF7A, s2;
	p2 =	seq.s32 @!p0 s5, $0x0  }
0x1f: {  	s9 =	smul.u32 $0xF7A, s1;
	s8 =	simm.s32 @!p0 $0x1BF5;
	p2 =	por !p2, p0  }
0x20: {  	[sflag:s8] =	ssyncset.s32 @!p0 $0xFFFFF086;
	s6 =	sadd.s32 @!p0 s3, s7;
	s7 =	simm.s32 @!p0 $0x108  }
0x21: {  	s3 =	sadd.s32 s3, s9;
	s6 =	sadd.s32 @!p0 $0x88, s6;
	s7 =	simm.s32 @p2 $0x1082  }
0x22: {  	[simem:s7], [sflag:s8] =	dma.local @!p0 [hbm:s6], $0xF7A  }
0x23: {  	s9 =	sor.u32 $0xD0000000, s2;
	s6 =	simm.s32 $0x108;
	_ =	swait.ge @!p0 [sflag:s8], $0x0  }
0x24: {  	s3 =	sadd.s32 $0x88, s3;
	s6 =	simm.s32 @!p1 $0x1082;
	[sflag:s4] =	ssyncset.s32 $0xFFFFF086  }
0x25: {  	[simem:s6], [sflag:s4] =	dma.local [hbm:s3], $0xF7A  }
0x26: {  	[smem:$0x3F98] =	sst s1;
	(tag) =	ssettag s2;
	_ =	strace s9  }
0x27: {  	s1 =	sld [smem:$0x3FA8]  }
0x28: {  	s2 =	sld [smem:$0x3FA9]  }
0x29: {  	s4 =	sld [smem:$0x3FAB]  }
0x2a: {  	p0 =	seq.s32 s5, $0x0;
	s5 =	sld [smem:$0x3FAC]  }
0x2b: {  	s6 =	sld [smem:$0x3FAD]  }
0x2c: {  	s7 =	sld [smem:$0x3FAE]  }
0x2d: {  	s3 =	simm.s32 $0x108;
	s8 =	sld [smem:$0x3FAF]  }
0x2e: {  	s3 =	simm.s32 @!p0 $0x1082;
	s9 =	sld [smem:$0x3FB0]  }
0x2f: {  	lr =	sadd.s32 s0, s3;
	s0 =	sld [smem:$0x3FA7]  }
0x30: {  	s3 =	sld [smem:$0x3FAA]  }
0x31: {  	[smem:$0x3FB3] =	sst s10  }
0x32: {  	s10 =	sld [smem:$0x3FB1];
	_ =	sdelay $0x3  }
0x33: {  	p0 =	seq.s32 s10, $0x1;
	s10 =	sld [smem:$0x3FB3];
	_ =	sdelay $0x3  }
0x34: {  	[smem:$0x3FB3] =	sst s10  }
0x35: {  	s10 =	sld [smem:$0x3FB2];
	_ =	sdelay $0x3  }
0x36: {  	p1 =	seq.s32 s10, $0x1;
	s10 =	sld [smem:$0x3FB3];
	_ =	sdelay $0x3  }
0x37: {  	[smem:$0x3FB3] =	sst s10  }
0x38: {  	s10 =	sld [smem:$0x3FB4]  }
0x39: {  	_ = 	snop;
	(pc) =	sbr.ind lr, $3  }
0x3a: {  	_ = 	snop  }
0x3b: {  	_ = 	snop  }
0x3c: {  	p2 =	seq.s32 s10, $0x1;
	s10 =	sld [smem:$0x3FB3]  }
0x3d: {  	_ =	shalt  }
0x3e: {  	_ =	shalt  }
0x3f: {  	_ =	shalt  }
0x40: {  	_ =	shalt  }
0x41: {  	_ =	shalt  }
0x42: {  	_ =	shalt  }
0x43: {  	_ =	shalt  }
0x44: {  	_ =	shalt  }
0x45: {  	_ =	shalt  }
0x46: {  	_ =	shalt  }
0x47: {  	_ =	shalt  }
0x48: {  	_ =	shalt  }
0x49: {  	_ =	shalt  }
0x4a: {  	_ =	shalt  }
0x4b: {  	_ =	shalt  }
0x4c: {  	_ =	shalt  }
0x4d: {  	_ =	shalt  }
0x4e: {  	_ =	shalt  }
0x4f: {  	_ =	shalt  }
0x50: {  	_ =	shalt  }
0x51: {  	_ =	shalt  }
0x52: {  	_ =	shalt  }
0x53: {  	_ =	shalt  }
0x54: {  	_ =	shalt  }
0x55: {  	_ =	shalt  }
0x56: {  	_ =	shalt  }
0x57: {  	_ =	shalt  }
0x58: {  	_ =	shalt  }
0x59: {  	_ =	shalt  }
0x5a: {  	_ =	shalt  }
0x5b: {  	_ =	shalt  }
0x5c: {  	_ =	shalt  }
0x5d: {  	_ =	shalt  }
0x5e: {  	_ =	shalt  }
0x5f: {  	_ =	shalt  }
0x60: {  	_ =	shalt  }
0x61: {  	_ =	shalt  }
0x62: {  	_ =	shalt  }
0x63: {  	_ =	shalt  }
0x64: {  	_ =	shalt  }
0x65: {  	_ =	shalt  }
0x66: {  	_ =	shalt  }
0x67: {  	_ =	shalt  }
0x68: {  	_ =	shalt  }
0x69: {  	_ =	shalt  }
0x6a: {  	_ =	shalt  }
0x6b: {  	_ =	shalt  }
0x6c: {  	_ =	shalt  }
0x6d: {  	_ =	shalt  }
0x6e: {  	_ =	shalt  }
0x6f: {  	_ =	shalt  }
0x70: {  	_ =	shalt  }
0x71: {  	_ =	shalt  }
0x72: {  	_ =	shalt  }
0x73: {  	_ =	shalt  }
0x74: {  	_ =	shalt  }
0x75: {  	_ =	shalt  }
0x76: {  	_ =	shalt  }
0x77: {  	_ =	shalt  }
0x78: {  	_ =	shalt  }
0x79: {  	_ =	shalt  }
0x7a: {  	_ =	shalt  }
0x7b: {  	_ =	shalt  }
0x7c: {  	_ =	shalt  }
0x7d: {  	_ =	shalt  }
0x7e: {  	_ =	shalt  }
0x7f: {  	_ =	shalt  }
0x80: {  	_ =	shalt  }
0x81: {  	_ =	shalt  }
0x82: {  	_ =	shalt  }
0x83: {  	_ =	shalt  }
0x84: {  	_ =	shalt  }
0x85: {  	_ =	shalt  }
0x86: {  	_ =	shalt  }
0x87: {  	_ =	shalt  }
.Lfunc_end0:
.L_simem_size_0:
called_computation.1_lowered:
.L_overlay_start_0:
0x88: {  	s2 =	sld [smem:$0x3FD9]  }
0x89: {  	s3 =	sld [smem:$0x3FFE];
	_ =	sdelay $0x1  }
0x8a: {  	s1 =	srdreg.scid  }
0x8b: {  	s0 =	sand.u32 $0x1, s1  }
0x8c: {  	s17 =	sshll.u32 s0, $0xA;
	s2 =	sadd.s32 s3, s2  }
0x8d: {  	s2 =	sadd.s32 s2, s17  }
0x8e: {  	[smem:$0x3FBF] =	sst s2  }
0x8f: {  	_ = 	snop  }
0x90: {  	(tm) =	ssettm $0x1  }
0x91: {  	s18 =	sld [smem:$0x3FFB];
	_ =	sdelay $0x3  }
0x92: {  	_ =	strace s18  }
0x93: {  	s2 =	sld [smem:$0x3FFC];
	_ =	sdelay $0x3  }
0x94: {  	_ =	strace s2  }
0x95: {  	s2 =	sld [smem:$0x3FFD];
	_ =	sdelay $0x3  }
0x96: {  	_ =	strace s2  }
0x97: {  	_ =	strace $0x8FFFFFFF  }
0x98: {  	s19 =	sld [smem:$0x3FDB];
	_ =	sdelay $0x1  }
0x99: {  	s20 =	simm.s32 $_scs_section_size  }
0x9a: {  	s4 =	simm.s32 $_size__tile_overlayer_lowered;
	s5 =	simm.s32 $_tile_overlayer_lowered  }
0x9b: {  	s6 =	simm.s32 $0x1BFF;
	s21 =	sshll.u32 s5, $0x1;
	s3 =	sadd.s32 s20, s19  }
0x9c: {  	s22 =	simm.s32 $0x0;
	s4 =	sshll.u32 s4, $0x1;
	s5 =	sadd.s32 s21, s3  }
0x9d: {  	[timem:s22], [sflag:s6] =	dma.local [hbm:s5], s4  }
0x9e: {  	_ =	swait.ge [sflag:s6], s4  }
0x9f: {  	s4 =	ssub.s32 $0x0, s4;
	[sflag:s6] =	ssyncset.done $0x0  }
0xa0: {  	[sflag:s6] =	ssyncadd.s32 s4;
	_ =	sdelay $0x1  }
0xa1: {  	s23 =	simm.s32 $0x1B8B  }
0xa2: {  	_ =	swait.ge [sflag:s23], $0x1  }
0xa3: {  	[sflag:s23] =	ssyncset.done $0x0  }
0xa4: {  	[sflag:s23] =	ssyncadd.s32 $0xFFFFFFFF  }
0xa5: {  	s4 =	sld [smem:$0x0]  }
0xa6: {  	s5 =	sand.u32 $0xFFFFFFFE, s1  }
0xa7: {  	p0 =	sne.s32 s1, s5  }
0xa8: {  	s5 =	sshll.u32 @p0 s5, $0xE  }
0xa9: {  	s5 =	sadd.s32 @p0 $0x11B8D, s5;
	s6 =	sshll.u32 @p0 s4, $0x11  }
0xaa: {  	s5 =	sor.u32 @p0 s6, s5  }
0xab: {  	[sflag:s5] =	ssyncadd.remote.s32 @p0 $0x1;
	_ =	sdelay $0x1  }
0xac: {  	s5 =	simm.s32 @p0 $0x1B8D  }
0xad: {  	_ =	swait.eq @p0 [sflag:s5], $0x1  }
0xae: {  	[sflag:s5] =	ssyncadd.s32 @p0 $0xFFFFFFFF  }
0xaf: {  	s6 =	sshll.u32 @!p0 s1, $0xE  }
0xb0: {  	s6 =	sor.u32 @!p0 $0x4000, s6;
	s5 =	simm.s32 @!p0 $0x1B8D  }
0xb1: {  	s4 =	sshll.u32 @!p0 s4, $0x11;
	s6 =	sadd.s32 @!p0 $0x11B8D, s6;
	_ =	swait.eq @!p0 [sflag:s5], $0x1  }
0xb2: {  	s4 =	sor.u32 @!p0 s4, s6;
	[sflag:s5] =	ssyncadd.s32 @!p0 $0xFFFFFFFF  }
0xb3: {  	s25 =	simm.s32 $0x1B8E;
	s24 =	sld [smem:$0x3FFE];
	[sflag:s4] =	ssyncadd.remote.s32 @!p0 $0x1  }
0xb4: {  	s26 =	simm.s32 $execute0_lowered;
	[smem:$0x3FD2] =	sst s25  }
0xb5: {  	s5 =	sshll.u32 s26, $0x1;
	_ =	strace $0x80000049;
	[dreg:$0x1] =	wrdreg $0xFFFFFFFF  }
0xb6: {  	s28 =	simm.s32 $_size_execute0_lowered;
	s3 =	sadd.s32 s3, s5;
	[dreg:$0x0] =	wrdreg $0x0  }
0xb7: {  	s5 =	sshll.u32 s28, $0x1;
	[dreg:$0x2] =	wrdreg s3  }
0xb8: {  	[dreg:$0x3] =	wrdreg s5  }
0xb9: {  	[dreg:$0x4] =	wrdreg $0xC0  }
0xba: {  	_ =	task [dreg:s22], $0x5FFFF  }
0xbb: {  	[dreg:$0x1] =	wrdreg $0xFFFFFFFF  }
0xbc: {  	[dreg:$0x0] =	wrdreg $0x60  }
0xbd: {  	[dreg:$0x2] =	wrdreg s24  }
0xbe: {  	[dreg:$0x3] =	wrdreg $0xA  }
0xbf: {  	_ =	task.clear_ibuf [dreg:s22], $0x4FFFF;
	_ =	strace $0x90000049  }
0xc0: {  	s29 =	simm.s32 $0xA;
	_ =	strace $0x8000004B  }
0xc1: {  	_ =	swait.ge [sflag:s29], $0x1  }
0xc2: {  	[sflag:s29] =	ssyncadd.s32 $0xFFFFFFFF  }
0xc3: {  	_ =	strace $0x9000004B  }
0xc4: {  	_ =	sfence  }
0xc5: {  	s30 =	sld [smem:$0x0];
	_ =	sdelay $0x2  }
0xc6: {  	s31 =	sshll.u32 s1, $0xD;
	s1 =	sshrl.u32 s1, $0x2  }
0xc7: {  	s4 =	sand.u32 $0x4000, s31;
	s1 =	sadd.s32 s1, s30  }
0xc8: {  	s0 =	sor.u32 s4, s0;
	s1 =	sshll.u32 s1, $0x11  }
0xc9: {  	s0 =	sor.u32 s1, s0  }
0xca: {  	s0 =	sadd.s32 $0x8F2B, s0  }
0xcb: {  	[sflag:s0] =	ssyncadd.remote.s32 $0x1  }
0xcc: {  	_ =	sfence.sel $0xFFFF  }
0xcd: {  	[dreg:$0x0] =	wrdreg $0xFFFFFFFF;
	(pc) =	sbr.abs _section_cstart, $3  }
0xce: {  	[dreg:$0x1] =	wrdreg $0xFFFFFFFF  }
0xcf: {  	_ =	task.clear_ibuf [dreg:s22], $0x2FFFF;
	_ =	strace $0x9FFFFFFF  }
0xd0: {  	(tm) =	ssettm $0x7FFFFFFF  }
0xd1: {  	_ =	shalt  }
tec
execute0_lowered:
.L_overlay_start_1:
0x0: {  	(tag) =	ssettag $0x1  }
0x1: {  	s0 =	srdreg.scid  }
0x2: {  	s1 =	sshll.u32 s0, $0x4  }
0x3: {  	s0 =	stileid.u32;
	s1 =	sand.u32 $0x10, s1  }
0x4: {  	s1 =	sor.u32 s0, s1  }
0x5: {  	s9 =	rddreg [dreg:$0x0];
	s6 =	simm.s32 $0x1;
	s2 =	smin.u32 s1, $0x8  }
0x6: {  	p0 =	slt.u32 s1, $0x8;
	s2 =	sadd.s32 s1, s2;
	s1 =	simm.s32 $0x80  }
0x7: {  	s7 =	simm.s32 $0x2;
	s2 =	sshll.u32 s2, $0x6;
	s1 =	simm.s32 @!p0 $0x40  }
0x8: {  	s10 =	simm.s32 $0x3;
	s13 =	simm.s32 $0x0;
	s3 =	sadd.s32 s1, s2  }
0x9: {  	s12 =	simm.s32 $0x0;
	s4 =	sadd.s32 $0xD200, s9;
	s3 =	smin.u32 s3, $0xA00  }
.Ltmp0:
0xa: {  	s5 =	sadd.s32 $0x3000, s9;
	s8 =	ssub.s32 s3, s2;
	(pc) =	sbr.rel .LBB2_1-.Ltmp0, $4  }
0xb: {  	s1 =	rddreg [dreg:$0x1];
	_ =	strace $0x8000004A;
	p0 =	sgt.s32 s8, $0x0  }
0xc: {  	s9 =	sadd.s32 $0x21200, s9;
	[sflag:s6] =	ssyncpa.u1 $0x0;
	s8 =	simm.s32 @!p0 $0x0  }
0xd: {  	s11 =	smov.u32 s2;
	[sflag:s7] =	ssyncpa.u1 $0x0;
	s8 =	sshrl.u32 s8, $0x6  }
0xe: {  	vm0 =	vmmov $0xff;
	vm1 =	vcmask $0x3F20;
	[sflag:s10] =	ssyncpa.u1 $0x0;
	p0 =	por $0x0, $0x0;
	s10 =	sadd.s32 $0x1, s8  }
.LBB2_6:
0xf: {  	[hbm:s17] =	stream.linear.scatter [tilespmem:s14], [sflag:$0x3], $0x400, $0x38;
	[tilespmem:$0x4080] =	vst v63  }
.LBB2_7:
0x10: {  	s13 =	sadd.s32 $0x40, s11  }
0x11: {  	s15 =	smov.u32 s2;
	p2 =	slt.s32 s13, s3  }
0x12: {  	s15 =	smov.u32 @p2 s13;
	p2 =	sne.s32 s12, s10  }
.Ltmp1:
0x13: {  	p1 =	slt.u32 s12, $0x2;
	(pc) =	sbr.rel @!p2 .LBB2_8-.Ltmp1, $4  }
0x14: {  	s14 =	simm.s32 @!p1 $0x3  }
0x15: {  	s16 =	sadd.s32 $0x1, s12;
	_ =	swait.ge @!p1 [sflag:s14], $0x2000  }
0x16: {  	p0 =	por !p0, !p0;
	s13 =	smov.u32 s11;
	[sflag:s14] =	ssyncset.done @!p1 $0x0  }
0x17: {  	s12 =	smov.u32 s16;
	s11 =	smov.u32 s15;
	[sflag:s14] =	ssyncadd.s32 @!p1 $0xFFFFE000  }
.LBB2_1:
0x18: {  	p1 =	sge.u32 s12, s8  }
0x19: {  	s14 =	sxor.u32 @!p1 $0xFFFFFFFF, s12  }
0x1a: {  	s31 =	sadd.s32 $0xFFFFFFFF, s12;
	s15 =	sshrl.u32 @!p1 s11, $0x3;
	s14 =	sshll.u32 @!p1 s14, $0x6  }
0x1b: {  	s16 =	sand.u32 @!p1 $0x7, s11;
	s15 =	sadd.s32 @!p1 s5, s15;
	s14 =	sand.u32 @!p1 $0x40, s14  }
0x1c: {  	[tilespmem:s14], [sflag:$0x2] =	stream.linear.gather @!p1 [hbm4b:s15+s16], $0x40, $0x38;
	[tilespmem:$0x4080] =	vst v63  }
0x1d: {  	p1 =	sge.u32 s31, s8  }
.Ltmp2:
0x1e: {  	_ = 	snop;
	(pc) =	sbr.rel @p1 .LBB2_7-.Ltmp2, $1  }
0x1f: {  	_ =	sdelay $0x3  }
0x20: {  	s14 =	simm.s32 $0x1  }
0x21: {  	_ =	swait.ge [sflag:s7], $0x40;
	s14 =	simm.s32 @!p0 $0x0  }
0x22: {  	[sflag:s7] =	ssyncset.done $0x0;
	s16 =	sshll.u32 s14, $0x6  }
0x23: {  	[sflag:s7] =	ssyncadd.s32 $0xFFFFFFC0;
	s15 =	sadd.s32 $0x0, s16  }
0x24: {  	v0 =	vld.msk [tilespmem:s15+$0x0 ss:$0x1], $0xffff;
	_ =	sdelay $0x4  }
0x25: {  	vm2 =	vgt.s32 v0, $0x0  }
0x26: {  	v0 =	vnsel vm2, $0x0, v0  }
0x27: {  	v0 =	vmin.u32 v0, $0x9FF  }
0x28: {  	v0 =	vshll.u32 v0, $0x4;
	_ =	sdelay $0x2  }
0x29: {  	s14 =	sshll.u32 s14, $0xD  }
0x2a: {  	s14 =	sor.u32 $0x80, s14  }
0x2b: {  	[tilespmem:s14], [sflag:$0x1] =	stream.indirect_vreg.gather [hbm:s4], $0x80, v0, vm0, $0x38;
	[tilespmem:$0x4080] =	vst v63  }
0x2c: {  	s17 =	sadd.s32 $0x10, s16;
	s15 =	sadd.s32 $0x400, s14  }
0x2d: {  	[tilespmem:s15], [sflag:$0x1] =	stream.indirect_vreg.gather [hbm:s4], $0x80, v0, vm1, $0x38;
	[tilespmem:$0x4080] =	vst v63  }
0x2e: {  	s18 =	simm.s32 $0x80;
	v0 =	vld.msk [tilespmem:s17+$0x0 ss:$0x1], $0xffff;
	s17 =	smov.u32 s14  }
.LBB2_3:
0x2f: {  	p1 =	sne.s32 s18, $0xC0;
	_ =	sdelay $0x4  }
0x30: {  	vm2 =	vgt.s32 v0, $0x0  }
0x31: {  	v0 =	vnsel vm2, $0x0, v0  }
0x32: {  	v0 =	vmin.u32 v0, $0x9FF  }
0x33: {  	v0 =	vshll.u32 v0, $0x4;
	_ =	sdelay $0x3  }
.Ltmp3:
0x34: {  	s19 =	sshra.s32 s18, $0x2;
	s17 =	sadd.s32 $0x800, s17;
	(pc) =	sbr.rel @p1 .LBB2_3-.Ltmp3, $4  }
0x35: {  	[tilespmem:s17], [sflag:$0x1] =	stream.indirect_vreg.gather [hbm:s4], $0x80, v0, vm0, $0x38;
	[tilespmem:$0x4080] =	vst v63  }
0x36: {  	s19 =	sadd.s32 s19, s16;
	s20 =	sadd.s32 $0x400, s17  }
0x37: {  	[tilespmem:s20], [sflag:$0x1] =	stream.indirect_vreg.gather [hbm:s4], $0x80, v0, vm1, $0x38;
	[tilespmem:$0x4080] =	vst v63  }
0x38: {  	s18 =	sadd.s32 $0x40, s18;
	v0 =	vld.msk [tilespmem:s19+$0x0 ss:$0x1], $0xffff  }
0x39: {  	_ =	sdelay $0x3  }
0x3a: {  	vm2 =	vgt.s32 v0, $0x0  }
0x3b: {  	v0 =	vnsel vm2, $0x0, v0  }
0x3c: {  	v0 =	vmin.u32 v0, $0x9FF  }
0x3d: {  	v0 =	vshll.u32 v0, $0x4;
	_ =	sdelay $0x3  }
0x3e: {  	s16 =	sadd.s32 $0x800, s17  }
0x3f: {  	[tilespmem:s16], [sflag:$0x1] =	stream.indirect_vreg.gather [hbm:s4], $0x80, v0, vm0, $0x38;
	[tilespmem:$0x4080] =	vst v63  }
0x40: {  	s16 =	sadd.s32 $0x400, s16  }
0x41: {  	[tilespmem:s16], [sflag:$0x1] =	stream.indirect_vreg.gather [hbm:s4], $0x80, v0, vm1, $0x38;
	[tilespmem:$0x4080] =	vst v63  }
0x42: {  	s13 =	sshll.u32 s13, $0x4;
	_ =	swait.ge [sflag:s6], $0x2000  }
0x43: {  	s13 =	sadd.s32 s13, s9;
	[sflag:s6] =	ssyncset.done $0x0  }
0x44: {  	s17 =	sadd.s32 $0x0, s13;
	s16 =	simm.s32 $0x80;
	[sflag:s6] =	ssyncadd.s32 $0xFFFFE000  }
.LBB2_5:
0x45: {  	[hbm:s17] =	stream.linear.scatter [tilespmem:s14], [sflag:$0x3], $0x400, $0x38;
	[tilespmem:$0x4080] =	vst v63  }
0x46: {  	s17 =	smov.u32 s16;
	s14 =	smov.u32 s15;
	p1 =	sne.s32 s16, $0x380  }
.Ltmp4:
0x47: {  	s16 =	sadd.s32 $0x80, s16;
	(pc) =	sbr.rel @p1 .LBB2_5-.Ltmp4, $2  }
0x48: {  	_ =	sdelay $0x2  }
0x49: {  	s15 =	sadd.s32 $0x400, s15;
	s17 =	sadd.s32 s17, s13  }
.Ltmp5:
0x4a: {  	_ = 	snop;
	(pc) =	sbr.rel .LBB2_6-.Ltmp5, $1  }
0x4b: {  	_ =	sdelay $0x3  }
.LBB2_8:
0x4c: {  	_ =	sfence.sel $0x180000  }
0x4d: {  	s2 =	simm.s32 $0x2;
	[bflag:$0x0] =	sbarrier.arrive $0xFFFF  }
0x4e: {  	s30 =	simm.s32 $0x3;
	[sflag:s2] =	ssyncpa.u1 $0x1  }
0x4f: {  	s31 =	simm.s32 $0x1;
	[sflag:s30] =	ssyncpa.u1 $0x1  }
0x50: {  	[sflag:s31] =	ssyncpa.u1 $0x1  }
0x51: {  	p0 =	sne.s32 s0, $0x0;
	_ =	strace $0x9000004A  }
0x52: {  	s0 =	sadd.s32 @!p0 $0x100000, s1;
	[bflag:$0x2] =	sbarrier.arrive $0xFFFF  }
0x53: {  	[sflag:s0] =	ssyncadd.tile.s32 @!p0 $0x1;
	_ =	shalt  }
.Lfunc_end2:
_tile_overlayer_lowered:
.L_overlay_start_2:
0x54: {  	(tag) =	ssettag $0x2  }
0x55: {  	s0 =	rddreg [dreg:$0x0];
	s2 =	stileid.u32  }
0x56: {  	s1 =	rddreg [dreg:$0x1];
	p0 =	sne.s32 s2, $0x0  }
0x57: {  	s3 =	rddreg [dreg:$0x2];
	[bflag:$0x3] =	sbarrier.arrive $0xFFFF;
	s2 =	simm.s32 @!p0 $0x1C01  }
0x58: {  	[timem:s3], [sflag:s2] =	dma.local @!p0 [hbm:s0], s1  }
0x59: {  	s0 =	simm.s32 @!p0 $0x1  }
0x5a: {  	_ =	swait.ge @!p0 [sflag:s0], s1  }
0x5b: {  	s1 =	ssub.s32 @!p0 $0x0, s1;
	[sflag:s0] =	ssyncset.done @!p0 $0x0  }
0x5c: {  	[sflag:s0] =	ssyncadd.s32 @!p0 s1  }
0x5d: {  	[bflag:$0x3] =	sbarrier.arrive $0xFFFF  }
0x5e: {  	_ =	shalt  }

// kernel: gather_offload_async_start.2
scs
__scs_entry_jumppad:
0x0: {  	(pc) =	sbr.rel $0x88, $3  }
0x1: {  	(tag) =	ssettag $0x0;
	lr =	simm.s32 $0x1  }
0x2: {  	[smem:$0x3F98] =	sst lr;
	_ =	strace $0xD0000000  }
0x3: {  	_ = 	snop  }
0x4: {  	_ = 	snop  }
0x5: {  	_ = 	snop  }
0x6: {  	_ = 	snop  }
0x7: {  	_ = 	snop  }
__scs_overlays_trampoline_lowered:
0x8: {  	[smem:$0x3FA7] =	sst s0  }
0x9: {  	[smem:$0x3FA8] =	sst s1  }
0xa: {  	[smem:$0x3FA9] =	sst s2  }
0xb: {  	[smem:$0x3FAA] =	sst s3  }
0xc: {  	[smem:$0x3FAB] =	sst s4  }
0xd: {  	[smem:$0x3FAC] =	sst s5  }
0xe: {  	[smem:$0x3FAD] =	sst s6  }
0xf: {  	[smem:$0x3FAE] =	sst s7  }
0x10: {  	[smem:$0x3FAF] =	sst s8  }
0x11: {  	[smem:$0x3FB0] =	sst s9;
	s0 =	simm.s32 @!p0 $0x0  }
0x12: {  	s1 =	sld [smem:$0x3F96];
	s0 =	simm.s32 @p0 $0x1  }
0x13: {  	[smem:$0x3FB1] =	sst s0;
	s0 =	simm.s32 @!p1 $0x0  }
0x14: {  	s2 =	sld [smem:$0x3F95];
	s0 =	simm.s32 @p1 $0x1  }
0x15: {  	[smem:$0x3FB2] =	sst s0;
	s0 =	simm.s32 @!p2 $0x0  }
0x16: {  	s3 =	sld [smem:$0x3FDB];
	s0 =	simm.s32 @p2 $0x1  }
0x17: {  	s4 =	simm.s32 $0x1BF5;
	[smem:$0x3FB4] =	sst s0  }
0x18: {  	s0 =	sld [smem:$0x3F97];
	_ =	swait.ge [sflag:s4], $0x0  }
0x19: {  	s7 =	sld [smem:$0x3F98]  }
0x1a: {  	s8 =	sadd.s32 $0xFFFFE003, lr  }
0x1b: {  	s9 =	sadd.s32 $0xFFFFFEF7, lr;
	s5 =	simm.s32 $0xFFFFFFFF;
	p2 =	slt.u32 s8, $0xFFFFF086  }
0x1c: {  	p1 =	slt.u32 s9, $0xF7A;
	s5 =	simm.s32 @!p2 $0x0  }
0x1d: {  	s5 =	simm.s32 @p1 $0x1;
	p0 =	seq.s32 s7, s2  }
0x1e: {  	s7 =	smul.u32 @!p0 $0xF7A, s2;
	p2 =	seq.s32 @!p0 s5, $0x0  }
0x1f: {  	s9 =	smul.u32 $0xF7A, s1;
	s8 =	simm.s32 @!p0 $0x1BF5;
	p2 =	por !p2, p0  }
0x20: {  	[sflag:s8] =	ssyncset.s32 @!p0 $0xFFFFF086;
	s6 =	sadd.s32 @!p0 s3, s7;
	s7 =	simm.s32 @!p0 $0x108  }
0x21: {  	s3 =	sadd.s32 s3, s9;
	s6 =	sadd.s32 @!p0 $0x88, s6;
	s7 =	simm.s32 @p2 $0x1082  }
0x22: {  	[simem:s7], [sflag:s8] =	dma.local @!p0 [hbm:s6], $0xF7A  }
0x23: {  	s9 =	sor.u32 $0xD0000000, s2;
	s6 =	simm.s32 $0x108;
	_ =	swait.ge @!p0 [sflag:s8], $0x0  }
0x24: {  	s3 =	sadd.s32 $0x88, s3;
	s6 =	simm.s32 @!p1 $0x1082;
	[sflag:s4] =	ssyncset.s32 $0xFFFFF086  }
0x25: {  	[simem:s6], [sflag:s4] =	dma.local [hbm:s3], $0xF7A  }
0x26: {  	[smem:$0x3F98] =	sst s1;
	(tag) =	ssettag s2;
	_ =	strace s9  }
0x27: {  	s1 =	sld [smem:$0x3FA8]  }
0x28: {  	s2 =	sld [smem:$0x3FA9]  }
0x29: {  	s4 =	sld [smem:$0x3FAB]  }
0x2a: {  	p0 =	seq.s32 s5, $0x0;
	s5 =	sld [smem:$0x3FAC]  }
0x2b: {  	s6 =	sld [smem:$0x3FAD]  }
0x2c: {  	s7 =	sld [smem:$0x3FAE]  }
0x2d: {  	s3 =	simm.s32 $0x108;
	s8 =	sld [smem:$0x3FAF]  }
0x2e: {  	s3 =	simm.s32 @!p0 $0x1082;
	s9 =	sld [smem:$0x3FB0]  }
0x2f: {  	lr =	sadd.s32 s0, s3;
	s0 =	sld [smem:$0x3FA7]  }
0x30: {  	s3 =	sld [smem:$0x3FAA]  }
0x31: {  	[smem:$0x3FB3] =	sst s10  }
0x32: {  	s10 =	sld [smem:$0x3FB1];
	_ =	sdelay $0x3  }
0x33: {  	p0 =	seq.s32 s10, $0x1;
	s10 =	sld [smem:$0x3FB3];
	_ =	sdelay $0x3  }
0x34: {  	[smem:$0x3FB3] =	sst s10  }
0x35: {  	s10 =	sld [smem:$0x3FB2];
	_ =	sdelay $0x3  }
0x36: {  	p1 =	seq.s32 s10, $0x1;
	s10 =	sld [smem:$0x3FB3];
	_ =	sdelay $0x3  }
0x37: {  	[smem:$0x3FB3] =	sst s10  }
0x38: {  	s10 =	sld [smem:$0x3FB4]  }
0x39: {  	_ = 	snop;
	(pc) =	sbr.ind lr, $3  }
0x3a: {  	_ = 	snop  }
0x3b: {  	_ = 	snop  }
0x3c: {  	p2 =	seq.s32 s10, $0x1;
	s10 =	sld [smem:$0x3FB3]  }
0x3d: {  	_ =	shalt  }
0x3e: {  	_ =	shalt  }
0x3f: {  	_ =	shalt  }
0x40: {  	_ =	shalt  }
0x41: {  	_ =	shalt  }
0x42: {  	_ =	shalt  }
0x43: {  	_ =	shalt  }
0x44: {  	_ =	shalt  }
0x45: {  	_ =	shalt  }
0x46: {  	_ =	shalt  }
0x47: {  	_ =	shalt  }
0x48: {  	_ =	shalt  }
0x49: {  	_ =	shalt  }
0x4a: {  	_ =	shalt  }
0x4b: {  	_ =	shalt  }
0x4c: {  	_ =	shalt  }
0x4d: {  	_ =	shalt  }
0x4e: {  	_ =	shalt  }
0x4f: {  	_ =	shalt  }
0x50: {  	_ =	shalt  }
0x51: {  	_ =	shalt  }
0x52: {  	_ =	shalt  }
0x53: {  	_ =	shalt  }
0x54: {  	_ =	shalt  }
0x55: {  	_ =	shalt  }
0x56: {  	_ =	shalt  }
0x57: {  	_ =	shalt  }
0x58: {  	_ =	shalt  }
0x59: {  	_ =	shalt  }
0x5a: {  	_ =	shalt  }
0x5b: {  	_ =	shalt  }
0x5c: {  	_ =	shalt  }
0x5d: {  	_ =	shalt  }
0x5e: {  	_ =	shalt  }
0x5f: {  	_ =	shalt  }
0x60: {  	_ =	shalt  }
0x61: {  	_ =	shalt  }
0x62: {  	_ =	shalt  }
0x63: {  	_ =	shalt  }
0x64: {  	_ =	shalt  }
0x65: {  	_ =	shalt  }
0x66: {  	_ =	shalt  }
0x67: {  	_ =	shalt  }
0x68: {  	_ =	shalt  }
0x69: {  	_ =	shalt  }
0x6a: {  	_ =	shalt  }
0x6b: {  	_ =	shalt  }
0x6c: {  	_ =	shalt  }
0x6d: {  	_ =	shalt  }
0x6e: {  	_ =	shalt  }
0x6f: {  	_ =	shalt  }
0x70: {  	_ =	shalt  }
0x71: {  	_ =	shalt  }
0x72: {  	_ =	shalt  }
0x73: {  	_ =	shalt  }
0x74: {  	_ =	shalt  }
0x75: {  	_ =	shalt  }
0x76: {  	_ =	shalt  }
0x77: {  	_ =	shalt  }
0x78: {  	_ =	shalt  }
0x79: {  	_ =	shalt  }
0x7a: {  	_ =	shalt  }
0x7b: {  	_ =	shalt  }
0x7c: {  	_ =	shalt  }
0x7d: {  	_ =	shalt  }
0x7e: {  	_ =	shalt  }
0x7f: {  	_ =	shalt  }
0x80: {  	_ =	shalt  }
0x81: {  	_ =	shalt  }
0x82: {  	_ =	shalt  }
0x83: {  	_ =	shalt  }
0x84: {  	_ =	shalt  }
0x85: {  	_ =	shalt  }
0x86: {  	_ =	shalt  }
0x87: {  	_ =	shalt  }
.Lfunc_end0:
.L_simem_size_0:
called_computation.2_lowered:
.L_overlay_start_0:
0x88: {  	s2 =	sld [smem:$0x3FD9]  }
0x89: {  	s3 =	sld [smem:$0x3FFE];
	_ =	sdelay $0x1  }
0x8a: {  	s1 =	srdreg.scid  }
0x8b: {  	s0 =	sand.u32 $0x1, s1  }
0x8c: {  	s17 =	sshll.u32 s0, $0xA;
	s2 =	sadd.s32 s3, s2  }
0x8d: {  	s2 =	sadd.s32 s2, s17  }
0x8e: {  	[smem:$0x3FBF] =	sst s2  }
0x8f: {  	_ = 	snop  }
0x90: {  	(tm) =	ssettm $0x1  }
0x91: {  	s18 =	sld [smem:$0x3FFB];
	_ =	sdelay $0x3  }
0x92: {  	_ =	strace s18  }
0x93: {  	s2 =	sld [smem:$0x3FFC];
	_ =	sdelay $0x3  }
0x94: {  	_ =	strace s2  }
0x95: {  	s2 =	sld [smem:$0x3FFD];
	_ =	sdelay $0x3  }
0x96: {  	_ =	strace s2  }
0x97: {  	_ =	strace $0x8FFFFFFF  }
0x98: {  	s19 =	sld [smem:$0x3FDB];
	_ =	sdelay $0x1  }
0x99: {  	s20 =	simm.s32 $_scs_section_size  }
0x9a: {  	s4 =	simm.s32 $_size__tile_overlayer_lowered;
	s5 =	simm.s32 $_tile_overlayer_lowered  }
0x9b: {  	s6 =	simm.s32 $0x1BFF;
	s21 =	sshll.u32 s5, $0x1;
	s3 =	sadd.s32 s20, s19  }
0x9c: {  	s22 =	simm.s32 $0x0;
	s4 =	sshll.u32 s4, $0x1;
	s5 =	sadd.s32 s21, s3  }
0x9d: {  	[timem:s22], [sflag:s6] =	dma.local [hbm:s5], s4  }
0x9e: {  	_ =	swait.ge [sflag:s6], s4  }
0x9f: {  	s4 =	ssub.s32 $0x0, s4;
	[sflag:s6] =	ssyncset.done $0x0  }
0xa0: {  	[sflag:s6] =	ssyncadd.s32 s4;
	_ =	sdelay $0x1  }
0xa1: {  	s23 =	simm.s32 $0x1B8B  }
0xa2: {  	_ =	swait.ge [sflag:s23], $0x1  }
0xa3: {  	[sflag:s23] =	ssyncset.done $0x0  }
0xa4: {  	[sflag:s23] =	ssyncadd.s32 $0xFFFFFFFF  }
0xa5: {  	s4 =	sld [smem:$0x0]  }
0xa6: {  	s5 =	sand.u32 $0xFFFFFFFE, s1  }
0xa7: {  	p0 =	sne.s32 s1, s5  }
0xa8: {  	s5 =	sshll.u32 @p0 s5, $0xE  }
0xa9: {  	s5 =	sadd.s32 @p0 $0x11B8D, s5;
	s6 =	sshll.u32 @p0 s4, $0x11  }
0xaa: {  	s5 =	sor.u32 @p0 s6, s5  }
0xab: {  	[sflag:s5] =	ssyncadd.remote.s32 @p0 $0x1;
	_ =	sdelay $0x1  }
0xac: {  	s5 =	simm.s32 @p0 $0x1B8D  }
0xad: {  	_ =	swait.eq @p0 [sflag:s5], $0x1  }
0xae: {  	[sflag:s5] =	ssyncadd.s32 @p0 $0xFFFFFFFF  }
0xaf: {  	s6 =	sshll.u32 @!p0 s1, $0xE  }
0xb0: {  	s6 =	sor.u32 @!p0 $0x4000, s6;
	s5 =	simm.s32 @!p0 $0x1B8D  }
0xb1: {  	s4 =	sshll.u32 @!p0 s4, $0x11;
	s6 =	sadd.s32 @!p0 $0x11B8D, s6;
	_ =	swait.eq @!p0 [sflag:s5], $0x1  }
0xb2: {  	s4 =	sor.u32 @!p0 s4, s6;
	[sflag:s5] =	ssyncadd.s32 @!p0 $0xFFFFFFFF  }
0xb3: {  	s25 =	simm.s32 $0x1B8E;
	s24 =	sld [smem:$0x3FFE];
	[sflag:s4] =	ssyncadd.remote.s32 @!p0 $0x1  }
0xb4: {  	s26 =	simm.s32 $execute0_lowered;
	[smem:$0x3FD2] =	sst s25  }
0xb5: {  	s5 =	sshll.u32 s26, $0x1;
	_ =	strace $0x80000052;
	[dreg:$0x1] =	wrdreg $0xFFFFFFFF  }
0xb6: {  	s28 =	simm.s32 $_size_execute0_lowered;
	s3 =	sadd.s32 s3, s5;
	[dreg:$0x0] =	wrdreg $0x0  }
0xb7: {  	s5 =	sshll.u32 s28, $0x1;
	[dreg:$0x2] =	wrdreg s3  }
0xb8: {  	[dreg:$0x3] =	wrdreg s5  }
0xb9: {  	[dreg:$0x4] =	wrdreg $0xC0  }
0xba: {  	_ =	task [dreg:s22], $0x5FFFF  }
0xbb: {  	[dreg:$0x1] =	wrdreg $0xFFFFFFFF  }
0xbc: {  	[dreg:$0x0] =	wrdreg $0x60  }
0xbd: {  	[dreg:$0x2] =	wrdreg s24  }
0xbe: {  	[dreg:$0x3] =	wrdreg $0x9  }
0xbf: {  	_ =	task.clear_ibuf [dreg:s22], $0x4FFFF;
	_ =	strace $0x90000052  }
0xc0: {  	s29 =	simm.s32 $0x9;
	_ =	strace $0x80000054  }
0xc1: {  	_ =	swait.ge [sflag:s29], $0x1  }
0xc2: {  	[sflag:s29] =	ssyncadd.s32 $0xFFFFFFFF  }
0xc3: {  	_ =	strace $0x90000054  }
0xc4: {  	_ =	sfence  }
0xc5: {  	s30 =	sld [smem:$0x0];
	_ =	sdelay $0x2  }
0xc6: {  	s31 =	sshll.u32 s1, $0xD;
	s1 =	sshrl.u32 s1, $0x2  }
0xc7: {  	s4 =	sand.u32 $0x4000, s31;
	s1 =	sadd.s32 s1, s30  }
0xc8: {  	s0 =	sor.u32 s4, s0;
	s1 =	sshll.u32 s1, $0x11  }
0xc9: {  	s0 =	sor.u32 s1, s0  }
0xca: {  	s0 =	sadd.s32 $0x8F2B, s0  }
0xcb: {  	[sflag:s0] =	ssyncadd.remote.s32 $0x1  }
0xcc: {  	_ =	sfence.sel $0xFFFF  }
0xcd: {  	[dreg:$0x0] =	wrdreg $0xFFFFFFFF;
	(pc) =	sbr.abs _section_cstart, $3  }
0xce: {  	[dreg:$0x1] =	wrdreg $0xFFFFFFFF  }
0xcf: {  	_ =	task.clear_ibuf [dreg:s22], $0x2FFFF;
	_ =	strace $0x9FFFFFFF  }
0xd0: {  	(tm) =	ssettm $0x7FFFFFFF  }
0xd1: {  	_ =	shalt  }
tec
execute0_lowered:
.L_overlay_start_1:
0x0: {  	(tag) =	ssettag $0x1  }
0x1: {  	s0 =	srdreg.scid  }
0x2: {  	s1 =	sshll.u32 s0, $0x4  }
0x3: {  	s0 =	stileid.u32;
	s1 =	sand.u32 $0x10, s1  }
0x4: {  	s1 =	sor.u32 s0, s1  }
0x5: {  	s9 =	rddreg [dreg:$0x0];
	s6 =	simm.s32 $0x1;
	s2 =	smin.u32 s1, $0x8  }
0x6: {  	p0 =	slt.u32 s1, $0x8;
	s2 =	sadd.s32 s1, s2;
	s1 =	simm.s32 $0x80  }
0x7: {  	s7 =	simm.s32 $0x2;
	s2 =	sshll.u32 s2, $0x6;
	s1 =	simm.s32 @!p0 $0x40  }
0x8: {  	s10 =	simm.s32 $0x3;
	s13 =	simm.s32 $0x0;
	s3 =	sadd.s32 s1, s2  }
0x9: {  	s12 =	simm.s32 $0x0;
	s4 =	sadd.s32 $0xA3200, s9;
	s3 =	smin.u32 s3, $0xA00  }
.Ltmp0:
0xa: {  	s5 =	sadd.s32 $0x3000, s9;
	s8 =	ssub.s32 s3, s2;
	(pc) =	sbr.rel .LBB2_1-.Ltmp0, $4  }
0xb: {  	s1 =	rddreg [dreg:$0x1];
	_ =	strace $0x80000053;
	p0 =	sgt.s32 s8, $0x0  }
0xc: {  	s9 =	sadd.s32 $0xAD200, s9;
	[sflag:s6] =	ssyncpa.u1 $0x0;
	s8 =	simm.s32 @!p0 $0x0  }
0xd: {  	s11 =	smov.u32 s2;
	[sflag:s7] =	ssyncpa.u1 $0x0;
	s8 =	sshrl.u32 s8, $0x6  }
0xe: {  	vm0 =	vmmov $0xff;
	vm1 =	vcmask $0x3F20;
	[sflag:s10] =	ssyncpa.u1 $0x0;
	p0 =	por $0x0, $0x0;
	s10 =	sadd.s32 $0x1, s8  }
.LBB2_6:
0xf: {  	[hbm:s17] =	stream.linear.scatter [tilespmem:s14], [sflag:$0x3], $0x400, $0x38;
	[tilespmem:$0x4080] =	vst v63  }
.LBB2_7:
0x10: {  	s13 =	sadd.s32 $0x40, s11  }
0x11: {  	s15 =	smov.u32 s2;
	p2 =	slt.s32 s13, s3  }
0x12: {  	s15 =	smov.u32 @p2 s13;
	p2 =	sne.s32 s12, s10  }
.Ltmp1:
0x13: {  	p1 =	slt.u32 s12, $0x2;
	(pc) =	sbr.rel @!p2 .LBB2_8-.Ltmp1, $4  }
0x14: {  	s14 =	simm.s32 @!p1 $0x3  }
0x15: {  	s16 =	sadd.s32 $0x1, s12;
	_ =	swait.ge @!p1 [sflag:s14], $0x2000  }
0x16: {  	p0 =	por !p0, !p0;
	s13 =	smov.u32 s11;
	[sflag:s14] =	ssyncset.done @!p1 $0x0  }
0x17: {  	s12 =	smov.u32 s16;
	s11 =	smov.u32 s15;
	[sflag:s14] =	ssyncadd.s32 @!p1 $0xFFFFE000  }
.LBB2_1:
0x18: {  	p1 =	sge.u32 s12, s8  }
0x19: {  	s14 =	sxor.u32 @!p1 $0xFFFFFFFF, s12  }
0x1a: {  	s31 =	sadd.s32 $0xFFFFFFFF, s12;
	s15 =	sshrl.u32 @!p1 s11, $0x3;
	s14 =	sshll.u32 @!p1 s14, $0x6  }
0x1b: {  	s16 =	sand.u32 @!p1 $0x7, s11;
	s15 =	sadd.s32 @!p1 s5, s15;
	s14 =	sand.u32 @!p1 $0x40, s14  }
0x1c: {  	[tilespmem:s14], [sflag:$0x2] =	stream.linear.gather @!p1 [hbm4b:s15+s16], $0x40, $0x38;
	[tilespmem:$0x4080] =	vst v63  }
0x1d: {  	p1 =	sge.u32 s31, s8  }
.Ltmp2:
0x1e: {  	_ = 	snop;
	(pc) =	sbr.rel @p1 .LBB2_7-.Ltmp2, $1  }
0x1f: {  	_ =	sdelay $0x3  }
0x20: {  	s14 =	simm.s32 $0x1  }
0x21: {  	_ =	swait.ge [sflag:s7], $0x40;
	s14 =	simm.s32 @!p0 $0x0  }
0x22: {  	[sflag:s7] =	ssyncset.done $0x0;
	s16 =	sshll.u32 s14, $0x6  }
0x23: {  	[sflag:s7] =	ssyncadd.s32 $0xFFFFFFC0;
	s15 =	sadd.s32 $0x0, s16  }
0x24: {  	v0 =	vld.msk [tilespmem:s15+$0x0 ss:$0x1], $0xffff;
	_ =	sdelay $0x4  }
0x25: {  	vm2 =	vgt.s32 v0, $0x0  }
0x26: {  	v0 =	vnsel vm2, $0x0, v0  }
0x27: {  	v0 =	vmin.u32 v0, $0x9FF  }
0x28: {  	v0 =	vshll.u32 v0, $0x4;
	_ =	sdelay $0x2  }
0x29: {  	s14 =	sshll.u32 s14, $0xD  }
0x2a: {  	s14 =	sor.u32 $0x80, s14  }
0x2b: {  	[tilespmem:s14], [sflag:$0x1] =	stream.indirect_vreg.gather [hbm:s4], $0x80, v0, vm0, $0x38;
	[tilespmem:$0x4080] =	vst v63  }
0x2c: {  	s17 =	sadd.s32 $0x10, s16;
	s15 =	sadd.s32 $0x400, s14  }
0x2d: {  	[tilespmem:s15], [sflag:$0x1] =	stream.indirect_vreg.gather [hbm:s4], $0x80, v0, vm1, $0x38;
	[tilespmem:$0x4080] =	vst v63  }
0x2e: {  	s18 =	simm.s32 $0x80;
	v0 =	vld.msk [tilespmem:s17+$0x0 ss:$0x1], $0xffff;
	s17 =	smov.u32 s14  }
.LBB2_3:
0x2f: {  	p1 =	sne.s32 s18, $0xC0;
	_ =	sdelay $0x4  }
0x30: {  	vm2 =	vgt.s32 v0, $0x0  }
0x31: {  	v0 =	vnsel vm2, $0x0, v0  }
0x32: {  	v0 =	vmin.u32 v0, $0x9FF  }
0x33: {  	v0 =	vshll.u32 v0, $0x4;
	_ =	sdelay $0x3  }
.Ltmp3:
0x34: {  	s19 =	sshra.s32 s18, $0x2;
	s17 =	sadd.s32 $0x800, s17;
	(pc) =	sbr.rel @p1 .LBB2_3-.Ltmp3, $4  }
0x35: {  	[tilespmem:s17], [sflag:$0x1] =	stream.indirect_vreg.gather [hbm:s4], $0x80, v0, vm0, $0x38;
	[tilespmem:$0x4080] =	vst v63  }
0x36: {  	s19 =	sadd.s32 s19, s16;
	s20 =	sadd.s32 $0x400, s17  }
0x37: {  	[tilespmem:s20], [sflag:$0x1] =	stream.indirect_vreg.gather [hbm:s4], $0x80, v0, vm1, $0x38;
	[tilespmem:$0x4080] =	vst v63  }
0x38: {  	s18 =	sadd.s32 $0x40, s18;
	v0 =	vld.msk [tilespmem:s19+$0x0 ss:$0x1], $0xffff  }
0x39: {  	_ =	sdelay $0x3  }
0x3a: {  	vm2 =	vgt.s32 v0, $0x0  }
0x3b: {  	v0 =	vnsel vm2, $0x0, v0  }
0x3c: {  	v0 =	vmin.u32 v0, $0x9FF  }
0x3d: {  	v0 =	vshll.u32 v0, $0x4;
	_ =	sdelay $0x3  }
0x3e: {  	s16 =	sadd.s32 $0x800, s17  }
0x3f: {  	[tilespmem:s16], [sflag:$0x1] =	stream.indirect_vreg.gather [hbm:s4], $0x80, v0, vm0, $0x38;
	[tilespmem:$0x4080] =	vst v63  }
0x40: {  	s16 =	sadd.s32 $0x400, s16  }
0x41: {  	[tilespmem:s16], [sflag:$0x1] =	stream.indirect_vreg.gather [hbm:s4], $0x80, v0, vm1, $0x38;
	[tilespmem:$0x4080] =	vst v63  }
0x42: {  	s13 =	sshll.u32 s13, $0x4;
	_ =	swait.ge [sflag:s6], $0x2000  }
0x43: {  	s13 =	sadd.s32 s13, s9;
	[sflag:s6] =	ssyncset.done $0x0  }
0x44: {  	s17 =	sadd.s32 $0x0, s13;
	s16 =	simm.s32 $0x80;
	[sflag:s6] =	ssyncadd.s32 $0xFFFFE000  }
.LBB2_5:
0x45: {  	[hbm:s17] =	stream.linear.scatter [tilespmem:s14], [sflag:$0x3], $0x400, $0x38;
	[tilespmem:$0x4080] =	vst v63  }
0x46: {  	s17 =	smov.u32 s16;
	s14 =	smov.u32 s15;
	p1 =	sne.s32 s16, $0x380  }
.Ltmp4:
0x47: {  	s16 =	sadd.s32 $0x80, s16;
	(pc) =	sbr.rel @p1 .LBB2_5-.Ltmp4, $2  }
0x48: {  	_ =	sdelay $0x2  }
0x49: {  	s15 =	sadd.s32 $0x400, s15;
	s17 =	sadd.s32 s17, s13  }
.Ltmp5:
0x4a: {  	_ = 	snop;
	(pc) =	sbr.rel .LBB2_6-.Ltmp5, $1  }
0x4b: {  	_ =	sdelay $0x3  }
.LBB2_8:
0x4c: {  	_ =	sfence.sel $0x180000  }
0x4d: {  	s2 =	simm.s32 $0x2;
	[bflag:$0x0] =	sbarrier.arrive $0xFFFF  }
0x4e: {  	s30 =	simm.s32 $0x3;
	[sflag:s2] =	ssyncpa.u1 $0x1  }
0x4f: {  	s31 =	simm.s32 $0x1;
	[sflag:s30] =	ssyncpa.u1 $0x1  }
0x50: {  	[sflag:s31] =	ssyncpa.u1 $0x1  }
0x51: {  	p0 =	sne.s32 s0, $0x0;
	_ =	strace $0x90000053  }
0x52: {  	s0 =	sadd.s32 @!p0 $0x100000, s1;
	[bflag:$0x2] =	sbarrier.arrive $0xFFFF  }
0x53: {  	[sflag:s0] =	ssyncadd.tile.s32 @!p0 $0x1;
	_ =	shalt  }
.Lfunc_end2:
_tile_overlayer_lowered:
.L_overlay_start_2:
0x54: {  	(tag) =	ssettag $0x2  }
0x55: {  	s0 =	rddreg [dreg:$0x0];
	s2 =	stileid.u32  }
0x56: {  	s1 =	rddreg [dreg:$0x1];
	p0 =	sne.s32 s2, $0x0  }
0x57: {  	s3 =	rddreg [dreg:$0x2];
	[bflag:$0x3] =	sbarrier.arrive $0xFFFF;
	s2 =	simm.s32 @!p0 $0x1C01  }
0x58: {  	[timem:s3], [sflag:s2] =	dma.local @!p0 [hbm:s0], s1  }
0x59: {  	s0 =	simm.s32 @!p0 $0x1  }
0x5a: {  	_ =	swait.ge @!p0 [sflag:s0], s1  }
0x5b: {  	s1 =	ssub.s32 @!p0 $0x0, s1;
	[sflag:s0] =	ssyncset.done @!p0 $0x0  }
0x5c: {  	[sflag:s0] =	ssyncadd.s32 @!p0 s1  }
0x5d: {  	[bflag:$0x3] =	sbarrier.arrive $0xFFFF  }
0x5e: {  	_ =	shalt  }

// kernel: gather_offload_async_start.3
scs
__scs_entry_jumppad:
0x0: {  	(pc) =	sbr.rel $0x88, $3  }
0x1: {  	(tag) =	ssettag $0x0;
	lr =	simm.s32 $0x1  }
0x2: {  	[smem:$0x3F98] =	sst lr;
	_ =	strace $0xD0000000  }
0x3: {  	_ = 	snop  }
0x4: {  	_ = 	snop  }
0x5: {  	_ = 	snop  }
0x6: {  	_ = 	snop  }
0x7: {  	_ = 	snop  }
__scs_overlays_trampoline_lowered:
0x8: {  	[smem:$0x3FA7] =	sst s0  }
0x9: {  	[smem:$0x3FA8] =	sst s1  }
0xa: {  	[smem:$0x3FA9] =	sst s2  }
0xb: {  	[smem:$0x3FAA] =	sst s3  }
0xc: {  	[smem:$0x3FAB] =	sst s4  }
0xd: {  	[smem:$0x3FAC] =	sst s5  }
0xe: {  	[smem:$0x3FAD] =	sst s6  }
0xf: {  	[smem:$0x3FAE] =	sst s7  }
0x10: {  	[smem:$0x3FAF] =	sst s8  }
0x11: {  	[smem:$0x3FB0] =	sst s9;
	s0 =	simm.s32 @!p0 $0x0  }
0x12: {  	s1 =	sld [smem:$0x3F96];
	s0 =	simm.s32 @p0 $0x1  }
0x13: {  	[smem:$0x3FB1] =	sst s0;
	s0 =	simm.s32 @!p1 $0x0  }
0x14: {  	s2 =	sld [smem:$0x3F95];
	s0 =	simm.s32 @p1 $0x1  }
0x15: {  	[smem:$0x3FB2] =	sst s0;
	s0 =	simm.s32 @!p2 $0x0  }
0x16: {  	s3 =	sld [smem:$0x3FDB];
	s0 =	simm.s32 @p2 $0x1  }
0x17: {  	s4 =	simm.s32 $0x1BF5;
	[smem:$0x3FB4] =	sst s0  }
0x18: {  	s0 =	sld [smem:$0x3F97];
	_ =	swait.ge [sflag:s4], $0x0  }
0x19: {  	s7 =	sld [smem:$0x3F98]  }
0x1a: {  	s8 =	sadd.s32 $0xFFFFE003, lr  }
0x1b: {  	s9 =	sadd.s32 $0xFFFFFEF7, lr;
	s5 =	simm.s32 $0xFFFFFFFF;
	p2 =	slt.u32 s8, $0xFFFFF086  }
0x1c: {  	p1 =	slt.u32 s9, $0xF7A;
	s5 =	simm.s32 @!p2 $0x0  }
0x1d: {  	s5 =	simm.s32 @p1 $0x1;
	p0 =	seq.s32 s7, s2  }
0x1e: {  	s7 =	smul.u32 @!p0 $0xF7A, s2;
	p2 =	seq.s32 @!p0 s5, $0x0  }
0x1f: {  	s9 =	smul.u32 $0xF7A, s1;
	s8 =	simm.s32 @!p0 $0x1BF5;
	p2 =	por !p2, p0  }
0x20: {  	[sflag:s8] =	ssyncset.s32 @!p0 $0xFFFFF086;
	s6 =	sadd.s32 @!p0 s3, s7;
	s7 =	simm.s32 @!p0 $0x108  }
0x21: {  	s3 =	sadd.s32 s3, s9;
	s6 =	sadd.s32 @!p0 $0x88, s6;
	s7 =	simm.s32 @p2 $0x1082  }
0x22: {  	[simem:s7], [sflag:s8] =	dma.local @!p0 [hbm:s6], $0xF7A  }
0x23: {  	s9 =	sor.u32 $0xD0000000, s2;
	s6 =	simm.s32 $0x108;
	_ =	swait.ge @!p0 [sflag:s8], $0x0  }
0x24: {  	s3 =	sadd.s32 $0x88, s3;
	s6 =	simm.s32 @!p1 $0x1082;
	[sflag:s4] =	ssyncset.s32 $0xFFFFF086  }
0x25: {  	[simem:s6], [sflag:s4] =	dma.local [hbm:s3], $0xF7A  }
0x26: {  	[smem:$0x3F98] =	sst s1;
	(tag) =	ssettag s2;
	_ =	strace s9  }
0x27: {  	s1 =	sld [smem:$0x3FA8]  }
0x28: {  	s2 =	sld [smem:$0x3FA9]  }
0x29: {  	s4 =	sld [smem:$0x3FAB]  }
0x2a: {  	p0 =	seq.s32 s5, $0x0;
	s5 =	sld [smem:$0x3FAC]  }
0x2b: {  	s6 =	sld [smem:$0x3FAD]  }
0x2c: {  	s7 =	sld [smem:$0x3FAE]  }
0x2d: {  	s3 =	simm.s32 $0x108;
	s8 =	sld [smem:$0x3FAF]  }
0x2e: {  	s3 =	simm.s32 @!p0 $0x1082;
	s9 =	sld [smem:$0x3FB0]  }
0x2f: {  	lr =	sadd.s32 s0, s3;
	s0 =	sld [smem:$0x3FA7]  }
0x30: {  	s3 =	sld [smem:$0x3FAA]  }
0x31: {  	[smem:$0x3FB3] =	sst s10  }
0x32: {  	s10 =	sld [smem:$0x3FB1];
	_ =	sdelay $0x3  }
0x33: {  	p0 =	seq.s32 s10, $0x1;
	s10 =	sld [smem:$0x3FB3];
	_ =	sdelay $0x3  }
0x34: {  	[smem:$0x3FB3] =	sst s10  }
0x35: {  	s10 =	sld [smem:$0x3FB2];
	_ =	sdelay $0x3  }
0x36: {  	p1 =	seq.s32 s10, $0x1;
	s10 =	sld [smem:$0x3FB3];
	_ =	sdelay $0x3  }
0x37: {  	[smem:$0x3FB3] =	sst s10  }
0x38: {  	s10 =	sld [smem:$0x3FB4]  }
0x39: {  	_ = 	snop;
	(pc) =	sbr.ind lr, $3  }
0x3a: {  	_ = 	snop  }
0x3b: {  	_ = 	snop  }
0x3c: {  	p2 =	seq.s32 s10, $0x1;
	s10 =	sld [smem:$0x3FB3]  }
0x3d: {  	_ =	shalt  }
0x3e: {  	_ =	shalt  }
0x3f: {  	_ =	shalt  }
0x40: {  	_ =	shalt  }
0x41: {  	_ =	shalt  }
0x42: {  	_ =	shalt  }
0x43: {  	_ =	shalt  }
0x44: {  	_ =	shalt  }
0x45: {  	_ =	shalt  }
0x46: {  	_ =	shalt  }
0x47: {  	_ =	shalt  }
0x48: {  	_ =	shalt  }
0x49: {  	_ =	shalt  }
0x4a: {  	_ =	shalt  }
0x4b: {  	_ =	shalt  }
0x4c: {  	_ =	shalt  }
0x4d: {  	_ =	shalt  }
0x4e: {  	_ =	shalt  }
0x4f: {  	_ =	shalt  }
0x50: {  	_ =	shalt  }
0x51: {  	_ =	shalt  }
0x52: {  	_ =	shalt  }
0x53: {  	_ =	shalt  }
0x54: {  	_ =	shalt  }
0x55: {  	_ =	shalt  }
0x56: {  	_ =	shalt  }
0x57: {  	_ =	shalt  }
0x58: {  	_ =	shalt  }
0x59: {  	_ =	shalt  }
0x5a: {  	_ =	shalt  }
0x5b: {  	_ =	shalt  }
0x5c: {  	_ =	shalt  }
0x5d: {  	_ =	shalt  }
0x5e: {  	_ =	shalt  }
0x5f: {  	_ =	shalt  }
0x60: {  	_ =	shalt  }
0x61: {  	_ =	shalt  }
0x62: {  	_ =	shalt  }
0x63: {  	_ =	shalt  }
0x64: {  	_ =	shalt  }
0x65: {  	_ =	shalt  }
0x66: {  	_ =	shalt  }
0x67: {  	_ =	shalt  }
0x68: {  	_ =	shalt  }
0x69: {  	_ =	shalt  }
0x6a: {  	_ =	shalt  }
0x6b: {  	_ =	shalt  }
0x6c: {  	_ =	shalt  }
0x6d: {  	_ =	shalt  }
0x6e: {  	_ =	shalt  }
0x6f: {  	_ =	shalt  }
0x70: {  	_ =	shalt  }
0x71: {  	_ =	shalt  }
0x72: {  	_ =	shalt  }
0x73: {  	_ =	shalt  }
0x74: {  	_ =	shalt  }
0x75: {  	_ =	shalt  }
0x76: {  	_ =	shalt  }
0x77: {  	_ =	shalt  }
0x78: {  	_ =	shalt  }
0x79: {  	_ =	shalt  }
0x7a: {  	_ =	shalt  }
0x7b: {  	_ =	shalt  }
0x7c: {  	_ =	shalt  }
0x7d: {  	_ =	shalt  }
0x7e: {  	_ =	shalt  }
0x7f: {  	_ =	shalt  }
0x80: {  	_ =	shalt  }
0x81: {  	_ =	shalt  }
0x82: {  	_ =	shalt  }
0x83: {  	_ =	shalt  }
0x84: {  	_ =	shalt  }
0x85: {  	_ =	shalt  }
0x86: {  	_ =	shalt  }
0x87: {  	_ =	shalt  }
.Lfunc_end0:
.L_simem_size_0:
called_computation.3_lowered:
.L_overlay_start_0:
0x88: {  	s2 =	sld [smem:$0x3FD9]  }
0x89: {  	s3 =	sld [smem:$0x3FFE];
	_ =	sdelay $0x1  }
0x8a: {  	s1 =	srdreg.scid  }
0x8b: {  	s0 =	sand.u32 $0x1, s1  }
0x8c: {  	s17 =	sshll.u32 s0, $0xA;
	s2 =	sadd.s32 s3, s2  }
0x8d: {  	s2 =	sadd.s32 s2, s17  }
0x8e: {  	[smem:$0x3FBF] =	sst s2  }
0x8f: {  	_ = 	snop  }
0x90: {  	s18 =	sld [smem:$0x3FD0];
	(tm) =	ssettm $0x1  }
0x91: {  	s19 =	sld [smem:$0x3FFB];
	_ =	sdelay $0x3  }
0x92: {  	_ =	strace s19  }
0x93: {  	s2 =	sld [smem:$0x3FFC];
	_ =	sdelay $0x3  }
0x94: {  	_ =	strace s2  }
0x95: {  	s2 =	sld [smem:$0x3FFD];
	_ =	sdelay $0x3  }
0x96: {  	_ =	strace s2  }
0x97: {  	_ =	strace $0x8FFFFFFF  }
0x98: {  	s20 =	sld [smem:$0x3FDB];
	_ =	sdelay $0x1  }
0x99: {  	s4 =	simm.s32 $_scs_section_size  }
0x9a: {  	s5 =	simm.s32 $_size__tile_overlayer_lowered;
	s6 =	simm.s32 $_tile_overlayer_lowered  }
0x9b: {  	s7 =	simm.s32 $0x1BFF;
	s21 =	sshll.u32 s6, $0x1;
	s4 =	sadd.s32 s4, s20  }
0x9c: {  	s22 =	simm.s32 $0x0;
	s5 =	sshll.u32 s5, $0x1;
	s6 =	sadd.s32 s21, s4  }
0x9d: {  	[timem:s22], [sflag:s7] =	dma.local [hbm:s6], s5  }
0x9e: {  	_ =	swait.ge [sflag:s7], s5  }
0x9f: {  	s5 =	ssub.s32 $0x0, s5;
	[sflag:s7] =	ssyncset.done $0x0  }
0xa0: {  	[sflag:s7] =	ssyncadd.s32 s5;
	_ =	sdelay $0x1  }
0xa1: {  	s23 =	simm.s32 $0x1B8B  }
0xa2: {  	_ =	swait.ge [sflag:s23], $0x1  }
0xa3: {  	[sflag:s23] =	ssyncset.done $0x0  }
0xa4: {  	[sflag:s23] =	ssyncadd.s32 $0xFFFFFFFF  }
0xa5: {  	s5 =	sld [smem:$0x0]  }
0xa6: {  	s6 =	sand.u32 $0xFFFFFFFE, s1  }
0xa7: {  	p0 =	sne.s32 s1, s6  }
0xa8: {  	s6 =	sshll.u32 @p0 s6, $0xE  }
0xa9: {  	s6 =	sadd.s32 @p0 $0x11B8D, s6;
	s7 =	sshll.u32 @p0 s5, $0x11  }
0xaa: {  	s6 =	sor.u32 @p0 s7, s6  }
0xab: {  	[sflag:s6] =	ssyncadd.remote.s32 @p0 $0x1;
	_ =	sdelay $0x1  }
0xac: {  	s6 =	simm.s32 @p0 $0x1B8D  }
0xad: {  	_ =	swait.eq @p0 [sflag:s6], $0x1  }
0xae: {  	[sflag:s6] =	ssyncadd.s32 @p0 $0xFFFFFFFF  }
0xaf: {  	s7 =	sshll.u32 @!p0 s1, $0xE  }
0xb0: {  	s7 =	sor.u32 @!p0 $0x4000, s7;
	s6 =	simm.s32 @!p0 $0x1B8D  }
0xb1: {  	s5 =	sshll.u32 @!p0 s5, $0x11;
	s7 =	sadd.s32 @!p0 $0x11B8D, s7;
	_ =	swait.eq @!p0 [sflag:s6], $0x1  }
0xb2: {  	s5 =	sor.u32 @!p0 s5, s7;
	[sflag:s6] =	ssyncadd.s32 @!p0 $0xFFFFFFFF  }
0xb3: {  	s25 =	simm.s32 $0x1B8E;
	s24 =	sld [smem:$0x3FFE];
	[sflag:s5] =	ssyncadd.remote.s32 @!p0 $0x1  }
0xb4: {  	s26 =	simm.s32 $execute0_lowered;
	[smem:$0x3FD2] =	sst s25  }
0xb5: {  	s6 =	sshll.u32 s26, $0x1;
	_ =	strace $0x8000004F;
	[dreg:$0x1] =	wrdreg $0xFFFFFFFF  }
0xb6: {  	s28 =	simm.s32 $_size_execute0_lowered;
	s4 =	sadd.s32 s4, s6;
	[dreg:$0x0] =	wrdreg $0x0  }
0xb7: {  	s6 =	sshll.u32 s28, $0x1;
	[dreg:$0x2] =	wrdreg s4  }
0xb8: {  	[dreg:$0x3] =	wrdreg s6  }
0xb9: {  	[dreg:$0x4] =	wrdreg $0xC0  }
0xba: {  	_ =	task [dreg:s22], $0x5FFFF  }
0xbb: {  	[dreg:$0x1] =	wrdreg $0xFFFFFFFF  }
0xbc: {  	[dreg:$0x0] =	wrdreg $0x60  }
0xbd: {  	[dreg:$0x2] =	wrdreg s18  }
0xbe: {  	[dreg:$0x3] =	wrdreg s24  }
0xbf: {  	[dreg:$0x4] =	wrdreg $0xA  }
0xc0: {  	_ =	task.clear_ibuf [dreg:s22], $0x5FFFF;
	_ =	strace $0x9000004F  }
0xc1: {  	s29 =	simm.s32 $0xA;
	_ =	strace $0x80000051  }
0xc2: {  	_ =	swait.ge [sflag:s29], $0x1  }
0xc3: {  	[sflag:s29] =	ssyncadd.s32 $0xFFFFFFFF  }
0xc4: {  	_ =	strace $0x90000051  }
0xc5: {  	_ =	sfence  }
0xc6: {  	s30 =	sld [smem:$0x0];
	_ =	sdelay $0x2  }
0xc7: {  	s31 =	sshll.u32 s1, $0xD;
	s1 =	sshrl.u32 s1, $0x2  }
0xc8: {  	s4 =	sand.u32 $0x4000, s31;
	s1 =	sadd.s32 s1, s30  }
0xc9: {  	s0 =	sor.u32 s4, s0;
	s1 =	sshll.u32 s1, $0x11  }
0xca: {  	s0 =	sor.u32 s1, s0  }
0xcb: {  	s0 =	sadd.s32 $0x8F2B, s0  }
0xcc: {  	[sflag:s0] =	ssyncadd.remote.s32 $0x1  }
0xcd: {  	_ =	sfence.sel $0xFFFF  }
0xce: {  	[dreg:$0x0] =	wrdreg $0xFFFFFFFF;
	(pc) =	sbr.abs _section_cstart, $3  }
0xcf: {  	[dreg:$0x1] =	wrdreg $0xFFFFFFFF  }
0xd0: {  	_ =	task.clear_ibuf [dreg:s22], $0x2FFFF;
	_ =	strace $0x9FFFFFFF  }
0xd1: {  	(tm) =	ssettm $0x7FFFFFFF  }
tec
execute0_lowered:
.L_overlay_start_1:
0x0: {  	(tag) =	ssettag $0x1  }
0x1: {  	s0 =	srdreg.scid  }
0x2: {  	s1 =	sshll.u32 s0, $0x4  }
0x3: {  	s0 =	stileid.u32;
	s1 =	sand.u32 $0x10, s1  }
0x4: {  	s1 =	sor.u32 s0, s1  }
0x5: {  	s9 =	rddreg [dreg:$0x1];
	s6 =	simm.s32 $0x1;
	s2 =	smin.u32 s1, $0x8  }
0x6: {  	p0 =	slt.u32 s1, $0x8;
	s3 =	sadd.s32 s1, s2;
	s1 =	simm.s32 $0x80  }
0x7: {  	s7 =	simm.s32 $0x2;
	s3 =	sshll.u32 s3, $0x6;
	s1 =	simm.s32 @!p0 $0x40  }
0x8: {  	s10 =	simm.s32 $0x3;
	s13 =	simm.s32 $0x0;
	s4 =	sadd.s32 s1, s3  }
0x9: {  	s12 =	simm.s32 $0x0;
	s5 =	sadd.s32 $0x3000, s9;
	s4 =	smin.u32 s4, $0xA00  }
.Ltmp0:
0xa: {  	s2 =	rddreg [dreg:$0x0];
	s8 =	ssub.s32 s4, s3;
	(pc) =	sbr.rel .LBB2_1-.Ltmp0, $4  }
0xb: {  	s1 =	rddreg [dreg:$0x2];
	_ =	strace $0x80000050;
	p0 =	sgt.s32 s8, $0x0  }
0xc: {  	s9 =	sadd.s32 $0x6600, s9;
	[sflag:s6] =	ssyncpa.u1 $0x0;
	s8 =	simm.s32 @!p0 $0x0  }
0xd: {  	s11 =	smov.u32 s3;
	[sflag:s7] =	ssyncpa.u1 $0x0;
	s8 =	sshrl.u32 s8, $0x6  }
0xe: {  	vm0 =	vmmov $0xff;
	vm1 =	vcmask $0x3F20;
	[sflag:s10] =	ssyncpa.u1 $0x0;
	p0 =	por $0x0, $0x0;
	s10 =	sadd.s32 $0x1, s8  }
.LBB2_6:
0xf: {  	[hbm:s17] =	stream.linear.scatter [tilespmem:s14], [sflag:$0x3], $0x400, $0x38;
	[tilespmem:$0x4080] =	vst v63  }
.LBB2_7:
0x10: {  	s13 =	sadd.s32 $0x40, s11  }
0x11: {  	s15 =	smov.u32 s3;
	p2 =	slt.s32 s13, s4  }
0x12: {  	s15 =	smov.u32 @p2 s13;
	p2 =	sne.s32 s12, s10  }
.Ltmp1:
0x13: {  	p1 =	slt.u32 s12, $0x2;
	(pc) =	sbr.rel @!p2 .LBB2_8-.Ltmp1, $4  }
0x14: {  	s14 =	simm.s32 @!p1 $0x3  }
0x15: {  	s16 =	sadd.s32 $0x1, s12;
	_ =	swait.ge @!p1 [sflag:s14], $0x2000  }
0x16: {  	p0 =	por !p0, !p0;
	s13 =	smov.u32 s11;
	[sflag:s14] =	ssyncset.done @!p1 $0x0  }
0x17: {  	s12 =	smov.u32 s16;
	s11 =	smov.u32 s15;
	[sflag:s14] =	ssyncadd.s32 @!p1 $0xFFFFE000  }
.LBB2_1:
0x18: {  	p1 =	sge.u32 s12, s8  }
0x19: {  	s14 =	sxor.u32 @!p1 $0xFFFFFFFF, s12  }
0x1a: {  	s31 =	sadd.s32 $0xFFFFFFFF, s12;
	s15 =	sshrl.u32 @!p1 s11, $0x3;
	s14 =	sshll.u32 @!p1 s14, $0x6  }
0x1b: {  	s16 =	sand.u32 @!p1 $0x7, s11;
	s15 =	sadd.s32 @!p1 s5, s15;
	s14 =	sand.u32 @!p1 $0x40, s14  }
0x1c: {  	[tilespmem:s14], [sflag:$0x2] =	stream.linear.gather @!p1 [hbm4b:s15+s16], $0x40, $0x38;
	[tilespmem:$0x4080] =	vst v63  }
0x1d: {  	p1 =	sge.u32 s31, s8  }
.Ltmp2:
0x1e: {  	_ = 	snop;
	(pc) =	sbr.rel @p1 .LBB2_7-.Ltmp2, $1  }
0x1f: {  	_ =	sdelay $0x3  }
0x20: {  	s14 =	simm.s32 $0x1  }
0x21: {  	_ =	swait.ge [sflag:s7], $0x40;
	s14 =	simm.s32 @!p0 $0x0  }
0x22: {  	[sflag:s7] =	ssyncset.done $0x0;
	s16 =	sshll.u32 s14, $0x6  }
0x23: {  	[sflag:s7] =	ssyncadd.s32 $0xFFFFFFC0;
	s15 =	sadd.s32 $0x0, s16  }
0x24: {  	v0 =	vld.msk [tilespmem:s15+$0x0 ss:$0x1], $0xffff;
	_ =	sdelay $0x4  }
0x25: {  	vm2 =	vgt.s32 v0, $0x0  }
0x26: {  	v0 =	vnsel vm2, $0x0, v0  }
0x27: {  	v0 =	vmin.u32 v0, $0x9FF  }
0x28: {  	v0 =	vshll.u32 v0, $0x4;
	_ =	sdelay $0x2  }
0x29: {  	s14 =	sshll.u32 s14, $0xD  }
0x2a: {  	s14 =	sor.u32 $0x80, s14  }
0x2b: {  	[tilespmem:s14], [sflag:$0x1] =	stream.indirect_vreg.gather [hbm:s2], $0x80, v0, vm0, $0x38;
	[tilespmem:$0x4080] =	vst v63  }
0x2c: {  	s17 =	sadd.s32 $0x10, s16;
	s15 =	sadd.s32 $0x400, s14  }
0x2d: {  	[tilespmem:s15], [sflag:$0x1] =	stream.indirect_vreg.gather [hbm:s2], $0x80, v0, vm1, $0x38;
	[tilespmem:$0x4080] =	vst v63  }
0x2e: {  	s18 =	simm.s32 $0x80;
	v0 =	vld.msk [tilespmem:s17+$0x0 ss:$0x1], $0xffff;
	s17 =	smov.u32 s14  }
.LBB2_3:
0x2f: {  	p1 =	sne.s32 s18, $0xC0;
	_ =	sdelay $0x4  }
0x30: {  	vm2 =	vgt.s32 v0, $0x0  }
0x31: {  	v0 =	vnsel vm2, $0x0, v0  }
0x32: {  	v0 =	vmin.u32 v0, $0x9FF  }
0x33: {  	v0 =	vshll.u32 v0, $0x4;
	_ =	sdelay $0x3  }
.Ltmp3:
0x34: {  	s19 =	sshra.s32 s18, $0x2;
	s17 =	sadd.s32 $0x800, s17;
	(pc) =	sbr.rel @p1 .LBB2_3-.Ltmp3, $4  }
0x35: {  	[tilespmem:s17], [sflag:$0x1] =	stream.indirect_vreg.gather [hbm:s2], $0x80, v0, vm0, $0x38;
	[tilespmem:$0x4080] =	vst v63  }
0x36: {  	s19 =	sadd.s32 s19, s16;
	s20 =	sadd.s32 $0x400, s17  }
0x37: {  	[tilespmem:s20], [sflag:$0x1] =	stream.indirect_vreg.gather [hbm:s2], $0x80, v0, vm1, $0x38;
	[tilespmem:$0x4080] =	vst v63  }
0x38: {  	s18 =	sadd.s32 $0x40, s18;
	v0 =	vld.msk [tilespmem:s19+$0x0 ss:$0x1], $0xffff  }
0x39: {  	_ =	sdelay $0x3  }
0x3a: {  	vm2 =	vgt.s32 v0, $0x0  }
0x3b: {  	v0 =	vnsel vm2, $0x0, v0  }
0x3c: {  	v0 =	vmin.u32 v0, $0x9FF  }
0x3d: {  	v0 =	vshll.u32 v0, $0x4;
	_ =	sdelay $0x3  }
0x3e: {  	s16 =	sadd.s32 $0x800, s17  }
0x3f: {  	[tilespmem:s16], [sflag:$0x1] =	stream.indirect_vreg.gather [hbm:s2], $0x80, v0, vm0, $0x38;
	[tilespmem:$0x4080] =	vst v63  }
0x40: {  	s16 =	sadd.s32 $0x400, s16  }
0x41: {  	[tilespmem:s16], [sflag:$0x1] =	stream.indirect_vreg.gather [hbm:s2], $0x80, v0, vm1, $0x38;
	[tilespmem:$0x4080] =	vst v63  }
0x42: {  	s13 =	sshll.u32 s13, $0x4;
	_ =	swait.ge [sflag:s6], $0x2000  }
0x43: {  	s13 =	sadd.s32 s13, s9;
	[sflag:s6] =	ssyncset.done $0x0  }
0x44: {  	s17 =	sadd.s32 $0x0, s13;
	s16 =	simm.s32 $0x80;
	[sflag:s6] =	ssyncadd.s32 $0xFFFFE000  }
.LBB2_5:
0x45: {  	[hbm:s17] =	stream.linear.scatter [tilespmem:s14], [sflag:$0x3], $0x400, $0x38;
	[tilespmem:$0x4080] =	vst v63  }
0x46: {  	s17 =	smov.u32 s16;
	s14 =	smov.u32 s15;
	p1 =	sne.s32 s16, $0x380  }
.Ltmp4:
0x47: {  	s16 =	sadd.s32 $0x80, s16;
	(pc) =	sbr.rel @p1 .LBB2_5-.Ltmp4, $2  }
0x48: {  	_ =	sdelay $0x2  }
0x49: {  	s15 =	sadd.s32 $0x400, s15;
	s17 =	sadd.s32 s17, s13  }
.Ltmp5:
0x4a: {  	_ = 	snop;
	(pc) =	sbr.rel .LBB2_6-.Ltmp5, $1  }
0x4b: {  	_ =	sdelay $0x3  }
.LBB2_8:
0x4c: {  	_ =	sfence.sel $0x180000  }
0x4d: {  	s2 =	simm.s32 $0x2;
	[bflag:$0x0] =	sbarrier.arrive $0xFFFF  }
0x4e: {  	s30 =	simm.s32 $0x3;
	[sflag:s2] =	ssyncpa.u1 $0x1  }
0x4f: {  	s31 =	simm.s32 $0x1;
	[sflag:s30] =	ssyncpa.u1 $0x1  }
0x50: {  	[sflag:s31] =	ssyncpa.u1 $0x1  }
0x51: {  	p0 =	sne.s32 s0, $0x0;
	_ =	strace $0x90000050  }
0x52: {  	s0 =	sadd.s32 @!p0 $0x100000, s1;
	[bflag:$0x2] =	sbarrier.arrive $0xFFFF  }
0x53: {  	[sflag:s0] =	ssyncadd.tile.s32 @!p0 $0x1;
	_ =	shalt  }
.Lfunc_end2:
_tile_overlayer_lowered:
.L_overlay_start_2:
0x54: {  	(tag) =	ssettag $0x2  }
0x55: {  	s0 =	rddreg [dreg:$0x0];
	s2 =	stileid.u32  }
0x56: {  	s1 =	rddreg [dreg:$0x1];
	p0 =	sne.s32 s2, $0x0  }
0x57: {  	s3 =	rddreg [dreg:$0x2];
	[bflag:$0x3] =	sbarrier.arrive $0xFFFF;
	s2 =	simm.s32 @!p0 $0x1C01  }
0x58: {  	[timem:s3], [sflag:s2] =	dma.local @!p0 [hbm:s0], s1  }
0x59: {  	s0 =	simm.s32 @!p0 $0x1  }
0x5a: {  	_ =	swait.ge @!p0 [sflag:s0], s1  }
0x5b: {  	s1 =	ssub.s32 @!p0 $0x0, s1;
	[sflag:s0] =	ssyncset.done @!p0 $0x0  }
0x5c: {  	[sflag:s0] =	ssyncadd.s32 @!p0 s1  }
0x5d: {  	[bflag:$0x3] =	sbarrier.arrive $0xFFFF  }
0x5e: {  	_ =	shalt  }

// kernel: gather_offload_async_start
scs
__scs_entry_jumppad:
0x0: {  	(pc) =	sbr.rel $0x88, $3  }
0x1: {  	(tag) =	ssettag $0x0;
	lr =	simm.s32 $0x1  }
0x2: {  	[smem:$0x3F98] =	sst lr;
	_ =	strace $0xD0000000  }
0x3: {  	_ = 	snop  }
0x4: {  	_ = 	snop  }
0x5: {  	_ = 	snop  }
0x6: {  	_ = 	snop  }
0x7: {  	_ = 	snop  }
__scs_overlays_trampoline_lowered:
0x8: {  	[smem:$0x3FA7] =	sst s0  }
0x9: {  	[smem:$0x3FA8] =	sst s1  }
0xa: {  	[smem:$0x3FA9] =	sst s2  }
0xb: {  	[smem:$0x3FAA] =	sst s3  }
0xc: {  	[smem:$0x3FAB] =	sst s4  }
0xd: {  	[smem:$0x3FAC] =	sst s5  }
0xe: {  	[smem:$0x3FAD] =	sst s6  }
0xf: {  	[smem:$0x3FAE] =	sst s7  }
0x10: {  	[smem:$0x3FAF] =	sst s8  }
0x11: {  	[smem:$0x3FB0] =	sst s9;
	s0 =	simm.s32 @!p0 $0x0  }
0x12: {  	s1 =	sld [smem:$0x3F96];
	s0 =	simm.s32 @p0 $0x1  }
0x13: {  	[smem:$0x3FB1] =	sst s0;
	s0 =	simm.s32 @!p1 $0x0  }
0x14: {  	s2 =	sld [smem:$0x3F95];
	s0 =	simm.s32 @p1 $0x1  }
0x15: {  	[smem:$0x3FB2] =	sst s0;
	s0 =	simm.s32 @!p2 $0x0  }
0x16: {  	s3 =	sld [smem:$0x3FDB];
	s0 =	simm.s32 @p2 $0x1  }
0x17: {  	s4 =	simm.s32 $0x1BF5;
	[smem:$0x3FB4] =	sst s0  }
0x18: {  	s0 =	sld [smem:$0x3F97];
	_ =	swait.ge [sflag:s4], $0x0  }
0x19: {  	s7 =	sld [smem:$0x3F98]  }
0x1a: {  	s8 =	sadd.s32 $0xFFFFE003, lr  }
0x1b: {  	s9 =	sadd.s32 $0xFFFFFEF7, lr;
	s5 =	simm.s32 $0xFFFFFFFF;
	p2 =	slt.u32 s8, $0xFFFFF086  }
0x1c: {  	p1 =	slt.u32 s9, $0xF7A;
	s5 =	simm.s32 @!p2 $0x0  }
0x1d: {  	s5 =	simm.s32 @p1 $0x1;
	p0 =	seq.s32 s7, s2  }
0x1e: {  	s7 =	smul.u32 @!p0 $0xF7A, s2;
	p2 =	seq.s32 @!p0 s5, $0x0  }
0x1f: {  	s9 =	smul.u32 $0xF7A, s1;
	s8 =	simm.s32 @!p0 $0x1BF5;
	p2 =	por !p2, p0  }
0x20: {  	[sflag:s8] =	ssyncset.s32 @!p0 $0xFFFFF086;
	s6 =	sadd.s32 @!p0 s3, s7;
	s7 =	simm.s32 @!p0 $0x108  }
0x21: {  	s3 =	sadd.s32 s3, s9;
	s6 =	sadd.s32 @!p0 $0x88, s6;
	s7 =	simm.s32 @p2 $0x1082  }
0x22: {  	[simem:s7], [sflag:s8] =	dma.local @!p0 [hbm:s6], $0xF7A  }
0x23: {  	s9 =	sor.u32 $0xD0000000, s2;
	s6 =	simm.s32 $0x108;
	_ =	swait.ge @!p0 [sflag:s8], $0x0  }
0x24: {  	s3 =	sadd.s32 $0x88, s3;
	s6 =	simm.s32 @!p1 $0x1082;
	[sflag:s4] =	ssyncset.s32 $0xFFFFF086  }
0x25: {  	[simem:s6], [sflag:s4] =	dma.local [hbm:s3], $0xF7A  }
0x26: {  	[smem:$0x3F98] =	sst s1;
	(tag) =	ssettag s2;
	_ =	strace s9  }
0x27: {  	s1 =	sld [smem:$0x3FA8]  }
0x28: {  	s2 =	sld [smem:$0x3FA9]  }
0x29: {  	s4 =	sld [smem:$0x3FAB]  }
0x2a: {  	p0 =	seq.s32 s5, $0x0;
	s5 =	sld [smem:$0x3FAC]  }
0x2b: {  	s6 =	sld [smem:$0x3FAD]  }
0x2c: {  	s7 =	sld [smem:$0x3FAE]  }
0x2d: {  	s3 =	simm.s32 $0x108;
	s8 =	sld [smem:$0x3FAF]  }
0x2e: {  	s3 =	simm.s32 @!p0 $0x1082;
	s9 =	sld [smem:$0x3FB0]  }
0x2f: {  	lr =	sadd.s32 s0, s3;
	s0 =	sld [smem:$0x3FA7]  }
0x30: {  	s3 =	sld [smem:$0x3FAA]  }
0x31: {  	[smem:$0x3FB3] =	sst s10  }
0x32: {  	s10 =	sld [smem:$0x3FB1];
	_ =	sdelay $0x3  }
0x33: {  	p0 =	seq.s32 s10, $0x1;
	s10 =	sld [smem:$0x3FB3];
	_ =	sdelay $0x3  }
0x34: {  	[smem:$0x3FB3] =	sst s10  }
0x35: {  	s10 =	sld [smem:$0x3FB2];
	_ =	sdelay $0x3  }
0x36: {  	p1 =	seq.s32 s10, $0x1;
	s10 =	sld [smem:$0x3FB3];
	_ =	sdelay $0x3  }
0x37: {  	[smem:$0x3FB3] =	sst s10  }
0x38: {  	s10 =	sld [smem:$0x3FB4]  }
0x39: {  	_ = 	snop;
	(pc) =	sbr.ind lr, $3  }
0x3a: {  	_ = 	snop  }
0x3b: {  	_ = 	snop  }
0x3c: {  	p2 =	seq.s32 s10, $0x1;
	s10 =	sld [smem:$0x3FB3]  }
0x3d: {  	_ =	shalt  }
0x3e: {  	_ =	shalt  }
0x3f: {  	_ =	shalt  }
0x40: {  	_ =	shalt  }
0x41: {  	_ =	shalt  }
0x42: {  	_ =	shalt  }
0x43: {  	_ =	shalt  }
0x44: {  	_ =	shalt  }
0x45: {  	_ =	shalt  }
0x46: {  	_ =	shalt  }
0x47: {  	_ =	shalt  }
0x48: {  	_ =	shalt  }
0x49: {  	_ =	shalt  }
0x4a: {  	_ =	shalt  }
0x4b: {  	_ =	shalt  }
0x4c: {  	_ =	shalt  }
0x4d: {  	_ =	shalt  }
0x4e: {  	_ =	shalt  }
0x4f: {  	_ =	shalt  }
0x50: {  	_ =	shalt  }
0x51: {  	_ =	shalt  }
0x52: {  	_ =	shalt  }
0x53: {  	_ =	shalt  }
0x54: {  	_ =	shalt  }
0x55: {  	_ =	shalt  }
0x56: {  	_ =	shalt  }
0x57: {  	_ =	shalt  }
0x58: {  	_ =	shalt  }
0x59: {  	_ =	shalt  }
0x5a: {  	_ =	shalt  }
0x5b: {  	_ =	shalt  }
0x5c: {  	_ =	shalt  }
0x5d: {  	_ =	shalt  }
0x5e: {  	_ =	shalt  }
0x5f: {  	_ =	shalt  }
0x60: {  	_ =	shalt  }
0x61: {  	_ =	shalt  }
0x62: {  	_ =	shalt  }
0x63: {  	_ =	shalt  }
0x64: {  	_ =	shalt  }
0x65: {  	_ =	shalt  }
0x66: {  	_ =	shalt  }
0x67: {  	_ =	shalt  }
0x68: {  	_ =	shalt  }
0x69: {  	_ =	shalt  }
0x6a: {  	_ =	shalt  }
0x6b: {  	_ =	shalt  }
0x6c: {  	_ =	shalt  }
0x6d: {  	_ =	shalt  }
0x6e: {  	_ =	shalt  }
0x6f: {  	_ =	shalt  }
0x70: {  	_ =	shalt  }
0x71: {  	_ =	shalt  }
0x72: {  	_ =	shalt  }
0x73: {  	_ =	shalt  }
0x74: {  	_ =	shalt  }
0x75: {  	_ =	shalt  }
0x76: {  	_ =	shalt  }
0x77: {  	_ =	shalt  }
0x78: {  	_ =	shalt  }
0x79: {  	_ =	shalt  }
0x7a: {  	_ =	shalt  }
0x7b: {  	_ =	shalt  }
0x7c: {  	_ =	shalt  }
0x7d: {  	_ =	shalt  }
0x7e: {  	_ =	shalt  }
0x7f: {  	_ =	shalt  }
0x80: {  	_ =	shalt  }
0x81: {  	_ =	shalt  }
0x82: {  	_ =	shalt  }
0x83: {  	_ =	shalt  }
0x84: {  	_ =	shalt  }
0x85: {  	_ =	shalt  }
0x86: {  	_ =	shalt  }
0x87: {  	_ =	shalt  }
.Lfunc_end0:
.L_simem_size_0:
called_computation_lowered:
.L_overlay_start_0:
0x88: {  	s2 =	sld [smem:$0x3FD9]  }
0x89: {  	s3 =	sld [smem:$0x3FFE];
	_ =	sdelay $0x1  }
0x8a: {  	s1 =	srdreg.scid  }
0x8b: {  	s0 =	sand.u32 $0x1, s1  }
0x8c: {  	s16 =	sshll.u32 s0, $0xA;
	s2 =	sadd.s32 s3, s2  }
0x8d: {  	s2 =	sadd.s32 s2, s16  }
0x8e: {  	[smem:$0x3FBF] =	sst s2  }
0x8f: {  	_ = 	snop  }
0x90: {  	(tm) =	ssettm $0x1  }
0x91: {  	s17 =	sld [smem:$0x3FFB];
	_ =	sdelay $0x3  }
0x92: {  	_ =	strace s17  }
0x93: {  	s2 =	sld [smem:$0x3FFC];
	_ =	sdelay $0x3  }
0x94: {  	_ =	strace s2  }
0x95: {  	s2 =	sld [smem:$0x3FFD];
	_ =	sdelay $0x3  }
0x96: {  	_ =	strace s2  }
0x97: {  	_ =	strace $0x8FFFFFFF  }
0x98: {  	s18 =	sld [smem:$0x3FDB];
	_ =	sdelay $0x1  }
0x99: {  	s19 =	simm.s32 $_scs_section_size  }
0x9a: {  	s4 =	simm.s32 $_size__tile_overlayer_lowered;
	s5 =	simm.s32 $_tile_overlayer_lowered  }
0x9b: {  	s22 =	simm.s32 $0x1BFF;
	s21 =	sshll.u32 s5, $0x1;
	s2 =	sadd.s32 s19, s18  }
0x9c: {  	s6 =	simm.s32 $0x0;
	s20 =	sshll.u32 s4, $0x1;
	s4 =	sadd.s32 s21, s2  }
0x9d: {  	[timem:s6], [sflag:s22] =	dma.local [hbm:s4], s20  }
0x9e: {  	_ =	swait.ge [sflag:s22], s20  }
0x9f: {  	s3 =	ssub.s32 $0x0, s20;
	[sflag:s22] =	ssyncset.done $0x0  }
0xa0: {  	[sflag:s22] =	ssyncadd.s32 s3;
	_ =	sdelay $0x1  }
0xa1: {  	s23 =	simm.s32 $0x1B8B  }
0xa2: {  	_ =	swait.ge [sflag:s23], $0x1  }
0xa3: {  	[sflag:s23] =	ssyncset.done $0x0  }
0xa4: {  	s25 =	simm.s32 $0x1B8E;
	s24 =	sld [smem:$0x3FFE];
	[sflag:s23] =	ssyncadd.s32 $0xFFFFFFFF  }
0xa5: {  	s26 =	simm.s32 $execute0_lowered;
	[smem:$0x3FD2] =	sst s25  }
0xa6: {  	s4 =	sshll.u32 s26, $0x1;
	_ =	strace $0x80000046;
	[dreg:$0x1] =	wrdreg $0xFFFFFFFF  }
0xa7: {  	s28 =	simm.s32 $_size_execute0_lowered;
	s2 =	sadd.s32 s2, s4;
	[dreg:$0x0] =	wrdreg $0x0  }
0xa8: {  	s4 =	sshll.u32 s28, $0x1;
	[dreg:$0x2] =	wrdreg s2  }
0xa9: {  	[dreg:$0x3] =	wrdreg s4  }
0xaa: {  	[dreg:$0x4] =	wrdreg $0xC0  }
0xab: {  	_ =	task [dreg:s6], $0x5FFFF  }
0xac: {  	[dreg:$0x1] =	wrdreg $0xFFFFFFFF  }
0xad: {  	[dreg:$0x0] =	wrdreg $0x60  }
0xae: {  	[dreg:$0x2] =	wrdreg s24  }
0xaf: {  	[dreg:$0x3] =	wrdreg $0x9  }
0xb0: {  	_ =	task.clear_ibuf [dreg:s6], $0x4FFFF;
	_ =	strace $0x90000046  }
0xb1: {  	s29 =	simm.s32 $0x9;
	_ =	strace $0x80000048  }
0xb2: {  	_ =	swait.ge [sflag:s29], $0x1  }
0xb3: {  	[sflag:s29] =	ssyncadd.s32 $0xFFFFFFFF  }
0xb4: {  	_ =	strace $0x90000048  }
0xb5: {  	_ =	sfence  }
0xb6: {  	s30 =	sld [smem:$0x0];
	_ =	sdelay $0x2  }
0xb7: {  	s31 =	sshll.u32 s1, $0xD;
	s1 =	sshrl.u32 s1, $0x2  }
0xb8: {  	s3 =	sand.u32 $0x4000, s31;
	s1 =	sadd.s32 s1, s30  }
0xb9: {  	s0 =	sor.u32 s3, s0;
	s1 =	sshll.u32 s1, $0x11  }
0xba: {  	s0 =	sor.u32 s1, s0  }
0xbb: {  	s0 =	sadd.s32 $0x8F2B, s0  }
0xbc: {  	[sflag:s0] =	ssyncadd.remote.s32 $0x1  }
0xbd: {  	_ =	sfence.sel $0xFFFF  }
0xbe: {  	[dreg:$0x0] =	wrdreg $0xFFFFFFFF;
	(pc) =	sbr.abs _section_cstart, $3  }
0xbf: {  	[dreg:$0x1] =	wrdreg $0xFFFFFFFF  }
0xc0: {  	_ =	task.clear_ibuf [dreg:s6], $0x2FFFF;
	_ =	strace $0x9FFFFFFF  }
0xc1: {  	(tm) =	ssettm $0x7FFFFFFF  }
tec
execute0_lowered:
.L_overlay_start_1:
0x0: {  	(tag) =	ssettag $0x1  }
0x1: {  	s0 =	srdreg.scid  }
0x2: {  	s1 =	sshll.u32 s0, $0x4  }
0x3: {  	s0 =	stileid.u32;
	s1 =	sand.u32 $0x10, s1  }
0x4: {  	s1 =	sor.u32 s0, s1  }
0x5: {  	s9 =	rddreg [dreg:$0x0];
	s6 =	simm.s32 $0x1;
	s2 =	smin.u32 s1, $0x8  }
0x6: {  	p0 =	slt.u32 s1, $0x8;
	s2 =	sadd.s32 s1, s2;
	s1 =	simm.s32 $0x80  }
0x7: {  	s7 =	simm.s32 $0x2;
	s2 =	sshll.u32 s2, $0x6;
	s1 =	simm.s32 @!p0 $0x40  }
0x8: {  	s10 =	simm.s32 $0x3;
	s13 =	simm.s32 $0x0;
	s3 =	sadd.s32 s1, s2  }
0x9: {  	s12 =	simm.s32 $0x0;
	s4 =	sadd.s32 $0x3200, s9;
	s3 =	smin.u32 s3, $0xA00  }
.Ltmp0:
0xa: {  	s5 =	sadd.s32 $0x3000, s9;
	s8 =	ssub.s32 s3, s2;
	(pc) =	sbr.rel .LBB2_1-.Ltmp0, $4  }
0xb: {  	s1 =	rddreg [dreg:$0x1];
	_ =	strace $0x80000047;
	p0 =	sgt.s32 s8, $0x0  }
0xc: {  	s9 =	sadd.s32 $0x17200, s9;
	[sflag:s6] =	ssyncpa.u1 $0x0;
	s8 =	simm.s32 @!p0 $0x0  }
0xd: {  	s11 =	smov.u32 s2;
	[sflag:s7] =	ssyncpa.u1 $0x0;
	s8 =	sshrl.u32 s8, $0x6  }
0xe: {  	vm0 =	vmmov $0xff;
	vm1 =	vcmask $0x3F20;
	[sflag:s10] =	ssyncpa.u1 $0x0;
	p0 =	por $0x0, $0x0;
	s10 =	sadd.s32 $0x1, s8  }
.LBB2_6:
0xf: {  	[hbm:s17] =	stream.linear.scatter [tilespmem:s14], [sflag:$0x3], $0x400, $0x38;
	[tilespmem:$0x4080] =	vst v63  }
.LBB2_7:
0x10: {  	s13 =	sadd.s32 $0x40, s11  }
0x11: {  	s15 =	smov.u32 s2;
	p2 =	slt.s32 s13, s3  }
0x12: {  	s15 =	smov.u32 @p2 s13;
	p2 =	sne.s32 s12, s10  }
.Ltmp1:
0x13: {  	p1 =	slt.u32 s12, $0x2;
	(pc) =	sbr.rel @!p2 .LBB2_8-.Ltmp1, $4  }
0x14: {  	s14 =	simm.s32 @!p1 $0x3  }
0x15: {  	s16 =	sadd.s32 $0x1, s12;
	_ =	swait.ge @!p1 [sflag:s14], $0x2000  }
0x16: {  	p0 =	por !p0, !p0;
	s13 =	smov.u32 s11;
	[sflag:s14] =	ssyncset.done @!p1 $0x0  }
0x17: {  	s12 =	smov.u32 s16;
	s11 =	smov.u32 s15;
	[sflag:s14] =	ssyncadd.s32 @!p1 $0xFFFFE000  }
.LBB2_1:
0x18: {  	p1 =	sge.u32 s12, s8  }
0x19: {  	s14 =	sxor.u32 @!p1 $0xFFFFFFFF, s12  }
0x1a: {  	s31 =	sadd.s32 $0xFFFFFFFF, s12;
	s15 =	sshrl.u32 @!p1 s11, $0x3;
	s14 =	sshll.u32 @!p1 s14, $0x6  }
0x1b: {  	s16 =	sand.u32 @!p1 $0x7, s11;
	s15 =	sadd.s32 @!p1 s5, s15;
	s14 =	sand.u32 @!p1 $0x40, s14  }
0x1c: {  	[tilespmem:s14], [sflag:$0x2] =	stream.linear.gather @!p1 [hbm4b:s15+s16], $0x40, $0x38;
	[tilespmem:$0x4080] =	vst v63  }
0x1d: {  	p1 =	sge.u32 s31, s8  }
.Ltmp2:
0x1e: {  	_ = 	snop;
	(pc) =	sbr.rel @p1 .LBB2_7-.Ltmp2, $1  }
0x1f: {  	_ =	sdelay $0x3  }
0x20: {  	s14 =	simm.s32 $0x1  }
0x21: {  	_ =	swait.ge [sflag:s7], $0x40;
	s14 =	simm.s32 @!p0 $0x0  }
0x22: {  	[sflag:s7] =	ssyncset.done $0x0;
	s16 =	sshll.u32 s14, $0x6  }
0x23: {  	[sflag:s7] =	ssyncadd.s32 $0xFFFFFFC0;
	s15 =	sadd.s32 $0x0, s16  }
0x24: {  	v0 =	vld.msk [tilespmem:s15+$0x0 ss:$0x1], $0xffff;
	_ =	sdelay $0x4  }
0x25: {  	vm2 =	vgt.s32 v0, $0x0  }
0x26: {  	v0 =	vnsel vm2, $0x0, v0  }
0x27: {  	v0 =	vmin.u32 v0, $0x9FF  }
0x28: {  	v0 =	vshll.u32 v0, $0x4;
	_ =	sdelay $0x2  }
0x29: {  	s14 =	sshll.u32 s14, $0xD  }
0x2a: {  	s14 =	sor.u32 $0x80, s14  }
0x2b: {  	[tilespmem:s14], [sflag:$0x1] =	stream.indirect_vreg.gather [hbm:s4], $0x80, v0, vm0, $0x38;
	[tilespmem:$0x4080] =	vst v63  }
0x2c: {  	s17 =	sadd.s32 $0x10, s16;
	s15 =	sadd.s32 $0x400, s14  }
0x2d: {  	[tilespmem:s15], [sflag:$0x1] =	stream.indirect_vreg.gather [hbm:s4], $0x80, v0, vm1, $0x38;
	[tilespmem:$0x4080] =	vst v63  }
0x2e: {  	s18 =	simm.s32 $0x80;
	v0 =	vld.msk [tilespmem:s17+$0x0 ss:$0x1], $0xffff;
	s17 =	smov.u32 s14  }
.LBB2_3:
0x2f: {  	p1 =	sne.s32 s18, $0xC0;
	_ =	sdelay $0x4  }
0x30: {  	vm2 =	vgt.s32 v0, $0x0  }
0x31: {  	v0 =	vnsel vm2, $0x0, v0  }
0x32: {  	v0 =	vmin.u32 v0, $0x9FF  }
0x33: {  	v0 =	vshll.u32 v0, $0x4;
	_ =	sdelay $0x3  }
.Ltmp3:
0x34: {  	s19 =	sshra.s32 s18, $0x2;
	s17 =	sadd.s32 $0x800, s17;
	(pc) =	sbr.rel @p1 .LBB2_3-.Ltmp3, $4  }
0x35: {  	[tilespmem:s17], [sflag:$0x1] =	stream.indirect_vreg.gather [hbm:s4], $0x80, v0, vm0, $0x38;
	[tilespmem:$0x4080] =	vst v63  }
0x36: {  	s19 =	sadd.s32 s19, s16;
	s20 =	sadd.s32 $0x400, s17  }
0x37: {  	[tilespmem:s20], [sflag:$0x1] =	stream.indirect_vreg.gather [hbm:s4], $0x80, v0, vm1, $0x38;
	[tilespmem:$0x4080] =	vst v63  }
0x38: {  	s18 =	sadd.s32 $0x40, s18;
	v0 =	vld.msk [tilespmem:s19+$0x0 ss:$0x1], $0xffff  }
0x39: {  	_ =	sdelay $0x3  }
0x3a: {  	vm2 =	vgt.s32 v0, $0x0  }
0x3b: {  	v0 =	vnsel vm2, $0x0, v0  }
0x3c: {  	v0 =	vmin.u32 v0, $0x9FF  }
0x3d: {  	v0 =	vshll.u32 v0, $0x4;
	_ =	sdelay $0x3  }
0x3e: {  	s16 =	sadd.s32 $0x800, s17  }
0x3f: {  	[tilespmem:s16], [sflag:$0x1] =	stream.indirect_vreg.gather [hbm:s4], $0x80, v0, vm0, $0x38;
	[tilespmem:$0x4080] =	vst v63  }
0x40: {  	s16 =	sadd.s32 $0x400, s16  }
0x41: {  	[tilespmem:s16], [sflag:$0x1] =	stream.indirect_vreg.gather [hbm:s4], $0x80, v0, vm1, $0x38;
	[tilespmem:$0x4080] =	vst v63  }
0x42: {  	s13 =	sshll.u32 s13, $0x4;
	_ =	swait.ge [sflag:s6], $0x2000  }
0x43: {  	s13 =	sadd.s32 s13, s9;
	[sflag:s6] =	ssyncset.done $0x0  }
0x44: {  	s17 =	sadd.s32 $0x0, s13;
	s16 =	simm.s32 $0x80;
	[sflag:s6] =	ssyncadd.s32 $0xFFFFE000  }
.LBB2_5:
0x45: {  	[hbm:s17] =	stream.linear.scatter [tilespmem:s14], [sflag:$0x3], $0x400, $0x38;
	[tilespmem:$0x4080] =	vst v63  }
0x46: {  	s17 =	smov.u32 s16;
	s14 =	smov.u32 s15;
	p1 =	sne.s32 s16, $0x380  }
.Ltmp4:
0x47: {  	s16 =	sadd.s32 $0x80, s16;
	(pc) =	sbr.rel @p1 .LBB2_5-.Ltmp4, $2  }
0x48: {  	_ =	sdelay $0x2  }
0x49: {  	s15 =	sadd.s32 $0x400, s15;
	s17 =	sadd.s32 s17, s13  }
.Ltmp5:
0x4a: {  	_ = 	snop;
	(pc) =	sbr.rel .LBB2_6-.Ltmp5, $1  }
0x4b: {  	_ =	sdelay $0x3  }
.LBB2_8:
0x4c: {  	_ =	sfence.sel $0x180000  }
0x4d: {  	s2 =	simm.s32 $0x2;
	[bflag:$0x0] =	sbarrier.arrive $0xFFFF  }
0x4e: {  	s30 =	simm.s32 $0x3;
	[sflag:s2] =	ssyncpa.u1 $0x1  }
0x4f: {  	s31 =	simm.s32 $0x1;
	[sflag:s30] =	ssyncpa.u1 $0x1  }
0x50: {  	[sflag:s31] =	ssyncpa.u1 $0x1  }
0x51: {  	p0 =	sne.s32 s0, $0x0;
	_ =	strace $0x90000047  }
0x52: {  	s0 =	sadd.s32 @!p0 $0x100000, s1;
	[bflag:$0x2] =	sbarrier.arrive $0xFFFF  }
0x53: {  	[sflag:s0] =	ssyncadd.tile.s32 @!p0 $0x1;
	_ =	shalt  }
.Lfunc_end2:
_tile_overlayer_lowered:
.L_overlay_start_2:
0x54: {  	(tag) =	ssettag $0x2  }
0x55: {  	s0 =	rddreg [dreg:$0x0];
	s2 =	stileid.u32  }
0x56: {  	s1 =	rddreg [dreg:$0x1];
	p0 =	sne.s32 s2, $0x0  }
0x57: {  	s3 =	rddreg [dreg:$0x2];
	[bflag:$0x3] =	sbarrier.arrive $0xFFFF;
	s2 =	simm.s32 @!p0 $0x1C01  }
0x58: {  	[timem:s3], [sflag:s2] =	dma.local @!p0 [hbm:s0], s1  }
0x59: {  	s0 =	simm.s32 @!p0 $0x1  }
0x5a: {  	_ =	swait.ge @!p0 [sflag:s0], s1  }
0x5b: {  	s1 =	ssub.s32 @!p0 $0x0, s1;
	[sflag:s0] =	ssyncset.done @!p0 $0x0  }
0x5c: {  	[sflag:s0] =	ssyncadd.s32 @!p0 s1  }
0x5d: {  	[bflag:$0x3] =	sbarrier.arrive $0xFFFF  }
0x5e: {  	_ =	shalt  }

// kernel: kernel.10.cloned.1.call-start
scs
__scs_entry_jumppad:
0x0: {  	(pc) =	sbr.rel $0x88, $3  }
0x1: {  	(tag) =	ssettag $0x0;
	lr =	simm.s32 $0x1  }
0x2: {  	[smem:$0x3F98] =	sst lr;
	_ =	strace $0xD0000000  }
0x3: {  	_ = 	snop  }
0x4: {  	_ = 	snop  }
0x5: {  	_ = 	snop  }
0x6: {  	_ = 	snop  }
0x7: {  	_ = 	snop  }
__scs_overlays_trampoline_lowered:
0x8: {  	[smem:$0x3FA7] =	sst s0  }
0x9: {  	[smem:$0x3FA8] =	sst s1  }
0xa: {  	[smem:$0x3FA9] =	sst s2  }
0xb: {  	[smem:$0x3FAA] =	sst s3  }
0xc: {  	[smem:$0x3FAB] =	sst s4  }
0xd: {  	[smem:$0x3FAC] =	sst s5  }
0xe: {  	[smem:$0x3FAD] =	sst s6  }
0xf: {  	[smem:$0x3FAE] =	sst s7  }
0x10: {  	[smem:$0x3FAF] =	sst s8  }
0x11: {  	[smem:$0x3FB0] =	sst s9;
	s0 =	simm.s32 @!p0 $0x0  }
0x12: {  	s1 =	sld [smem:$0x3F96];
	s0 =	simm.s32 @p0 $0x1  }
0x13: {  	[smem:$0x3FB1] =	sst s0;
	s0 =	simm.s32 @!p1 $0x0  }
0x14: {  	s2 =	sld [smem:$0x3F95];
	s0 =	simm.s32 @p1 $0x1  }
0x15: {  	[smem:$0x3FB2] =	sst s0;
	s0 =	simm.s32 @!p2 $0x0  }
0x16: {  	s3 =	sld [smem:$0x3FDB];
	s0 =	simm.s32 @p2 $0x1  }
0x17: {  	s4 =	simm.s32 $0x1BF5;
	[smem:$0x3FB4] =	sst s0  }
0x18: {  	s0 =	sld [smem:$0x3F97];
	_ =	swait.ge [sflag:s4], $0x0  }
0x19: {  	s7 =	sld [smem:$0x3F98]  }
0x1a: {  	s8 =	sadd.s32 $0xFFFFE003, lr  }
0x1b: {  	s9 =	sadd.s32 $0xFFFFFEF7, lr;
	s5 =	simm.s32 $0xFFFFFFFF;
	p2 =	slt.u32 s8, $0xFFFFF086  }
0x1c: {  	p1 =	slt.u32 s9, $0xF7A;
	s5 =	simm.s32 @!p2 $0x0  }
0x1d: {  	s5 =	simm.s32 @p1 $0x1;
	p0 =	seq.s32 s7, s2  }
0x1e: {  	s7 =	smul.u32 @!p0 $0xF7A, s2;
	p2 =	seq.s32 @!p0 s5, $0x0  }
0x1f: {  	s9 =	smul.u32 $0xF7A, s1;
	s8 =	simm.s32 @!p0 $0x1BF5;
	p2 =	por !p2, p0  }
0x20: {  	[sflag:s8] =	ssyncset.s32 @!p0 $0xFFFFF086;
	s6 =	sadd.s32 @!p0 s3, s7;
	s7 =	simm.s32 @!p0 $0x108  }
0x21: {  	s3 =	sadd.s32 s3, s9;
	s6 =	sadd.s32 @!p0 $0x88, s6;
	s7 =	simm.s32 @p2 $0x1082  }
0x22: {  	[simem:s7], [sflag:s8] =	dma.local @!p0 [hbm:s6], $0xF7A  }
0x23: {  	s9 =	sor.u32 $0xD0000000, s2;
	s6 =	simm.s32 $0x108;
	_ =	swait.ge @!p0 [sflag:s8], $0x0  }
0x24: {  	s3 =	sadd.s32 $0x88, s3;
	s6 =	simm.s32 @!p1 $0x1082;
	[sflag:s4] =	ssyncset.s32 $0xFFFFF086  }
0x25: {  	[simem:s6], [sflag:s4] =	dma.local [hbm:s3], $0xF7A  }
0x26: {  	[smem:$0x3F98] =	sst s1;
	(tag) =	ssettag s2;
	_ =	strace s9  }
0x27: {  	s1 =	sld [smem:$0x3FA8]  }
0x28: {  	s2 =	sld [smem:$0x3FA9]  }
0x29: {  	s4 =	sld [smem:$0x3FAB]  }
0x2a: {  	p0 =	seq.s32 s5, $0x0;
	s5 =	sld [smem:$0x3FAC]  }
0x2b: {  	s6 =	sld [smem:$0x3FAD]  }
0x2c: {  	s7 =	sld [smem:$0x3FAE]  }
0x2d: {  	s3 =	simm.s32 $0x108;
	s8 =	sld [smem:$0x3FAF]  }
0x2e: {  	s3 =	simm.s32 @!p0 $0x1082;
	s9 =	sld [smem:$0x3FB0]  }
0x2f: {  	lr =	sadd.s32 s0, s3;
	s0 =	sld [smem:$0x3FA7]  }
0x30: {  	s3 =	sld [smem:$0x3FAA]  }
0x31: {  	[smem:$0x3FB3] =	sst s10  }
0x32: {  	s10 =	sld [smem:$0x3FB1];
	_ =	sdelay $0x3  }
0x33: {  	p0 =	seq.s32 s10, $0x1;
	s10 =	sld [smem:$0x3FB3];
	_ =	sdelay $0x3  }
0x34: {  	[smem:$0x3FB3] =	sst s10  }
0x35: {  	s10 =	sld [smem:$0x3FB2];
	_ =	sdelay $0x3  }
0x36: {  	p1 =	seq.s32 s10, $0x1;
	s10 =	sld [smem:$0x3FB3];
	_ =	sdelay $0x3  }
0x37: {  	[smem:$0x3FB3] =	sst s10  }
0x38: {  	s10 =	sld [smem:$0x3FB4]  }
0x39: {  	_ = 	snop;
	(pc) =	sbr.ind lr, $3  }
0x3a: {  	_ = 	snop  }
0x3b: {  	_ = 	snop  }
0x3c: {  	p2 =	seq.s32 s10, $0x1;
	s10 =	sld [smem:$0x3FB3]  }
0x3d: {  	_ =	shalt  }
0x3e: {  	_ =	shalt  }
0x3f: {  	_ =	shalt  }
0x40: {  	_ =	shalt  }
0x41: {  	_ =	shalt  }
0x42: {  	_ =	shalt  }
0x43: {  	_ =	shalt  }
0x44: {  	_ =	shalt  }
0x45: {  	_ =	shalt  }
0x46: {  	_ =	shalt  }
0x47: {  	_ =	shalt  }
0x48: {  	_ =	shalt  }
0x49: {  	_ =	shalt  }
0x4a: {  	_ =	shalt  }
0x4b: {  	_ =	shalt  }
0x4c: {  	_ =	shalt  }
0x4d: {  	_ =	shalt  }
0x4e: {  	_ =	shalt  }
0x4f: {  	_ =	shalt  }
0x50: {  	_ =	shalt  }
0x51: {  	_ =	shalt  }
0x52: {  	_ =	shalt  }
0x53: {  	_ =	shalt  }
0x54: {  	_ =	shalt  }
0x55: {  	_ =	shalt  }
0x56: {  	_ =	shalt  }
0x57: {  	_ =	shalt  }
0x58: {  	_ =	shalt  }
0x59: {  	_ =	shalt  }
0x5a: {  	_ =	shalt  }
0x5b: {  	_ =	shalt  }
0x5c: {  	_ =	shalt  }
0x5d: {  	_ =	shalt  }
0x5e: {  	_ =	shalt  }
0x5f: {  	_ =	shalt  }
0x60: {  	_ =	shalt  }
0x61: {  	_ =	shalt  }
0x62: {  	_ =	shalt  }
0x63: {  	_ =	shalt  }
0x64: {  	_ =	shalt  }
0x65: {  	_ =	shalt  }
0x66: {  	_ =	shalt  }
0x67: {  	_ =	shalt  }
0x68: {  	_ =	shalt  }
0x69: {  	_ =	shalt  }
0x6a: {  	_ =	shalt  }
0x6b: {  	_ =	shalt  }
0x6c: {  	_ =	shalt  }
0x6d: {  	_ =	shalt  }
0x6e: {  	_ =	shalt  }
0x6f: {  	_ =	shalt  }
0x70: {  	_ =	shalt  }
0x71: {  	_ =	shalt  }
0x72: {  	_ =	shalt  }
0x73: {  	_ =	shalt  }
0x74: {  	_ =	shalt  }
0x75: {  	_ =	shalt  }
0x76: {  	_ =	shalt  }
0x77: {  	_ =	shalt  }
0x78: {  	_ =	shalt  }
0x79: {  	_ =	shalt  }
0x7a: {  	_ =	shalt  }
0x7b: {  	_ =	shalt  }
0x7c: {  	_ =	shalt  }
0x7d: {  	_ =	shalt  }
0x7e: {  	_ =	shalt  }
0x7f: {  	_ =	shalt  }
0x80: {  	_ =	shalt  }
0x81: {  	_ =	shalt  }
0x82: {  	_ =	shalt  }
0x83: {  	_ =	shalt  }
0x84: {  	_ =	shalt  }
0x85: {  	_ =	shalt  }
0x86: {  	_ =	shalt  }
0x87: {  	_ =	shalt  }
.Lfunc_end0:
.L_simem_size_0:
called_computation.5_lowered:
.L_overlay_start_0:
0x88: {  	s2 =	sld [smem:$0x3FD9]  }
0x89: {  	s3 =	sld [smem:$0x3FFE];
	_ =	sdelay $0x1  }
0x8a: {  	s1 =	srdreg.scid  }
0x8b: {  	s0 =	sand.u32 $0x1, s1  }
0x8c: {  	s17 =	sshll.u32 s0, $0xA;
	s2 =	sadd.s32 s3, s2  }
0x8d: {  	s2 =	sadd.s32 s2, s17  }
0x8e: {  	[smem:$0x3FBF] =	sst s2  }
0x8f: {  	_ = 	snop  }
0x90: {  	s2 =	sld [smem:$0x3FD0];
	(tm) =	ssettm $0x1  }
0x91: {  	s18 =	sld [smem:$0x3FFB];
	_ =	sdelay $0x3  }
0x92: {  	_ =	strace s18  }
0x93: {  	s3 =	sld [smem:$0x3FFC];
	_ =	sdelay $0x3  }
0x94: {  	_ =	strace s3  }
0x95: {  	s3 =	sld [smem:$0x3FFD];
	_ =	sdelay $0x3  }
0x96: {  	_ =	strace s3  }
0x97: {  	_ =	strace $0x8FFFFFFF  }
0x98: {  	s19 =	sld [smem:$0x3FDB];
	_ =	sdelay $0x1  }
0x99: {  	s4 =	simm.s32 $_scs_section_size  }
0x9a: {  	s5 =	simm.s32 $_size__tile_overlayer_lowered;
	s6 =	simm.s32 $_tile_overlayer_lowered  }
0x9b: {  	s22 =	simm.s32 $0x1BFF;
	s21 =	sshll.u32 s6, $0x1;
	s3 =	sadd.s32 s4, s19  }
0x9c: {  	s7 =	simm.s32 $0x0;
	s20 =	sshll.u32 s5, $0x1;
	s5 =	sadd.s32 s21, s3  }
0x9d: {  	[timem:s7], [sflag:s22] =	dma.local [hbm:s5], s20  }
0x9e: {  	_ =	swait.ge [sflag:s22], s20  }
0x9f: {  	s4 =	ssub.s32 $0x0, s20;
	[sflag:s22] =	ssyncset.done $0x0  }
0xa0: {  	[sflag:s22] =	ssyncadd.s32 s4;
	_ =	sdelay $0x1  }
0xa1: {  	s23 =	simm.s32 $0x1B8B  }
0xa2: {  	_ =	swait.ge [sflag:s23], $0x1  }
0xa3: {  	[sflag:s23] =	ssyncset.done $0x0  }
0xa4: {  	s25 =	simm.s32 $0x1B8E;
	s24 =	sld [smem:$0x3FFE];
	[sflag:s23] =	ssyncadd.s32 $0xFFFFFFFF  }
0xa5: {  	s26 =	simm.s32 $execute0_lowered;
	[smem:$0x3FD2] =	sst s25  }
0xa6: {  	s5 =	sshll.u32 s26, $0x1;
	_ =	strace $0x80000055;
	[dreg:$0x1] =	wrdreg $0xFFFFFFFF  }
0xa7: {  	s28 =	simm.s32 $_size_execute0_lowered;
	s3 =	sadd.s32 s3, s5;
	[dreg:$0x0] =	wrdreg $0x0  }
0xa8: {  	s5 =	sshll.u32 s28, $0x1;
	[dreg:$0x2] =	wrdreg s3  }
0xa9: {  	[dreg:$0x3] =	wrdreg s5  }
0xaa: {  	[dreg:$0x4] =	wrdreg $0xC0  }
0xab: {  	_ =	task [dreg:s7], $0x5FFFF  }
0xac: {  	[dreg:$0x1] =	wrdreg $0xFFFFFFFF  }
0xad: {  	[dreg:$0x0] =	wrdreg $0x60  }
0xae: {  	[dreg:$0x2] =	wrdreg s24  }
0xaf: {  	[dreg:$0x3] =	wrdreg s2  }
0xb0: {  	[dreg:$0x4] =	wrdreg $0xA8800  }
0xb1: {  	[dreg:$0x5] =	wrdreg $0x1E8800  }
0xb2: {  	[dreg:$0x6] =	wrdreg $0x9  }
0xb3: {  	_ =	task.clear_ibuf [dreg:s7], $0x7FFFF;
	_ =	strace $0x90000055  }
0xb4: {  	s29 =	simm.s32 $0x9;
	_ =	strace $0x80000057  }
0xb5: {  	_ =	swait.ge [sflag:s29], $0x1  }
0xb6: {  	[sflag:s29] =	ssyncadd.s32 $0xFFFFFFFF  }
0xb7: {  	_ =	strace $0x90000057  }
0xb8: {  	_ =	sfence  }
0xb9: {  	s30 =	sld [smem:$0x0];
	_ =	sdelay $0x2  }
0xba: {  	s31 =	sshll.u32 s1, $0xD;
	s1 =	sshrl.u32 s1, $0x2  }
0xbb: {  	s3 =	sand.u32 $0x4000, s31;
	s1 =	sadd.s32 s1, s30  }
0xbc: {  	s0 =	sor.u32 s3, s0;
	s1 =	sshll.u32 s1, $0x11  }
0xbd: {  	s0 =	sor.u32 s1, s0  }
0xbe: {  	s0 =	sadd.s32 $0x8F2B, s0  }
0xbf: {  	[sflag:s0] =	ssyncadd.remote.s32 $0x1  }
0xc0: {  	_ =	sfence.sel $0xFFFF  }
0xc1: {  	[dreg:$0x0] =	wrdreg $0xFFFFFFFF;
	(pc) =	sbr.abs _section_cstart, $3  }
0xc2: {  	[dreg:$0x1] =	wrdreg $0xFFFFFFFF  }
0xc3: {  	_ =	task.clear_ibuf [dreg:s7], $0x2FFFF;
	_ =	strace $0x9FFFFFFF  }
0xc4: {  	(tm) =	ssettm $0x7FFFFFFF  }
0xc5: {  	_ =	shalt  }
tec
execute0_lowered:
.L_overlay_start_1:
0x0: {  	(tag) =	ssettag $0x1  }
0x1: {  	s0 =	rddreg [dreg:$0x0]  }
0x2: {  	s3 =	rddreg [dreg:$0x1]  }
0x3: {  	s1 =	rddreg [dreg:$0x2]  }
0x4: {  	s2 =	rddreg [dreg:$0x3]  }
0x5: {  	s4 =	srdreg.scid;
	s18 =	stileid.u32;
	s28 =	simm.s32 $0x4  }
0x6: {  	s29 =	simm.s32 $0x2700;
	s30 =	simm.s32 $0x2780;
	s31 =	simm.s32 $0x5  }
0x7: {  	s6 =	sand.u32 $0x1, s4;
	s4 =	simm.s32 $0x0;
	s8 =	smul.u32 $0x14000, s18  }
0x8: {  	s5 =	sadd.s32 $0x10600, s0;
	s11 =	sadd.s32 $0xAD200, s0;
	s9 =	smul.u32 $0x50000, s18  }
0x9: {  	s12 =	sadd.s32 $0x6600, s0;
	s16 =	sadd.s32 $0x3200, s0;
	s14 =	smul.u32 $0xA00, s18  }
0xa: {  	s17 =	sadd.s32 $0x5A00, s0;
	s21 =	sshll.u32 s18, $0x6;
	s7 =	smul.u32 $0x140000, s6  }
0xb: {  	[smem:$0x7FF] =	sst s4;
	s19 =	sshll.u32 s6, $0x4;
	s10 =	ssub.s32 $0x2, s6  }
0xc: {  	p0 =	sne.s32 s6, $0x0;
	_ =	strace $0x80000056;
	[dreg:$0x5] =	wrdreg s16  }
0xd: {  	[dreg:$0x6] =	wrdreg s17;
	s13 =	sor.u32 s18, s19;
	s20 =	sshrl.u32 s10, $0x1  }
0xe: {  	s9 =	sshrl.u32 s9, $0x2;
	s22 =	sshrl.u32 s14, $0x2;
	s19 =	simm.s32 $0x1400  }
0xf: {  	s8 =	sadd.s32 s8, s7;
	s15 =	smul.u32 $0x2800, s13;
	s16 =	ssub.s32 s10, s20  }
0x10: {  	s17 =	sadd.s32 s9, s1;
	s24 =	sadd.s32 s22, s2;
	s26 =	smul.u32 $0x50, s13  }
0x11: {  	s20 =	simm.s32 $0x80;
	s22 =	simm.s32 $0x6800;
	s8 =	sshrl.u32 s8, $0x3  }
0x12: {  	s18 =	sshrl.u32 s24, $0x3;
	s24 =	simm.s32 $0xA800;
	s0 =	sadd.s32 s8, s0  }
0x13: {  	s8 =	sor.u32 $0x1C06, s21;
	s23 =	sshrl.u32 s15, $0x3;
	s14 =	sadd.s32 s3, s26  }
.Ltmp0:
0x14: {  	s15 =	smax.u32 s16, $0x1;
	s16 =	sshrl.u32 s17, $0x3;
	(pc) =	sbr.rel .LBB2_1-.Ltmp0, $4  }
0x15: {  	s17 =	simm.s32 $0x6;
	s21 =	simm.s32 $0x2800;
	s26 =	simm.s32 $0x2  }
0x16: {  	s25 =	sadd.s32 $0x280, s23;
	s9 =	sadd.s32 s11, s23;
	s10 =	sadd.s32 s12, s23  }
0x17: {  	s13 =	sadd.s32 $0x38600, s0;
	s23 =	simm.s32 $0x1;
	s0 =	simm.s32 $0x0  }
0x18: {  	v0 =	vimm.f32 $1.000000000e+00;
	s11 =	sadd.s32 s11, s25;
	s12 =	sadd.s32 s12, s25;
	s25 =	simm.s32 $0x3  }
.LBB2_22:
0x19: {  	[sflag:s31] =	ssyncadd.s32 $0xFFFFFF80  }
.LBB2_23:
0x1a: {  	[bflag:$0x0] =	sbarrier.arrive $0xFFFF  }
0x1b: {  	[hbm:s13], [sflag:s8] =	dma.local [spmem:s16], $0x2800  }
0x1c: {  	s0 =	sadd.s32 $0x1, s0;
	_ =	swait.ge [sflag:s17], $0x2800  }
0x1d: {  	p1 =	sne.s32 s0, s15;
	[sflag:s17] =	ssyncset.done $0x0  }
.Ltmp1:
0x1e: {  	[sflag:s17] =	ssyncadd.s32 $0xFFFFD800;
	(pc) =	sbr.rel @!p1 .LBB2_24-.Ltmp1, $4  }
0x1f: {  	[hbm:s14], [sflag:s8] =	dma.local [spmem:s18], $0x50  }
0x20: {  	_ =	swait.ge [sflag:s17], $0x50  }
0x21: {  	[sflag:s17] =	ssyncset.done $0x0  }
0x22: {  	[sflag:s17] =	ssyncadd.s32 $0xFFFFFFB0  }
.LBB2_1:
0x23: {  	s3 =	rddreg [dreg:$0x5]  }
0x24: {  	[spmem:s16], [sflag:s8] =	dma.local [hbm:s3], $0x2800  }
0x25: {  	_ =	swait.ge [sflag:s17], $0x2800  }
0x26: {  	[sflag:s17] =	ssyncset.done $0x0  }
0x27: {  	s7 =	rddreg [dreg:$0x6];
	[sflag:s17] =	ssyncadd.s32 $0xFFFFD800  }
0x28: {  	[spmem:s18], [sflag:s8] =	dma.local [hbm:s7], $0x50  }
0x29: {  	_ =	swait.ge [sflag:s17], $0x50  }
0x2a: {  	[sflag:s17] =	ssyncset.done $0x0  }
0x2b: {  	[sflag:s17] =	ssyncadd.s32 $0xFFFFFFB0  }
0x2c: {  	[tilespmem:$0xA800] =	vst v0  }
0x2d: {  	[tilespmem:$0xA810] =	vst v0  }
0x2e: {  	[tilespmem:$0xA820] =	vst v0  }
0x2f: {  	[tilespmem:$0xA830] =	vst v0  }
0x30: {  	[tilespmem:$0xA840] =	vst v0  }
0x31: {  	[tilespmem:$0xA850] =	vst v0  }
0x32: {  	[tilespmem:$0xA860] =	vst v0  }
0x33: {  	[tilespmem:$0xA870] =	vst v0  }
0x34: {  	[bflag:$0x0] =	sbarrier.arrive $0xFFFF  }
0x35: {  	[tilespmem:s4], [sflag:$0x6] =	stream.linear.gather [hbm4b:s9+s4], $0x1400, $0x38;
	[tilespmem:$0x1EB00] =	vst v63  }
0x36: {  	_ =	swait.ge [sflag:s17], $0x1400  }
0x37: {  	[sflag:s17] =	ssyncset.done $0x0  }
0x38: {  	[sflag:s17] =	ssyncadd.s32 $0xFFFFEC00  }
0x39: {  	[tilespmem:s19], [sflag:$0x6] =	stream.linear.gather [hbm4b:s10+s4], $0x1400, $0x38;
	[tilespmem:$0x1EB00] =	vst v63  }
0x3a: {  	_ =	swait.ge [sflag:s17], $0x1400  }
.Ltmp2:
0x3b: {  	[sflag:s17] =	ssyncset.done $0x0;
	(pc) =	sbr.rel @p0 .LBB2_7-.Ltmp2, $4  }
0x3c: {  	[sflag:s17] =	ssyncadd.s32 $0xFFFFEC00  }
0x3d: {  	[tilespmem:s21], [sflag:$0x1] =	stream.indirect.gather [hbm4b:s5+s20], $0x80, s4, s20, $0xb8;
	[tilespmem:$0x1EB00] =	vst v63  }
0x3e: {  	_ = 	snop  }
0x3f: {  	[tilespmem:s22], [sflag:$0x2] =	stream.indirect.gather [hbm4b:s5+s20], $0x80, s20, s20, $0xb8;
	[tilespmem:$0x1EB00] =	vst v63  }
0x40: {  	_ =	swait.ge [sflag:s23], $0x4000  }
0x41: {  	[sflag:s23] =	ssyncset.done $0x0  }
0x42: {  	s3 =	simm.s32 $0x1400;
	[sflag:s23] =	ssyncadd.s32 $0xFFFFC000  }
0x43: {  	[spmem:s1] =	stream.indirect.scatter.add.f32 [tilespmem:s21], [sflag:$0x3], $0x80, s3, s20, $0xb8;
	[tilespmem:$0x1EB00] =	vst v63  }
0x44: {  	_ = 	snop  }
0x45: {  	[spmem:s2] =	stream.indirect.scatter.add.f32 [tilespmem:s24], [sflag:$0x5], $0x1, s3, s20, $0xb8;
	[tilespmem:$0x1EB00] =	vst v63  }
0x46: {  	_ =	swait.ge [sflag:s25], $0x4000  }
0x47: {  	[sflag:s25] =	ssyncset.done $0x0  }
0x48: {  	s6 =	simm.s32 $0x100;
	[sflag:s25] =	ssyncadd.s32 $0xFFFFC000  }
0x49: {  	[tilespmem:s21], [sflag:$0x1] =	stream.indirect.gather [hbm4b:s5+s20], $0x80, s6, s20, $0xb8;
	[tilespmem:$0x1EB00] =	vst v63  }
0x4a: {  	_ =	swait.ge [sflag:s26], $0x4000  }
0x4b: {  	[sflag:s26] =	ssyncset.done $0x0  }
0x4c: {  	s7 =	simm.s32 $0x1480;
	[sflag:s26] =	ssyncadd.s32 $0xFFFFC000  }
0x4d: {  	[spmem:s1] =	stream.indirect.scatter.add.f32 [tilespmem:s22], [sflag:$0x4], $0x80, s7, s20, $0xb8;
	[tilespmem:$0x1EB00] =	vst v63  }
0x4e: {  	_ = 	snop  }
0x4f: {  	[spmem:s2] =	stream.indirect.scatter.add.f32 [tilespmem:s24], [sflag:$0x5], $0x1, s7, s20, $0xb8;
	[tilespmem:$0x1EB00] =	vst v63  }
0x50: {  	_ =	swait.ge [sflag:s28], $0x4000  }
0x51: {  	[sflag:s28] =	ssyncset.done $0x0  }
0x52: {  	s3 =	simm.s32 $0x400;
	s6 =	simm.s32 $0x180;
	[sflag:s28] =	ssyncadd.s32 $0xFFFFC000  }
.LBB2_3:
0x53: {  	[tilespmem:s22], [sflag:$0x2] =	stream.indirect.gather [hbm4b:s5+s20], $0x80, s6, s20, $0xb8;
	[tilespmem:$0x1EB00] =	vst v63  }
0x54: {  	s6 =	smov.u32 s3  }
0x55: {  	p1 =	sne.s32 s3, $0x4800;
	s3 =	sadd.s32 $0x400, s3;
	_ =	swait.ge [sflag:s23], $0x4000  }
0x56: {  	s6 =	sshra.s32 s6, $0x2;
	[sflag:s23] =	ssyncset.done $0x0  }
0x57: {  	s7 =	sadd.s32 $0x1400, s6;
	[sflag:s23] =	ssyncadd.s32 $0xFFFFC000  }
0x58: {  	[spmem:s1] =	stream.indirect.scatter.add.f32 [tilespmem:s21], [sflag:$0x3], $0x80, s7, s20, $0xb8;
	[tilespmem:$0x1EB00] =	vst v63  }
0x59: {  	_ = 	snop  }
0x5a: {  	[spmem:s2] =	stream.indirect.scatter.add.f32 [tilespmem:s24], [sflag:$0x5], $0x1, s7, s20, $0xb8;
	[tilespmem:$0x1EB00] =	vst v63  }
0x5b: {  	_ =	swait.ge [sflag:s25], $0x4000  }
0x5c: {  	[sflag:s25] =	ssyncset.done $0x0  }
0x5d: {  	s7 =	sadd.s32 $0x100, s6;
	[sflag:s25] =	ssyncadd.s32 $0xFFFFC000  }
0x5e: {  	[tilespmem:s21], [sflag:$0x1] =	stream.indirect.gather [hbm4b:s5+s20], $0x80, s7, s20, $0xb8;
	[tilespmem:$0x1EB00] =	vst v63  }
0x5f: {  	_ =	swait.ge [sflag:s26], $0x4000  }
0x60: {  	[sflag:s26] =	ssyncset.done $0x0  }
0x61: {  	s7 =	sadd.s32 $0x1480, s6;
	[sflag:s26] =	ssyncadd.s32 $0xFFFFC000  }
0x62: {  	[spmem:s1] =	stream.indirect.scatter.add.f32 [tilespmem:s22], [sflag:$0x4], $0x80, s7, s20, $0xb8;
	[tilespmem:$0x1EB00] =	vst v63  }
.Ltmp3:
0x63: {  	(pc) =	sbr.rel @p1 .LBB2_3-.Ltmp3, $4  }
0x64: {  	[spmem:s2] =	stream.indirect.scatter.add.f32 [tilespmem:s24], [sflag:$0x5], $0x1, s7, s20, $0xb8;
	[tilespmem:$0x1EB00] =	vst v63  }
0x65: {  	_ =	swait.ge [sflag:s28], $0x4000  }
0x66: {  	[sflag:s28] =	ssyncset.done $0x0  }
0x67: {  	s6 =	sadd.s32 $0x180, s6;
	[sflag:s28] =	ssyncadd.s32 $0xFFFFC000  }
0x68: {  	[tilespmem:s22], [sflag:$0x2] =	stream.indirect.gather [hbm4b:s5+s20], $0x80, s6, s20, $0xb8;
	[tilespmem:$0x1EB00] =	vst v63  }
0x69: {  	_ =	swait.ge [sflag:s23], $0x4000  }
0x6a: {  	[sflag:s23] =	ssyncset.done $0x0  }
0x6b: {  	[sflag:s23] =	ssyncadd.s32 $0xFFFFC000  }
0x6c: {  	[spmem:s1] =	stream.indirect.scatter.add.f32 [tilespmem:s21], [sflag:$0x3], $0x80, s29, s20, $0xb8;
	[tilespmem:$0x1EB00] =	vst v63  }
0x6d: {  	_ = 	snop  }
0x6e: {  	[spmem:s2] =	stream.indirect.scatter.add.f32 [tilespmem:s24], [sflag:$0x5], $0x1, s29, s20, $0xb8;
	[tilespmem:$0x1EB00] =	vst v63  }
0x6f: {  	_ =	swait.ge [sflag:s25], $0x4000  }
0x70: {  	[sflag:s25] =	ssyncset.done $0x0  }
0x71: {  	[sflag:s25] =	ssyncadd.s32 $0xFFFFC000  }
0x72: {  	_ =	swait.ge [sflag:s26], $0x4000  }
0x73: {  	[sflag:s26] =	ssyncset.done $0x0  }
0x74: {  	[sflag:s26] =	ssyncadd.s32 $0xFFFFC000  }
0x75: {  	[spmem:s1] =	stream.indirect.scatter.add.f32 [tilespmem:s22], [sflag:$0x4], $0x80, s30, s20, $0xb8;
	[tilespmem:$0x1EB00] =	vst v63  }
0x76: {  	_ = 	snop  }
0x77: {  	[spmem:s2] =	stream.indirect.scatter.add.f32 [tilespmem:s24], [sflag:$0x5], $0x1, s30, s20, $0xb8;
	[tilespmem:$0x1EB00] =	vst v63  }
0x78: {  	_ =	swait.ge [sflag:s28], $0x4000  }
0x79: {  	[sflag:s28] =	ssyncset.done $0x0  }
0x7a: {  	[sflag:s28] =	ssyncadd.s32 $0xFFFFC000  }
0x7b: {  	_ =	swait.ge [sflag:s31], $0x80  }
0x7c: {  	s3 =	simm.s32 $0x27;
	[sflag:s31] =	ssyncset.done $0x0  }
.LBB2_5:
0x7d: {  	p1 =	seq.s32 s3, $0x1;
	s3 =	sadd.s32 $0xFFFFFFFF, s3;
	[sflag:s31] =	ssyncadd.s32 $0xFFFFFF80  }
.Ltmp4:
0x7e: {  	(pc) =	sbr.rel @!p1 .LBB2_5-.Ltmp4, $3  }
0x7f: {  	_ =	sdelay $0x1  }
0x80: {  	_ =	swait.ge [sflag:s31], $0x80  }
0x81: {  	[sflag:s31] =	ssyncset.done $0x0  }
.Ltmp5:
0x82: {  	(pc) =	sbr.rel .LBB2_12-.Ltmp5, $2  }
0x83: {  	_ =	sdelay $0x2  }
0x84: {  	[sflag:s31] =	ssyncadd.s32 $0xFFFFFF80  }
.LBB2_7:
0x85: {  	_ =	swait.ge [sflag:s23], $0x4000  }
0x86: {  	[sflag:s23] =	ssyncset.done $0x0  }
0x87: {  	s3 =	simm.s32 $0x1400;
	[sflag:s23] =	ssyncadd.s32 $0xFFFFC000  }
0x88: {  	[spmem:s1] =	stream.indirect.scatter.add.f32 [tilespmem:s21], [sflag:$0x3], $0x80, s3, s20, $0xb8;
	[tilespmem:$0x1EB00] =	vst v63  }
0x89: {  	_ = 	snop  }
0x8a: {  	[spmem:s2] =	stream.indirect.scatter.add.f32 [tilespmem:s24], [sflag:$0x5], $0x1, s3, s20, $0xb8;
	[tilespmem:$0x1EB00] =	vst v63  }
0x8b: {  	_ =	swait.ge [sflag:s25], $0x4000  }
0x8c: {  	[sflag:s25] =	ssyncset.done $0x0  }
0x8d: {  	s6 =	simm.s32 $0x100;
	[sflag:s25] =	ssyncadd.s32 $0xFFFFC000  }
0x8e: {  	[tilespmem:s21], [sflag:$0x1] =	stream.indirect.gather [hbm4b:s5+s20], $0x80, s6, s20, $0xb8;
	[tilespmem:$0x1EB00] =	vst v63  }
0x8f: {  	_ =	swait.ge [sflag:s26], $0x4000  }
0x90: {  	[sflag:s26] =	ssyncset.done $0x0  }
0x91: {  	s7 =	simm.s32 $0x1480;
	[sflag:s26] =	ssyncadd.s32 $0xFFFFC000  }
0x92: {  	[spmem:s1] =	stream.indirect.scatter.add.f32 [tilespmem:s22], [sflag:$0x4], $0x80, s7, s20, $0xb8;
	[tilespmem:$0x1EB00] =	vst v63  }
0x93: {  	_ = 	snop  }
0x94: {  	[spmem:s2] =	stream.indirect.scatter.add.f32 [tilespmem:s24], [sflag:$0x5], $0x1, s7, s20, $0xb8;
	[tilespmem:$0x1EB00] =	vst v63  }
0x95: {  	_ =	swait.ge [sflag:s28], $0x4000  }
0x96: {  	[sflag:s28] =	ssyncset.done $0x0  }
0x97: {  	s3 =	simm.s32 $0x400;
	s6 =	simm.s32 $0x180;
	[sflag:s28] =	ssyncadd.s32 $0xFFFFC000  }
.LBB2_8:
0x98: {  	[tilespmem:s22], [sflag:$0x2] =	stream.indirect.gather [hbm4b:s5+s20], $0x80, s6, s20, $0xb8;
	[tilespmem:$0x1EB00] =	vst v63  }
0x99: {  	s6 =	smov.u32 s3  }
0x9a: {  	p1 =	sne.s32 s3, $0x4800;
	s3 =	sadd.s32 $0x400, s3;
	_ =	swait.ge [sflag:s23], $0x4000  }
0x9b: {  	s6 =	sshra.s32 s6, $0x2;
	[sflag:s23] =	ssyncset.done $0x0  }
0x9c: {  	s7 =	sadd.s32 $0x1400, s6;
	[sflag:s23] =	ssyncadd.s32 $0xFFFFC000  }
0x9d: {  	[spmem:s1] =	stream.indirect.scatter.add.f32 [tilespmem:s21], [sflag:$0x3], $0x80, s7, s20, $0xb8;
	[tilespmem:$0x1EB00] =	vst v63  }
0x9e: {  	_ = 	snop  }
0x9f: {  	[spmem:s2] =	stream.indirect.scatter.add.f32 [tilespmem:s24], [sflag:$0x5], $0x1, s7, s20, $0xb8;
	[tilespmem:$0x1EB00] =	vst v63  }
0xa0: {  	_ =	swait.ge [sflag:s25], $0x4000  }
0xa1: {  	[sflag:s25] =	ssyncset.done $0x0  }
0xa2: {  	s7 =	sadd.s32 $0x100, s6;
	[sflag:s25] =	ssyncadd.s32 $0xFFFFC000  }
0xa3: {  	[tilespmem:s21], [sflag:$0x1] =	stream.indirect.gather [hbm4b:s5+s20], $0x80, s7, s20, $0xb8;
	[tilespmem:$0x1EB00] =	vst v63  }
0xa4: {  	_ =	swait.ge [sflag:s26], $0x4000  }
0xa5: {  	[sflag:s26] =	ssyncset.done $0x0  }
0xa6: {  	s7 =	sadd.s32 $0x1480, s6;
	[sflag:s26] =	ssyncadd.s32 $0xFFFFC000  }
0xa7: {  	[spmem:s1] =	stream.indirect.scatter.add.f32 [tilespmem:s22], [sflag:$0x4], $0x80, s7, s20, $0xb8;
	[tilespmem:$0x1EB00] =	vst v63  }
.Ltmp6:
0xa8: {  	(pc) =	sbr.rel @p1 .LBB2_8-.Ltmp6, $4  }
0xa9: {  	[spmem:s2] =	stream.indirect.scatter.add.f32 [tilespmem:s24], [sflag:$0x5], $0x1, s7, s20, $0xb8;
	[tilespmem:$0x1EB00] =	vst v63  }
0xaa: {  	_ =	swait.ge [sflag:s28], $0x4000  }
0xab: {  	[sflag:s28] =	ssyncset.done $0x0  }
0xac: {  	s6 =	sadd.s32 $0x180, s6;
	[sflag:s28] =	ssyncadd.s32 $0xFFFFC000  }
0xad: {  	[tilespmem:s22], [sflag:$0x2] =	stream.indirect.gather [hbm4b:s5+s20], $0x80, s6, s20, $0xb8;
	[tilespmem:$0x1EB00] =	vst v63  }
0xae: {  	_ =	swait.ge [sflag:s23], $0x4000  }
0xaf: {  	[sflag:s23] =	ssyncset.done $0x0  }
0xb0: {  	[sflag:s23] =	ssyncadd.s32 $0xFFFFC000  }
0xb1: {  	[spmem:s1] =	stream.indirect.scatter.add.f32 [tilespmem:s21], [sflag:$0x3], $0x80, s29, s20, $0xb8;
	[tilespmem:$0x1EB00] =	vst v63  }
0xb2: {  	_ = 	snop  }
0xb3: {  	[spmem:s2] =	stream.indirect.scatter.add.f32 [tilespmem:s24], [sflag:$0x5], $0x1, s29, s20, $0xb8;
	[tilespmem:$0x1EB00] =	vst v63  }
0xb4: {  	_ =	swait.ge [sflag:s25], $0x4000  }
0xb5: {  	[sflag:s25] =	ssyncset.done $0x0  }
0xb6: {  	[sflag:s25] =	ssyncadd.s32 $0xFFFFC000  }
0xb7: {  	_ =	swait.ge [sflag:s26], $0x4000  }
0xb8: {  	[sflag:s26] =	ssyncset.done $0x0  }
0xb9: {  	[sflag:s26] =	ssyncadd.s32 $0xFFFFC000  }
0xba: {  	[spmem:s1] =	stream.indirect.scatter.add.f32 [tilespmem:s22], [sflag:$0x4], $0x80, s30, s20, $0xb8;
	[tilespmem:$0x1EB00] =	vst v63  }
0xbb: {  	_ = 	snop  }
0xbc: {  	[spmem:s2] =	stream.indirect.scatter.add.f32 [tilespmem:s24], [sflag:$0x5], $0x1, s30, s20, $0xb8;
	[tilespmem:$0x1EB00] =	vst v63  }
0xbd: {  	_ =	swait.ge [sflag:s28], $0x4000  }
0xbe: {  	[sflag:s28] =	ssyncset.done $0x0  }
0xbf: {  	[sflag:s28] =	ssyncadd.s32 $0xFFFFC000  }
0xc0: {  	_ =	swait.ge [sflag:s31], $0x80  }
0xc1: {  	s3 =	simm.s32 $0x27;
	[sflag:s31] =	ssyncset.done $0x0  }
.LBB2_10:
0xc2: {  	p1 =	sne.s32 s3, $0x1;
	s3 =	sadd.s32 $0xFFFFFFFF, s3;
	[sflag:s31] =	ssyncadd.s32 $0xFFFFFF80  }
.Ltmp7:
0xc3: {  	(pc) =	sbr.rel @p1 .LBB2_10-.Ltmp7, $3  }
0xc4: {  	_ =	sdelay $0x1  }
0xc5: {  	_ =	swait.ge [sflag:s31], $0x80  }
0xc6: {  	[sflag:s31] =	ssyncset.done $0x0  }
0xc7: {  	[sflag:s31] =	ssyncadd.s32 $0xFFFFFF80  }
.LBB2_12:
0xc8: {  	s3 =	simm.s32 $0x0  }
0xc9: {  	[tilespmem:s3], [sflag:$0x6] =	stream.linear.gather [hbm4b:s11+s3], $0x1400, $0x38;
	[tilespmem:$0x1EB00] =	vst v63  }
0xca: {  	_ =	swait.ge [sflag:s17], $0x1400  }
0xcb: {  	[sflag:s17] =	ssyncset.done $0x0  }
0xcc: {  	[sflag:s17] =	ssyncadd.s32 $0xFFFFEC00  }
0xcd: {  	[tilespmem:s19], [sflag:$0x6] =	stream.linear.gather [hbm4b:s12+s3], $0x1400, $0x38;
	[tilespmem:$0x1EB00] =	vst v63  }
0xce: {  	_ =	swait.ge [sflag:s17], $0x1400  }
.Ltmp8:
0xcf: {  	[sflag:s17] =	ssyncset.done $0x0;
	(pc) =	sbr.rel @p0 .LBB2_18-.Ltmp8, $4  }
0xd0: {  	[sflag:s17] =	ssyncadd.s32 $0xFFFFEC00  }
0xd1: {  	[tilespmem:s21], [sflag:$0x1] =	stream.indirect.gather [hbm4b:s5+s20], $0x80, s3, s20, $0xb8;
	[tilespmem:$0x1EB00] =	vst v63  }
0xd2: {  	_ = 	snop  }
0xd3: {  	[tilespmem:s22], [sflag:$0x2] =	stream.indirect.gather [hbm4b:s5+s20], $0x80, s20, s20, $0xb8;
	[tilespmem:$0x1EB00] =	vst v63  }
0xd4: {  	_ =	swait.ge [sflag:s23], $0x4000  }
0xd5: {  	[sflag:s23] =	ssyncset.done $0x0  }
0xd6: {  	s3 =	simm.s32 $0x1400;
	[sflag:s23] =	ssyncadd.s32 $0xFFFFC000  }
0xd7: {  	[spmem:s1] =	stream.indirect.scatter.add.f32 [tilespmem:s21], [sflag:$0x3], $0x80, s3, s20, $0xb8;
	[tilespmem:$0x1EB00] =	vst v63  }
0xd8: {  	_ = 	snop  }
0xd9: {  	[spmem:s2] =	stream.indirect.scatter.add.f32 [tilespmem:s24], [sflag:$0x5], $0x1, s3, s20, $0xb8;
	[tilespmem:$0x1EB00] =	vst v63  }
0xda: {  	_ =	swait.ge [sflag:s25], $0x4000  }
0xdb: {  	[sflag:s25] =	ssyncset.done $0x0  }
0xdc: {  	s6 =	simm.s32 $0x100;
	[sflag:s25] =	ssyncadd.s32 $0xFFFFC000  }
0xdd: {  	[tilespmem:s21], [sflag:$0x1] =	stream.indirect.gather [hbm4b:s5+s20], $0x80, s6, s20, $0xb8;
	[tilespmem:$0x1EB00] =	vst v63  }
0xde: {  	_ =	swait.ge [sflag:s26], $0x4000  }
0xdf: {  	[sflag:s26] =	ssyncset.done $0x0  }
0xe0: {  	s7 =	simm.s32 $0x1480;
	[sflag:s26] =	ssyncadd.s32 $0xFFFFC000  }
0xe1: {  	[spmem:s1] =	stream.indirect.scatter.add.f32 [tilespmem:s22], [sflag:$0x4], $0x80, s7, s20, $0xb8;
	[tilespmem:$0x1EB00] =	vst v63  }
0xe2: {  	_ = 	snop  }
0xe3: {  	[spmem:s2] =	stream.indirect.scatter.add.f32 [tilespmem:s24], [sflag:$0x5], $0x1, s7, s20, $0xb8;
	[tilespmem:$0x1EB00] =	vst v63  }
0xe4: {  	_ =	swait.ge [sflag:s28], $0x4000  }
0xe5: {  	[sflag:s28] =	ssyncset.done $0x0  }
0xe6: {  	s3 =	simm.s32 $0x400;
	s6 =	simm.s32 $0x180;
	[sflag:s28] =	ssyncadd.s32 $0xFFFFC000  }
.LBB2_14:
0xe7: {  	[tilespmem:s22], [sflag:$0x2] =	stream.indirect.gather [hbm4b:s5+s20], $0x80, s6, s20, $0xb8;
	[tilespmem:$0x1EB00] =	vst v63  }
0xe8: {  	s6 =	smov.u32 s3  }
0xe9: {  	p1 =	sne.s32 s3, $0x4800;
	s3 =	sadd.s32 $0x400, s3;
	_ =	swait.ge [sflag:s23], $0x4000  }
0xea: {  	s6 =	sshra.s32 s6, $0x2;
	[sflag:s23] =	ssyncset.done $0x0  }
0xeb: {  	s7 =	sadd.s32 $0x1400, s6;
	[sflag:s23] =	ssyncadd.s32 $0xFFFFC000  }
0xec: {  	[spmem:s1] =	stream.indirect.scatter.add.f32 [tilespmem:s21], [sflag:$0x3], $0x80, s7, s20, $0xb8;
	[tilespmem:$0x1EB00] =	vst v63  }
0xed: {  	_ = 	snop  }
0xee: {  	[spmem:s2] =	stream.indirect.scatter.add.f32 [tilespmem:s24], [sflag:$0x5], $0x1, s7, s20, $0xb8;
	[tilespmem:$0x1EB00] =	vst v63  }
0xef: {  	_ =	swait.ge [sflag:s25], $0x4000  }
0xf0: {  	[sflag:s25] =	ssyncset.done $0x0  }
0xf1: {  	s7 =	sadd.s32 $0x100, s6;
	[sflag:s25] =	ssyncadd.s32 $0xFFFFC000  }
0xf2: {  	[tilespmem:s21], [sflag:$0x1] =	stream.indirect.gather [hbm4b:s5+s20], $0x80, s7, s20, $0xb8;
	[tilespmem:$0x1EB00] =	vst v63  }
0xf3: {  	_ =	swait.ge [sflag:s26], $0x4000  }
0xf4: {  	[sflag:s26] =	ssyncset.done $0x0  }
0xf5: {  	s7 =	sadd.s32 $0x1480, s6;
	[sflag:s26] =	ssyncadd.s32 $0xFFFFC000  }
0xf6: {  	[spmem:s1] =	stream.indirect.scatter.add.f32 [tilespmem:s22], [sflag:$0x4], $0x80, s7, s20, $0xb8;
	[tilespmem:$0x1EB00] =	vst v63  }
.Ltmp9:
0xf7: {  	(pc) =	sbr.rel @p1 .LBB2_14-.Ltmp9, $4  }
0xf8: {  	[spmem:s2] =	stream.indirect.scatter.add.f32 [tilespmem:s24], [sflag:$0x5], $0x1, s7, s20, $0xb8;
	[tilespmem:$0x1EB00] =	vst v63  }
0xf9: {  	_ =	swait.ge [sflag:s28], $0x4000  }
0xfa: {  	[sflag:s28] =	ssyncset.done $0x0  }
0xfb: {  	s6 =	sadd.s32 $0x180, s6;
	[sflag:s28] =	ssyncadd.s32 $0xFFFFC000  }
0xfc: {  	[tilespmem:s22], [sflag:$0x2] =	stream.indirect.gather [hbm4b:s5+s20], $0x80, s6, s20, $0xb8;
	[tilespmem:$0x1EB00] =	vst v63  }
0xfd: {  	_ =	swait.ge [sflag:s23], $0x4000  }
0xfe: {  	[sflag:s23] =	ssyncset.done $0x0  }
0xff: {  	[sflag:s23] =	ssyncadd.s32 $0xFFFFC000  }
0x100: {  	[spmem:s1] =	stream.indirect.scatter.add.f32 [tilespmem:s21], [sflag:$0x3], $0x80, s29, s20, $0xb8;
	[tilespmem:$0x1EB00] =	vst v63  }
0x101: {  	_ = 	snop  }
0x102: {  	[spmem:s2] =	stream.indirect.scatter.add.f32 [tilespmem:s24], [sflag:$0x5], $0x1, s29, s20, $0xb8;
	[tilespmem:$0x1EB00] =	vst v63  }
0x103: {  	_ =	swait.ge [sflag:s25], $0x4000  }
0x104: {  	[sflag:s25] =	ssyncset.done $0x0  }
0x105: {  	[sflag:s25] =	ssyncadd.s32 $0xFFFFC000  }
0x106: {  	_ =	swait.ge [sflag:s26], $0x4000  }
0x107: {  	[sflag:s26] =	ssyncset.done $0x0  }
0x108: {  	[sflag:s26] =	ssyncadd.s32 $0xFFFFC000  }
0x109: {  	[spmem:s1] =	stream.indirect.scatter.add.f32 [tilespmem:s22], [sflag:$0x4], $0x80, s30, s20, $0xb8;
	[tilespmem:$0x1EB00] =	vst v63  }
0x10a: {  	_ = 	snop  }
0x10b: {  	[spmem:s2] =	stream.indirect.scatter.add.f32 [tilespmem:s24], [sflag:$0x5], $0x1, s30, s20, $0xb8;
	[tilespmem:$0x1EB00] =	vst v63  }
0x10c: {  	_ =	swait.ge [sflag:s28], $0x4000  }
0x10d: {  	[sflag:s28] =	ssyncset.done $0x0  }
0x10e: {  	[sflag:s28] =	ssyncadd.s32 $0xFFFFC000  }
0x10f: {  	_ =	swait.ge [sflag:s31], $0x80  }
0x110: {  	s3 =	simm.s32 $0x27;
	[sflag:s31] =	ssyncset.done $0x0  }
.LBB2_16:
0x111: {  	p1 =	seq.s32 s3, $0x1;
	s3 =	sadd.s32 $0xFFFFFFFF, s3;
	[sflag:s31] =	ssyncadd.s32 $0xFFFFFF80  }
.Ltmp10:
0x112: {  	(pc) =	sbr.rel @!p1 .LBB2_16-.Ltmp10, $3  }
0x113: {  	_ =	sdelay $0x1  }
0x114: {  	_ =	swait.ge [sflag:s31], $0x80  }
0x115: {  	[sflag:s31] =	ssyncset.done $0x0  }
.Ltmp11:
0x116: {  	(pc) =	sbr.rel .LBB2_23-.Ltmp11, $2  }
0x117: {  	_ =	sdelay $0x2  }
0x118: {  	[sflag:s31] =	ssyncadd.s32 $0xFFFFFF80  }
.LBB2_18:
0x119: {  	_ =	swait.ge [sflag:s23], $0x4000  }
0x11a: {  	[sflag:s23] =	ssyncset.done $0x0  }
0x11b: {  	s3 =	simm.s32 $0x1400;
	[sflag:s23] =	ssyncadd.s32 $0xFFFFC000  }
0x11c: {  	[spmem:s1] =	stream.indirect.scatter.add.f32 [tilespmem:s21], [sflag:$0x3], $0x80, s3, s20, $0xb8;
	[tilespmem:$0x1EB00] =	vst v63  }
0x11d: {  	_ = 	snop  }
0x11e: {  	[spmem:s2] =	stream.indirect.scatter.add.f32 [tilespmem:s24], [sflag:$0x5], $0x1, s3, s20, $0xb8;
	[tilespmem:$0x1EB00] =	vst v63  }
0x11f: {  	_ =	swait.ge [sflag:s25], $0x4000  }
0x120: {  	[sflag:s25] =	ssyncset.done $0x0  }
0x121: {  	s6 =	simm.s32 $0x100;
	[sflag:s25] =	ssyncadd.s32 $0xFFFFC000  }
0x122: {  	[tilespmem:s21], [sflag:$0x1] =	stream.indirect.gather [hbm4b:s5+s20], $0x80, s6, s20, $0xb8;
	[tilespmem:$0x1EB00] =	vst v63  }
0x123: {  	_ =	swait.ge [sflag:s26], $0x4000  }
0x124: {  	[sflag:s26] =	ssyncset.done $0x0  }
0x125: {  	s7 =	simm.s32 $0x1480;
	[sflag:s26] =	ssyncadd.s32 $0xFFFFC000  }
0x126: {  	[spmem:s1] =	stream.indirect.scatter.add.f32 [tilespmem:s22], [sflag:$0x4], $0x80, s7, s20, $0xb8;
	[tilespmem:$0x1EB00] =	vst v63  }
0x127: {  	_ = 	snop  }
0x128: {  	[spmem:s2] =	stream.indirect.scatter.add.f32 [tilespmem:s24], [sflag:$0x5], $0x1, s7, s20, $0xb8;
	[tilespmem:$0x1EB00] =	vst v63  }
0x129: {  	_ =	swait.ge [sflag:s28], $0x4000  }
0x12a: {  	[sflag:s28] =	ssyncset.done $0x0  }
0x12b: {  	s3 =	simm.s32 $0x400;
	s6 =	simm.s32 $0x180;
	[sflag:s28] =	ssyncadd.s32 $0xFFFFC000  }
.LBB2_19:
0x12c: {  	[tilespmem:s22], [sflag:$0x2] =	stream.indirect.gather [hbm4b:s5+s20], $0x80, s6, s20, $0xb8;
	[tilespmem:$0x1EB00] =	vst v63  }
0x12d: {  	s6 =	smov.u32 s3  }
0x12e: {  	p1 =	sne.s32 s3, $0x4800;
	s3 =	sadd.s32 $0x400, s3;
	_ =	swait.ge [sflag:s23], $0x4000  }
0x12f: {  	s6 =	sshra.s32 s6, $0x2;
	[sflag:s23] =	ssyncset.done $0x0  }
0x130: {  	s7 =	sadd.s32 $0x1400, s6;
	[sflag:s23] =	ssyncadd.s32 $0xFFFFC000  }
0x131: {  	[spmem:s1] =	stream.indirect.scatter.add.f32 [tilespmem:s21], [sflag:$0x3], $0x80, s7, s20, $0xb8;
	[tilespmem:$0x1EB00] =	vst v63  }
0x132: {  	_ = 	snop  }
0x133: {  	[spmem:s2] =	stream.indirect.scatter.add.f32 [tilespmem:s24], [sflag:$0x5], $0x1, s7, s20, $0xb8;
	[tilespmem:$0x1EB00] =	vst v63  }
0x134: {  	_ =	swait.ge [sflag:s25], $0x4000  }
0x135: {  	[sflag:s25] =	ssyncset.done $0x0  }
0x136: {  	s7 =	sadd.s32 $0x100, s6;
	[sflag:s25] =	ssyncadd.s32 $0xFFFFC000  }
0x137: {  	[tilespmem:s21], [sflag:$0x1] =	stream.indirect.gather [hbm4b:s5+s20], $0x80, s7, s20, $0xb8;
	[tilespmem:$0x1EB00] =	vst v63  }
0x138: {  	_ =	swait.ge [sflag:s26], $0x4000  }
0x139: {  	[sflag:s26] =	ssyncset.done $0x0  }
0x13a: {  	s7 =	sadd.s32 $0x1480, s6;
	[sflag:s26] =	ssyncadd.s32 $0xFFFFC000  }
0x13b: {  	[spmem:s1] =	stream.indirect.scatter.add.f32 [tilespmem:s22], [sflag:$0x4], $0x80, s7, s20, $0xb8;
	[tilespmem:$0x1EB00] =	vst v63  }
.Ltmp12:
0x13c: {  	(pc) =	sbr.rel @p1 .LBB2_19-.Ltmp12, $4  }
0x13d: {  	[spmem:s2] =	stream.indirect.scatter.add.f32 [tilespmem:s24], [sflag:$0x5], $0x1, s7, s20, $0xb8;
	[tilespmem:$0x1EB00] =	vst v63  }
0x13e: {  	_ =	swait.ge [sflag:s28], $0x4000  }
0x13f: {  	[sflag:s28] =	ssyncset.done $0x0  }
0x140: {  	s6 =	sadd.s32 $0x180, s6;
	[sflag:s28] =	ssyncadd.s32 $0xFFFFC000  }
0x141: {  	[tilespmem:s22], [sflag:$0x2] =	stream.indirect.gather [hbm4b:s5+s20], $0x80, s6, s20, $0xb8;
	[tilespmem:$0x1EB00] =	vst v63  }
0x142: {  	_ =	swait.ge [sflag:s23], $0x4000  }
0x143: {  	[sflag:s23] =	ssyncset.done $0x0  }
0x144: {  	[sflag:s23] =	ssyncadd.s32 $0xFFFFC000  }
0x145: {  	[spmem:s1] =	stream.indirect.scatter.add.f32 [tilespmem:s21], [sflag:$0x3], $0x80, s29, s20, $0xb8;
	[tilespmem:$0x1EB00] =	vst v63  }
0x146: {  	_ = 	snop  }
0x147: {  	[spmem:s2] =	stream.indirect.scatter.add.f32 [tilespmem:s24], [sflag:$0x5], $0x1, s29, s20, $0xb8;
	[tilespmem:$0x1EB00] =	vst v63  }
0x148: {  	_ =	swait.ge [sflag:s25], $0x4000  }
0x149: {  	[sflag:s25] =	ssyncset.done $0x0  }
0x14a: {  	[sflag:s25] =	ssyncadd.s32 $0xFFFFC000  }
0x14b: {  	_ =	swait.ge [sflag:s26], $0x4000  }
0x14c: {  	[sflag:s26] =	ssyncset.done $0x0  }
0x14d: {  	[sflag:s26] =	ssyncadd.s32 $0xFFFFC000  }
0x14e: {  	[spmem:s1] =	stream.indirect.scatter.add.f32 [tilespmem:s22], [sflag:$0x4], $0x80, s30, s20, $0xb8;
	[tilespmem:$0x1EB00] =	vst v63  }
0x14f: {  	_ = 	snop  }
0x150: {  	[spmem:s2] =	stream.indirect.scatter.add.f32 [tilespmem:s24], [sflag:$0x5], $0x1, s30, s20, $0xb8;
	[tilespmem:$0x1EB00] =	vst v63  }
0x151: {  	_ =	swait.ge [sflag:s28], $0x4000  }
0x152: {  	[sflag:s28] =	ssyncset.done $0x0  }
0x153: {  	[sflag:s28] =	ssyncadd.s32 $0xFFFFC000  }
0x154: {  	_ =	swait.ge [sflag:s31], $0x80  }
0x155: {  	s3 =	simm.s32 $0x27;
	[sflag:s31] =	ssyncset.done $0x0  }
.LBB2_21:
0x156: {  	p1 =	sne.s32 s3, $0x1;
	s3 =	sadd.s32 $0xFFFFFFFF, s3;
	[sflag:s31] =	ssyncadd.s32 $0xFFFFFF80  }
.Ltmp13:
0x157: {  	(pc) =	sbr.rel @p1 .LBB2_21-.Ltmp13, $3  }
0x158: {  	_ =	sdelay $0x1  }
0x159: {  	_ =	swait.ge [sflag:s31], $0x80  }
0x15a: {  	[sflag:s31] =	ssyncset.done $0x0  }
.Ltmp14:
0x15b: {  	_ = 	snop;
	(pc) =	sbr.rel .LBB2_22-.Ltmp14, $1  }
0x15c: {  	_ =	sdelay $0x3  }
.LBB2_24:
0x15d: {  	_ =	sfence.sel $0x180000  }
0x15e: {  	[bflag:$0x0] =	sbarrier.arrive $0xFFFF  }
0x15f: {  	_ =	strace $0x90000056  }
0x160: {  	s0 =	stileid.u32;
	[bflag:$0x2] =	sbarrier.arrive $0xFFFF  }
0x161: {  	p0 =	sne.s32 s0, $0x0;
	s0 =	rddreg [dreg:$0x4]  }
0x162: {  	s0 =	sadd.s32 @!p0 $0x100000, s0  }
0x163: {  	[sflag:s0] =	ssyncadd.tile.s32 @!p0 $0x1;
	_ =	shalt  }
.Lfunc_end2:
_tile_overlayer_lowered:
.L_overlay_start_2:
0x164: {  	(tag) =	ssettag $0x2  }
0x165: {  	s0 =	rddreg [dreg:$0x0];
	s2 =	stileid.u32  }
0x166: {  	s1 =	rddreg [dreg:$0x1];
	p0 =	sne.s32 s2, $0x0  }
0x167: {  	s3 =	rddreg [dreg:$0x2];
	[bflag:$0x3] =	sbarrier.arrive $0xFFFF;
	s2 =	simm.s32 @!p0 $0x1C06  }
0x168: {  	[timem:s3], [sflag:s2] =	dma.local @!p0 [hbm:s0], s1  }
0x169: {  	s0 =	simm.s32 @!p0 $0x6  }
0x16a: {  	_ =	swait.ge @!p0 [sflag:s0], s1  }
0x16b: {  	s1 =	ssub.s32 @!p0 $0x0, s1;
	[sflag:s0] =	ssyncset.done @!p0 $0x0  }
0x16c: {  	[sflag:s0] =	ssyncadd.s32 @!p0 s1  }
0x16d: {  	[bflag:$0x3] =	sbarrier.arrive $0xFFFF  }
0x16e: {  	_ =	shalt  }

// kernel: kernel.7.cloned.1.call-start
scs
__scs_entry_jumppad:
0x0: {  	(pc) =	sbr.rel $0x88, $3  }
0x1: {  	(tag) =	ssettag $0x0;
	lr =	simm.s32 $0x1  }
0x2: {  	[smem:$0x3F98] =	sst lr;
	_ =	strace $0xD0000000  }
0x3: {  	_ = 	snop  }
0x4: {  	_ = 	snop  }
0x5: {  	_ = 	snop  }
0x6: {  	_ = 	snop  }
0x7: {  	_ = 	snop  }
__scs_overlays_trampoline_lowered:
0x8: {  	[smem:$0x3FA7] =	sst s0  }
0x9: {  	[smem:$0x3FA8] =	sst s1  }
0xa: {  	[smem:$0x3FA9] =	sst s2  }
0xb: {  	[smem:$0x3FAA] =	sst s3  }
0xc: {  	[smem:$0x3FAB] =	sst s4  }
0xd: {  	[smem:$0x3FAC] =	sst s5  }
0xe: {  	[smem:$0x3FAD] =	sst s6  }
0xf: {  	[smem:$0x3FAE] =	sst s7  }
0x10: {  	[smem:$0x3FAF] =	sst s8  }
0x11: {  	[smem:$0x3FB0] =	sst s9;
	s0 =	simm.s32 @!p0 $0x0  }
0x12: {  	s1 =	sld [smem:$0x3F96];
	s0 =	simm.s32 @p0 $0x1  }
0x13: {  	[smem:$0x3FB1] =	sst s0;
	s0 =	simm.s32 @!p1 $0x0  }
0x14: {  	s2 =	sld [smem:$0x3F95];
	s0 =	simm.s32 @p1 $0x1  }
0x15: {  	[smem:$0x3FB2] =	sst s0;
	s0 =	simm.s32 @!p2 $0x0  }
0x16: {  	s3 =	sld [smem:$0x3FDB];
	s0 =	simm.s32 @p2 $0x1  }
0x17: {  	s4 =	simm.s32 $0x1BF5;
	[smem:$0x3FB4] =	sst s0  }
0x18: {  	s0 =	sld [smem:$0x3F97];
	_ =	swait.ge [sflag:s4], $0x0  }
0x19: {  	s7 =	sld [smem:$0x3F98]  }
0x1a: {  	s8 =	sadd.s32 $0xFFFFE003, lr  }
0x1b: {  	s9 =	sadd.s32 $0xFFFFFEF7, lr;
	s5 =	simm.s32 $0xFFFFFFFF;
	p2 =	slt.u32 s8, $0xFFFFF086  }
0x1c: {  	p1 =	slt.u32 s9, $0xF7A;
	s5 =	simm.s32 @!p2 $0x0  }
0x1d: {  	s5 =	simm.s32 @p1 $0x1;
	p0 =	seq.s32 s7, s2  }
0x1e: {  	s7 =	smul.u32 @!p0 $0xF7A, s2;
	p2 =	seq.s32 @!p0 s5, $0x0  }
0x1f: {  	s9 =	smul.u32 $0xF7A, s1;
	s8 =	simm.s32 @!p0 $0x1BF5;
	p2 =	por !p2, p0  }
0x20: {  	[sflag:s8] =	ssyncset.s32 @!p0 $0xFFFFF086;
	s6 =	sadd.s32 @!p0 s3, s7;
	s7 =	simm.s32 @!p0 $0x108  }
0x21: {  	s3 =	sadd.s32 s3, s9;
	s6 =	sadd.s32 @!p0 $0x88, s6;
	s7 =	simm.s32 @p2 $0x1082  }
0x22: {  	[simem:s7], [sflag:s8] =	dma.local @!p0 [hbm:s6], $0xF7A  }
0x23: {  	s9 =	sor.u32 $0xD0000000, s2;
	s6 =	simm.s32 $0x108;
	_ =	swait.ge @!p0 [sflag:s8], $0x0  }
0x24: {  	s3 =	sadd.s32 $0x88, s3;
	s6 =	simm.s32 @!p1 $0x1082;
	[sflag:s4] =	ssyncset.s32 $0xFFFFF086  }
0x25: {  	[simem:s6], [sflag:s4] =	dma.local [hbm:s3], $0xF7A  }
0x26: {  	[smem:$0x3F98] =	sst s1;
	(tag) =	ssettag s2;
	_ =	strace s9  }
0x27: {  	s1 =	sld [smem:$0x3FA8]  }
0x28: {  	s2 =	sld [smem:$0x3FA9]  }
0x29: {  	s4 =	sld [smem:$0x3FAB]  }
0x2a: {  	p0 =	seq.s32 s5, $0x0;
	s5 =	sld [smem:$0x3FAC]  }
0x2b: {  	s6 =	sld [smem:$0x3FAD]  }
0x2c: {  	s7 =	sld [smem:$0x3FAE]  }
0x2d: {  	s3 =	simm.s32 $0x108;
	s8 =	sld [smem:$0x3FAF]  }
0x2e: {  	s3 =	simm.s32 @!p0 $0x1082;
	s9 =	sld [smem:$0x3FB0]  }
0x2f: {  	lr =	sadd.s32 s0, s3;
	s0 =	sld [smem:$0x3FA7]  }
0x30: {  	s3 =	sld [smem:$0x3FAA]  }
0x31: {  	[smem:$0x3FB3] =	sst s10  }
0x32: {  	s10 =	sld [smem:$0x3FB1];
	_ =	sdelay $0x3  }
0x33: {  	p0 =	seq.s32 s10, $0x1;
	s10 =	sld [smem:$0x3FB3];
	_ =	sdelay $0x3  }
0x34: {  	[smem:$0x3FB3] =	sst s10  }
0x35: {  	s10 =	sld [smem:$0x3FB2];
	_ =	sdelay $0x3  }
0x36: {  	p1 =	seq.s32 s10, $0x1;
	s10 =	sld [smem:$0x3FB3];
	_ =	sdelay $0x3  }
0x37: {  	[smem:$0x3FB3] =	sst s10  }
0x38: {  	s10 =	sld [smem:$0x3FB4]  }
0x39: {  	_ = 	snop;
	(pc) =	sbr.ind lr, $3  }
0x3a: {  	_ = 	snop  }
0x3b: {  	_ = 	snop  }
0x3c: {  	p2 =	seq.s32 s10, $0x1;
	s10 =	sld [smem:$0x3FB3]  }
0x3d: {  	_ =	shalt  }
0x3e: {  	_ =	shalt  }
0x3f: {  	_ =	shalt  }
0x40: {  	_ =	shalt  }
0x41: {  	_ =	shalt  }
0x42: {  	_ =	shalt  }
0x43: {  	_ =	shalt  }
0x44: {  	_ =	shalt  }
0x45: {  	_ =	shalt  }
0x46: {  	_ =	shalt  }
0x47: {  	_ =	shalt  }
0x48: {  	_ =	shalt  }
0x49: {  	_ =	shalt  }
0x4a: {  	_ =	shalt  }
0x4b: {  	_ =	shalt  }
0x4c: {  	_ =	shalt  }
0x4d: {  	_ =	shalt  }
0x4e: {  	_ =	shalt  }
0x4f: {  	_ =	shalt  }
0x50: {  	_ =	shalt  }
0x51: {  	_ =	shalt  }
0x52: {  	_ =	shalt  }
0x53: {  	_ =	shalt  }
0x54: {  	_ =	shalt  }
0x55: {  	_ =	shalt  }
0x56: {  	_ =	shalt  }
0x57: {  	_ =	shalt  }
0x58: {  	_ =	shalt  }
0x59: {  	_ =	shalt  }
0x5a: {  	_ =	shalt  }
0x5b: {  	_ =	shalt  }
0x5c: {  	_ =	shalt  }
0x5d: {  	_ =	shalt  }
0x5e: {  	_ =	shalt  }
0x5f: {  	_ =	shalt  }
0x60: {  	_ =	shalt  }
0x61: {  	_ =	shalt  }
0x62: {  	_ =	shalt  }
0x63: {  	_ =	shalt  }
0x64: {  	_ =	shalt  }
0x65: {  	_ =	shalt  }
0x66: {  	_ =	shalt  }
0x67: {  	_ =	shalt  }
0x68: {  	_ =	shalt  }
0x69: {  	_ =	shalt  }
0x6a: {  	_ =	shalt  }
0x6b: {  	_ =	shalt  }
0x6c: {  	_ =	shalt  }
0x6d: {  	_ =	shalt  }
0x6e: {  	_ =	shalt  }
0x6f: {  	_ =	shalt  }
0x70: {  	_ =	shalt  }
0x71: {  	_ =	shalt  }
0x72: {  	_ =	shalt  }
0x73: {  	_ =	shalt  }
0x74: {  	_ =	shalt  }
0x75: {  	_ =	shalt  }
0x76: {  	_ =	shalt  }
0x77: {  	_ =	shalt  }
0x78: {  	_ =	shalt  }
0x79: {  	_ =	shalt  }
0x7a: {  	_ =	shalt  }
0x7b: {  	_ =	shalt  }
0x7c: {  	_ =	shalt  }
0x7d: {  	_ =	shalt  }
0x7e: {  	_ =	shalt  }
0x7f: {  	_ =	shalt  }
0x80: {  	_ =	shalt  }
0x81: {  	_ =	shalt  }
0x82: {  	_ =	shalt  }
0x83: {  	_ =	shalt  }
0x84: {  	_ =	shalt  }
0x85: {  	_ =	shalt  }
0x86: {  	_ =	shalt  }
0x87: {  	_ =	shalt  }
.Lfunc_end0:
.L_simem_size_0:
called_computation.4_lowered:
.L_overlay_start_0:
0x88: {  	s2 =	sld [smem:$0x3FD9]  }
0x89: {  	s3 =	sld [smem:$0x3FFE];
	_ =	sdelay $0x1  }
0x8a: {  	s1 =	srdreg.scid  }
0x8b: {  	s0 =	sand.u32 $0x1, s1  }
0x8c: {  	s16 =	sshll.u32 s0, $0xA;
	s2 =	sadd.s32 s3, s2  }
0x8d: {  	s2 =	sadd.s32 s2, s16  }
0x8e: {  	[smem:$0x3FBF] =	sst s2  }
0x8f: {  	_ = 	snop  }
0x90: {  	(tm) =	ssettm $0x1  }
0x91: {  	s17 =	sld [smem:$0x3FFB];
	_ =	sdelay $0x3  }
0x92: {  	_ =	strace s17  }
0x93: {  	s2 =	sld [smem:$0x3FFC];
	_ =	sdelay $0x3  }
0x94: {  	_ =	strace s2  }
0x95: {  	s2 =	sld [smem:$0x3FFD];
	_ =	sdelay $0x3  }
0x96: {  	_ =	strace s2  }
0x97: {  	_ =	strace $0x8FFFFFFF  }
0x98: {  	s18 =	sld [smem:$0x3FDB];
	_ =	sdelay $0x1  }
0x99: {  	s19 =	simm.s32 $_scs_section_size  }
0x9a: {  	s4 =	simm.s32 $_size__tile_overlayer_lowered;
	s5 =	simm.s32 $_tile_overlayer_lowered  }
0x9b: {  	s22 =	simm.s32 $0x1BFF;
	s21 =	sshll.u32 s5, $0x1;
	s2 =	sadd.s32 s19, s18  }
0x9c: {  	s6 =	simm.s32 $0x0;
	s20 =	sshll.u32 s4, $0x1;
	s4 =	sadd.s32 s21, s2  }
0x9d: {  	[timem:s6], [sflag:s22] =	dma.local [hbm:s4], s20  }
0x9e: {  	_ =	swait.ge [sflag:s22], s20  }
0x9f: {  	s3 =	ssub.s32 $0x0, s20;
	[sflag:s22] =	ssyncset.done $0x0  }
0xa0: {  	[sflag:s22] =	ssyncadd.s32 s3;
	_ =	sdelay $0x1  }
0xa1: {  	s23 =	simm.s32 $0x1B8B  }
0xa2: {  	_ =	swait.ge [sflag:s23], $0x1  }
0xa3: {  	[sflag:s23] =	ssyncset.done $0x0  }
0xa4: {  	s25 =	simm.s32 $0x1B8E;
	s24 =	sld [smem:$0x3FFE];
	[sflag:s23] =	ssyncadd.s32 $0xFFFFFFFF  }
0xa5: {  	s26 =	simm.s32 $execute0_lowered;
	[smem:$0x3FD2] =	sst s25  }
0xa6: {  	s4 =	sshll.u32 s26, $0x1;
	_ =	strace $0x8000004C;
	[dreg:$0x1] =	wrdreg $0xFFFFFFFF  }
0xa7: {  	s28 =	simm.s32 $_size_execute0_lowered;
	s2 =	sadd.s32 s2, s4;
	[dreg:$0x0] =	wrdreg $0x0  }
0xa8: {  	s4 =	sshll.u32 s28, $0x1;
	[dreg:$0x2] =	wrdreg s2  }
0xa9: {  	[dreg:$0x3] =	wrdreg s4  }
0xaa: {  	[dreg:$0x4] =	wrdreg $0xC0  }
0xab: {  	_ =	task [dreg:s6], $0x5FFFF  }
0xac: {  	[dreg:$0x1] =	wrdreg $0xFFFFFFFF  }
0xad: {  	[dreg:$0x0] =	wrdreg $0x60  }
0xae: {  	[dreg:$0x2] =	wrdreg s24  }
0xaf: {  	[dreg:$0x3] =	wrdreg $0xA8800  }
0xb0: {  	[dreg:$0x4] =	wrdreg $0x1E8800  }
0xb1: {  	[dreg:$0x5] =	wrdreg $0xB  }
0xb2: {  	_ =	task.clear_ibuf [dreg:s6], $0x6FFFF;
	_ =	strace $0x9000004C  }
0xb3: {  	s29 =	simm.s32 $0xB;
	_ =	strace $0x8000004E  }
0xb4: {  	_ =	swait.ge [sflag:s29], $0x1  }
0xb5: {  	[sflag:s29] =	ssyncadd.s32 $0xFFFFFFFF  }
0xb6: {  	_ =	strace $0x9000004E  }
0xb7: {  	_ =	sfence  }
0xb8: {  	s30 =	sld [smem:$0x0];
	_ =	sdelay $0x2  }
0xb9: {  	s31 =	sshll.u32 s1, $0xD;
	s1 =	sshrl.u32 s1, $0x2  }
0xba: {  	s3 =	sand.u32 $0x4000, s31;
	s1 =	sadd.s32 s1, s30  }
0xbb: {  	s0 =	sor.u32 s3, s0;
	s1 =	sshll.u32 s1, $0x11  }
0xbc: {  	s0 =	sor.u32 s1, s0  }
0xbd: {  	s0 =	sadd.s32 $0x8F2B, s0  }
0xbe: {  	[sflag:s0] =	ssyncadd.remote.s32 $0x1  }
0xbf: {  	_ =	sfence.sel $0xFFFF  }
0xc0: {  	[dreg:$0x0] =	wrdreg $0xFFFFFFFF;
	(pc) =	sbr.abs _section_cstart, $3  }
0xc1: {  	[dreg:$0x1] =	wrdreg $0xFFFFFFFF  }
0xc2: {  	_ =	task.clear_ibuf [dreg:s6], $0x2FFFF;
	_ =	strace $0x9FFFFFFF  }
0xc3: {  	(tm) =	ssettm $0x7FFFFFFF  }
tec
execute0_lowered:
.L_overlay_start_1:
0x0: {  	(tag) =	ssettag $0x1  }
0x1: {  	s0 =	rddreg [dreg:$0x0]  }
0x2: {  	s1 =	rddreg [dreg:$0x1]  }
0x3: {  	s2 =	rddreg [dreg:$0x2];
	s3 =	simm.s32 $0x0  }
0x4: {  	s4 =	srdreg.scid;
	s17 =	stileid.u32;
	s19 =	simm.s32 $0x1400  }
0x5: {  	s20 =	simm.s32 $0x80;
	s28 =	simm.s32 $0x4;
	s29 =	simm.s32 $0x2700  }
0x6: {  	s30 =	simm.s32 $0x2780;
	s31 =	simm.s32 $0x5;
	[smem:$0x7FF] =	sst s3  }
0x7: {  	s4 =	sand.u32 $0x1, s4;
	s5 =	sadd.s32 $0x2B200, s0;
	s7 =	smul.u32 $0x14000, s17  }
0x8: {  	s11 =	sadd.s32 $0x17200, s0;
	s12 =	sadd.s32 $0x21200, s0;
	s10 =	smul.u32 $0x50000, s17  }
0x9: {  	s9 =	sadd.s32 $0x3200, s0;
	s22 =	sadd.s32 $0x5A00, s0;
	s14 =	smul.u32 $0xA00, s17  }
0xa: {  	s23 =	sshll.u32 s17, $0x6;
	_ =	strace $0x8000004D;
	[dreg:$0x4] =	wrdreg s9  }
0xb: {  	s6 =	smul.u32 $0x140000, s4;
	s8 =	sshll.u32 s4, $0x4;
	[dreg:$0x5] =	wrdreg s22  }
0xc: {  	s13 =	ssub.s32 $0x2, s4;
	p0 =	sne.s32 s4, $0x0;
	s22 =	simm.s32 $0x6800  }
0xd: {  	s8 =	sor.u32 s17, s8;
	s15 =	sshrl.u32 s13, $0x1;
	s10 =	sshrl.u32 s10, $0x2  }
0xe: {  	s24 =	sshrl.u32 s14, $0x2;
	s17 =	simm.s32 $0x6;
	s21 =	smul.u32 $0x50, s8  }
0xf: {  	s6 =	sadd.s32 s7, s6;
	s8 =	smul.u32 $0x2800, s8;
	s15 =	ssub.s32 s13, s15  }
0x10: {  	s16 =	sadd.s32 s10, s1;
	s18 =	sadd.s32 s24, s2;
	s24 =	simm.s32 $0xA800  }
0x11: {  	s6 =	sshrl.u32 s6, $0x3;
	s15 =	smax.u32 s15, $0x1;
	s16 =	sshrl.u32 s16, $0x3  }
0x12: {  	s18 =	sshrl.u32 s18, $0x3;
	s6 =	sadd.s32 s6, s0;
	s0 =	sadd.s32 s21, s0  }
.Ltmp0:
0x13: {  	s25 =	sshrl.u32 s8, $0x3;
	s8 =	sor.u32 $0x1C06, s23;
	(pc) =	sbr.rel .LBB2_1-.Ltmp0, $4  }
0x14: {  	s21 =	simm.s32 $0x2800;
	s23 =	simm.s32 $0x1;
	s26 =	sadd.s32 $0x280, s25  }
0x15: {  	s9 =	sadd.s32 s11, s25;
	s10 =	sadd.s32 s12, s25;
	s13 =	sadd.s32 $0x53200, s6  }
0x16: {  	s14 =	sadd.s32 $0x5C00, s0;
	s25 =	simm.s32 $0x3;
	s0 =	simm.s32 $0x0  }
0x17: {  	v0 =	vimm.f32 $1.000000000e+00;
	s11 =	sadd.s32 s11, s26;
	s12 =	sadd.s32 s12, s26;
	s26 =	simm.s32 $0x2  }
.LBB2_22:
0x18: {  	[sflag:s31] =	ssyncadd.s32 $0xFFFFFF80  }
.LBB2_23:
0x19: {  	[bflag:$0x0] =	sbarrier.arrive $0xFFFF  }
0x1a: {  	[hbm:s13], [sflag:s8] =	dma.local [spmem:s16], $0x2800  }
0x1b: {  	s0 =	sadd.s32 $0x1, s0;
	_ =	swait.ge [sflag:s17], $0x2800  }
0x1c: {  	p1 =	sne.s32 s0, s15;
	[sflag:s17] =	ssyncset.done $0x0  }
.Ltmp1:
0x1d: {  	[sflag:s17] =	ssyncadd.s32 $0xFFFFD800;
	(pc) =	sbr.rel @!p1 .LBB2_24-.Ltmp1, $4  }
0x1e: {  	[hbm:s14], [sflag:s8] =	dma.local [spmem:s18], $0x50  }
0x1f: {  	_ =	swait.ge [sflag:s17], $0x50  }
0x20: {  	[sflag:s17] =	ssyncset.done $0x0  }
0x21: {  	[sflag:s17] =	ssyncadd.s32 $0xFFFFFFB0  }
.LBB2_1:
0x22: {  	s4 =	rddreg [dreg:$0x4]  }
0x23: {  	[spmem:s16], [sflag:s8] =	dma.local [hbm:s4], $0x2800  }
0x24: {  	_ =	swait.ge [sflag:s17], $0x2800  }
0x25: {  	[sflag:s17] =	ssyncset.done $0x0  }
0x26: {  	s7 =	rddreg [dreg:$0x5];
	[sflag:s17] =	ssyncadd.s32 $0xFFFFD800  }
0x27: {  	[spmem:s18], [sflag:s8] =	dma.local [hbm:s7], $0x50  }
0x28: {  	_ =	swait.ge [sflag:s17], $0x50  }
0x29: {  	[sflag:s17] =	ssyncset.done $0x0  }
0x2a: {  	[sflag:s17] =	ssyncadd.s32 $0xFFFFFFB0  }
0x2b: {  	[tilespmem:$0xA800] =	vst v0  }
0x2c: {  	[tilespmem:$0xA810] =	vst v0  }
0x2d: {  	[tilespmem:$0xA820] =	vst v0  }
0x2e: {  	[tilespmem:$0xA830] =	vst v0  }
0x2f: {  	[tilespmem:$0xA840] =	vst v0  }
0x30: {  	[tilespmem:$0xA850] =	vst v0  }
0x31: {  	[tilespmem:$0xA860] =	vst v0  }
0x32: {  	[tilespmem:$0xA870] =	vst v0  }
0x33: {  	[bflag:$0x0] =	sbarrier.arrive $0xFFFF  }
0x34: {  	[tilespmem:s3], [sflag:$0x6] =	stream.linear.gather [hbm4b:s9+s3], $0x1400, $0x38;
	[tilespmem:$0x1EB00] =	vst v63  }
0x35: {  	_ =	swait.ge [sflag:s17], $0x1400  }
0x36: {  	[sflag:s17] =	ssyncset.done $0x0  }
0x37: {  	[sflag:s17] =	ssyncadd.s32 $0xFFFFEC00  }
0x38: {  	[tilespmem:s19], [sflag:$0x6] =	stream.linear.gather [hbm4b:s10+s3], $0x1400, $0x38;
	[tilespmem:$0x1EB00] =	vst v63  }
0x39: {  	_ =	swait.ge [sflag:s17], $0x1400  }
.Ltmp2:
0x3a: {  	[sflag:s17] =	ssyncset.done $0x0;
	(pc) =	sbr.rel @p0 .LBB2_7-.Ltmp2, $4  }
0x3b: {  	[sflag:s17] =	ssyncadd.s32 $0xFFFFEC00  }
0x3c: {  	[tilespmem:s21], [sflag:$0x1] =	stream.indirect.gather [hbm4b:s5+s20], $0x80, s3, s20, $0xb8;
	[tilespmem:$0x1EB00] =	vst v63  }
0x3d: {  	_ = 	snop  }
0x3e: {  	[tilespmem:s22], [sflag:$0x2] =	stream.indirect.gather [hbm4b:s5+s20], $0x80, s20, s20, $0xb8;
	[tilespmem:$0x1EB00] =	vst v63  }
0x3f: {  	_ =	swait.ge [sflag:s23], $0x4000  }
0x40: {  	[sflag:s23] =	ssyncset.done $0x0  }
0x41: {  	s4 =	simm.s32 $0x1400;
	[sflag:s23] =	ssyncadd.s32 $0xFFFFC000  }
0x42: {  	[spmem:s1] =	stream.indirect.scatter.add.f32 [tilespmem:s21], [sflag:$0x3], $0x80, s4, s20, $0xb8;
	[tilespmem:$0x1EB00] =	vst v63  }
0x43: {  	_ = 	snop  }
0x44: {  	[spmem:s2] =	stream.indirect.scatter.add.f32 [tilespmem:s24], [sflag:$0x5], $0x1, s4, s20, $0xb8;
	[tilespmem:$0x1EB00] =	vst v63  }
0x45: {  	_ =	swait.ge [sflag:s25], $0x4000  }
0x46: {  	[sflag:s25] =	ssyncset.done $0x0  }
0x47: {  	s6 =	simm.s32 $0x100;
	[sflag:s25] =	ssyncadd.s32 $0xFFFFC000  }
0x48: {  	[tilespmem:s21], [sflag:$0x1] =	stream.indirect.gather [hbm4b:s5+s20], $0x80, s6, s20, $0xb8;
	[tilespmem:$0x1EB00] =	vst v63  }
0x49: {  	_ =	swait.ge [sflag:s26], $0x4000  }
0x4a: {  	[sflag:s26] =	ssyncset.done $0x0  }
0x4b: {  	s7 =	simm.s32 $0x1480;
	[sflag:s26] =	ssyncadd.s32 $0xFFFFC000  }
0x4c: {  	[spmem:s1] =	stream.indirect.scatter.add.f32 [tilespmem:s22], [sflag:$0x4], $0x80, s7, s20, $0xb8;
	[tilespmem:$0x1EB00] =	vst v63  }
0x4d: {  	_ = 	snop  }
0x4e: {  	[spmem:s2] =	stream.indirect.scatter.add.f32 [tilespmem:s24], [sflag:$0x5], $0x1, s7, s20, $0xb8;
	[tilespmem:$0x1EB00] =	vst v63  }
0x4f: {  	_ =	swait.ge [sflag:s28], $0x4000  }
0x50: {  	[sflag:s28] =	ssyncset.done $0x0  }
0x51: {  	s4 =	simm.s32 $0x400;
	s6 =	simm.s32 $0x180;
	[sflag:s28] =	ssyncadd.s32 $0xFFFFC000  }
.LBB2_3:
0x52: {  	[tilespmem:s22], [sflag:$0x2] =	stream.indirect.gather [hbm4b:s5+s20], $0x80, s6, s20, $0xb8;
	[tilespmem:$0x1EB00] =	vst v63  }
0x53: {  	s6 =	smov.u32 s4  }
0x54: {  	p1 =	sne.s32 s4, $0x4800;
	s4 =	sadd.s32 $0x400, s4;
	_ =	swait.ge [sflag:s23], $0x4000  }
0x55: {  	s6 =	sshra.s32 s6, $0x2;
	[sflag:s23] =	ssyncset.done $0x0  }
0x56: {  	s7 =	sadd.s32 $0x1400, s6;
	[sflag:s23] =	ssyncadd.s32 $0xFFFFC000  }
0x57: {  	[spmem:s1] =	stream.indirect.scatter.add.f32 [tilespmem:s21], [sflag:$0x3], $0x80, s7, s20, $0xb8;
	[tilespmem:$0x1EB00] =	vst v63  }
0x58: {  	_ = 	snop  }
0x59: {  	[spmem:s2] =	stream.indirect.scatter.add.f32 [tilespmem:s24], [sflag:$0x5], $0x1, s7, s20, $0xb8;
	[tilespmem:$0x1EB00] =	vst v63  }
0x5a: {  	_ =	swait.ge [sflag:s25], $0x4000  }
0x5b: {  	[sflag:s25] =	ssyncset.done $0x0  }
0x5c: {  	s7 =	sadd.s32 $0x100, s6;
	[sflag:s25] =	ssyncadd.s32 $0xFFFFC000  }
0x5d: {  	[tilespmem:s21], [sflag:$0x1] =	stream.indirect.gather [hbm4b:s5+s20], $0x80, s7, s20, $0xb8;
	[tilespmem:$0x1EB00] =	vst v63  }
0x5e: {  	_ =	swait.ge [sflag:s26], $0x4000  }
0x5f: {  	[sflag:s26] =	ssyncset.done $0x0  }
0x60: {  	s7 =	sadd.s32 $0x1480, s6;
	[sflag:s26] =	ssyncadd.s32 $0xFFFFC000  }
0x61: {  	[spmem:s1] =	stream.indirect.scatter.add.f32 [tilespmem:s22], [sflag:$0x4], $0x80, s7, s20, $0xb8;
	[tilespmem:$0x1EB00] =	vst v63  }
.Ltmp3:
0x62: {  	(pc) =	sbr.rel @p1 .LBB2_3-.Ltmp3, $4  }
0x63: {  	[spmem:s2] =	stream.indirect.scatter.add.f32 [tilespmem:s24], [sflag:$0x5], $0x1, s7, s20, $0xb8;
	[tilespmem:$0x1EB00] =	vst v63  }
0x64: {  	_ =	swait.ge [sflag:s28], $0x4000  }
0x65: {  	[sflag:s28] =	ssyncset.done $0x0  }
0x66: {  	s6 =	sadd.s32 $0x180, s6;
	[sflag:s28] =	ssyncadd.s32 $0xFFFFC000  }
0x67: {  	[tilespmem:s22], [sflag:$0x2] =	stream.indirect.gather [hbm4b:s5+s20], $0x80, s6, s20, $0xb8;
	[tilespmem:$0x1EB00] =	vst v63  }
0x68: {  	_ =	swait.ge [sflag:s23], $0x4000  }
0x69: {  	[sflag:s23] =	ssyncset.done $0x0  }
0x6a: {  	[sflag:s23] =	ssyncadd.s32 $0xFFFFC000  }
0x6b: {  	[spmem:s1] =	stream.indirect.scatter.add.f32 [tilespmem:s21], [sflag:$0x3], $0x80, s29, s20, $0xb8;
	[tilespmem:$0x1EB00] =	vst v63  }
0x6c: {  	_ = 	snop  }
0x6d: {  	[spmem:s2] =	stream.indirect.scatter.add.f32 [tilespmem:s24], [sflag:$0x5], $0x1, s29, s20, $0xb8;
	[tilespmem:$0x1EB00] =	vst v63  }
0x6e: {  	_ =	swait.ge [sflag:s25], $0x4000  }
0x6f: {  	[sflag:s25] =	ssyncset.done $0x0  }
0x70: {  	[sflag:s25] =	ssyncadd.s32 $0xFFFFC000  }
0x71: {  	_ =	swait.ge [sflag:s26], $0x4000  }
0x72: {  	[sflag:s26] =	ssyncset.done $0x0  }
0x73: {  	[sflag:s26] =	ssyncadd.s32 $0xFFFFC000  }
0x74: {  	[spmem:s1] =	stream.indirect.scatter.add.f32 [tilespmem:s22], [sflag:$0x4], $0x80, s30, s20, $0xb8;
	[tilespmem:$0x1EB00] =	vst v63  }
0x75: {  	_ = 	snop  }
0x76: {  	[spmem:s2] =	stream.indirect.scatter.add.f32 [tilespmem:s24], [sflag:$0x5], $0x1, s30, s20, $0xb8;
	[tilespmem:$0x1EB00] =	vst v63  }
0x77: {  	_ =	swait.ge [sflag:s28], $0x4000  }
0x78: {  	[sflag:s28] =	ssyncset.done $0x0  }
0x79: {  	[sflag:s28] =	ssyncadd.s32 $0xFFFFC000  }
0x7a: {  	_ =	swait.ge [sflag:s31], $0x80  }
0x7b: {  	s4 =	simm.s32 $0x27;
	[sflag:s31] =	ssyncset.done $0x0  }
.LBB2_5:
0x7c: {  	p1 =	seq.s32 s4, $0x1;
	s4 =	sadd.s32 $0xFFFFFFFF, s4;
	[sflag:s31] =	ssyncadd.s32 $0xFFFFFF80  }
.Ltmp4:
0x7d: {  	(pc) =	sbr.rel @!p1 .LBB2_5-.Ltmp4, $3  }
0x7e: {  	_ =	sdelay $0x1  }
0x7f: {  	_ =	swait.ge [sflag:s31], $0x80  }
0x80: {  	[sflag:s31] =	ssyncset.done $0x0  }
.Ltmp5:
0x81: {  	(pc) =	sbr.rel .LBB2_12-.Ltmp5, $2  }
0x82: {  	_ =	sdelay $0x2  }
0x83: {  	[sflag:s31] =	ssyncadd.s32 $0xFFFFFF80  }
.LBB2_7:
0x84: {  	_ =	swait.ge [sflag:s23], $0x4000  }
0x85: {  	[sflag:s23] =	ssyncset.done $0x0  }
0x86: {  	s4 =	simm.s32 $0x1400;
	[sflag:s23] =	ssyncadd.s32 $0xFFFFC000  }
0x87: {  	[spmem:s1] =	stream.indirect.scatter.add.f32 [tilespmem:s21], [sflag:$0x3], $0x80, s4, s20, $0xb8;
	[tilespmem:$0x1EB00] =	vst v63  }
0x88: {  	_ = 	snop  }
0x89: {  	[spmem:s2] =	stream.indirect.scatter.add.f32 [tilespmem:s24], [sflag:$0x5], $0x1, s4, s20, $0xb8;
	[tilespmem:$0x1EB00] =	vst v63  }
0x8a: {  	_ =	swait.ge [sflag:s25], $0x4000  }
0x8b: {  	[sflag:s25] =	ssyncset.done $0x0  }
0x8c: {  	s6 =	simm.s32 $0x100;
	[sflag:s25] =	ssyncadd.s32 $0xFFFFC000  }
0x8d: {  	[tilespmem:s21], [sflag:$0x1] =	stream.indirect.gather [hbm4b:s5+s20], $0x80, s6, s20, $0xb8;
	[tilespmem:$0x1EB00] =	vst v63  }
0x8e: {  	_ =	swait.ge [sflag:s26], $0x4000  }
0x8f: {  	[sflag:s26] =	ssyncset.done $0x0  }
0x90: {  	s7 =	simm.s32 $0x1480;
	[sflag:s26] =	ssyncadd.s32 $0xFFFFC000  }
0x91: {  	[spmem:s1] =	stream.indirect.scatter.add.f32 [tilespmem:s22], [sflag:$0x4], $0x80, s7, s20, $0xb8;
	[tilespmem:$0x1EB00] =	vst v63  }
0x92: {  	_ = 	snop  }
0x93: {  	[spmem:s2] =	stream.indirect.scatter.add.f32 [tilespmem:s24], [sflag:$0x5], $0x1, s7, s20, $0xb8;
	[tilespmem:$0x1EB00] =	vst v63  }
0x94: {  	_ =	swait.ge [sflag:s28], $0x4000  }
0x95: {  	[sflag:s28] =	ssyncset.done $0x0  }
0x96: {  	s4 =	simm.s32 $0x400;
	s6 =	simm.s32 $0x180;
	[sflag:s28] =	ssyncadd.s32 $0xFFFFC000  }
.LBB2_8:
0x97: {  	[tilespmem:s22], [sflag:$0x2] =	stream.indirect.gather [hbm4b:s5+s20], $0x80, s6, s20, $0xb8;
	[tilespmem:$0x1EB00] =	vst v63  }
0x98: {  	s6 =	smov.u32 s4  }
0x99: {  	p1 =	sne.s32 s4, $0x4800;
	s4 =	sadd.s32 $0x400, s4;
	_ =	swait.ge [sflag:s23], $0x4000  }
0x9a: {  	s6 =	sshra.s32 s6, $0x2;
	[sflag:s23] =	ssyncset.done $0x0  }
0x9b: {  	s7 =	sadd.s32 $0x1400, s6;
	[sflag:s23] =	ssyncadd.s32 $0xFFFFC000  }
0x9c: {  	[spmem:s1] =	stream.indirect.scatter.add.f32 [tilespmem:s21], [sflag:$0x3], $0x80, s7, s20, $0xb8;
	[tilespmem:$0x1EB00] =	vst v63  }
0x9d: {  	_ = 	snop  }
0x9e: {  	[spmem:s2] =	stream.indirect.scatter.add.f32 [tilespmem:s24], [sflag:$0x5], $0x1, s7, s20, $0xb8;
	[tilespmem:$0x1EB00] =	vst v63  }
0x9f: {  	_ =	swait.ge [sflag:s25], $0x4000  }
0xa0: {  	[sflag:s25] =	ssyncset.done $0x0  }
0xa1: {  	s7 =	sadd.s32 $0x100, s6;
	[sflag:s25] =	ssyncadd.s32 $0xFFFFC000  }
0xa2: {  	[tilespmem:s21], [sflag:$0x1] =	stream.indirect.gather [hbm4b:s5+s20], $0x80, s7, s20, $0xb8;
	[tilespmem:$0x1EB00] =	vst v63  }
0xa3: {  	_ =	swait.ge [sflag:s26], $0x4000  }
0xa4: {  	[sflag:s26] =	ssyncset.done $0x0  }
0xa5: {  	s7 =	sadd.s32 $0x1480, s6;
	[sflag:s26] =	ssyncadd.s32 $0xFFFFC000  }
0xa6: {  	[spmem:s1] =	stream.indirect.scatter.add.f32 [tilespmem:s22], [sflag:$0x4], $0x80, s7, s20, $0xb8;
	[tilespmem:$0x1EB00] =	vst v63  }
.Ltmp6:
0xa7: {  	(pc) =	sbr.rel @p1 .LBB2_8-.Ltmp6, $4  }
0xa8: {  	[spmem:s2] =	stream.indirect.scatter.add.f32 [tilespmem:s24], [sflag:$0x5], $0x1, s7, s20, $0xb8;
	[tilespmem:$0x1EB00] =	vst v63  }
0xa9: {  	_ =	swait.ge [sflag:s28], $0x4000  }
0xaa: {  	[sflag:s28] =	ssyncset.done $0x0  }
0xab: {  	s6 =	sadd.s32 $0x180, s6;
	[sflag:s28] =	ssyncadd.s32 $0xFFFFC000  }
0xac: {  	[tilespmem:s22], [sflag:$0x2] =	stream.indirect.gather [hbm4b:s5+s20], $0x80, s6, s20, $0xb8;
	[tilespmem:$0x1EB00] =	vst v63  }
0xad: {  	_ =	swait.ge [sflag:s23], $0x4000  }
0xae: {  	[sflag:s23] =	ssyncset.done $0x0  }
0xaf: {  	[sflag:s23] =	ssyncadd.s32 $0xFFFFC000  }
0xb0: {  	[spmem:s1] =	stream.indirect.scatter.add.f32 [tilespmem:s21], [sflag:$0x3], $0x80, s29, s20, $0xb8;
	[tilespmem:$0x1EB00] =	vst v63  }
0xb1: {  	_ = 	snop  }
0xb2: {  	[spmem:s2] =	stream.indirect.scatter.add.f32 [tilespmem:s24], [sflag:$0x5], $0x1, s29, s20, $0xb8;
	[tilespmem:$0x1EB00] =	vst v63  }
0xb3: {  	_ =	swait.ge [sflag:s25], $0x4000  }
0xb4: {  	[sflag:s25] =	ssyncset.done $0x0  }
0xb5: {  	[sflag:s25] =	ssyncadd.s32 $0xFFFFC000  }
0xb6: {  	_ =	swait.ge [sflag:s26], $0x4000  }
0xb7: {  	[sflag:s26] =	ssyncset.done $0x0  }
0xb8: {  	[sflag:s26] =	ssyncadd.s32 $0xFFFFC000  }
0xb9: {  	[spmem:s1] =	stream.indirect.scatter.add.f32 [tilespmem:s22], [sflag:$0x4], $0x80, s30, s20, $0xb8;
	[tilespmem:$0x1EB00] =	vst v63  }
0xba: {  	_ = 	snop  }
0xbb: {  	[spmem:s2] =	stream.indirect.scatter.add.f32 [tilespmem:s24], [sflag:$0x5], $0x1, s30, s20, $0xb8;
	[tilespmem:$0x1EB00] =	vst v63  }
0xbc: {  	_ =	swait.ge [sflag:s28], $0x4000  }
0xbd: {  	[sflag:s28] =	ssyncset.done $0x0  }
0xbe: {  	[sflag:s28] =	ssyncadd.s32 $0xFFFFC000  }
0xbf: {  	_ =	swait.ge [sflag:s31], $0x80  }
0xc0: {  	s4 =	simm.s32 $0x27;
	[sflag:s31] =	ssyncset.done $0x0  }
.LBB2_10:
0xc1: {  	p1 =	sne.s32 s4, $0x1;
	s4 =	sadd.s32 $0xFFFFFFFF, s4;
	[sflag:s31] =	ssyncadd.s32 $0xFFFFFF80  }
.Ltmp7:
0xc2: {  	(pc) =	sbr.rel @p1 .LBB2_10-.Ltmp7, $3  }
0xc3: {  	_ =	sdelay $0x1  }
0xc4: {  	_ =	swait.ge [sflag:s31], $0x80  }
0xc5: {  	[sflag:s31] =	ssyncset.done $0x0  }
0xc6: {  	[sflag:s31] =	ssyncadd.s32 $0xFFFFFF80  }
.LBB2_12:
0xc7: {  	s4 =	simm.s32 $0x0  }
0xc8: {  	[tilespmem:s4], [sflag:$0x6] =	stream.linear.gather [hbm4b:s11+s4], $0x1400, $0x38;
	[tilespmem:$0x1EB00] =	vst v63  }
0xc9: {  	_ =	swait.ge [sflag:s17], $0x1400  }
0xca: {  	[sflag:s17] =	ssyncset.done $0x0  }
0xcb: {  	[sflag:s17] =	ssyncadd.s32 $0xFFFFEC00  }
0xcc: {  	[tilespmem:s19], [sflag:$0x6] =	stream.linear.gather [hbm4b:s12+s4], $0x1400, $0x38;
	[tilespmem:$0x1EB00] =	vst v63  }
0xcd: {  	_ =	swait.ge [sflag:s17], $0x1400  }
.Ltmp8:
0xce: {  	[sflag:s17] =	ssyncset.done $0x0;
	(pc) =	sbr.rel @p0 .LBB2_18-.Ltmp8, $4  }
0xcf: {  	[sflag:s17] =	ssyncadd.s32 $0xFFFFEC00  }
0xd0: {  	[tilespmem:s21], [sflag:$0x1] =	stream.indirect.gather [hbm4b:s5+s20], $0x80, s4, s20, $0xb8;
	[tilespmem:$0x1EB00] =	vst v63  }
0xd1: {  	_ = 	snop  }
0xd2: {  	[tilespmem:s22], [sflag:$0x2] =	stream.indirect.gather [hbm4b:s5+s20], $0x80, s20, s20, $0xb8;
	[tilespmem:$0x1EB00] =	vst v63  }
0xd3: {  	_ =	swait.ge [sflag:s23], $0x4000  }
0xd4: {  	[sflag:s23] =	ssyncset.done $0x0  }
0xd5: {  	s4 =	simm.s32 $0x1400;
	[sflag:s23] =	ssyncadd.s32 $0xFFFFC000  }
0xd6: {  	[spmem:s1] =	stream.indirect.scatter.add.f32 [tilespmem:s21], [sflag:$0x3], $0x80, s4, s20, $0xb8;
	[tilespmem:$0x1EB00] =	vst v63  }
0xd7: {  	_ = 	snop  }
0xd8: {  	[spmem:s2] =	stream.indirect.scatter.add.f32 [tilespmem:s24], [sflag:$0x5], $0x1, s4, s20, $0xb8;
	[tilespmem:$0x1EB00] =	vst v63  }
0xd9: {  	_ =	swait.ge [sflag:s25], $0x4000  }
0xda: {  	[sflag:s25] =	ssyncset.done $0x0  }
0xdb: {  	s6 =	simm.s32 $0x100;
	[sflag:s25] =	ssyncadd.s32 $0xFFFFC000  }
0xdc: {  	[tilespmem:s21], [sflag:$0x1] =	stream.indirect.gather [hbm4b:s5+s20], $0x80, s6, s20, $0xb8;
	[tilespmem:$0x1EB00] =	vst v63  }
0xdd: {  	_ =	swait.ge [sflag:s26], $0x4000  }
0xde: {  	[sflag:s26] =	ssyncset.done $0x0  }
0xdf: {  	s7 =	simm.s32 $0x1480;
	[sflag:s26] =	ssyncadd.s32 $0xFFFFC000  }
0xe0: {  	[spmem:s1] =	stream.indirect.scatter.add.f32 [tilespmem:s22], [sflag:$0x4], $0x80, s7, s20, $0xb8;
	[tilespmem:$0x1EB00] =	vst v63  }
0xe1: {  	_ = 	snop  }
0xe2: {  	[spmem:s2] =	stream.indirect.scatter.add.f32 [tilespmem:s24], [sflag:$0x5], $0x1, s7, s20, $0xb8;
	[tilespmem:$0x1EB00] =	vst v63  }
0xe3: {  	_ =	swait.ge [sflag:s28], $0x4000  }
0xe4: {  	[sflag:s28] =	ssyncset.done $0x0  }
0xe5: {  	s4 =	simm.s32 $0x400;
	s6 =	simm.s32 $0x180;
	[sflag:s28] =	ssyncadd.s32 $0xFFFFC000  }
.LBB2_14:
0xe6: {  	[tilespmem:s22], [sflag:$0x2] =	stream.indirect.gather [hbm4b:s5+s20], $0x80, s6, s20, $0xb8;
	[tilespmem:$0x1EB00] =	vst v63  }
0xe7: {  	s6 =	smov.u32 s4  }
0xe8: {  	p1 =	sne.s32 s4, $0x4800;
	s4 =	sadd.s32 $0x400, s4;
	_ =	swait.ge [sflag:s23], $0x4000  }
0xe9: {  	s6 =	sshra.s32 s6, $0x2;
	[sflag:s23] =	ssyncset.done $0x0  }
0xea: {  	s7 =	sadd.s32 $0x1400, s6;
	[sflag:s23] =	ssyncadd.s32 $0xFFFFC000  }
0xeb: {  	[spmem:s1] =	stream.indirect.scatter.add.f32 [tilespmem:s21], [sflag:$0x3], $0x80, s7, s20, $0xb8;
	[tilespmem:$0x1EB00] =	vst v63  }
0xec: {  	_ = 	snop  }
0xed: {  	[spmem:s2] =	stream.indirect.scatter.add.f32 [tilespmem:s24], [sflag:$0x5], $0x1, s7, s20, $0xb8;
	[tilespmem:$0x1EB00] =	vst v63  }
0xee: {  	_ =	swait.ge [sflag:s25], $0x4000  }
0xef: {  	[sflag:s25] =	ssyncset.done $0x0  }
0xf0: {  	s7 =	sadd.s32 $0x100, s6;
	[sflag:s25] =	ssyncadd.s32 $0xFFFFC000  }
0xf1: {  	[tilespmem:s21], [sflag:$0x1] =	stream.indirect.gather [hbm4b:s5+s20], $0x80, s7, s20, $0xb8;
	[tilespmem:$0x1EB00] =	vst v63  }
0xf2: {  	_ =	swait.ge [sflag:s26], $0x4000  }
0xf3: {  	[sflag:s26] =	ssyncset.done $0x0  }
0xf4: {  	s7 =	sadd.s32 $0x1480, s6;
	[sflag:s26] =	ssyncadd.s32 $0xFFFFC000  }
0xf5: {  	[spmem:s1] =	stream.indirect.scatter.add.f32 [tilespmem:s22], [sflag:$0x4], $0x80, s7, s20, $0xb8;
	[tilespmem:$0x1EB00] =	vst v63  }
.Ltmp9:
0xf6: {  	(pc) =	sbr.rel @p1 .LBB2_14-.Ltmp9, $4  }
0xf7: {  	[spmem:s2] =	stream.indirect.scatter.add.f32 [tilespmem:s24], [sflag:$0x5], $0x1, s7, s20, $0xb8;
	[tilespmem:$0x1EB00] =	vst v63  }
0xf8: {  	_ =	swait.ge [sflag:s28], $0x4000  }
0xf9: {  	[sflag:s28] =	ssyncset.done $0x0  }
0xfa: {  	s6 =	sadd.s32 $0x180, s6;
	[sflag:s28] =	ssyncadd.s32 $0xFFFFC000  }
0xfb: {  	[tilespmem:s22], [sflag:$0x2] =	stream.indirect.gather [hbm4b:s5+s20], $0x80, s6, s20, $0xb8;
	[tilespmem:$0x1EB00] =	vst v63  }
0xfc: {  	_ =	swait.ge [sflag:s23], $0x4000  }
0xfd: {  	[sflag:s23] =	ssyncset.done $0x0  }
0xfe: {  	[sflag:s23] =	ssyncadd.s32 $0xFFFFC000  }
0xff: {  	[spmem:s1] =	stream.indirect.scatter.add.f32 [tilespmem:s21], [sflag:$0x3], $0x80, s29, s20, $0xb8;
	[tilespmem:$0x1EB00] =	vst v63  }
0x100: {  	_ = 	snop  }
0x101: {  	[spmem:s2] =	stream.indirect.scatter.add.f32 [tilespmem:s24], [sflag:$0x5], $0x1, s29, s20, $0xb8;
	[tilespmem:$0x1EB00] =	vst v63  }
0x102: {  	_ =	swait.ge [sflag:s25], $0x4000  }
0x103: {  	[sflag:s25] =	ssyncset.done $0x0  }
0x104: {  	[sflag:s25] =	ssyncadd.s32 $0xFFFFC000  }
0x105: {  	_ =	swait.ge [sflag:s26], $0x4000  }
0x106: {  	[sflag:s26] =	ssyncset.done $0x0  }
0x107: {  	[sflag:s26] =	ssyncadd.s32 $0xFFFFC000  }
0x108: {  	[spmem:s1] =	stream.indirect.scatter.add.f32 [tilespmem:s22], [sflag:$0x4], $0x80, s30, s20, $0xb8;
	[tilespmem:$0x1EB00] =	vst v63  }
0x109: {  	_ = 	snop  }
0x10a: {  	[spmem:s2] =	stream.indirect.scatter.add.f32 [tilespmem:s24], [sflag:$0x5], $0x1, s30, s20, $0xb8;
	[tilespmem:$0x1EB00] =	vst v63  }
0x10b: {  	_ =	swait.ge [sflag:s28], $0x4000  }
0x10c: {  	[sflag:s28] =	ssyncset.done $0x0  }
0x10d: {  	[sflag:s28] =	ssyncadd.s32 $0xFFFFC000  }
0x10e: {  	_ =	swait.ge [sflag:s31], $0x80  }
0x10f: {  	s4 =	simm.s32 $0x27;
	[sflag:s31] =	ssyncset.done $0x0  }
.LBB2_16:
0x110: {  	p1 =	seq.s32 s4, $0x1;
	s4 =	sadd.s32 $0xFFFFFFFF, s4;
	[sflag:s31] =	ssyncadd.s32 $0xFFFFFF80  }
.Ltmp10:
0x111: {  	(pc) =	sbr.rel @!p1 .LBB2_16-.Ltmp10, $3  }
0x112: {  	_ =	sdelay $0x1  }
0x113: {  	_ =	swait.ge [sflag:s31], $0x80  }
0x114: {  	[sflag:s31] =	ssyncset.done $0x0  }
.Ltmp11:
0x115: {  	(pc) =	sbr.rel .LBB2_23-.Ltmp11, $2  }
0x116: {  	_ =	sdelay $0x2  }
0x117: {  	[sflag:s31] =	ssyncadd.s32 $0xFFFFFF80  }
.LBB2_18:
0x118: {  	_ =	swait.ge [sflag:s23], $0x4000  }
0x119: {  	[sflag:s23] =	ssyncset.done $0x0  }
0x11a: {  	s4 =	simm.s32 $0x1400;
	[sflag:s23] =	ssyncadd.s32 $0xFFFFC000  }
0x11b: {  	[spmem:s1] =	stream.indirect.scatter.add.f32 [tilespmem:s21], [sflag:$0x3], $0x80, s4, s20, $0xb8;
	[tilespmem:$0x1EB00] =	vst v63  }
0x11c: {  	_ = 	snop  }
0x11d: {  	[spmem:s2] =	stream.indirect.scatter.add.f32 [tilespmem:s24], [sflag:$0x5], $0x1, s4, s20, $0xb8;
	[tilespmem:$0x1EB00] =	vst v63  }
0x11e: {  	_ =	swait.ge [sflag:s25], $0x4000  }
0x11f: {  	[sflag:s25] =	ssyncset.done $0x0  }
0x120: {  	s6 =	simm.s32 $0x100;
	[sflag:s25] =	ssyncadd.s32 $0xFFFFC000  }
0x121: {  	[tilespmem:s21], [sflag:$0x1] =	stream.indirect.gather [hbm4b:s5+s20], $0x80, s6, s20, $0xb8;
	[tilespmem:$0x1EB00] =	vst v63  }
0x122: {  	_ =	swait.ge [sflag:s26], $0x4000  }
0x123: {  	[sflag:s26] =	ssyncset.done $0x0  }
0x124: {  	s7 =	simm.s32 $0x1480;
	[sflag:s26] =	ssyncadd.s32 $0xFFFFC000  }
0x125: {  	[spmem:s1] =	stream.indirect.scatter.add.f32 [tilespmem:s22], [sflag:$0x4], $0x80, s7, s20, $0xb8;
	[tilespmem:$0x1EB00] =	vst v63  }
0x126: {  	_ = 	snop  }
0x127: {  	[spmem:s2] =	stream.indirect.scatter.add.f32 [tilespmem:s24], [sflag:$0x5], $0x1, s7, s20, $0xb8;
	[tilespmem:$0x1EB00] =	vst v63  }
0x128: {  	_ =	swait.ge [sflag:s28], $0x4000  }
0x129: {  	[sflag:s28] =	ssyncset.done $0x0  }
0x12a: {  	s4 =	simm.s32 $0x400;
	s6 =	simm.s32 $0x180;
	[sflag:s28] =	ssyncadd.s32 $0xFFFFC000  }
.LBB2_19:
0x12b: {  	[tilespmem:s22], [sflag:$0x2] =	stream.indirect.gather [hbm4b:s5+s20], $0x80, s6, s20, $0xb8;
	[tilespmem:$0x1EB00] =	vst v63  }
0x12c: {  	s6 =	smov.u32 s4  }
0x12d: {  	p1 =	sne.s32 s4, $0x4800;
	s4 =	sadd.s32 $0x400, s4;
	_ =	swait.ge [sflag:s23], $0x4000  }
0x12e: {  	s6 =	sshra.s32 s6, $0x2;
	[sflag:s23] =	ssyncset.done $0x0  }
0x12f: {  	s7 =	sadd.s32 $0x1400, s6;
	[sflag:s23] =	ssyncadd.s32 $0xFFFFC000  }
0x130: {  	[spmem:s1] =	stream.indirect.scatter.add.f32 [tilespmem:s21], [sflag:$0x3], $0x80, s7, s20, $0xb8;
	[tilespmem:$0x1EB00] =	vst v63  }
0x131: {  	_ = 	snop  }
0x132: {  	[spmem:s2] =	stream.indirect.scatter.add.f32 [tilespmem:s24], [sflag:$0x5], $0x1, s7, s20, $0xb8;
	[tilespmem:$0x1EB00] =	vst v63  }
0x133: {  	_ =	swait.ge [sflag:s25], $0x4000  }
0x134: {  	[sflag:s25] =	ssyncset.done $0x0  }
0x135: {  	s7 =	sadd.s32 $0x100, s6;
	[sflag:s25] =	ssyncadd.s32 $0xFFFFC000  }
0x136: {  	[tilespmem:s21], [sflag:$0x1] =	stream.indirect.gather [hbm4b:s5+s20], $0x80, s7, s20, $0xb8;
	[tilespmem:$0x1EB00] =	vst v63  }
0x137: {  	_ =	swait.ge [sflag:s26], $0x4000  }
0x138: {  	[sflag:s26] =	ssyncset.done $0x0  }
0x139: {  	s7 =	sadd.s32 $0x1480, s6;
	[sflag:s26] =	ssyncadd.s32 $0xFFFFC000  }
0x13a: {  	[spmem:s1] =	stream.indirect.scatter.add.f32 [tilespmem:s22], [sflag:$0x4], $0x80, s7, s20, $0xb8;
	[tilespmem:$0x1EB00] =	vst v63  }
.Ltmp12:
0x13b: {  	(pc) =	sbr.rel @p1 .LBB2_19-.Ltmp12, $4  }
0x13c: {  	[spmem:s2] =	stream.indirect.scatter.add.f32 [tilespmem:s24], [sflag:$0x5], $0x1, s7, s20, $0xb8;
	[tilespmem:$0x1EB00] =	vst v63  }
0x13d: {  	_ =	swait.ge [sflag:s28], $0x4000  }
0x13e: {  	[sflag:s28] =	ssyncset.done $0x0  }
0x13f: {  	s6 =	sadd.s32 $0x180, s6;
	[sflag:s28] =	ssyncadd.s32 $0xFFFFC000  }
0x140: {  	[tilespmem:s22], [sflag:$0x2] =	stream.indirect.gather [hbm4b:s5+s20], $0x80, s6, s20, $0xb8;
	[tilespmem:$0x1EB00] =	vst v63  }
0x141: {  	_ =	swait.ge [sflag:s23], $0x4000  }
0x142: {  	[sflag:s23] =	ssyncset.done $0x0  }
0x143: {  	[sflag:s23] =	ssyncadd.s32 $0xFFFFC000  }
0x144: {  	[spmem:s1] =	stream.indirect.scatter.add.f32 [tilespmem:s21], [sflag:$0x3], $0x80, s29, s20, $0xb8;
	[tilespmem:$0x1EB00] =	vst v63  }
0x145: {  	_ = 	snop  }
0x146: {  	[spmem:s2] =	stream.indirect.scatter.add.f32 [tilespmem:s24], [sflag:$0x5], $0x1, s29, s20, $0xb8;
	[tilespmem:$0x1EB00] =	vst v63  }
0x147: {  	_ =	swait.ge [sflag:s25], $0x4000  }
0x148: {  	[sflag:s25] =	ssyncset.done $0x0  }
0x149: {  	[sflag:s25] =	ssyncadd.s32 $0xFFFFC000  }
0x14a: {  	_ =	swait.ge [sflag:s26], $0x4000  }
0x14b: {  	[sflag:s26] =	ssyncset.done $0x0  }
0x14c: {  	[sflag:s26] =	ssyncadd.s32 $0xFFFFC000  }
0x14d: {  	[spmem:s1] =	stream.indirect.scatter.add.f32 [tilespmem:s22], [sflag:$0x4], $0x80, s30, s20, $0xb8;
	[tilespmem:$0x1EB00] =	vst v63  }
0x14e: {  	_ = 	snop  }
0x14f: {  	[spmem:s2] =	stream.indirect.scatter.add.f32 [tilespmem:s24], [sflag:$0x5], $0x1, s30, s20, $0xb8;
	[tilespmem:$0x1EB00] =	vst v63  }
0x150: {  	_ =	swait.ge [sflag:s28], $0x4000  }
0x151: {  	[sflag:s28] =	ssyncset.done $0x0  }
0x152: {  	[sflag:s28] =	ssyncadd.s32 $0xFFFFC000  }
0x153: {  	_ =	swait.ge [sflag:s31], $0x80  }
0x154: {  	s4 =	simm.s32 $0x27;
	[sflag:s31] =	ssyncset.done $0x0  }
.LBB2_21:
0x155: {  	p1 =	sne.s32 s4, $0x1;
	s4 =	sadd.s32 $0xFFFFFFFF, s4;
	[sflag:s31] =	ssyncadd.s32 $0xFFFFFF80  }
.Ltmp13:
0x156: {  	(pc) =	sbr.rel @p1 .LBB2_21-.Ltmp13, $3  }
0x157: {  	_ =	sdelay $0x1  }
0x158: {  	_ =	swait.ge [sflag:s31], $0x80  }
0x159: {  	[sflag:s31] =	ssyncset.done $0x0  }
.Ltmp14:
0x15a: {  	_ = 	snop;
	(pc) =	sbr.rel .LBB2_22-.Ltmp14, $1  }
0x15b: {  	_ =	sdelay $0x3  }
.LBB2_24:
0x15c: {  	_ =	sfence.sel $0x180000  }
0x15d: {  	[bflag:$0x0] =	sbarrier.arrive $0xFFFF  }
0x15e: {  	_ =	strace $0x9000004D  }
0x15f: {  	s0 =	stileid.u32;
	[bflag:$0x2] =	sbarrier.arrive $0xFFFF  }
0x160: {  	p0 =	sne.s32 s0, $0x0;
	s0 =	rddreg [dreg:$0x3]  }
0x161: {  	s0 =	sadd.s32 @!p0 $0x100000, s0  }
0x162: {  	[sflag:s0] =	ssyncadd.tile.s32 @!p0 $0x1;
	_ =	shalt  }
.Lfunc_end2:
_tile_overlayer_lowered:
.L_overlay_start_2:
0x163: {  	(tag) =	ssettag $0x2  }
0x164: {  	s0 =	rddreg [dreg:$0x0];
	s2 =	stileid.u32  }
0x165: {  	s1 =	rddreg [dreg:$0x1];
	p0 =	sne.s32 s2, $0x0  }
0x166: {  	s3 =	rddreg [dreg:$0x2];
	[bflag:$0x3] =	sbarrier.arrive $0xFFFF;
	s2 =	simm.s32 @!p0 $0x1C06  }
0x167: {  	[timem:s3], [sflag:s2] =	dma.local @!p0 [hbm:s0], s1  }
0x168: {  	s0 =	simm.s32 @!p0 $0x6  }
0x169: {  	_ =	swait.ge @!p0 [sflag:s0], s1  }
0x16a: {  	s1 =	ssub.s32 @!p0 $0x0, s1;
	[sflag:s0] =	ssyncset.done @!p0 $0x0  }
0x16b: {  	[sflag:s0] =	ssyncadd.s32 @!p0 s1  }
0x16c: {  	[bflag:$0x3] =	sbarrier.arrive $0xFFFF  }
0x16d: {  	_ =	shalt  }

</sc_bundles>
